<compile_context>
chip_gen: v7x
topology: tpu7x:2x2x1
jax: 0.10.2.dev20260603
libtpu: 0.0.44.dev20260713+nightly
codegen_flags: <defaults>
</compile_context>

<pallas_src>
import functools

import jax
import jax.numpy as jnp
from jax import lax
from jax.experimental import pallas as pl
from jax.experimental.pallas import tpu as pltpu
from jax.experimental.pallas import tpu_sc as plsc

B, C, D = 4, 4096, 1024
NC, NS = 2, 16
NW = NC * NS
C_PER_W = C // NW
RC = 2
NCHUNK = C_PER_W // RC
NPAIR = NCHUNK // 2
NVJ = D // (16 * 8)


def _sc_body(x_hbm, emb_hbm, out_hbm, ebuf, xbuf, obuf, sem_in0, sem_in1,
             sem_out0, sem_out1):
    cid = lax.axis_index("c")
    sid = lax.axis_index("s")
    w = sid * NC + cid
    c0 = w * C_PER_W
    sems_in = (sem_in0, sem_in1)
    sems_out = (sem_out0, sem_out1)

    def load_copies(k, p):
        lo = c0 + k * RC
        return [
            pltpu.make_async_copy(emb_hbm.at[pl.ds(lo, RC)], ebuf.at[p],
                                  sems_in[p]),
            pltpu.make_async_copy(x_hbm.at[:, pl.ds(lo, RC)], xbuf.at[p],
                                  sems_in[p]),
        ]

    def store_copies(k, p):
        lo = c0 + k * RC
        return [pltpu.make_async_copy(
            obuf.at[p], out_hbm.at[:, pl.ds(lo, RC)], sems_out[p])]

    for cp in load_copies(0, 0) + load_copies(1, 1):
        cp.start()

    def pair(kk, carry):
        for p in range(2):
            k = 2 * kk + p
            for cp in load_copies(k, p):
                cp.wait()

            @pl.when(kk >= 1)
            def _drain():
                for cp in store_copies(k - 2, p):
                    cp.wait()

            for r in range(RC):
                def _add(j, c2, r=r):
                    for u in range(8):
                        off = (j * 8 + u) * 16
                        e = ebuf[p, r, pl.ds(off, 16)]
                        for b in range(B):
                            obuf[p, b, r, pl.ds(off, 16)] = (
                                xbuf[p, b, r, pl.ds(off, 16)] + e)
                    return c2

                lax.fori_loop(0, NVJ, _add, 0)

            for cp in store_copies(k, p):
                cp.start()

            @pl.when(kk + 1 < NPAIR)
            def _prefetch():
                for cp in load_copies(k + 2, p):
                    cp.start()
        return carry

    lax.fori_loop(0, NPAIR, pair, 0)

    for p in range(2):
        for cp in store_copies(NCHUNK - 2 + p, p):
            cp.wait()


@functools.partial(
    pl.kernel,
    mesh=plsc.VectorSubcoreMesh(core_axis_name="c", subcore_axis_name="s"),
    out_type=jax.ShapeDtypeStruct((B, C, D), jnp.float32),
    scratch_types=[
        pltpu.VMEM((2, RC, D), jnp.float32),
        pltpu.VMEM((2, B, RC, D), jnp.float32),
        pltpu.VMEM((2, B, RC, D), jnp.float32),
        pltpu.SemaphoreType.DMA,
        pltpu.SemaphoreType.DMA,
        pltpu.SemaphoreType.DMA,
        pltpu.SemaphoreType.DMA,
    ],
)
def _sc_kernel(x_hbm, emb_hbm, out_hbm, ebuf, xbuf, obuf, sem_in0, sem_in1,
               sem_out0, sem_out1):
    _sc_body(x_hbm, emb_hbm, out_hbm, ebuf, xbuf, obuf, sem_in0, sem_in1,
             sem_out0, sem_out1)


def kernel(x, embedding):
    return _sc_kernel(x, embedding)

# --- scband reference (transcript-rebuilt; emitter-appended) ---
"""Pipeline reference for scband-learned-positional-encoding-40535901339800 (READ-ONLY COPY).

The authoritative reference and input builder live on the scoring server;
editing this copy changes nothing except your own understanding.
"""

import jax, jax.numpy as jnp
import numpy as np

MAX_LEN = 8192
D_MODEL = 1024
B, C, D = 4, 4096, 1024

def setup_inputs(seed: int = 0) -> dict:
    key = jax.random.key(seed)
    k1, k2 = jax.random.split(key)
    x = jax.random.normal(k1, (B, C, D), dtype=jnp.float32)
    # learned positional embedding table, init like nn.Embedding (N(0,1))
    embedding = jax.random.normal(k2, (MAX_LEN, D_MODEL), dtype=jnp.float32)
    return {"x": x, "embedding": embedding}

def reference(x, embedding):
    b, c, d = x.shape
    pos_idx = jnp.arange(c)
    pos = jnp.take(embedding, pos_idx, axis=0)  # [C, D] gather
    pos = pos[None, :, :]                        # [1, C, D]
    return x + pos

if __name__ == "__main__":
    import jax
    _d = setup_inputs()
    print(jax.jit(kernel)(*tuple(_d.values())))

</pallas_src>

<mosaic_0001>
#map = affine_map<(d0, d1) -> (0, 0, 0)>
#map1 = affine_map<(d0, d1) -> (0, 0)>
module attributes {stable_mosaic.version = 14 : i64} {
  func.func @_sc_kernel(%arg0: i32, %arg1: i32, %arg2: memref<4x4096x1024xf32, #tpu.memory_space<hbm>>, %arg3: memref<8192x1024xf32, #tpu.memory_space<hbm>>, %arg4: memref<4x4096x1024xf32, #tpu.memory_space<hbm>>, %arg5: memref<2x2x1024xf32, #tpu.memory_space<vmem>>, %arg6: memref<2x4x2x1024xf32, #tpu.memory_space<vmem>>, %arg7: memref<2x4x2x1024xf32, #tpu.memory_space<vmem>>, %arg8: memref<!tpu.dma_semaphore, #tpu.memory_space<semaphore_mem>>, %arg9: memref<!tpu.dma_semaphore, #tpu.memory_space<semaphore_mem>>, %arg10: memref<!tpu.dma_semaphore, #tpu.memory_space<semaphore_mem>>, %arg11: memref<!tpu.dma_semaphore, #tpu.memory_space<semaphore_mem>>) attributes {dimension_semantics = [#tpu.dimension_semantics<core_parallel>, #tpu.dimension_semantics<subcore_parallel>], iteration_bounds = array<i64: 2, 16>, scalar_prefetch = 0 : i64, scratch_operands = 7 : i64, tpu.core_type = #tpu.core_type<sc_vector_subcore>, window_params = [{transform_indices = #map}, {transform_indices = #map1}, {transform_indices = #map}]} {
    %mul3A = arith.constant 2 : i32
    %mul3A_0 = arith.muli %arg1, %mul3A : i32
    %add3A = arith.addi %mul3A_0, %arg0 : i32
    %mul3A_1 = arith.constant 128 : i32
    %mul3A_2 = arith.muli %add3A, %mul3A_1 : i32
    %add3A_3 = arith.constant 0 : i32
    %add3A_4 = arith.addi %mul3A_2, %add3A_3 : i32
    %add3A_5 = arith.constant 2 : i32
    %add3A_6 = arith.addi %mul3A_2, %add3A_5 : i32
    %dma_start3A = arith.constant 0 : i32
    %dma_start3A_7 = arith.constant 0 : i32
    %dma_start3A_8 = arith.constant 0 : i32
    %dma_start3A_9 = tpu.memref_slice %arg5[%dma_start3A, %dma_start3A_7, %dma_start3A_8] : memref<2x2x1024xf32, #tpu.memory_space<vmem>> -> memref<1x2x1024xf32, #tpu.memory_space<vmem>>
    %dma_start3A_10 = tpu.memref_squeeze %dma_start3A_9 : memref<1x2x1024xf32, #tpu.memory_space<vmem>> -> memref<2x1024xf32, #tpu.memory_space<vmem>>
    %dma_start3A_11 = arith.constant 0 : i32
    %dma_start3A_12 = tpu.memref_slice %arg3[%add3A_4, %dma_start3A_11] : memref<8192x1024xf32, #tpu.memory_space<hbm>> -> memref<2x1024xf32, #tpu.memory_space<hbm>>
    %dma_start3A_13 = arith.constant 0 : i32
    %dma_start3A_14 = arith.constant 0 : i32
    %dma_start3A_15 = tpu.memref_slice %arg5[%dma_start3A, %dma_start3A_13, %dma_start3A_14] : memref<2x2x1024xf32, #tpu.memory_space<vmem>> -> memref<1x2x1024xf32, #tpu.memory_space<vmem>>
    %dma_start3A_16 = tpu.memref_squeeze %dma_start3A_15 : memref<1x2x1024xf32, #tpu.memory_space<vmem>> -> memref<2x1024xf32, #tpu.memory_space<vmem>>
    %dma_start3A_17 = arith.constant 0 : i32
    %dma_start3A_18 = tpu.memref_slice %arg3[%add3A_4, %dma_start3A_17] : memref<8192x1024xf32, #tpu.memory_space<hbm>> -> memref<2x1024xf32, #tpu.memory_space<hbm>>
    tpu.enqueue_dma source(%dma_start3A_18 : memref<2x1024xf32, #tpu.memory_space<hbm>>) target(%dma_start3A_16 : memref<2x1024xf32, #tpu.memory_space<vmem>>) target_semaphore(%arg8 : memref<!tpu.dma_semaphore, #tpu.memory_space<semaphore_mem>>)
    %dma_start3A_19 = arith.constant 0 : i32
    %dma_start3A_20 = arith.constant 0 : i32
    %dma_start3A_21 = arith.constant 0 : i32
    %dma_start3A_22 = arith.constant 0 : i32
    %dma_start3A_23 = tpu.memref_slice %arg6[%dma_start3A_19, %dma_start3A_20, %dma_start3A_21, %dma_start3A_22] : memref<2x4x2x1024xf32, #tpu.memory_space<vmem>> -> memref<1x4x2x1024xf32, #tpu.memory_space<vmem>>
    %dma_start3A_24 = tpu.memref_squeeze %dma_start3A_23 : memref<1x4x2x1024xf32, #tpu.memory_space<vmem>> -> memref<4x2x1024xf32, #tpu.memory_space<vmem>>
    %dma_start3A_25 = arith.constant 0 : i32
    %dma_start3A_26 = arith.constant 0 : i32
    %dma_start3A_27 = tpu.memref_slice %arg2[%dma_start3A_25, %add3A_4, %dma_start3A_26] : memref<4x4096x1024xf32, #tpu.memory_space<hbm>> -> memref<4x2x1024xf32, #tpu.memory_space<hbm>>
    %dma_start3A_28 = arith.constant 0 : i32
    %dma_start3A_29 = arith.constant 0 : i32
    %dma_start3A_30 = arith.constant 0 : i32
    %dma_start3A_31 = tpu.memref_slice %arg6[%dma_start3A_19, %dma_start3A_28, %dma_start3A_29, %dma_start3A_30] : memref<2x4x2x1024xf32, #tpu.memory_space<vmem>> -> memref<1x4x2x1024xf32, #tpu.memory_space<vmem>>
    %dma_start3A_32 = tpu.memref_squeeze %dma_start3A_31 : memref<1x4x2x1024xf32, #tpu.memory_space<vmem>> -> memref<4x2x1024xf32, #tpu.memory_space<vmem>>
    %dma_start3A_33 = arith.constant 0 : i32
    %dma_start3A_34 = arith.constant 0 : i32
    %dma_start3A_35 = tpu.memref_slice %arg2[%dma_start3A_33, %add3A_4, %dma_start3A_34] : memref<4x4096x1024xf32, #tpu.memory_space<hbm>> -> memref<4x2x1024xf32, #tpu.memory_space<hbm>>
    tpu.enqueue_dma source(%dma_start3A_35 : memref<4x2x1024xf32, #tpu.memory_space<hbm>>) target(%dma_start3A_32 : memref<4x2x1024xf32, #tpu.memory_space<vmem>>) target_semaphore(%arg8 : memref<!tpu.dma_semaphore, #tpu.memory_space<semaphore_mem>>)
    %dma_start3A_36 = arith.constant 1 : i32
    %dma_start3A_37 = arith.constant 0 : i32
    %dma_start3A_38 = arith.constant 0 : i32
    %dma_start3A_39 = tpu.memref_slice %arg5[%dma_start3A_36, %dma_start3A_37, %dma_start3A_38] : memref<2x2x1024xf32, #tpu.memory_space<vmem>> -> memref<1x2x1024xf32, #tpu.memory_space<vmem>>
    %dma_start3A_40 = tpu.memref_squeeze %dma_start3A_39 : memref<1x2x1024xf32, #tpu.memory_space<vmem>> -> memref<2x1024xf32, #tpu.memory_space<vmem>>
    %dma_start3A_41 = arith.constant 0 : i32
    %dma_start3A_42 = tpu.memref_slice %arg3[%add3A_6, %dma_start3A_41] : memref<8192x1024xf32, #tpu.memory_space<hbm>> -> memref<2x1024xf32, #tpu.memory_space<hbm>>
    %dma_start3A_43 = arith.constant 0 : i32
    %dma_start3A_44 = arith.constant 0 : i32
    %dma_start3A_45 = tpu.memref_slice %arg5[%dma_start3A_36, %dma_start3A_43, %dma_start3A_44] : memref<2x2x1024xf32, #tpu.memory_space<vmem>> -> memref<1x2x1024xf32, #tpu.memory_space<vmem>>
    %dma_start3A_46 = tpu.memref_squeeze %dma_start3A_45 : memref<1x2x1024xf32, #tpu.memory_space<vmem>> -> memref<2x1024xf32, #tpu.memory_space<vmem>>
    %dma_start3A_47 = arith.constant 0 : i32
    %dma_start3A_48 = tpu.memref_slice %arg3[%add3A_6, %dma_start3A_47] : memref<8192x1024xf32, #tpu.memory_space<hbm>> -> memref<2x1024xf32, #tpu.memory_space<hbm>>
    tpu.enqueue_dma source(%dma_start3A_48 : memref<2x1024xf32, #tpu.memory_space<hbm>>) target(%dma_start3A_46 : memref<2x1024xf32, #tpu.memory_space<vmem>>) target_semaphore(%arg9 : memref<!tpu.dma_semaphore, #tpu.memory_space<semaphore_mem>>)
    %dma_start3A_49 = arith.constant 1 : i32
    %dma_start3A_50 = arith.constant 0 : i32
    %dma_start3A_51 = arith.constant 0 : i32
    %dma_start3A_52 = arith.constant 0 : i32
    %dma_start3A_53 = tpu.memref_slice %arg6[%dma_start3A_49, %dma_start3A_50, %dma_start3A_51, %dma_start3A_52] : memref<2x4x2x1024xf32, #tpu.memory_space<vmem>> -> memref<1x4x2x1024xf32, #tpu.memory_space<vmem>>
    %dma_start3A_54 = tpu.memref_squeeze %dma_start3A_53 : memref<1x4x2x1024xf32, #tpu.memory_space<vmem>> -> memref<4x2x1024xf32, #tpu.memory_space<vmem>>
    %dma_start3A_55 = arith.constant 0 : i32
    %dma_start3A_56 = arith.constant 0 : i32
    %dma_start3A_57 = tpu.memref_slice %arg2[%dma_start3A_55, %add3A_6, %dma_start3A_56] : memref<4x4096x1024xf32, #tpu.memory_space<hbm>> -> memref<4x2x1024xf32, #tpu.memory_space<hbm>>
    %dma_start3A_58 = arith.constant 0 : i32
    %dma_start3A_59 = arith.constant 0 : i32
    %dma_start3A_60 = arith.constant 0 : i32
    %dma_start3A_61 = tpu.memref_slice %arg6[%dma_start3A_49, %dma_start3A_58, %dma_start3A_59, %dma_start3A_60] : memref<2x4x2x1024xf32, #tpu.memory_space<vmem>> -> memref<1x4x2x1024xf32, #tpu.memory_space<vmem>>
    %dma_start3A_62 = tpu.memref_squeeze %dma_start3A_61 : memref<1x4x2x1024xf32, #tpu.memory_space<vmem>> -> memref<4x2x1024xf32, #tpu.memory_space<vmem>>
    %dma_start3A_63 = arith.constant 0 : i32
    %dma_start3A_64 = arith.constant 0 : i32
    %dma_start3A_65 = tpu.memref_slice %arg2[%dma_start3A_63, %add3A_6, %dma_start3A_64] : memref<4x4096x1024xf32, #tpu.memory_space<hbm>> -> memref<4x2x1024xf32, #tpu.memory_space<hbm>>
    tpu.enqueue_dma source(%dma_start3A_65 : memref<4x2x1024xf32, #tpu.memory_space<hbm>>) target(%dma_start3A_62 : memref<4x2x1024xf32, #tpu.memory_space<vmem>>) target_semaphore(%arg9 : memref<!tpu.dma_semaphore, #tpu.memory_space<semaphore_mem>>)
    %scan3A = arith.constant 0 : i32
    %scan3A_66 = arith.constant 0 : i32
    %scan3A_67 = arith.constant 32 : i32
    %scan3A_68 = arith.addi %scan3A_66, %scan3A_67 : i32
    %scan3A_69 = arith.constant 1 : i32
    scf.for %scan3A_108 = %scan3A_66 to %scan3A_68 step %scan3A_69  : i32 {
      %mul3A_109 = arith.constant 2 : i32
      %mul3A_110 = arith.muli %mul3A_109, %scan3A_108 : i32
      %add3A_111 = arith.constant 0 : i32
      %add3A_112 = arith.addi %mul3A_110, %add3A_111 : i32
      %mul3A_113 = arith.constant 2 : i32
      %mul3A_114 = arith.muli %add3A_112, %mul3A_113 : i32
      %add3A_115 = arith.addi %mul3A_2, %mul3A_114 : i32
      %dma_wait3A_116 = arith.constant 0 : i32
      %dma_wait3A_117 = arith.constant 0 : i32
      %dma_wait3A_118 = arith.constant 0 : i32
      %dma_wait3A_119 = tpu.memref_slice %arg5[%dma_wait3A_116, %dma_wait3A_117, %dma_wait3A_118] : memref<2x2x1024xf32, #tpu.memory_space<vmem>> -> memref<1x2x1024xf32, #tpu.memory_space<vmem>>
      %dma_wait3A_120 = tpu.memref_squeeze %dma_wait3A_119 : memref<1x2x1024xf32, #tpu.memory_space<vmem>> -> memref<2x1024xf32, #tpu.memory_space<vmem>>
      %dma_wait3A_121 = arith.constant 0 : i32
      %dma_wait3A_122 = tpu.memref_slice %arg3[%add3A_115, %dma_wait3A_121] : memref<8192x1024xf32, #tpu.memory_space<hbm>> -> memref<2x1024xf32, #tpu.memory_space<hbm>>
      %dma_wait3A_123 = arith.constant 0 : i32
      %dma_wait3A_124 = arith.constant 0 : i32
      %dma_wait3A_125 = tpu.memref_slice %arg5[%dma_wait3A_116, %dma_wait3A_123, %dma_wait3A_124] : memref<2x2x1024xf32, #tpu.memory_space<vmem>> -> memref<1x2x1024xf32, #tpu.memory_space<vmem>>
      %dma_wait3A_126 = tpu.memref_squeeze %dma_wait3A_125 : memref<1x2x1024xf32, #tpu.memory_space<vmem>> -> memref<2x1024xf32, #tpu.memory_space<vmem>>
      %dma_wait3A_127 = arith.constant 0 : i32
      %dma_wait3A_128 = tpu.memref_slice %arg3[%add3A_115, %dma_wait3A_127] : memref<8192x1024xf32, #tpu.memory_space<hbm>> -> memref<2x1024xf32, #tpu.memory_space<hbm>>
      tpu.wait_dma2 semaphore(%arg8 : memref<!tpu.dma_semaphore, #tpu.memory_space<semaphore_mem>>) src(%dma_wait3A_128 : memref<2x1024xf32, #tpu.memory_space<hbm>>) dst(%dma_wait3A_126 : memref<2x1024xf32, #tpu.memory_space<vmem>>)
      %dma_wait3A_129 = arith.constant 0 : i32
      %dma_wait3A_130 = arith.constant 0 : i32
      %dma_wait3A_131 = arith.constant 0 : i32
      %dma_wait3A_132 = arith.constant 0 : i32
      %dma_wait3A_133 = tpu.memref_slice %arg6[%dma_wait3A_129, %dma_wait3A_130, %dma_wait3A_131, %dma_wait3A_132] : memref<2x4x2x1024xf32, #tpu.memory_space<vmem>> -> memref<1x4x2x1024xf32, #tpu.memory_space<vmem>>
      %dma_wait3A_134 = tpu.memref_squeeze %dma_wait3A_133 : memref<1x4x2x1024xf32, #tpu.memory_space<vmem>> -> memref<4x2x1024xf32, #tpu.memory_space<vmem>>
      %dma_wait3A_135 = arith.constant 0 : i32
      %dma_wait3A_136 = arith.constant 0 : i32
      %dma_wait3A_137 = tpu.memref_slice %arg2[%dma_wait3A_135, %add3A_115, %dma_wait3A_136] : memref<4x4096x1024xf32, #tpu.memory_space<hbm>> -> memref<4x2x1024xf32, #tpu.memory_space<hbm>>
      %dma_wait3A_138 = arith.constant 0 : i32
      %dma_wait3A_139 = arith.constant 0 : i32
      %dma_wait3A_140 = arith.constant 0 : i32
      %dma_wait3A_141 = tpu.memref_slice %arg6[%dma_wait3A_129, %dma_wait3A_138, %dma_wait3A_139, %dma_wait3A_140] : memref<2x4x2x1024xf32, #tpu.memory_space<vmem>> -> memref<1x4x2x1024xf32, #tpu.memory_space<vmem>>
      %dma_wait3A_142 = tpu.memref_squeeze %dma_wait3A_141 : memref<1x4x2x1024xf32, #tpu.memory_space<vmem>> -> memref<4x2x1024xf32, #tpu.memory_space<vmem>>
      %dma_wait3A_143 = arith.constant 0 : i32
      %dma_wait3A_144 = arith.constant 0 : i32
      %dma_wait3A_145 = tpu.memref_slice %arg2[%dma_wait3A_143, %add3A_115, %dma_wait3A_144] : memref<4x4096x1024xf32, #tpu.memory_space<hbm>> -> memref<4x2x1024xf32, #tpu.memory_space<hbm>>
      tpu.wait_dma2 semaphore(%arg8 : memref<!tpu.dma_semaphore, #tpu.memory_space<semaphore_mem>>) src(%dma_wait3A_145 : memref<4x2x1024xf32, #tpu.memory_space<hbm>>) dst(%dma_wait3A_142 : memref<4x2x1024xf32, #tpu.memory_space<vmem>>)
      %ge3A = arith.constant 1 : i32
      %ge3A_146 = arith.cmpi sge, %scan3A_108, %ge3A : i32
      %convert_element_type3A = arith.extui %ge3A_146 : i1 to i32
      %cond3A = arith.constant 0 : i32
      %cond3A_147 = arith.cmpi ne, %convert_element_type3A, %cond3A : i32
      scf.if %cond3A_147 {
        %sub3A = arith.constant 2 : i32
        %sub3A_267 = arith.subi %add3A_112, %sub3A : i32
        %mul3A_268 = arith.constant 2 : i32
        %mul3A_269 = arith.muli %sub3A_267, %mul3A_268 : i32
        %add3A_270 = arith.addi %mul3A_2, %mul3A_269 : i32
        %dma_wait3A_271 = arith.constant 0 : i32
        %dma_wait3A_272 = arith.constant 0 : i32
        %dma_wait3A_273 = arith.constant 0 : i32
        %dma_wait3A_274 = arith.constant 0 : i32
        %dma_wait3A_275 = tpu.memref_slice %arg7[%dma_wait3A_271, %dma_wait3A_272, %dma_wait3A_273, %dma_wait3A_274] : memref<2x4x2x1024xf32, #tpu.memory_space<vmem>> -> memref<1x4x2x1024xf32, #tpu.memory_space<vmem>>
        %dma_wait3A_276 = tpu.memref_squeeze %dma_wait3A_275 : memref<1x4x2x1024xf32, #tpu.memory_space<vmem>> -> memref<4x2x1024xf32, #tpu.memory_space<vmem>>
        %dma_wait3A_277 = arith.constant 0 : i32
        %dma_wait3A_278 = arith.constant 0 : i32
        %dma_wait3A_279 = tpu.memref_slice %arg4[%dma_wait3A_277, %add3A_270, %dma_wait3A_278] : memref<4x4096x1024xf32, #tpu.memory_space<hbm>> -> memref<4x2x1024xf32, #tpu.memory_space<hbm>>
        %dma_wait3A_280 = arith.constant 0 : i32
        %dma_wait3A_281 = arith.constant 0 : i32
        %dma_wait3A_282 = tpu.memref_slice %arg4[%dma_wait3A_280, %add3A_270, %dma_wait3A_281] : memref<4x4096x1024xf32, #tpu.memory_space<hbm>> -> memref<4x2x1024xf32, #tpu.memory_space<hbm>>
        %dma_wait3A_283 = arith.constant 0 : i32
        %dma_wait3A_284 = arith.constant 0 : i32
        %dma_wait3A_285 = arith.constant 0 : i32
        %dma_wait3A_286 = tpu.memref_slice %arg7[%dma_wait3A_271, %dma_wait3A_283, %dma_wait3A_284, %dma_wait3A_285] : memref<2x4x2x1024xf32, #tpu.memory_space<vmem>> -> memref<1x4x2x1024xf32, #tpu.memory_space<vmem>>
        %dma_wait3A_287 = tpu.memref_squeeze %dma_wait3A_286 : memref<1x4x2x1024xf32, #tpu.memory_space<vmem>> -> memref<4x2x1024xf32, #tpu.memory_space<vmem>>
        tpu.wait_dma2 semaphore(%arg10 : memref<!tpu.dma_semaphore, #tpu.memory_space<semaphore_mem>>) src(%dma_wait3A_287 : memref<4x2x1024xf32, #tpu.memory_space<vmem>>) dst(%dma_wait3A_282 : memref<4x2x1024xf32, #tpu.memory_space<hbm>>)
      } else {
      }
      %scan3A_148 = arith.constant 0 : i32
      %scan3A_149 = arith.constant 0 : i32
      %scan3A_150 = arith.constant 8 : i32
      %scan3A_151 = arith.addi %scan3A_149, %scan3A_150 : i32
      %scan3A_152 = arith.constant 1 : i32
      scf.for %scan3A_267 = %scan3A_149 to %scan3A_151 step %scan3A_152  : i32 {
        %mul3A_268 = arith.constant 8 : i32
        %mul3A_269 = arith.muli %scan3A_267, %mul3A_268 : i32
        %add3A_270 = arith.constant 0 : i32
        %add3A_271 = arith.addi %mul3A_269, %add3A_270 : i32
        %mul3A_272 = arith.constant 16 : i32
        %mul3A_273 = arith.muli %add3A_271, %mul3A_272 : i32
        %get3A = arith.constant 0 : i32
        %get3A_274 = arith.constant 0 : i32
        %get3A_275 = arith.index_cast %get3A : i32 to index
        %get3A_276 = arith.index_cast %get3A_274 : i32 to index
        %get3A_277 = arith.index_cast %mul3A_273 : i32 to index
        %get3A_278 = tpu.vector_load %arg5[%get3A_275, %get3A_276, %get3A_277] {strides = array<i32>} : memref<2x2x1024xf32, #tpu.memory_space<vmem>>, vector<1x1x16xf32>,
        %get3A_279 = vector.shape_cast %get3A_278 : vector<1x1x16xf32> to vector<16xf32>
        %get3A_280 = arith.constant 0 : i32
        %get3A_281 = arith.constant 0 : i32
        %get3A_282 = arith.constant 0 : i32
        %get3A_283 = arith.index_cast %get3A_280 : i32 to index
        %get3A_284 = arith.index_cast %get3A_281 : i32 to index
        %get3A_285 = arith.index_cast %get3A_282 : i32 to index
        %get3A_286 = arith.index_cast %mul3A_273 : i32 to index
        %get3A_287 = tpu.vector_load %arg6[%get3A_283, %get3A_284, %get3A_285, %get3A_286] {strides = array<i32>} : memref<2x4x2x1024xf32, #tpu.memory_space<vmem>>, vector<1x1x1x16xf32>,
        %get3A_288 = vector.shape_cast %get3A_287 : vector<1x1x1x16xf32> to vector<16xf32>
        %add3A_289 = arith.addf %get3A_288, %get3A_279 : vector<16xf32>
        %swap3A = arith.constant 0 : i32
        %swap3A_290 = arith.constant 0 : i32
        %swap3A_291 = arith.constant 0 : i32
        %swap3A_292 = arith.index_cast %swap3A : i32 to index
        %swap3A_293 = arith.index_cast %swap3A_290 : i32 to index
        %swap3A_294 = arith.index_cast %swap3A_291 : i32 to index
        %swap3A_295 = arith.index_cast %mul3A_273 : i32 to index
        %swap3A_296 = tpu.vector_load %arg7[%swap3A_292, %swap3A_293, %swap3A_294, %swap3A_295] {strides = array<i32>} : memref<2x4x2x1024xf32, #tpu.memory_space<vmem>>, vector<1x1x1x16xf32>,
        %swap3A_297 = vector.shape_cast %swap3A_296 : vector<1x1x1x16xf32> to vector<16xf32>
        %swap3A_298 = vector.shape_cast %add3A_289 : vector<16xf32> to vector<1x1x1x16xf32>
        tpu.vector_store %arg7[%swap3A_292, %swap3A_293, %swap3A_294, %swap3A_295], %swap3A_298 {strides = array<i32>} : memref<2x4x2x1024xf32, #tpu.memory_space<vmem>>, vector<1x1x1x16xf32>,
        %get3A_299 = arith.constant 0 : i32
        %get3A_300 = arith.constant 1 : i32
        %get3A_301 = arith.constant 0 : i32
        %get3A_302 = arith.index_cast %get3A_299 : i32 to index
        %get3A_303 = arith.index_cast %get3A_300 : i32 to index
        %get3A_304 = arith.index_cast %get3A_301 : i32 to index
        %get3A_305 = arith.index_cast %mul3A_273 : i32 to index
        %get3A_306 = tpu.vector_load %arg6[%get3A_302, %get3A_303, %get3A_304, %get3A_305] {strides = array<i32>} : memref<2x4x2x1024xf32, #tpu.memory_space<vmem>>, vector<1x1x1x16xf32>,
        %get3A_307 = vector.shape_cast %get3A_306 : vector<1x1x1x16xf32> to vector<16xf32>
        %add3A_308 = arith.addf %get3A_307, %get3A_279 : vector<16xf32>
        %swap3A_309 = arith.constant 0 : i32
        %swap3A_310 = arith.constant 1 : i32
        %swap3A_311 = arith.constant 0 : i32
        %swap3A_312 = arith.index_cast %swap3A_309 : i32 to index
        %swap3A_313 = arith.index_cast %swap3A_310 : i32 to index
        %swap3A_314 = arith.index_cast %swap3A_311 : i32 to index
        %swap3A_315 = arith.index_cast %mul3A_273 : i32 to index
        %swap3A_316 = tpu.vector_load %arg7[%swap3A_312, %swap3A_313, %swap3A_314, %swap3A_315] {strides = array<i32>} : memref<2x4x2x1024xf32, #tpu.memory_space<vmem>>, vector<1x1x1x16xf32>,
        %swap3A_317 = vector.shape_cast %swap3A_316 : vector<1x1x1x16xf32> to vector<16xf32>
        %swap3A_318 = vector.shape_cast %add3A_308 : vector<16xf32> to vector<1x1x1x16xf32>
        tpu.vector_store %arg7[%swap3A_312, %swap3A_313, %swap3A_314, %swap3A_315], %swap3A_318 {strides = array<i32>} : memref<2x4x2x1024xf32, #tpu.memory_space<vmem>>, vector<1x1x1x16xf32>,
        %get3A_319 = arith.constant 0 : i32
        %get3A_320 = arith.constant 2 : i32
        %get3A_321 = arith.constant 0 : i32
        %get3A_322 = arith.index_cast %get3A_319 : i32 to index
        %get3A_323 = arith.index_cast %get3A_320 : i32 to index
        %get3A_324 = arith.index_cast %get3A_321 : i32 to index
        %get3A_325 = arith.index_cast %mul3A_273 : i32 to index
        %get3A_326 = tpu.vector_load %arg6[%get3A_322, %get3A_323, %get3A_324, %get3A_325] {strides = array<i32>} : memref<2x4x2x1024xf32, #tpu.memory_space<vmem>>, vector<1x1x1x16xf32>,
        %get3A_327 = vector.shape_cast %get3A_326 : vector<1x1x1x16xf32> to vector<16xf32>
        %add3A_328 = arith.addf %get3A_327, %get3A_279 : vector<16xf32>
        %swap3A_329 = arith.constant 0 : i32
        %swap3A_330 = arith.constant 2 : i32
        %swap3A_331 = arith.constant 0 : i32
        %swap3A_332 = arith.index_cast %swap3A_329 : i32 to index
        %swap3A_333 = arith.index_cast %swap3A_330 : i32 to index
        %swap3A_334 = arith.index_cast %swap3A_331 : i32 to index
        %swap3A_335 = arith.index_cast %mul3A_273 : i32 to index
        %swap3A_336 = tpu.vector_load %arg7[%swap3A_332, %swap3A_333, %swap3A_334, %swap3A_335] {strides = array<i32>} : memref<2x4x2x1024xf32, #tpu.memory_space<vmem>>, vector<1x1x1x16xf32>,
        %swap3A_337 = vector.shape_cast %swap3A_336 : vector<1x1x1x16xf32> to vector<16xf32>
        %swap3A_338 = vector.shape_cast %add3A_328 : vector<16xf32> to vector<1x1x1x16xf32>
        tpu.vector_store %arg7[%swap3A_332, %swap3A_333, %swap3A_334, %swap3A_335], %swap3A_338 {strides = array<i32>} : memref<2x4x2x1024xf32, #tpu.memory_space<vmem>>, vector<1x1x1x16xf32>,
        %get3A_339 = arith.constant 0 : i32
        %get3A_340 = arith.constant 3 : i32
        %get3A_341 = arith.constant 0 : i32
        %get3A_342 = arith.index_cast %get3A_339 : i32 to index
        %get3A_343 = arith.index_cast %get3A_340 : i32 to index
        %get3A_344 = arith.index_cast %get3A_341 : i32 to index
        %get3A_345 = arith.index_cast %mul3A_273 : i32 to index
        %get3A_346 = tpu.vector_load %arg6[%get3A_342, %get3A_343, %get3A_344, %get3A_345] {strides = array<i32>} : memref<2x4x2x1024xf32, #tpu.memory_space<vmem>>, vector<1x1x1x16xf32>,
        %get3A_347 = vector.shape_cast %get3A_346 : vector<1x1x1x16xf32> to vector<16xf32>
        %add3A_348 = arith.addf %get3A_347, %get3A_279 : vector<16xf32>
        %swap3A_349 = arith.constant 0 : i32
        %swap3A_350 = arith.constant 3 : i32
        %swap3A_351 = arith.constant 0 : i32
        %swap3A_352 = arith.index_cast %swap3A_349 : i32 to index
        %swap3A_353 = arith.index_cast %swap3A_350 : i32 to index
        %swap3A_354 = arith.index_cast %swap3A_351 : i32 to index
        %swap3A_355 = arith.index_cast %mul3A_273 : i32 to index
        %swap3A_356 = tpu.vector_load %arg7[%swap3A_352, %swap3A_353, %swap3A_354, %swap3A_355] {strides = array<i32>} : memref<2x4x2x1024xf32, #tpu.memory_space<vmem>>, vector<1x1x1x16xf32>,
        %swap3A_357 = vector.shape_cast %swap3A_356 : vector<1x1x1x16xf32> to vector<16xf32>
        %swap3A_358 = vector.shape_cast %add3A_348 : vector<16xf32> to vector<1x1x1x16xf32>
        tpu.vector_store %arg7[%swap3A_352, %swap3A_353, %swap3A_354, %swap3A_355], %swap3A_358 {strides = array<i32>} : memref<2x4x2x1024xf32, #tpu.memory_space<vmem>>, vector<1x1x1x16xf32>,
        %mul3A_359 = arith.constant 8 : i32
        %mul3A_360 = arith.muli %scan3A_267, %mul3A_359 : i32
        %add3A_361 = arith.constant 1 : i32
        %add3A_362 = arith.addi %mul3A_360, %add3A_361 : i32
        %mul3A_363 = arith.constant 16 : i32
        %mul3A_364 = arith.muli %add3A_362, %mul3A_363 : i32
        %get3A_365 = arith.constant 0 : i32
        %get3A_366 = arith.constant 0 : i32
        %get3A_367 = arith.index_cast %get3A_365 : i32 to index
        %get3A_368 = arith.index_cast %get3A_366 : i32 to index
        %get3A_369 = arith.index_cast %mul3A_364 : i32 to index
        %get3A_370 = tpu.vector_load %arg5[%get3A_367, %get3A_368, %get3A_369] {strides = array<i32>} : memref<2x2x1024xf32, #tpu.memory_space<vmem>>, vector<1x1x16xf32>,
        %get3A_371 = vector.shape_cast %get3A_370 : vector<1x1x16xf32> to vector<16xf32>
        %get3A_372 = arith.constant 0 : i32
        %get3A_373 = arith.constant 0 : i32
        %get3A_374 = arith.constant 0 : i32
        %get3A_375 = arith.index_cast %get3A_372 : i32 to index
        %get3A_376 = arith.index_cast %get3A_373 : i32 to index
        %get3A_377 = arith.index_cast %get3A_374 : i32 to index
        %get3A_378 = arith.index_cast %mul3A_364 : i32 to index
        %get3A_379 = tpu.vector_load %arg6[%get3A_375, %get3A_376, %get3A_377, %get3A_378] {strides = array<i32>} : memref<2x4x2x1024xf32, #tpu.memory_space<vmem>>, vector<1x1x1x16xf32>,
        %get3A_380 = vector.shape_cast %get3A_379 : vector<1x1x1x16xf32> to vector<16xf32>
        %add3A_381 = arith.addf %get3A_380, %get3A_371 : vector<16xf32>
        %swap3A_382 = arith.constant 0 : i32
        %swap3A_383 = arith.constant 0 : i32
        %swap3A_384 = arith.constant 0 : i32
        %swap3A_385 = arith.index_cast %swap3A_382 : i32 to index
        %swap3A_386 = arith.index_cast %swap3A_383 : i32 to index
        %swap3A_387 = arith.index_cast %swap3A_384 : i32 to index
        %swap3A_388 = arith.index_cast %mul3A_364 : i32 to index
        %swap3A_389 = tpu.vector_load %arg7[%swap3A_385, %swap3A_386, %swap3A_387, %swap3A_388] {strides = array<i32>} : memref<2x4x2x1024xf32, #tpu.memory_space<vmem>>, vector<1x1x1x16xf32>,
        %swap3A_390 = vector.shape_cast %swap3A_389 : vector<1x1x1x16xf32> to vector<16xf32>
        %swap3A_391 = vector.shape_cast %add3A_381 : vector<16xf32> to vector<1x1x1x16xf32>
        tpu.vector_store %arg7[%swap3A_385, %swap3A_386, %swap3A_387, %swap3A_388], %swap3A_391 {strides = array<i32>} : memref<2x4x2x1024xf32, #tpu.memory_space<vmem>>, vector<1x1x1x16xf32>,
        %get3A_392 = arith.constant 0 : i32
        %get3A_393 = arith.constant 1 : i32
        %get3A_394 = arith.constant 0 : i32
        %get3A_395 = arith.index_cast %get3A_392 : i32 to index
        %get3A_396 = arith.index_cast %get3A_393 : i32 to index
        %get3A_397 = arith.index_cast %get3A_394 : i32 to index
        %get3A_398 = arith.index_cast %mul3A_364 : i32 to index
        %get3A_399 = tpu.vector_load %arg6[%get3A_395, %get3A_396, %get3A_397, %get3A_398] {strides = array<i32>} : memref<2x4x2x1024xf32, #tpu.memory_space<vmem>>, vector<1x1x1x16xf32>,
        %get3A_400 = vector.shape_cast %get3A_399 : vector<1x1x1x16xf32> to vector<16xf32>
        %add3A_401 = arith.addf %get3A_400, %get3A_371 : vector<16xf32>
        %swap3A_402 = arith.constant 0 : i32
        %swap3A_403 = arith.constant 1 : i32
        %swap3A_404 = arith.constant 0 : i32
        %swap3A_405 = arith.index_cast %swap3A_402 : i32 to index
        %swap3A_406 = arith.index_cast %swap3A_403 : i32 to index
        %swap3A_407 = arith.index_cast %swap3A_404 : i32 to index
        %swap3A_408 = arith.index_cast %mul3A_364 : i32 to index
        %swap3A_409 = tpu.vector_load %arg7[%swap3A_405, %swap3A_406, %swap3A_407, %swap3A_408] {strides = array<i32>} : memref<2x4x2x1024xf32, #tpu.memory_space<vmem>>, vector<1x1x1x16xf32>,
        %swap3A_410 = vector.shape_cast %swap3A_409 : vector<1x1x1x16xf32> to vector<16xf32>
        %swap3A_411 = vector.shape_cast %add3A_401 : vector<16xf32> to vector<1x1x1x16xf32>
        tpu.vector_store %arg7[%swap3A_405, %swap3A_406, %swap3A_407, %swap3A_408], %swap3A_411 {strides = array<i32>} : memref<2x4x2x1024xf32, #tpu.memory_space<vmem>>, vector<1x1x1x16xf32>,
        %get3A_412 = arith.constant 0 : i32
        %get3A_413 = arith.constant 2 : i32
        %get3A_414 = arith.constant 0 : i32
        %get3A_415 = arith.index_cast %get3A_412 : i32 to index
        %get3A_416 = arith.index_cast %get3A_413 : i32 to index
        %get3A_417 = arith.index_cast %get3A_414 : i32 to index
        %get3A_418 = arith.index_cast %mul3A_364 : i32 to index
        %get3A_419 = tpu.vector_load %arg6[%get3A_415, %get3A_416, %get3A_417, %get3A_418] {strides = array<i32>} : memref<2x4x2x1024xf32, #tpu.memory_space<vmem>>, vector<1x1x1x16xf32>,
        %get3A_420 = vector.shape_cast %get3A_419 : vector<1x1x1x16xf32> to vector<16xf32>
        %add3A_421 = arith.addf %get3A_420, %get3A_371 : vector<16xf32>
        %swap3A_422 = arith.constant 0 : i32
        %swap3A_423 = arith.constant 2 : i32
        %swap3A_424 = arith.constant 0 : i32
        %swap3A_425 = arith.index_cast %swap3A_422 : i32 to index
        %swap3A_426 = arith.index_cast %swap3A_423 : i32 to index
        %swap3A_427 = arith.index_cast %swap3A_424 : i32 to index
        %swap3A_428 = arith.index_cast %mul3A_364 : i32 to index
        %swap3A_429 = tpu.vector_load %arg7[%swap3A_425, %swap3A_426, %swap3A_427, %swap3A_428] {strides = array<i32>} : memref<2x4x2x1024xf32, #tpu.memory_space<vmem>>, vector<1x1x1x16xf32>,
        %swap3A_430 = vector.shape_cast %swap3A_429 : vector<1x1x1x16xf32> to vector<16xf32>
        %swap3A_431 = vector.shape_cast %add3A_421 : vector<16xf32> to vector<1x1x1x16xf32>
        tpu.vector_store %arg7[%swap3A_425, %swap3A_426, %swap3A_427, %swap3A_428], %swap3A_431 {strides = array<i32>} : memref<2x4x2x1024xf32, #tpu.memory_space<vmem>>, vector<1x1x1x16xf32>,
        %get3A_432 = arith.constant 0 : i32
        %get3A_433 = arith.constant 3 : i32
        %get3A_434 = arith.constant 0 : i32
        %get3A_435 = arith.index_cast %get3A_432 : i32 to index
        %get3A_436 = arith.index_cast %get3A_433 : i32 to index
        %get3A_437 = arith.index_cast %get3A_434 : i32 to index
        %get3A_438 = arith.index_cast %mul3A_364 : i32 to index
        %get3A_439 = tpu.vector_load %arg6[%get3A_435, %get3A_436, %get3A_437, %get3A_438] {strides = array<i32>} : memref<2x4x2x1024xf32, #tpu.memory_space<vmem>>, vector<1x1x1x16xf32>,
        %get3A_440 = vector.shape_cast %get3A_439 : vector<1x1x1x16xf32> to vector<16xf32>
        %add3A_441 = arith.addf %get3A_440, %get3A_371 : vector<16xf32>
        %swap3A_442 = arith.constant 0 : i32
        %swap3A_443 = arith.constant 3 : i32
        %swap3A_444 = arith.constant 0 : i32
        %swap3A_445 = arith.index_cast %swap3A_442 : i32 to index
        %swap3A_446 = arith.index_cast %swap3A_443 : i32 to index
        %swap3A_447 = arith.index_cast %swap3A_444 : i32 to index
        %swap3A_448 = arith.index_cast %mul3A_364 : i32 to index
        %swap3A_449 = tpu.vector_load %arg7[%swap3A_445, %swap3A_446, %swap3A_447, %swap3A_448] {strides = array<i32>} : memref<2x4x2x1024xf32, #tpu.memory_space<vmem>>, vector<1x1x1x16xf32>,
        %swap3A_450 = vector.shape_cast %swap3A_449 : vector<1x1x1x16xf32> to vector<16xf32>
        %swap3A_451 = vector.shape_cast %add3A_441 : vector<16xf32> to vector<1x1x1x16xf32>
        tpu.vector_store %arg7[%swap3A_445, %swap3A_446, %swap3A_447, %swap3A_448], %swap3A_451 {strides = array<i32>} : memref<2x4x2x1024xf32, #tpu.memory_space<vmem>>, vector<1x1x1x16xf32>,
        %mul3A_452 = arith.constant 8 : i32
        %mul3A_453 = arith.muli %scan3A_267, %mul3A_452 : i32
        %add3A_454 = arith.constant 2 : i32
        %add3A_455 = arith.addi %mul3A_453, %add3A_454 : i32
        %mul3A_456 = arith.constant 16 : i32
        %mul3A_457 = arith.muli %add3A_455, %mul3A_456 : i32
        %get3A_458 = arith.constant 0 : i32
        %get3A_459 = arith.constant 0 : i32
        %get3A_460 = arith.index_cast %get3A_458 : i32 to index
        %get3A_461 = arith.index_cast %get3A_459 : i32 to index
        %get3A_462 = arith.index_cast %mul3A_457 : i32 to index
        %get3A_463 = tpu.vector_load %arg5[%get3A_460, %get3A_461, %get3A_462] {strides = array<i32>} : memref<2x2x1024xf32, #tpu.memory_space<vmem>>, vector<1x1x16xf32>,
        %get3A_464 = vector.shape_cast %get3A_463 : vector<1x1x16xf32> to vector<16xf32>
        %get3A_465 = arith.constant 0 : i32
        %get3A_466 = arith.constant 0 : i32
        %get3A_467 = arith.constant 0 : i32
        %get3A_468 = arith.index_cast %get3A_465 : i32 to index
        %get3A_469 = arith.index_cast %get3A_466 : i32 to index
        %get3A_470 = arith.index_cast %get3A_467 : i32 to index
        %get3A_471 = arith.index_cast %mul3A_457 : i32 to index
        %get3A_472 = tpu.vector_load %arg6[%get3A_468, %get3A_469, %get3A_470, %get3A_471] {strides = array<i32>} : memref<2x4x2x1024xf32, #tpu.memory_space<vmem>>, vector<1x1x1x16xf32>,
        %get3A_473 = vector.shape_cast %get3A_472 : vector<1x1x1x16xf32> to vector<16xf32>
        %add3A_474 = arith.addf %get3A_473, %get3A_464 : vector<16xf32>
        %swap3A_475 = arith.constant 0 : i32
        %swap3A_476 = arith.constant 0 : i32
        %swap3A_477 = arith.constant 0 : i32
        %swap3A_478 = arith.index_cast %swap3A_475 : i32 to index
        %swap3A_479 = arith.index_cast %swap3A_476 : i32 to index
        %swap3A_480 = arith.index_cast %swap3A_477 : i32 to index
        %swap3A_481 = arith.index_cast %mul3A_457 : i32 to index
        %swap3A_482 = tpu.vector_load %arg7[%swap3A_478, %swap3A_479, %swap3A_480, %swap3A_481] {strides = array<i32>} : memref<2x4x2x1024xf32, #tpu.memory_space<vmem>>, vector<1x1x1x16xf32>,
        %swap3A_483 = vector.shape_cast %swap3A_482 : vector<1x1x1x16xf32> to vector<16xf32>
        %swap3A_484 = vector.shape_cast %add3A_474 : vector<16xf32> to vector<1x1x1x16xf32>
        tpu.vector_store %arg7[%swap3A_478, %swap3A_479, %swap3A_480, %swap3A_481], %swap3A_484 {strides = array<i32>} : memref<2x4x2x1024xf32, #tpu.memory_space<vmem>>, vector<1x1x1x16xf32>,
        %get3A_485 = arith.constant 0 : i32
        %get3A_486 = arith.constant 1 : i32
        %get3A_487 = arith.constant 0 : i32
        %get3A_488 = arith.index_cast %get3A_485 : i32 to index
        %get3A_489 = arith.index_cast %get3A_486 : i32 to index
        %get3A_490 = arith.index_cast %get3A_487 : i32 to index
        %get3A_491 = arith.index_cast %mul3A_457 : i32 to index
        %get3A_492 = tpu.vector_load %arg6[%get3A_488, %get3A_489, %get3A_490, %get3A_491] {strides = array<i32>} : memref<2x4x2x1024xf32, #tpu.memory_space<vmem>>, vector<1x1x1x16xf32>,
        %get3A_493 = vector.shape_cast %get3A_492 : vector<1x1x1x16xf32> to vector<16xf32>
        %add3A_494 = arith.addf %get3A_493, %get3A_464 : vector<16xf32>
        %swap3A_495 = arith.constant 0 : i32
        %swap3A_496 = arith.constant 1 : i32
        %swap3A_497 = arith.constant 0 : i32
        %swap3A_498 = arith.index_cast %swap3A_495 : i32 to index
        %swap3A_499 = arith.index_cast %swap3A_496 : i32 to index
        %swap3A_500 = arith.index_cast %swap3A_497 : i32 to index
        %swap3A_501 = arith.index_cast %mul3A_457 : i32 to index
        %swap3A_502 = tpu.vector_load %arg7[%swap3A_498, %swap3A_499, %swap3A_500, %swap3A_501] {strides = array<i32>} : memref<2x4x2x1024xf32, #tpu.memory_space<vmem>>, vector<1x1x1x16xf32>,
        %swap3A_503 = vector.shape_cast %swap3A_502 : vector<1x1x1x16xf32> to vector<16xf32>
        %swap3A_504 = vector.shape_cast %add3A_494 : vector<16xf32> to vector<1x1x1x16xf32>
        tpu.vector_store %arg7[%swap3A_498, %swap3A_499, %swap3A_500, %swap3A_501], %swap3A_504 {strides = array<i32>} : memref<2x4x2x1024xf32, #tpu.memory_space<vmem>>, vector<1x1x1x16xf32>,
        %get3A_505 = arith.constant 0 : i32
        %get3A_506 = arith.constant 2 : i32
        %get3A_507 = arith.constant 0 : i32
        %get3A_508 = arith.index_cast %get3A_505 : i32 to index
        %get3A_509 = arith.index_cast %get3A_506 : i32 to index
        %get3A_510 = arith.index_cast %get3A_507 : i32 to index
        %get3A_511 = arith.index_cast %mul3A_457 : i32 to index
        %get3A_512 = tpu.vector_load %arg6[%get3A_508, %get3A_509, %get3A_510, %get3A_511] {strides = array<i32>} : memref<2x4x2x1024xf32, #tpu.memory_space<vmem>>, vector<1x1x1x16xf32>,
        %get3A_513 = vector.shape_cast %get3A_512 : vector<1x1x1x16xf32> to vector<16xf32>
        %add3A_514 = arith.addf %get3A_513, %get3A_464 : vector<16xf32>
        %swap3A_515 = arith.constant 0 : i32
        %swap3A_516 = arith.constant 2 : i32
        %swap3A_517 = arith.constant 0 : i32
        %swap3A_518 = arith.index_cast %swap3A_515 : i32 to index
        %swap3A_519 = arith.index_cast %swap3A_516 : i32 to index
        %swap3A_520 = arith.index_cast %swap3A_517 : i32 to index
        %swap3A_521 = arith.index_cast %mul3A_457 : i32 to index
        %swap3A_522 = tpu.vector_load %arg7[%swap3A_518, %swap3A_519, %swap3A_520, %swap3A_521] {strides = array<i32>} : memref<2x4x2x1024xf32, #tpu.memory_space<vmem>>, vector<1x1x1x16xf32>,
        %swap3A_523 = vector.shape_cast %swap3A_522 : vector<1x1x1x16xf32> to vector<16xf32>
        %swap3A_524 = vector.shape_cast %add3A_514 : vector<16xf32> to vector<1x1x1x16xf32>
        tpu.vector_store %arg7[%swap3A_518, %swap3A_519, %swap3A_520, %swap3A_521], %swap3A_524 {strides = array<i32>} : memref<2x4x2x1024xf32, #tpu.memory_space<vmem>>, vector<1x1x1x16xf32>,
        %get3A_525 = arith.constant 0 : i32
        %get3A_526 = arith.constant 3 : i32
        %get3A_527 = arith.constant 0 : i32
        %get3A_528 = arith.index_cast %get3A_525 : i32 to index
        %get3A_529 = arith.index_cast %get3A_526 : i32 to index
        %get3A_530 = arith.index_cast %get3A_527 : i32 to index
        %get3A_531 = arith.index_cast %mul3A_457 : i32 to index
        %get3A_532 = tpu.vector_load %arg6[%get3A_528, %get3A_529, %get3A_530, %get3A_531] {strides = array<i32>} : memref<2x4x2x1024xf32, #tpu.memory_space<vmem>>, vector<1x1x1x16xf32>,
        %get3A_533 = vector.shape_cast %get3A_532 : vector<1x1x1x16xf32> to vector<16xf32>
        %add3A_534 = arith.addf %get3A_533, %get3A_464 : vector<16xf32>
        %swap3A_535 = arith.constant 0 : i32
        %swap3A_536 = arith.constant 3 : i32
        %swap3A_537 = arith.constant 0 : i32
        %swap3A_538 = arith.index_cast %swap3A_535 : i32 to index
        %swap3A_539 = arith.index_cast %swap3A_536 : i32 to index
        %swap3A_540 = arith.index_cast %swap3A_537 : i32 to index
        %swap3A_541 = arith.index_cast %mul3A_457 : i32 to index
        %swap3A_542 = tpu.vector_load %arg7[%swap3A_538, %swap3A_539, %swap3A_540, %swap3A_541] {strides = array<i32>} : memref<2x4x2x1024xf32, #tpu.memory_space<vmem>>, vector<1x1x1x16xf32>,
        %swap3A_543 = vector.shape_cast %swap3A_542 : vector<1x1x1x16xf32> to vector<16xf32>
        %swap3A_544 = vector.shape_cast %add3A_534 : vector<16xf32> to vector<1x1x1x16xf32>
        tpu.vector_store %arg7[%swap3A_538, %swap3A_539, %swap3A_540, %swap3A_541], %swap3A_544 {strides = array<i32>} : memref<2x4x2x1024xf32, #tpu.memory_space<vmem>>, vector<1x1x1x16xf32>,
        %mul3A_545 = arith.constant 8 : i32
        %mul3A_546 = arith.muli %scan3A_267, %mul3A_545 : i32
        %add3A_547 = arith.constant 3 : i32
        %add3A_548 = arith.addi %mul3A_546, %add3A_547 : i32
        %mul3A_549 = arith.constant 16 : i32
        %mul3A_550 = arith.muli %add3A_548, %mul3A_549 : i32
        %get3A_551 = arith.constant 0 : i32
        %get3A_552 = arith.constant 0 : i32
        %get3A_553 = arith.index_cast %get3A_551 : i32 to index
        %get3A_554 = arith.index_cast %get3A_552 : i32 to index
        %get3A_555 = arith.index_cast %mul3A_550 : i32 to index
        %get3A_556 = tpu.vector_load %arg5[%get3A_553, %get3A_554, %get3A_555] {strides = array<i32>} : memref<2x2x1024xf32, #tpu.memory_space<vmem>>, vector<1x1x16xf32>,
        %get3A_557 = vector.shape_cast %get3A_556 : vector<1x1x16xf32> to vector<16xf32>
        %get3A_558 = arith.constant 0 : i32
        %get3A_559 = arith.constant 0 : i32
        %get3A_560 = arith.constant 0 : i32
        %get3A_561 = arith.index_cast %get3A_558 : i32 to index
        %get3A_562 = arith.index_cast %get3A_559 : i32 to index
        %get3A_563 = arith.index_cast %get3A_560 : i32 to index
        %get3A_564 = arith.index_cast %mul3A_550 : i32 to index
        %get3A_565 = tpu.vector_load %arg6[%get3A_561, %get3A_562, %get3A_563, %get3A_564] {strides = array<i32>} : memref<2x4x2x1024xf32, #tpu.memory_space<vmem>>, vector<1x1x1x16xf32>,
        %get3A_566 = vector.shape_cast %get3A_565 : vector<1x1x1x16xf32> to vector<16xf32>
        %add3A_567 = arith.addf %get3A_566, %get3A_557 : vector<16xf32>
        %swap3A_568 = arith.constant 0 : i32
        %swap3A_569 = arith.constant 0 : i32
        %swap3A_570 = arith.constant 0 : i32
        %swap3A_571 = arith.index_cast %swap3A_568 : i32 to index
        %swap3A_572 = arith.index_cast %swap3A_569 : i32 to index
        %swap3A_573 = arith.index_cast %swap3A_570 : i32 to index
        %swap3A_574 = arith.index_cast %mul3A_550 : i32 to index
        %swap3A_575 = tpu.vector_load %arg7[%swap3A_571, %swap3A_572, %swap3A_573, %swap3A_574] {strides = array<i32>} : memref<2x4x2x1024xf32, #tpu.memory_space<vmem>>, vector<1x1x1x16xf32>,
        %swap3A_576 = vector.shape_cast %swap3A_575 : vector<1x1x1x16xf32> to vector<16xf32>
        %swap3A_577 = vector.shape_cast %add3A_567 : vector<16xf32> to vector<1x1x1x16xf32>
        tpu.vector_store %arg7[%swap3A_571, %swap3A_572, %swap3A_573, %swap3A_574], %swap3A_577 {strides = array<i32>} : memref<2x4x2x1024xf32, #tpu.memory_space<vmem>>, vector<1x1x1x16xf32>,
        %get3A_578 = arith.constant 0 : i32
        %get3A_579 = arith.constant 1 : i32
        %get3A_580 = arith.constant 0 : i32
        %get3A_581 = arith.index_cast %get3A_578 : i32 to index
        %get3A_582 = arith.index_cast %get3A_579 : i32 to index
        %get3A_583 = arith.index_cast %get3A_580 : i32 to index
        %get3A_584 = arith.index_cast %mul3A_550 : i32 to index
        %get3A_585 = tpu.vector_load %arg6[%get3A_581, %get3A_582, %get3A_583, %get3A_584] {strides = array<i32>} : memref<2x4x2x1024xf32, #tpu.memory_space<vmem>>, vector<1x1x1x16xf32>,
        %get3A_586 = vector.shape_cast %get3A_585 : vector<1x1x1x16xf32> to vector<16xf32>
        %add3A_587 = arith.addf %get3A_586, %get3A_557 : vector<16xf32>
        %swap3A_588 = arith.constant 0 : i32
        %swap3A_589 = arith.constant 1 : i32
        %swap3A_590 = arith.constant 0 : i32
        %swap3A_591 = arith.index_cast %swap3A_588 : i32 to index
        %swap3A_592 = arith.index_cast %swap3A_589 : i32 to index
        %swap3A_593 = arith.index_cast %swap3A_590 : i32 to index
        %swap3A_594 = arith.index_cast %mul3A_550 : i32 to index
        %swap3A_595 = tpu.vector_load %arg7[%swap3A_591, %swap3A_592, %swap3A_593, %swap3A_594] {strides = array<i32>} : memref<2x4x2x1024xf32, #tpu.memory_space<vmem>>, vector<1x1x1x16xf32>,
        %swap3A_596 = vector.shape_cast %swap3A_595 : vector<1x1x1x16xf32> to vector<16xf32>
        %swap3A_597 = vector.shape_cast %add3A_587 : vector<16xf32> to vector<1x1x1x16xf32>
        tpu.vector_store %arg7[%swap3A_591, %swap3A_592, %swap3A_593, %swap3A_594], %swap3A_597 {strides = array<i32>} : memref<2x4x2x1024xf32, #tpu.memory_space<vmem>>, vector<1x1x1x16xf32>,
        %get3A_598 = arith.constant 0 : i32
        %get3A_599 = arith.constant 2 : i32
        %get3A_600 = arith.constant 0 : i32
        %get3A_601 = arith.index_cast %get3A_598 : i32 to index
        %get3A_602 = arith.index_cast %get3A_599 : i32 to index
        %get3A_603 = arith.index_cast %get3A_600 : i32 to index
        %get3A_604 = arith.index_cast %mul3A_550 : i32 to index
        %get3A_605 = tpu.vector_load %arg6[%get3A_601, %get3A_602, %get3A_603, %get3A_604] {strides = array<i32>} : memref<2x4x2x1024xf32, #tpu.memory_space<vmem>>, vector<1x1x1x16xf32>,
        %get3A_606 = vector.shape_cast %get3A_605 : vector<1x1x1x16xf32> to vector<16xf32>
        %add3A_607 = arith.addf %get3A_606, %get3A_557 : vector<16xf32>
        %swap3A_608 = arith.constant 0 : i32
        %swap3A_609 = arith.constant 2 : i32
        %swap3A_610 = arith.constant 0 : i32
        %swap3A_611 = arith.index_cast %swap3A_608 : i32 to index
        %swap3A_612 = arith.index_cast %swap3A_609 : i32 to index
        %swap3A_613 = arith.index_cast %swap3A_610 : i32 to index
        %swap3A_614 = arith.index_cast %mul3A_550 : i32 to index
        %swap3A_615 = tpu.vector_load %arg7[%swap3A_611, %swap3A_612, %swap3A_613, %swap3A_614] {strides = array<i32>} : memref<2x4x2x1024xf32, #tpu.memory_space<vmem>>, vector<1x1x1x16xf32>,
        %swap3A_616 = vector.shape_cast %swap3A_615 : vector<1x1x1x16xf32> to vector<16xf32>
        %swap3A_617 = vector.shape_cast %add3A_607 : vector<16xf32> to vector<1x1x1x16xf32>
        tpu.vector_store %arg7[%swap3A_611, %swap3A_612, %swap3A_613, %swap3A_614], %swap3A_617 {strides = array<i32>} : memref<2x4x2x1024xf32, #tpu.memory_space<vmem>>, vector<1x1x1x16xf32>,
        %get3A_618 = arith.constant 0 : i32
        %get3A_619 = arith.constant 3 : i32
        %get3A_620 = arith.constant 0 : i32
        %get3A_621 = arith.index_cast %get3A_618 : i32 to index
        %get3A_622 = arith.index_cast %get3A_619 : i32 to index
        %get3A_623 = arith.index_cast %get3A_620 : i32 to index
        %get3A_624 = arith.index_cast %mul3A_550 : i32 to index
        %get3A_625 = tpu.vector_load %arg6[%get3A_621, %get3A_622, %get3A_623, %get3A_624] {strides = array<i32>} : memref<2x4x2x1024xf32, #tpu.memory_space<vmem>>, vector<1x1x1x16xf32>,
        %get3A_626 = vector.shape_cast %get3A_625 : vector<1x1x1x16xf32> to vector<16xf32>
        %add3A_627 = arith.addf %get3A_626, %get3A_557 : vector<16xf32>
        %swap3A_628 = arith.constant 0 : i32
        %swap3A_629 = arith.constant 3 : i32
        %swap3A_630 = arith.constant 0 : i32
        %swap3A_631 = arith.index_cast %swap3A_628 : i32 to index
        %swap3A_632 = arith.index_cast %swap3A_629 : i32 to index
        %swap3A_633 = arith.index_cast %swap3A_630 : i32 to index
        %swap3A_634 = arith.index_cast %mul3A_550 : i32 to index
        %swap3A_635 = tpu.vector_load %arg7[%swap3A_631, %swap3A_632, %swap3A_633, %swap3A_634] {strides = array<i32>} : memref<2x4x2x1024xf32, #tpu.memory_space<vmem>>, vector<1x1x1x16xf32>,
        %swap3A_636 = vector.shape_cast %swap3A_635 : vector<1x1x1x16xf32> to vector<16xf32>
        %swap3A_637 = vector.shape_cast %add3A_627 : vector<16xf32> to vector<1x1x1x16xf32>
        tpu.vector_store %arg7[%swap3A_631, %swap3A_632, %swap3A_633, %swap3A_634], %swap3A_637 {strides = array<i32>} : memref<2x4x2x1024xf32, #tpu.memory_space<vmem>>, vector<1x1x1x16xf32>,
        %mul3A_638 = arith.constant 8 : i32
        %mul3A_639 = arith.muli %scan3A_267, %mul3A_638 : i32
        %add3A_640 = arith.constant 4 : i32
        %add3A_641 = arith.addi %mul3A_639, %add3A_640 : i32
        %mul3A_642 = arith.constant 16 : i32
        %mul3A_643 = arith.muli %add3A_641, %mul3A_642 : i32
        %get3A_644 = arith.constant 0 : i32
        %get3A_645 = arith.constant 0 : i32
        %get3A_646 = arith.index_cast %get3A_644 : i32 to index
        %get3A_647 = arith.index_cast %get3A_645 : i32 to index
        %get3A_648 = arith.index_cast %mul3A_643 : i32 to index
        %get3A_649 = tpu.vector_load %arg5[%get3A_646, %get3A_647, %get3A_648] {strides = array<i32>} : memref<2x2x1024xf32, #tpu.memory_space<vmem>>, vector<1x1x16xf32>,
        %get3A_650 = vector.shape_cast %get3A_649 : vector<1x1x16xf32> to vector<16xf32>
        %get3A_651 = arith.constant 0 : i32
        %get3A_652 = arith.constant 0 : i32
        %get3A_653 = arith.constant 0 : i32
        %get3A_654 = arith.index_cast %get3A_651 : i32 to index
        %get3A_655 = arith.index_cast %get3A_652 : i32 to index
        %get3A_656 = arith.index_cast %get3A_653 : i32 to index
        %get3A_657 = arith.index_cast %mul3A_643 : i32 to index
        %get3A_658 = tpu.vector_load %arg6[%get3A_654, %get3A_655, %get3A_656, %get3A_657] {strides = array<i32>} : memref<2x4x2x1024xf32, #tpu.memory_space<vmem>>, vector<1x1x1x16xf32>,
        %get3A_659 = vector.shape_cast %get3A_658 : vector<1x1x1x16xf32> to vector<16xf32>
        %add3A_660 = arith.addf %get3A_659, %get3A_650 : vector<16xf32>
        %swap3A_661 = arith.constant 0 : i32
        %swap3A_662 = arith.constant 0 : i32
        %swap3A_663 = arith.constant 0 : i32
        %swap3A_664 = arith.index_cast %swap3A_661 : i32 to index
        %swap3A_665 = arith.index_cast %swap3A_662 : i32 to index
        %swap3A_666 = arith.index_cast %swap3A_663 : i32 to index
        %swap3A_667 = arith.index_cast %mul3A_643 : i32 to index
        %swap3A_668 = tpu.vector_load %arg7[%swap3A_664, %swap3A_665, %swap3A_666, %swap3A_667] {strides = array<i32>} : memref<2x4x2x1024xf32, #tpu.memory_space<vmem>>, vector<1x1x1x16xf32>,
        %swap3A_669 = vector.shape_cast %swap3A_668 : vector<1x1x1x16xf32> to vector<16xf32>
        %swap3A_670 = vector.shape_cast %add3A_660 : vector<16xf32> to vector<1x1x1x16xf32>
        tpu.vector_store %arg7[%swap3A_664, %swap3A_665, %swap3A_666, %swap3A_667], %swap3A_670 {strides = array<i32>} : memref<2x4x2x1024xf32, #tpu.memory_space<vmem>>, vector<1x1x1x16xf32>,
        %get3A_671 = arith.constant 0 : i32
        %get3A_672 = arith.constant 1 : i32
        %get3A_673 = arith.constant 0 : i32
        %get3A_674 = arith.index_cast %get3A_671 : i32 to index
        %get3A_675 = arith.index_cast %get3A_672 : i32 to index
        %get3A_676 = arith.index_cast %get3A_673 : i32 to index
        %get3A_677 = arith.index_cast %mul3A_643 : i32 to index
        %get3A_678 = tpu.vector_load %arg6[%get3A_674, %get3A_675, %get3A_676, %get3A_677] {strides = array<i32>} : memref<2x4x2x1024xf32, #tpu.memory_space<vmem>>, vector<1x1x1x16xf32>,
        %get3A_679 = vector.shape_cast %get3A_678 : vector<1x1x1x16xf32> to vector<16xf32>
        %add3A_680 = arith.addf %get3A_679, %get3A_650 : vector<16xf32>
        %swap3A_681 = arith.constant 0 : i32
        %swap3A_682 = arith.constant 1 : i32
        %swap3A_683 = arith.constant 0 : i32
        %swap3A_684 = arith.index_cast %swap3A_681 : i32 to index
        %swap3A_685 = arith.index_cast %swap3A_682 : i32 to index
        %swap3A_686 = arith.index_cast %swap3A_683 : i32 to index
        %swap3A_687 = arith.index_cast %mul3A_643 : i32 to index
        %swap3A_688 = tpu.vector_load %arg7[%swap3A_684, %swap3A_685, %swap3A_686, %swap3A_687] {strides = array<i32>} : memref<2x4x2x1024xf32, #tpu.memory_space<vmem>>, vector<1x1x1x16xf32>,
        %swap3A_689 = vector.shape_cast %swap3A_688 : vector<1x1x1x16xf32> to vector<16xf32>
        %swap3A_690 = vector.shape_cast %add3A_680 : vector<16xf32> to vector<1x1x1x16xf32>
        tpu.vector_store %arg7[%swap3A_684, %swap3A_685, %swap3A_686, %swap3A_687], %swap3A_690 {strides = array<i32>} : memref<2x4x2x1024xf32, #tpu.memory_space<vmem>>, vector<1x1x1x16xf32>,
        %get3A_691 = arith.constant 0 : i32
        %get3A_692 = arith.constant 2 : i32
        %get3A_693 = arith.constant 0 : i32
        %get3A_694 = arith.index_cast %get3A_691 : i32 to index
        %get3A_695 = arith.index_cast %get3A_692 : i32 to index
        %get3A_696 = arith.index_cast %get3A_693 : i32 to index
        %get3A_697 = arith.index_cast %mul3A_643 : i32 to index
        %get3A_698 = tpu.vector_load %arg6[%get3A_694, %get3A_695, %get3A_696, %get3A_697] {strides = array<i32>} : memref<2x4x2x1024xf32, #tpu.memory_space<vmem>>, vector<1x1x1x16xf32>,
        %get3A_699 = vector.shape_cast %get3A_698 : vector<1x1x1x16xf32> to vector<16xf32>
        %add3A_700 = arith.addf %get3A_699, %get3A_650 : vector<16xf32>
        %swap3A_701 = arith.constant 0 : i32
        %swap3A_702 = arith.constant 2 : i32
        %swap3A_703 = arith.constant 0 : i32
        %swap3A_704 = arith.index_cast %swap3A_701 : i32 to index
        %swap3A_705 = arith.index_cast %swap3A_702 : i32 to index
        %swap3A_706 = arith.index_cast %swap3A_703 : i32 to index
        %swap3A_707 = arith.index_cast %mul3A_643 : i32 to index
        %swap3A_708 = tpu.vector_load %arg7[%swap3A_704, %swap3A_705, %swap3A_706, %swap3A_707] {strides = array<i32>} : memref<2x4x2x1024xf32, #tpu.memory_space<vmem>>, vector<1x1x1x16xf32>,
        %swap3A_709 = vector.shape_cast %swap3A_708 : vector<1x1x1x16xf32> to vector<16xf32>
        %swap3A_710 = vector.shape_cast %add3A_700 : vector<16xf32> to vector<1x1x1x16xf32>
        tpu.vector_store %arg7[%swap3A_704, %swap3A_705, %swap3A_706, %swap3A_707], %swap3A_710 {strides = array<i32>} : memref<2x4x2x1024xf32, #tpu.memory_space<vmem>>, vector<1x1x1x16xf32>,
        %get3A_711 = arith.constant 0 : i32
        %get3A_712 = arith.constant 3 : i32
        %get3A_713 = arith.constant 0 : i32
        %get3A_714 = arith.index_cast %get3A_711 : i32 to index
        %get3A_715 = arith.index_cast %get3A_712 : i32 to index
        %get3A_716 = arith.index_cast %get3A_713 : i32 to index
        %get3A_717 = arith.index_cast %mul3A_643 : i32 to index
        %get3A_718 = tpu.vector_load %arg6[%get3A_714, %get3A_715, %get3A_716, %get3A_717] {strides = array<i32>} : memref<2x4x2x1024xf32, #tpu.memory_space<vmem>>, vector<1x1x1x16xf32>,
        %get3A_719 = vector.shape_cast %get3A_718 : vector<1x1x1x16xf32> to vector<16xf32>
        %add3A_720 = arith.addf %get3A_719, %get3A_650 : vector<16xf32>
        %swap3A_721 = arith.constant 0 : i32
        %swap3A_722 = arith.constant 3 : i32
        %swap3A_723 = arith.constant 0 : i32
        %swap3A_724 = arith.index_cast %swap3A_721 : i32 to index
        %swap3A_725 = arith.index_cast %swap3A_722 : i32 to index
        %swap3A_726 = arith.index_cast %swap3A_723 : i32 to index
        %swap3A_727 = arith.index_cast %mul3A_643 : i32 to index
        %swap3A_728 = tpu.vector_load %arg7[%swap3A_724, %swap3A_725, %swap3A_726, %swap3A_727] {strides = array<i32>} : memref<2x4x2x1024xf32, #tpu.memory_space<vmem>>, vector<1x1x1x16xf32>,
        %swap3A_729 = vector.shape_cast %swap3A_728 : vector<1x1x1x16xf32> to vector<16xf32>
        %swap3A_730 = vector.shape_cast %add3A_720 : vector<16xf32> to vector<1x1x1x16xf32>
        tpu.vector_store %arg7[%swap3A_724, %swap3A_725, %swap3A_726, %swap3A_727], %swap3A_730 {strides = array<i32>} : memref<2x4x2x1024xf32, #tpu.memory_space<vmem>>, vector<1x1x1x16xf32>,
        %mul3A_731 = arith.constant 8 : i32
        %mul3A_732 = arith.muli %scan3A_267, %mul3A_731 : i32
        %add3A_733 = arith.constant 5 : i32
        %add3A_734 = arith.addi %mul3A_732, %add3A_733 : i32
        %mul3A_735 = arith.constant 16 : i32
        %mul3A_736 = arith.muli %add3A_734, %mul3A_735 : i32
        %get3A_737 = arith.constant 0 : i32
        %get3A_738 = arith.constant 0 : i32
        %get3A_739 = arith.index_cast %get3A_737 : i32 to index
        %get3A_740 = arith.index_cast %get3A_738 : i32 to index
        %get3A_741 = arith.index_cast %mul3A_736 : i32 to index
        %get3A_742 = tpu.vector_load %arg5[%get3A_739, %get3A_740, %get3A_741] {strides = array<i32>} : memref<2x2x1024xf32, #tpu.memory_space<vmem>>, vector<1x1x16xf32>,
        %get3A_743 = vector.shape_cast %get3A_742 : vector<1x1x16xf32> to vector<16xf32>
        %get3A_744 = arith.constant 0 : i32
        %get3A_745 = arith.constant 0 : i32
        %get3A_746 = arith.constant 0 : i32
        %get3A_747 = arith.index_cast %get3A_744 : i32 to index
        %get3A_748 = arith.index_cast %get3A_745 : i32 to index
        %get3A_749 = arith.index_cast %get3A_746 : i32 to index
        %get3A_750 = arith.index_cast %mul3A_736 : i32 to index
        %get3A_751 = tpu.vector_load %arg6[%get3A_747, %get3A_748, %get3A_749, %get3A_750] {strides = array<i32>} : memref<2x4x2x1024xf32, #tpu.memory_space<vmem>>, vector<1x1x1x16xf32>,
        %get3A_752 = vector.shape_cast %get3A_751 : vector<1x1x1x16xf32> to vector<16xf32>
        %add3A_753 = arith.addf %get3A_752, %get3A_743 : vector<16xf32>
        %swap3A_754 = arith.constant 0 : i32
        %swap3A_755 = arith.constant 0 : i32
        %swap3A_756 = arith.constant 0 : i32
        %swap3A_757 = arith.index_cast %swap3A_754 : i32 to index
        %swap3A_758 = arith.index_cast %swap3A_755 : i32 to index
        %swap3A_759 = arith.index_cast %swap3A_756 : i32 to index
        %swap3A_760 = arith.index_cast %mul3A_736 : i32 to index
        %swap3A_761 = tpu.vector_load %arg7[%swap3A_757, %swap3A_758, %swap3A_759, %swap3A_760] {strides = array<i32>} : memref<2x4x2x1024xf32, #tpu.memory_space<vmem>>, vector<1x1x1x16xf32>,
        %swap3A_762 = vector.shape_cast %swap3A_761 : vector<1x1x1x16xf32> to vector<16xf32>
        %swap3A_763 = vector.shape_cast %add3A_753 : vector<16xf32> to vector<1x1x1x16xf32>
        tpu.vector_store %arg7[%swap3A_757, %swap3A_758, %swap3A_759, %swap3A_760], %swap3A_763 {strides = array<i32>} : memref<2x4x2x1024xf32, #tpu.memory_space<vmem>>, vector<1x1x1x16xf32>,
        %get3A_764 = arith.constant 0 : i32
        %get3A_765 = arith.constant 1 : i32
        %get3A_766 = arith.constant 0 : i32
        %get3A_767 = arith.index_cast %get3A_764 : i32 to index
        %get3A_768 = arith.index_cast %get3A_765 : i32 to index
        %get3A_769 = arith.index_cast %get3A_766 : i32 to index
        %get3A_770 = arith.index_cast %mul3A_736 : i32 to index
        %get3A_771 = tpu.vector_load %arg6[%get3A_767, %get3A_768, %get3A_769, %get3A_770] {strides = array<i32>} : memref<2x4x2x1024xf32, #tpu.memory_space<vmem>>, vector<1x1x1x16xf32>,
        %get3A_772 = vector.shape_cast %get3A_771 : vector<1x1x1x16xf32> to vector<16xf32>
        %add3A_773 = arith.addf %get3A_772, %get3A_743 : vector<16xf32>
        %swap3A_774 = arith.constant 0 : i32
        %swap3A_775 = arith.constant 1 : i32
        %swap3A_776 = arith.constant 0 : i32
        %swap3A_777 = arith.index_cast %swap3A_774 : i32 to index
        %swap3A_778 = arith.index_cast %swap3A_775 : i32 to index
        %swap3A_779 = arith.index_cast %swap3A_776 : i32 to index
        %swap3A_780 = arith.index_cast %mul3A_736 : i32 to index
        %swap3A_781 = tpu.vector_load %arg7[%swap3A_777, %swap3A_778, %swap3A_779, %swap3A_780] {strides = array<i32>} : memref<2x4x2x1024xf32, #tpu.memory_space<vmem>>, vector<1x1x1x16xf32>,
        %swap3A_782 = vector.shape_cast %swap3A_781 : vector<1x1x1x16xf32> to vector<16xf32>
        %swap3A_783 = vector.shape_cast %add3A_773 : vector<16xf32> to vector<1x1x1x16xf32>
        tpu.vector_store %arg7[%swap3A_777, %swap3A_778, %swap3A_779, %swap3A_780], %swap3A_783 {strides = array<i32>} : memref<2x4x2x1024xf32, #tpu.memory_space<vmem>>, vector<1x1x1x16xf32>,
        %get3A_784 = arith.constant 0 : i32
        %get3A_785 = arith.constant 2 : i32
        %get3A_786 = arith.constant 0 : i32
        %get3A_787 = arith.index_cast %get3A_784 : i32 to index
        %get3A_788 = arith.index_cast %get3A_785 : i32 to index
        %get3A_789 = arith.index_cast %get3A_786 : i32 to index
        %get3A_790 = arith.index_cast %mul3A_736 : i32 to index
        %get3A_791 = tpu.vector_load %arg6[%get3A_787, %get3A_788, %get3A_789, %get3A_790] {strides = array<i32>} : memref<2x4x2x1024xf32, #tpu.memory_space<vmem>>, vector<1x1x1x16xf32>,
        %get3A_792 = vector.shape_cast %get3A_791 : vector<1x1x1x16xf32> to vector<16xf32>
        %add3A_793 = arith.addf %get3A_792, %get3A_743 : vector<16xf32>
        %swap3A_794 = arith.constant 0 : i32
        %swap3A_795 = arith.constant 2 : i32
        %swap3A_796 = arith.constant 0 : i32
        %swap3A_797 = arith.index_cast %swap3A_794 : i32 to index
        %swap3A_798 = arith.index_cast %swap3A_795 : i32 to index
        %swap3A_799 = arith.index_cast %swap3A_796 : i32 to index
        %swap3A_800 = arith.index_cast %mul3A_736 : i32 to index
        %swap3A_801 = tpu.vector_load %arg7[%swap3A_797, %swap3A_798, %swap3A_799, %swap3A_800] {strides = array<i32>} : memref<2x4x2x1024xf32, #tpu.memory_space<vmem>>, vector<1x1x1x16xf32>,
        %swap3A_802 = vector.shape_cast %swap3A_801 : vector<1x1x1x16xf32> to vector<16xf32>
        %swap3A_803 = vector.shape_cast %add3A_793 : vector<16xf32> to vector<1x1x1x16xf32>
        tpu.vector_store %arg7[%swap3A_797, %swap3A_798, %swap3A_799, %swap3A_800], %swap3A_803 {strides = array<i32>} : memref<2x4x2x1024xf32, #tpu.memory_space<vmem>>, vector<1x1x1x16xf32>,
        %get3A_804 = arith.constant 0 : i32
        %get3A_805 = arith.constant 3 : i32
        %get3A_806 = arith.constant 0 : i32
        %get3A_807 = arith.index_cast %get3A_804 : i32 to index
        %get3A_808 = arith.index_cast %get3A_805 : i32 to index
        %get3A_809 = arith.index_cast %get3A_806 : i32 to index
        %get3A_810 = arith.index_cast %mul3A_736 : i32 to index
        %get3A_811 = tpu.vector_load %arg6[%get3A_807, %get3A_808, %get3A_809, %get3A_810] {strides = array<i32>} : memref<2x4x2x1024xf32, #tpu.memory_space<vmem>>, vector<1x1x1x16xf32>,
        %get3A_812 = vector.shape_cast %get3A_811 : vector<1x1x1x16xf32> to vector<16xf32>
        %add3A_813 = arith.addf %get3A_812, %get3A_743 : vector<16xf32>
        %swap3A_814 = arith.constant 0 : i32
        %swap3A_815 = arith.constant 3 : i32
        %swap3A_816 = arith.constant 0 : i32
        %swap3A_817 = arith.index_cast %swap3A_814 : i32 to index
        %swap3A_818 = arith.index_cast %swap3A_815 : i32 to index
        %swap3A_819 = arith.index_cast %swap3A_816 : i32 to index
        %swap3A_820 = arith.index_cast %mul3A_736 : i32 to index
        %swap3A_821 = tpu.vector_load %arg7[%swap3A_817, %swap3A_818, %swap3A_819, %swap3A_820] {strides = array<i32>} : memref<2x4x2x1024xf32, #tpu.memory_space<vmem>>, vector<1x1x1x16xf32>,
        %swap3A_822 = vector.shape_cast %swap3A_821 : vector<1x1x1x16xf32> to vector<16xf32>
        %swap3A_823 = vector.shape_cast %add3A_813 : vector<16xf32> to vector<1x1x1x16xf32>
        tpu.vector_store %arg7[%swap3A_817, %swap3A_818, %swap3A_819, %swap3A_820], %swap3A_823 {strides = array<i32>} : memref<2x4x2x1024xf32, #tpu.memory_space<vmem>>, vector<1x1x1x16xf32>,
        %mul3A_824 = arith.constant 8 : i32
        %mul3A_825 = arith.muli %scan3A_267, %mul3A_824 : i32
        %add3A_826 = arith.constant 6 : i32
        %add3A_827 = arith.addi %mul3A_825, %add3A_826 : i32
        %mul3A_828 = arith.constant 16 : i32
        %mul3A_829 = arith.muli %add3A_827, %mul3A_828 : i32
        %get3A_830 = arith.constant 0 : i32
        %get3A_831 = arith.constant 0 : i32
        %get3A_832 = arith.index_cast %get3A_830 : i32 to index
        %get3A_833 = arith.index_cast %get3A_831 : i32 to index
        %get3A_834 = arith.index_cast %mul3A_829 : i32 to index
        %get3A_835 = tpu.vector_load %arg5[%get3A_832, %get3A_833, %get3A_834] {strides = array<i32>} : memref<2x2x1024xf32, #tpu.memory_space<vmem>>, vector<1x1x16xf32>,
        %get3A_836 = vector.shape_cast %get3A_835 : vector<1x1x16xf32> to vector<16xf32>
        %get3A_837 = arith.constant 0 : i32
        %get3A_838 = arith.constant 0 : i32
        %get3A_839 = arith.constant 0 : i32
        %get3A_840 = arith.index_cast %get3A_837 : i32 to index
        %get3A_841 = arith.index_cast %get3A_838 : i32 to index
        %get3A_842 = arith.index_cast %get3A_839 : i32 to index
        %get3A_843 = arith.index_cast %mul3A_829 : i32 to index
        %get3A_844 = tpu.vector_load %arg6[%get3A_840, %get3A_841, %get3A_842, %get3A_843] {strides = array<i32>} : memref<2x4x2x1024xf32, #tpu.memory_space<vmem>>, vector<1x1x1x16xf32>,
        %get3A_845 = vector.shape_cast %get3A_844 : vector<1x1x1x16xf32> to vector<16xf32>
        %add3A_846 = arith.addf %get3A_845, %get3A_836 : vector<16xf32>
        %swap3A_847 = arith.constant 0 : i32
        %swap3A_848 = arith.constant 0 : i32
        %swap3A_849 = arith.constant 0 : i32
        %swap3A_850 = arith.index_cast %swap3A_847 : i32 to index
        %swap3A_851 = arith.index_cast %swap3A_848 : i32 to index
        %swap3A_852 = arith.index_cast %swap3A_849 : i32 to index
        %swap3A_853 = arith.index_cast %mul3A_829 : i32 to index
        %swap3A_854 = tpu.vector_load %arg7[%swap3A_850, %swap3A_851, %swap3A_852, %swap3A_853] {strides = array<i32>} : memref<2x4x2x1024xf32, #tpu.memory_space<vmem>>, vector<1x1x1x16xf32>,
        %swap3A_855 = vector.shape_cast %swap3A_854 : vector<1x1x1x16xf32> to vector<16xf32>
        %swap3A_856 = vector.shape_cast %add3A_846 : vector<16xf32> to vector<1x1x1x16xf32>
        tpu.vector_store %arg7[%swap3A_850, %swap3A_851, %swap3A_852, %swap3A_853], %swap3A_856 {strides = array<i32>} : memref<2x4x2x1024xf32, #tpu.memory_space<vmem>>, vector<1x1x1x16xf32>,
        %get3A_857 = arith.constant 0 : i32
        %get3A_858 = arith.constant 1 : i32
        %get3A_859 = arith.constant 0 : i32
        %get3A_860 = arith.index_cast %get3A_857 : i32 to index
        %get3A_861 = arith.index_cast %get3A_858 : i32 to index
        %get3A_862 = arith.index_cast %get3A_859 : i32 to index
        %get3A_863 = arith.index_cast %mul3A_829 : i32 to index
        %get3A_864 = tpu.vector_load %arg6[%get3A_860, %get3A_861, %get3A_862, %get3A_863] {strides = array<i32>} : memref<2x4x2x1024xf32, #tpu.memory_space<vmem>>, vector<1x1x1x16xf32>,
        %get3A_865 = vector.shape_cast %get3A_864 : vector<1x1x1x16xf32> to vector<16xf32>
        %add3A_866 = arith.addf %get3A_865, %get3A_836 : vector<16xf32>
        %swap3A_867 = arith.constant 0 : i32
        %swap3A_868 = arith.constant 1 : i32
        %swap3A_869 = arith.constant 0 : i32
        %swap3A_870 = arith.index_cast %swap3A_867 : i32 to index
        %swap3A_871 = arith.index_cast %swap3A_868 : i32 to index
        %swap3A_872 = arith.index_cast %swap3A_869 : i32 to index
        %swap3A_873 = arith.index_cast %mul3A_829 : i32 to index
        %swap3A_874 = tpu.vector_load %arg7[%swap3A_870, %swap3A_871, %swap3A_872, %swap3A_873] {strides = array<i32>} : memref<2x4x2x1024xf32, #tpu.memory_space<vmem>>, vector<1x1x1x16xf32>,
        %swap3A_875 = vector.shape_cast %swap3A_874 : vector<1x1x1x16xf32> to vector<16xf32>
        %swap3A_876 = vector.shape_cast %add3A_866 : vector<16xf32> to vector<1x1x1x16xf32>
        tpu.vector_store %arg7[%swap3A_870, %swap3A_871, %swap3A_872, %swap3A_873], %swap3A_876 {strides = array<i32>} : memref<2x4x2x1024xf32, #tpu.memory_space<vmem>>, vector<1x1x1x16xf32>,
        %get3A_877 = arith.constant 0 : i32
        %get3A_878 = arith.constant 2 : i32
        %get3A_879 = arith.constant 0 : i32
        %get3A_880 = arith.index_cast %get3A_877 : i32 to index
        %get3A_881 = arith.index_cast %get3A_878 : i32 to index
        %get3A_882 = arith.index_cast %get3A_879 : i32 to index
        %get3A_883 = arith.index_cast %mul3A_829 : i32 to index
        %get3A_884 = tpu.vector_load %arg6[%get3A_880, %get3A_881, %get3A_882, %get3A_883] {strides = array<i32>} : memref<2x4x2x1024xf32, #tpu.memory_space<vmem>>, vector<1x1x1x16xf32>,
        %get3A_885 = vector.shape_cast %get3A_884 : vector<1x1x1x16xf32> to vector<16xf32>
        %add3A_886 = arith.addf %get3A_885, %get3A_836 : vector<16xf32>
        %swap3A_887 = arith.constant 0 : i32
        %swap3A_888 = arith.constant 2 : i32
        %swap3A_889 = arith.constant 0 : i32
        %swap3A_890 = arith.index_cast %swap3A_887 : i32 to index
        %swap3A_891 = arith.index_cast %swap3A_888 : i32 to index
        %swap3A_892 = arith.index_cast %swap3A_889 : i32 to index
        %swap3A_893 = arith.index_cast %mul3A_829 : i32 to index
        %swap3A_894 = tpu.vector_load %arg7[%swap3A_890, %swap3A_891, %swap3A_892, %swap3A_893] {strides = array<i32>} : memref<2x4x2x1024xf32, #tpu.memory_space<vmem>>, vector<1x1x1x16xf32>,
        %swap3A_895 = vector.shape_cast %swap3A_894 : vector<1x1x1x16xf32> to vector<16xf32>
        %swap3A_896 = vector.shape_cast %add3A_886 : vector<16xf32> to vector<1x1x1x16xf32>
        tpu.vector_store %arg7[%swap3A_890, %swap3A_891, %swap3A_892, %swap3A_893], %swap3A_896 {strides = array<i32>} : memref<2x4x2x1024xf32, #tpu.memory_space<vmem>>, vector<1x1x1x16xf32>,
        %get3A_897 = arith.constant 0 : i32
        %get3A_898 = arith.constant 3 : i32
        %get3A_899 = arith.constant 0 : i32
        %get3A_900 = arith.index_cast %get3A_897 : i32 to index
        %get3A_901 = arith.index_cast %get3A_898 : i32 to index
        %get3A_902 = arith.index_cast %get3A_899 : i32 to index
        %get3A_903 = arith.index_cast %mul3A_829 : i32 to index
        %get3A_904 = tpu.vector_load %arg6[%get3A_900, %get3A_901, %get3A_902, %get3A_903] {strides = array<i32>} : memref<2x4x2x1024xf32, #tpu.memory_space<vmem>>, vector<1x1x1x16xf32>,
        %get3A_905 = vector.shape_cast %get3A_904 : vector<1x1x1x16xf32> to vector<16xf32>
        %add3A_906 = arith.addf %get3A_905, %get3A_836 : vector<16xf32>
        %swap3A_907 = arith.constant 0 : i32
        %swap3A_908 = arith.constant 3 : i32
        %swap3A_909 = arith.constant 0 : i32
        %swap3A_910 = arith.index_cast %swap3A_907 : i32 to index
        %swap3A_911 = arith.index_cast %swap3A_908 : i32 to index
        %swap3A_912 = arith.index_cast %swap3A_909 : i32 to index
        %swap3A_913 = arith.index_cast %mul3A_829 : i32 to index
        %swap3A_914 = tpu.vector_load %arg7[%swap3A_910, %swap3A_911, %swap3A_912, %swap3A_913] {strides = array<i32>} : memref<2x4x2x1024xf32, #tpu.memory_space<vmem>>, vector<1x1x1x16xf32>,
        %swap3A_915 = vector.shape_cast %swap3A_914 : vector<1x1x1x16xf32> to vector<16xf32>
        %swap3A_916 = vector.shape_cast %add3A_906 : vector<16xf32> to vector<1x1x1x16xf32>
        tpu.vector_store %arg7[%swap3A_910, %swap3A_911, %swap3A_912, %swap3A_913], %swap3A_916 {strides = array<i32>} : memref<2x4x2x1024xf32, #tpu.memory_space<vmem>>, vector<1x1x1x16xf32>,
        %mul3A_917 = arith.constant 8 : i32
        %mul3A_918 = arith.muli %scan3A_267, %mul3A_917 : i32
        %add3A_919 = arith.constant 7 : i32
        %add3A_920 = arith.addi %mul3A_918, %add3A_919 : i32
        %mul3A_921 = arith.constant 16 : i32
        %mul3A_922 = arith.muli %add3A_920, %mul3A_921 : i32
        %get3A_923 = arith.constant 0 : i32
        %get3A_924 = arith.constant 0 : i32
        %get3A_925 = arith.index_cast %get3A_923 : i32 to index
        %get3A_926 = arith.index_cast %get3A_924 : i32 to index
        %get3A_927 = arith.index_cast %mul3A_922 : i32 to index
        %get3A_928 = tpu.vector_load %arg5[%get3A_925, %get3A_926, %get3A_927] {strides = array<i32>} : memref<2x2x1024xf32, #tpu.memory_space<vmem>>, vector<1x1x16xf32>,
        %get3A_929 = vector.shape_cast %get3A_928 : vector<1x1x16xf32> to vector<16xf32>
        %get3A_930 = arith.constant 0 : i32
        %get3A_931 = arith.constant 0 : i32
        %get3A_932 = arith.constant 0 : i32
        %get3A_933 = arith.index_cast %get3A_930 : i32 to index
        %get3A_934 = arith.index_cast %get3A_931 : i32 to index
        %get3A_935 = arith.index_cast %get3A_932 : i32 to index
        %get3A_936 = arith.index_cast %mul3A_922 : i32 to index
        %get3A_937 = tpu.vector_load %arg6[%get3A_933, %get3A_934, %get3A_935, %get3A_936] {strides = array<i32>} : memref<2x4x2x1024xf32, #tpu.memory_space<vmem>>, vector<1x1x1x16xf32>,
        %get3A_938 = vector.shape_cast %get3A_937 : vector<1x1x1x16xf32> to vector<16xf32>
        %add3A_939 = arith.addf %get3A_938, %get3A_929 : vector<16xf32>
        %swap3A_940 = arith.constant 0 : i32
        %swap3A_941 = arith.constant 0 : i32
        %swap3A_942 = arith.constant 0 : i32
        %swap3A_943 = arith.index_cast %swap3A_940 : i32 to index
        %swap3A_944 = arith.index_cast %swap3A_941 : i32 to index
        %swap3A_945 = arith.index_cast %swap3A_942 : i32 to index
        %swap3A_946 = arith.index_cast %mul3A_922 : i32 to index
        %swap3A_947 = tpu.vector_load %arg7[%swap3A_943, %swap3A_944, %swap3A_945, %swap3A_946] {strides = array<i32>} : memref<2x4x2x1024xf32, #tpu.memory_space<vmem>>, vector<1x1x1x16xf32>,
        %swap3A_948 = vector.shape_cast %swap3A_947 : vector<1x1x1x16xf32> to vector<16xf32>
        %swap3A_949 = vector.shape_cast %add3A_939 : vector<16xf32> to vector<1x1x1x16xf32>
        tpu.vector_store %arg7[%swap3A_943, %swap3A_944, %swap3A_945, %swap3A_946], %swap3A_949 {strides = array<i32>} : memref<2x4x2x1024xf32, #tpu.memory_space<vmem>>, vector<1x1x1x16xf32>,
        %get3A_950 = arith.constant 0 : i32
        %get3A_951 = arith.constant 1 : i32
        %get3A_952 = arith.constant 0 : i32
        %get3A_953 = arith.index_cast %get3A_950 : i32 to index
        %get3A_954 = arith.index_cast %get3A_951 : i32 to index
        %get3A_955 = arith.index_cast %get3A_952 : i32 to index
        %get3A_956 = arith.index_cast %mul3A_922 : i32 to index
        %get3A_957 = tpu.vector_load %arg6[%get3A_953, %get3A_954, %get3A_955, %get3A_956] {strides = array<i32>} : memref<2x4x2x1024xf32, #tpu.memory_space<vmem>>, vector<1x1x1x16xf32>,
        %get3A_958 = vector.shape_cast %get3A_957 : vector<1x1x1x16xf32> to vector<16xf32>
        %add3A_959 = arith.addf %get3A_958, %get3A_929 : vector<16xf32>
        %swap3A_960 = arith.constant 0 : i32
        %swap3A_961 = arith.constant 1 : i32
        %swap3A_962 = arith.constant 0 : i32
        %swap3A_963 = arith.index_cast %swap3A_960 : i32 to index
        %swap3A_964 = arith.index_cast %swap3A_961 : i32 to index
        %swap3A_965 = arith.index_cast %swap3A_962 : i32 to index
        %swap3A_966 = arith.index_cast %mul3A_922 : i32 to index
        %swap3A_967 = tpu.vector_load %arg7[%swap3A_963, %swap3A_964, %swap3A_965, %swap3A_966] {strides = array<i32>} : memref<2x4x2x1024xf32, #tpu.memory_space<vmem>>, vector<1x1x1x16xf32>,
        %swap3A_968 = vector.shape_cast %swap3A_967 : vector<1x1x1x16xf32> to vector<16xf32>
        %swap3A_969 = vector.shape_cast %add3A_959 : vector<16xf32> to vector<1x1x1x16xf32>
        tpu.vector_store %arg7[%swap3A_963, %swap3A_964, %swap3A_965, %swap3A_966], %swap3A_969 {strides = array<i32>} : memref<2x4x2x1024xf32, #tpu.memory_space<vmem>>, vector<1x1x1x16xf32>,
        %get3A_970 = arith.constant 0 : i32
        %get3A_971 = arith.constant 2 : i32
        %get3A_972 = arith.constant 0 : i32
        %get3A_973 = arith.index_cast %get3A_970 : i32 to index
        %get3A_974 = arith.index_cast %get3A_971 : i32 to index
        %get3A_975 = arith.index_cast %get3A_972 : i32 to index
        %get3A_976 = arith.index_cast %mul3A_922 : i32 to index
        %get3A_977 = tpu.vector_load %arg6[%get3A_973, %get3A_974, %get3A_975, %get3A_976] {strides = array<i32>} : memref<2x4x2x1024xf32, #tpu.memory_space<vmem>>, vector<1x1x1x16xf32>,
        %get3A_978 = vector.shape_cast %get3A_977 : vector<1x1x1x16xf32> to vector<16xf32>
        %add3A_979 = arith.addf %get3A_978, %get3A_929 : vector<16xf32>
        %swap3A_980 = arith.constant 0 : i32
        %swap3A_981 = arith.constant 2 : i32
        %swap3A_982 = arith.constant 0 : i32
        %swap3A_983 = arith.index_cast %swap3A_980 : i32 to index
        %swap3A_984 = arith.index_cast %swap3A_981 : i32 to index
        %swap3A_985 = arith.index_cast %swap3A_982 : i32 to index
        %swap3A_986 = arith.index_cast %mul3A_922 : i32 to index
        %swap3A_987 = tpu.vector_load %arg7[%swap3A_983, %swap3A_984, %swap3A_985, %swap3A_986] {strides = array<i32>} : memref<2x4x2x1024xf32, #tpu.memory_space<vmem>>, vector<1x1x1x16xf32>,
        %swap3A_988 = vector.shape_cast %swap3A_987 : vector<1x1x1x16xf32> to vector<16xf32>
        %swap3A_989 = vector.shape_cast %add3A_979 : vector<16xf32> to vector<1x1x1x16xf32>
        tpu.vector_store %arg7[%swap3A_983, %swap3A_984, %swap3A_985, %swap3A_986], %swap3A_989 {strides = array<i32>} : memref<2x4x2x1024xf32, #tpu.memory_space<vmem>>, vector<1x1x1x16xf32>,
        %get3A_990 = arith.constant 0 : i32
        %get3A_991 = arith.constant 3 : i32
        %get3A_992 = arith.constant 0 : i32
        %get3A_993 = arith.index_cast %get3A_990 : i32 to index
        %get3A_994 = arith.index_cast %get3A_991 : i32 to index
        %get3A_995 = arith.index_cast %get3A_992 : i32 to index
        %get3A_996 = arith.index_cast %mul3A_922 : i32 to index
        %get3A_997 = tpu.vector_load %arg6[%get3A_993, %get3A_994, %get3A_995, %get3A_996] {strides = array<i32>} : memref<2x4x2x1024xf32, #tpu.memory_space<vmem>>, vector<1x1x1x16xf32>,
        %get3A_998 = vector.shape_cast %get3A_997 : vector<1x1x1x16xf32> to vector<16xf32>
        %add3A_999 = arith.addf %get3A_998, %get3A_929 : vector<16xf32>
        %swap3A_1000 = arith.constant 0 : i32
        %swap3A_1001 = arith.constant 3 : i32
        %swap3A_1002 = arith.constant 0 : i32
        %swap3A_1003 = arith.index_cast %swap3A_1000 : i32 to index
        %swap3A_1004 = arith.index_cast %swap3A_1001 : i32 to index
        %swap3A_1005 = arith.index_cast %swap3A_1002 : i32 to index
        %swap3A_1006 = arith.index_cast %mul3A_922 : i32 to index
        %swap3A_1007 = tpu.vector_load %arg7[%swap3A_1003, %swap3A_1004, %swap3A_1005, %swap3A_1006] {strides = array<i32>} : memref<2x4x2x1024xf32, #tpu.memory_space<vmem>>, vector<1x1x1x16xf32>,
        %swap3A_1008 = vector.shape_cast %swap3A_1007 : vector<1x1x1x16xf32> to vector<16xf32>
        %swap3A_1009 = vector.shape_cast %add3A_999 : vector<16xf32> to vector<1x1x1x16xf32>
        tpu.vector_store %arg7[%swap3A_1003, %swap3A_1004, %swap3A_1005, %swap3A_1006], %swap3A_1009 {strides = array<i32>} : memref<2x4x2x1024xf32, #tpu.memory_space<vmem>>, vector<1x1x1x16xf32>,
      }
      %scan3A_153 = arith.constant 8 : i32
      %scan3A_154 = arith.constant 0 : i32
      %scan3A_155 = arith.constant 0 : i32
      %scan3A_156 = arith.constant 8 : i32
      %scan3A_157 = arith.addi %scan3A_155, %scan3A_156 : i32
      %scan3A_158 = arith.constant 1 : i32
      scf.for %scan3A_267 = %scan3A_155 to %scan3A_157 step %scan3A_158  : i32 {
        %mul3A_268 = arith.constant 8 : i32
        %mul3A_269 = arith.muli %scan3A_267, %mul3A_268 : i32
        %add3A_270 = arith.constant 0 : i32
        %add3A_271 = arith.addi %mul3A_269, %add3A_270 : i32
        %mul3A_272 = arith.constant 16 : i32
        %mul3A_273 = arith.muli %add3A_271, %mul3A_272 : i32
        %get3A = arith.constant 0 : i32
        %get3A_274 = arith.constant 1 : i32
        %get3A_275 = arith.index_cast %get3A : i32 to index
        %get3A_276 = arith.index_cast %get3A_274 : i32 to index
        %get3A_277 = arith.index_cast %mul3A_273 : i32 to index
        %get3A_278 = tpu.vector_load %arg5[%get3A_275, %get3A_276, %get3A_277] {strides = array<i32>} : memref<2x2x1024xf32, #tpu.memory_space<vmem>>, vector<1x1x16xf32>,
        %get3A_279 = vector.shape_cast %get3A_278 : vector<1x1x16xf32> to vector<16xf32>
        %get3A_280 = arith.constant 0 : i32
        %get3A_281 = arith.constant 0 : i32
        %get3A_282 = arith.constant 1 : i32
        %get3A_283 = arith.index_cast %get3A_280 : i32 to index
        %get3A_284 = arith.index_cast %get3A_281 : i32 to index
        %get3A_285 = arith.index_cast %get3A_282 : i32 to index
        %get3A_286 = arith.index_cast %mul3A_273 : i32 to index
        %get3A_287 = tpu.vector_load %arg6[%get3A_283, %get3A_284, %get3A_285, %get3A_286] {strides = array<i32>} : memref<2x4x2x1024xf32, #tpu.memory_space<vmem>>, vector<1x1x1x16xf32>,
        %get3A_288 = vector.shape_cast %get3A_287 : vector<1x1x1x16xf32> to vector<16xf32>
        %add3A_289 = arith.addf %get3A_288, %get3A_279 : vector<16xf32>
        %swap3A = arith.constant 0 : i32
        %swap3A_290 = arith.constant 0 : i32
        %swap3A_291 = arith.constant 1 : i32
        %swap3A_292 = arith.index_cast %swap3A : i32 to index
        %swap3A_293 = arith.index_cast %swap3A_290 : i32 to index
        %swap3A_294 = arith.index_cast %swap3A_291 : i32 to index
        %swap3A_295 = arith.index_cast %mul3A_273 : i32 to index
        %swap3A_296 = tpu.vector_load %arg7[%swap3A_292, %swap3A_293, %swap3A_294, %swap3A_295] {strides = array<i32>} : memref<2x4x2x1024xf32, #tpu.memory_space<vmem>>, vector<1x1x1x16xf32>,
        %swap3A_297 = vector.shape_cast %swap3A_296 : vector<1x1x1x16xf32> to vector<16xf32>
        %swap3A_298 = vector.shape_cast %add3A_289 : vector<16xf32> to vector<1x1x1x16xf32>
        tpu.vector_store %arg7[%swap3A_292, %swap3A_293, %swap3A_294, %swap3A_295], %swap3A_298 {strides = array<i32>} : memref<2x4x2x1024xf32, #tpu.memory_space<vmem>>, vector<1x1x1x16xf32>,
        %get3A_299 = arith.constant 0 : i32
        %get3A_300 = arith.constant 1 : i32
        %get3A_301 = arith.constant 1 : i32
        %get3A_302 = arith.index_cast %get3A_299 : i32 to index
        %get3A_303 = arith.index_cast %get3A_300 : i32 to index
        %get3A_304 = arith.index_cast %get3A_301 : i32 to index
        %get3A_305 = arith.index_cast %mul3A_273 : i32 to index
        %get3A_306 = tpu.vector_load %arg6[%get3A_302, %get3A_303, %get3A_304, %get3A_305] {strides = array<i32>} : memref<2x4x2x1024xf32, #tpu.memory_space<vmem>>, vector<1x1x1x16xf32>,
        %get3A_307 = vector.shape_cast %get3A_306 : vector<1x1x1x16xf32> to vector<16xf32>
        %add3A_308 = arith.addf %get3A_307, %get3A_279 : vector<16xf32>
        %swap3A_309 = arith.constant 0 : i32
        %swap3A_310 = arith.constant 1 : i32
        %swap3A_311 = arith.constant 1 : i32
        %swap3A_312 = arith.index_cast %swap3A_309 : i32 to index
        %swap3A_313 = arith.index_cast %swap3A_310 : i32 to index
        %swap3A_314 = arith.index_cast %swap3A_311 : i32 to index
        %swap3A_315 = arith.index_cast %mul3A_273 : i32 to index
        %swap3A_316 = tpu.vector_load %arg7[%swap3A_312, %swap3A_313, %swap3A_314, %swap3A_315] {strides = array<i32>} : memref<2x4x2x1024xf32, #tpu.memory_space<vmem>>, vector<1x1x1x16xf32>,
        %swap3A_317 = vector.shape_cast %swap3A_316 : vector<1x1x1x16xf32> to vector<16xf32>
        %swap3A_318 = vector.shape_cast %add3A_308 : vector<16xf32> to vector<1x1x1x16xf32>
        tpu.vector_store %arg7[%swap3A_312, %swap3A_313, %swap3A_314, %swap3A_315], %swap3A_318 {strides = array<i32>} : memref<2x4x2x1024xf32, #tpu.memory_space<vmem>>, vector<1x1x1x16xf32>,
        %get3A_319 = arith.constant 0 : i32
        %get3A_320 = arith.constant 2 : i32
        %get3A_321 = arith.constant 1 : i32
        %get3A_322 = arith.index_cast %get3A_319 : i32 to index
        %get3A_323 = arith.index_cast %get3A_320 : i32 to index
        %get3A_324 = arith.index_cast %get3A_321 : i32 to index
        %get3A_325 = arith.index_cast %mul3A_273 : i32 to index
        %get3A_326 = tpu.vector_load %arg6[%get3A_322, %get3A_323, %get3A_324, %get3A_325] {strides = array<i32>} : memref<2x4x2x1024xf32, #tpu.memory_space<vmem>>, vector<1x1x1x16xf32>,
        %get3A_327 = vector.shape_cast %get3A_326 : vector<1x1x1x16xf32> to vector<16xf32>
        %add3A_328 = arith.addf %get3A_327, %get3A_279 : vector<16xf32>
        %swap3A_329 = arith.constant 0 : i32
        %swap3A_330 = arith.constant 2 : i32
        %swap3A_331 = arith.constant 1 : i32
        %swap3A_332 = arith.index_cast %swap3A_329 : i32 to index
        %swap3A_333 = arith.index_cast %swap3A_330 : i32 to index
        %swap3A_334 = arith.index_cast %swap3A_331 : i32 to index
        %swap3A_335 = arith.index_cast %mul3A_273 : i32 to index
        %swap3A_336 = tpu.vector_load %arg7[%swap3A_332, %swap3A_333, %swap3A_334, %swap3A_335] {strides = array<i32>} : memref<2x4x2x1024xf32, #tpu.memory_space<vmem>>, vector<1x1x1x16xf32>,
        %swap3A_337 = vector.shape_cast %swap3A_336 : vector<1x1x1x16xf32> to vector<16xf32>
        %swap3A_338 = vector.shape_cast %add3A_328 : vector<16xf32> to vector<1x1x1x16xf32>
        tpu.vector_store %arg7[%swap3A_332, %swap3A_333, %swap3A_334, %swap3A_335], %swap3A_338 {strides = array<i32>} : memref<2x4x2x1024xf32, #tpu.memory_space<vmem>>, vector<1x1x1x16xf32>,
        %get3A_339 = arith.constant 0 : i32
        %get3A_340 = arith.constant 3 : i32
        %get3A_341 = arith.constant 1 : i32
        %get3A_342 = arith.index_cast %get3A_339 : i32 to index
        %get3A_343 = arith.index_cast %get3A_340 : i32 to index
        %get3A_344 = arith.index_cast %get3A_341 : i32 to index
        %get3A_345 = arith.index_cast %mul3A_273 : i32 to index
        %get3A_346 = tpu.vector_load %arg6[%get3A_342, %get3A_343, %get3A_344, %get3A_345] {strides = array<i32>} : memref<2x4x2x1024xf32, #tpu.memory_space<vmem>>, vector<1x1x1x16xf32>,
        %get3A_347 = vector.shape_cast %get3A_346 : vector<1x1x1x16xf32> to vector<16xf32>
        %add3A_348 = arith.addf %get3A_347, %get3A_279 : vector<16xf32>
        %swap3A_349 = arith.constant 0 : i32
        %swap3A_350 = arith.constant 3 : i32
        %swap3A_351 = arith.constant 1 : i32
        %swap3A_352 = arith.index_cast %swap3A_349 : i32 to index
        %swap3A_353 = arith.index_cast %swap3A_350 : i32 to index
        %swap3A_354 = arith.index_cast %swap3A_351 : i32 to index
        %swap3A_355 = arith.index_cast %mul3A_273 : i32 to index
        %swap3A_356 = tpu.vector_load %arg7[%swap3A_352, %swap3A_353, %swap3A_354, %swap3A_355] {strides = array<i32>} : memref<2x4x2x1024xf32, #tpu.memory_space<vmem>>, vector<1x1x1x16xf32>,
        %swap3A_357 = vector.shape_cast %swap3A_356 : vector<1x1x1x16xf32> to vector<16xf32>
        %swap3A_358 = vector.shape_cast %add3A_348 : vector<16xf32> to vector<1x1x1x16xf32>
        tpu.vector_store %arg7[%swap3A_352, %swap3A_353, %swap3A_354, %swap3A_355], %swap3A_358 {strides = array<i32>} : memref<2x4x2x1024xf32, #tpu.memory_space<vmem>>, vector<1x1x1x16xf32>,
        %mul3A_359 = arith.constant 8 : i32
        %mul3A_360 = arith.muli %scan3A_267, %mul3A_359 : i32
        %add3A_361 = arith.constant 1 : i32
        %add3A_362 = arith.addi %mul3A_360, %add3A_361 : i32
        %mul3A_363 = arith.constant 16 : i32
        %mul3A_364 = arith.muli %add3A_362, %mul3A_363 : i32
        %get3A_365 = arith.constant 0 : i32
        %get3A_366 = arith.constant 1 : i32
        %get3A_367 = arith.index_cast %get3A_365 : i32 to index
        %get3A_368 = arith.index_cast %get3A_366 : i32 to index
        %get3A_369 = arith.index_cast %mul3A_364 : i32 to index
        %get3A_370 = tpu.vector_load %arg5[%get3A_367, %get3A_368, %get3A_369] {strides = array<i32>} : memref<2x2x1024xf32, #tpu.memory_space<vmem>>, vector<1x1x16xf32>,
        %get3A_371 = vector.shape_cast %get3A_370 : vector<1x1x16xf32> to vector<16xf32>
        %get3A_372 = arith.constant 0 : i32
        %get3A_373 = arith.constant 0 : i32
        %get3A_374 = arith.constant 1 : i32
        %get3A_375 = arith.index_cast %get3A_372 : i32 to index
        %get3A_376 = arith.index_cast %get3A_373 : i32 to index
        %get3A_377 = arith.index_cast %get3A_374 : i32 to index
        %get3A_378 = arith.index_cast %mul3A_364 : i32 to index
        %get3A_379 = tpu.vector_load %arg6[%get3A_375, %get3A_376, %get3A_377, %get3A_378] {strides = array<i32>} : memref<2x4x2x1024xf32, #tpu.memory_space<vmem>>, vector<1x1x1x16xf32>,
        %get3A_380 = vector.shape_cast %get3A_379 : vector<1x1x1x16xf32> to vector<16xf32>
        %add3A_381 = arith.addf %get3A_380, %get3A_371 : vector<16xf32>
        %swap3A_382 = arith.constant 0 : i32
        %swap3A_383 = arith.constant 0 : i32
        %swap3A_384 = arith.constant 1 : i32
        %swap3A_385 = arith.index_cast %swap3A_382 : i32 to index
        %swap3A_386 = arith.index_cast %swap3A_383 : i32 to index
        %swap3A_387 = arith.index_cast %swap3A_384 : i32 to index
        %swap3A_388 = arith.index_cast %mul3A_364 : i32 to index
        %swap3A_389 = tpu.vector_load %arg7[%swap3A_385, %swap3A_386, %swap3A_387, %swap3A_388] {strides = array<i32>} : memref<2x4x2x1024xf32, #tpu.memory_space<vmem>>, vector<1x1x1x16xf32>,
        %swap3A_390 = vector.shape_cast %swap3A_389 : vector<1x1x1x16xf32> to vector<16xf32>
        %swap3A_391 = vector.shape_cast %add3A_381 : vector<16xf32> to vector<1x1x1x16xf32>
        tpu.vector_store %arg7[%swap3A_385, %swap3A_386, %swap3A_387, %swap3A_388], %swap3A_391 {strides = array<i32>} : memref<2x4x2x1024xf32, #tpu.memory_space<vmem>>, vector<1x1x1x16xf32>,
        %get3A_392 = arith.constant 0 : i32
        %get3A_393 = arith.constant 1 : i32
        %get3A_394 = arith.constant 1 : i32
        %get3A_395 = arith.index_cast %get3A_392 : i32 to index
        %get3A_396 = arith.index_cast %get3A_393 : i32 to index
        %get3A_397 = arith.index_cast %get3A_394 : i32 to index
        %get3A_398 = arith.index_cast %mul3A_364 : i32 to index
        %get3A_399 = tpu.vector_load %arg6[%get3A_395, %get3A_396, %get3A_397, %get3A_398] {strides = array<i32>} : memref<2x4x2x1024xf32, #tpu.memory_space<vmem>>, vector<1x1x1x16xf32>,
        %get3A_400 = vector.shape_cast %get3A_399 : vector<1x1x1x16xf32> to vector<16xf32>
        %add3A_401 = arith.addf %get3A_400, %get3A_371 : vector<16xf32>
        %swap3A_402 = arith.constant 0 : i32
        %swap3A_403 = arith.constant 1 : i32
        %swap3A_404 = arith.constant 1 : i32
        %swap3A_405 = arith.index_cast %swap3A_402 : i32 to index
        %swap3A_406 = arith.index_cast %swap3A_403 : i32 to index
        %swap3A_407 = arith.index_cast %swap3A_404 : i32 to index
        %swap3A_408 = arith.index_cast %mul3A_364 : i32 to index
        %swap3A_409 = tpu.vector_load %arg7[%swap3A_405, %swap3A_406, %swap3A_407, %swap3A_408] {strides = array<i32>} : memref<2x4x2x1024xf32, #tpu.memory_space<vmem>>, vector<1x1x1x16xf32>,
        %swap3A_410 = vector.shape_cast %swap3A_409 : vector<1x1x1x16xf32> to vector<16xf32>
        %swap3A_411 = vector.shape_cast %add3A_401 : vector<16xf32> to vector<1x1x1x16xf32>
        tpu.vector_store %arg7[%swap3A_405, %swap3A_406, %swap3A_407, %swap3A_408], %swap3A_411 {strides = array<i32>} : memref<2x4x2x1024xf32, #tpu.memory_space<vmem>>, vector<1x1x1x16xf32>,
        %get3A_412 = arith.constant 0 : i32
        %get3A_413 = arith.constant 2 : i32
        %get3A_414 = arith.constant 1 : i32
        %get3A_415 = arith.index_cast %get3A_412 : i32 to index
        %get3A_416 = arith.index_cast %get3A_413 : i32 to index
        %get3A_417 = arith.index_cast %get3A_414 : i32 to index
        %get3A_418 = arith.index_cast %mul3A_364 : i32 to index
        %get3A_419 = tpu.vector_load %arg6[%get3A_415, %get3A_416, %get3A_417, %get3A_418] {strides = array<i32>} : memref<2x4x2x1024xf32, #tpu.memory_space<vmem>>, vector<1x1x1x16xf32>,
        %get3A_420 = vector.shape_cast %get3A_419 : vector<1x1x1x16xf32> to vector<16xf32>
        %add3A_421 = arith.addf %get3A_420, %get3A_371 : vector<16xf32>
        %swap3A_422 = arith.constant 0 : i32
        %swap3A_423 = arith.constant 2 : i32
        %swap3A_424 = arith.constant 1 : i32
        %swap3A_425 = arith.index_cast %swap3A_422 : i32 to index
        %swap3A_426 = arith.index_cast %swap3A_423 : i32 to index
        %swap3A_427 = arith.index_cast %swap3A_424 : i32 to index
        %swap3A_428 = arith.index_cast %mul3A_364 : i32 to index
        %swap3A_429 = tpu.vector_load %arg7[%swap3A_425, %swap3A_426, %swap3A_427, %swap3A_428] {strides = array<i32>} : memref<2x4x2x1024xf32, #tpu.memory_space<vmem>>, vector<1x1x1x16xf32>,
        %swap3A_430 = vector.shape_cast %swap3A_429 : vector<1x1x1x16xf32> to vector<16xf32>
        %swap3A_431 = vector.shape_cast %add3A_421 : vector<16xf32> to vector<1x1x1x16xf32>
        tpu.vector_store %arg7[%swap3A_425, %swap3A_426, %swap3A_427, %swap3A_428], %swap3A_431 {strides = array<i32>} : memref<2x4x2x1024xf32, #tpu.memory_space<vmem>>, vector<1x1x1x16xf32>,
        %get3A_432 = arith.constant 0 : i32
        %get3A_433 = arith.constant 3 : i32
        %get3A_434 = arith.constant 1 : i32
        %get3A_435 = arith.index_cast %get3A_432 : i32 to index
        %get3A_436 = arith.index_cast %get3A_433 : i32 to index
        %get3A_437 = arith.index_cast %get3A_434 : i32 to index
        %get3A_438 = arith.index_cast %mul3A_364 : i32 to index
        %get3A_439 = tpu.vector_load %arg6[%get3A_435, %get3A_436, %get3A_437, %get3A_438] {strides = array<i32>} : memref<2x4x2x1024xf32, #tpu.memory_space<vmem>>, vector<1x1x1x16xf32>,
        %get3A_440 = vector.shape_cast %get3A_439 : vector<1x1x1x16xf32> to vector<16xf32>
        %add3A_441 = arith.addf %get3A_440, %get3A_371 : vector<16xf32>
        %swap3A_442 = arith.constant 0 : i32
        %swap3A_443 = arith.constant 3 : i32
        %swap3A_444 = arith.constant 1 : i32
        %swap3A_445 = arith.index_cast %swap3A_442 : i32 to index
        %swap3A_446 = arith.index_cast %swap3A_443 : i32 to index
        %swap3A_447 = arith.index_cast %swap3A_444 : i32 to index
        %swap3A_448 = arith.index_cast %mul3A_364 : i32 to index
        %swap3A_449 = tpu.vector_load %arg7[%swap3A_445, %swap3A_446, %swap3A_447, %swap3A_448] {strides = array<i32>} : memref<2x4x2x1024xf32, #tpu.memory_space<vmem>>, vector<1x1x1x16xf32>,
        %swap3A_450 = vector.shape_cast %swap3A_449 : vector<1x1x1x16xf32> to vector<16xf32>
        %swap3A_451 = vector.shape_cast %add3A_441 : vector<16xf32> to vector<1x1x1x16xf32>
        tpu.vector_store %arg7[%swap3A_445, %swap3A_446, %swap3A_447, %swap3A_448], %swap3A_451 {strides = array<i32>} : memref<2x4x2x1024xf32, #tpu.memory_space<vmem>>, vector<1x1x1x16xf32>,
        %mul3A_452 = arith.constant 8 : i32
        %mul3A_453 = arith.muli %scan3A_267, %mul3A_452 : i32
        %add3A_454 = arith.constant 2 : i32
        %add3A_455 = arith.addi %mul3A_453, %add3A_454 : i32
        %mul3A_456 = arith.constant 16 : i32
        %mul3A_457 = arith.muli %add3A_455, %mul3A_456 : i32
        %get3A_458 = arith.constant 0 : i32
        %get3A_459 = arith.constant 1 : i32
        %get3A_460 = arith.index_cast %get3A_458 : i32 to index
        %get3A_461 = arith.index_cast %get3A_459 : i32 to index
        %get3A_462 = arith.index_cast %mul3A_457 : i32 to index
        %get3A_463 = tpu.vector_load %arg5[%get3A_460, %get3A_461, %get3A_462] {strides = array<i32>} : memref<2x2x1024xf32, #tpu.memory_space<vmem>>, vector<1x1x16xf32>,
        %get3A_464 = vector.shape_cast %get3A_463 : vector<1x1x16xf32> to vector<16xf32>
        %get3A_465 = arith.constant 0 : i32
        %get3A_466 = arith.constant 0 : i32
        %get3A_467 = arith.constant 1 : i32
        %get3A_468 = arith.index_cast %get3A_465 : i32 to index
        %get3A_469 = arith.index_cast %get3A_466 : i32 to index
        %get3A_470 = arith.index_cast %get3A_467 : i32 to index
        %get3A_471 = arith.index_cast %mul3A_457 : i32 to index
        %get3A_472 = tpu.vector_load %arg6[%get3A_468, %get3A_469, %get3A_470, %get3A_471] {strides = array<i32>} : memref<2x4x2x1024xf32, #tpu.memory_space<vmem>>, vector<1x1x1x16xf32>,
        %get3A_473 = vector.shape_cast %get3A_472 : vector<1x1x1x16xf32> to vector<16xf32>
        %add3A_474 = arith.addf %get3A_473, %get3A_464 : vector<16xf32>
        %swap3A_475 = arith.constant 0 : i32
        %swap3A_476 = arith.constant 0 : i32
        %swap3A_477 = arith.constant 1 : i32
        %swap3A_478 = arith.index_cast %swap3A_475 : i32 to index
        %swap3A_479 = arith.index_cast %swap3A_476 : i32 to index
        %swap3A_480 = arith.index_cast %swap3A_477 : i32 to index
        %swap3A_481 = arith.index_cast %mul3A_457 : i32 to index
        %swap3A_482 = tpu.vector_load %arg7[%swap3A_478, %swap3A_479, %swap3A_480, %swap3A_481] {strides = array<i32>} : memref<2x4x2x1024xf32, #tpu.memory_space<vmem>>, vector<1x1x1x16xf32>,
        %swap3A_483 = vector.shape_cast %swap3A_482 : vector<1x1x1x16xf32> to vector<16xf32>
        %swap3A_484 = vector.shape_cast %add3A_474 : vector<16xf32> to vector<1x1x1x16xf32>
        tpu.vector_store %arg7[%swap3A_478, %swap3A_479, %swap3A_480, %swap3A_481], %swap3A_484 {strides = array<i32>} : memref<2x4x2x1024xf32, #tpu.memory_space<vmem>>, vector<1x1x1x16xf32>,
        %get3A_485 = arith.constant 0 : i32
        %get3A_486 = arith.constant 1 : i32
        %get3A_487 = arith.constant 1 : i32
        %get3A_488 = arith.index_cast %get3A_485 : i32 to index
        %get3A_489 = arith.index_cast %get3A_486 : i32 to index
        %get3A_490 = arith.index_cast %get3A_487 : i32 to index
        %get3A_491 = arith.index_cast %mul3A_457 : i32 to index
        %get3A_492 = tpu.vector_load %arg6[%get3A_488, %get3A_489, %get3A_490, %get3A_491] {strides = array<i32>} : memref<2x4x2x1024xf32, #tpu.memory_space<vmem>>, vector<1x1x1x16xf32>,
        %get3A_493 = vector.shape_cast %get3A_492 : vector<1x1x1x16xf32> to vector<16xf32>
        %add3A_494 = arith.addf %get3A_493, %get3A_464 : vector<16xf32>
        %swap3A_495 = arith.constant 0 : i32
        %swap3A_496 = arith.constant 1 : i32
        %swap3A_497 = arith.constant 1 : i32
        %swap3A_498 = arith.index_cast %swap3A_495 : i32 to index
        %swap3A_499 = arith.index_cast %swap3A_496 : i32 to index
        %swap3A_500 = arith.index_cast %swap3A_497 : i32 to index
        %swap3A_501 = arith.index_cast %mul3A_457 : i32 to index
        %swap3A_502 = tpu.vector_load %arg7[%swap3A_498, %swap3A_499, %swap3A_500, %swap3A_501] {strides = array<i32>} : memref<2x4x2x1024xf32, #tpu.memory_space<vmem>>, vector<1x1x1x16xf32>,
        %swap3A_503 = vector.shape_cast %swap3A_502 : vector<1x1x1x16xf32> to vector<16xf32>
        %swap3A_504 = vector.shape_cast %add3A_494 : vector<16xf32> to vector<1x1x1x16xf32>
        tpu.vector_store %arg7[%swap3A_498, %swap3A_499, %swap3A_500, %swap3A_501], %swap3A_504 {strides = array<i32>} : memref<2x4x2x1024xf32, #tpu.memory_space<vmem>>, vector<1x1x1x16xf32>,
        %get3A_505 = arith.constant 0 : i32
        %get3A_506 = arith.constant 2 : i32
        %get3A_507 = arith.constant 1 : i32
        %get3A_508 = arith.index_cast %get3A_505 : i32 to index
        %get3A_509 = arith.index_cast %get3A_506 : i32 to index
        %get3A_510 = arith.index_cast %get3A_507 : i32 to index
        %get3A_511 = arith.index_cast %mul3A_457 : i32 to index
        %get3A_512 = tpu.vector_load %arg6[%get3A_508, %get3A_509, %get3A_510, %get3A_511] {strides = array<i32>} : memref<2x4x2x1024xf32, #tpu.memory_space<vmem>>, vector<1x1x1x16xf32>,
        %get3A_513 = vector.shape_cast %get3A_512 : vector<1x1x1x16xf32> to vector<16xf32>
        %add3A_514 = arith.addf %get3A_513, %get3A_464 : vector<16xf32>
        %swap3A_515 = arith.constant 0 : i32
        %swap3A_516 = arith.constant 2 : i32
        %swap3A_517 = arith.constant 1 : i32
        %swap3A_518 = arith.index_cast %swap3A_515 : i32 to index
        %swap3A_519 = arith.index_cast %swap3A_516 : i32 to index
        %swap3A_520 = arith.index_cast %swap3A_517 : i32 to index
        %swap3A_521 = arith.index_cast %mul3A_457 : i32 to index
        %swap3A_522 = tpu.vector_load %arg7[%swap3A_518, %swap3A_519, %swap3A_520, %swap3A_521] {strides = array<i32>} : memref<2x4x2x1024xf32, #tpu.memory_space<vmem>>, vector<1x1x1x16xf32>,
        %swap3A_523 = vector.shape_cast %swap3A_522 : vector<1x1x1x16xf32> to vector<16xf32>
        %swap3A_524 = vector.shape_cast %add3A_514 : vector<16xf32> to vector<1x1x1x16xf32>
        tpu.vector_store %arg7[%swap3A_518, %swap3A_519, %swap3A_520, %swap3A_521], %swap3A_524 {strides = array<i32>} : memref<2x4x2x1024xf32, #tpu.memory_space<vmem>>, vector<1x1x1x16xf32>,
        %get3A_525 = arith.constant 0 : i32
        %get3A_526 = arith.constant 3 : i32
        %get3A_527 = arith.constant 1 : i32
        %get3A_528 = arith.index_cast %get3A_525 : i32 to index
        %get3A_529 = arith.index_cast %get3A_526 : i32 to index
        %get3A_530 = arith.index_cast %get3A_527 : i32 to index
        %get3A_531 = arith.index_cast %mul3A_457 : i32 to index
        %get3A_532 = tpu.vector_load %arg6[%get3A_528, %get3A_529, %get3A_530, %get3A_531] {strides = array<i32>} : memref<2x4x2x1024xf32, #tpu.memory_space<vmem>>, vector<1x1x1x16xf32>,
        %get3A_533 = vector.shape_cast %get3A_532 : vector<1x1x1x16xf32> to vector<16xf32>
        %add3A_534 = arith.addf %get3A_533, %get3A_464 : vector<16xf32>
        %swap3A_535 = arith.constant 0 : i32
        %swap3A_536 = arith.constant 3 : i32
        %swap3A_537 = arith.constant 1 : i32
        %swap3A_538 = arith.index_cast %swap3A_535 : i32 to index
        %swap3A_539 = arith.index_cast %swap3A_536 : i32 to index
        %swap3A_540 = arith.index_cast %swap3A_537 : i32 to index
        %swap3A_541 = arith.index_cast %mul3A_457 : i32 to index
        %swap3A_542 = tpu.vector_load %arg7[%swap3A_538, %swap3A_539, %swap3A_540, %swap3A_541] {strides = array<i32>} : memref<2x4x2x1024xf32, #tpu.memory_space<vmem>>, vector<1x1x1x16xf32>,
        %swap3A_543 = vector.shape_cast %swap3A_542 : vector<1x1x1x16xf32> to vector<16xf32>
        %swap3A_544 = vector.shape_cast %add3A_534 : vector<16xf32> to vector<1x1x1x16xf32>
        tpu.vector_store %arg7[%swap3A_538, %swap3A_539, %swap3A_540, %swap3A_541], %swap3A_544 {strides = array<i32>} : memref<2x4x2x1024xf32, #tpu.memory_space<vmem>>, vector<1x1x1x16xf32>,
        %mul3A_545 = arith.constant 8 : i32
        %mul3A_546 = arith.muli %scan3A_267, %mul3A_545 : i32
        %add3A_547 = arith.constant 3 : i32
        %add3A_548 = arith.addi %mul3A_546, %add3A_547 : i32
        %mul3A_549 = arith.constant 16 : i32
        %mul3A_550 = arith.muli %add3A_548, %mul3A_549 : i32
        %get3A_551 = arith.constant 0 : i32
        %get3A_552 = arith.constant 1 : i32
        %get3A_553 = arith.index_cast %get3A_551 : i32 to index
        %get3A_554 = arith.index_cast %get3A_552 : i32 to index
        %get3A_555 = arith.index_cast %mul3A_550 : i32 to index
        %get3A_556 = tpu.vector_load %arg5[%get3A_553, %get3A_554, %get3A_555] {strides = array<i32>} : memref<2x2x1024xf32, #tpu.memory_space<vmem>>, vector<1x1x16xf32>,
        %get3A_557 = vector.shape_cast %get3A_556 : vector<1x1x16xf32> to vector<16xf32>
        %get3A_558 = arith.constant 0 : i32
        %get3A_559 = arith.constant 0 : i32
        %get3A_560 = arith.constant 1 : i32
        %get3A_561 = arith.index_cast %get3A_558 : i32 to index
        %get3A_562 = arith.index_cast %get3A_559 : i32 to index
        %get3A_563 = arith.index_cast %get3A_560 : i32 to index
        %get3A_564 = arith.index_cast %mul3A_550 : i32 to index
        %get3A_565 = tpu.vector_load %arg6[%get3A_561, %get3A_562, %get3A_563, %get3A_564] {strides = array<i32>} : memref<2x4x2x1024xf32, #tpu.memory_space<vmem>>, vector<1x1x1x16xf32>,
        %get3A_566 = vector.shape_cast %get3A_565 : vector<1x1x1x16xf32> to vector<16xf32>
        %add3A_567 = arith.addf %get3A_566, %get3A_557 : vector<16xf32>
        %swap3A_568 = arith.constant 0 : i32
        %swap3A_569 = arith.constant 0 : i32
        %swap3A_570 = arith.constant 1 : i32
        %swap3A_571 = arith.index_cast %swap3A_568 : i32 to index
        %swap3A_572 = arith.index_cast %swap3A_569 : i32 to index
        %swap3A_573 = arith.index_cast %swap3A_570 : i32 to index
        %swap3A_574 = arith.index_cast %mul3A_550 : i32 to index
        %swap3A_575 = tpu.vector_load %arg7[%swap3A_571, %swap3A_572, %swap3A_573, %swap3A_574] {strides = array<i32>} : memref<2x4x2x1024xf32, #tpu.memory_space<vmem>>, vector<1x1x1x16xf32>,
        %swap3A_576 = vector.shape_cast %swap3A_575 : vector<1x1x1x16xf32> to vector<16xf32>
        %swap3A_577 = vector.shape_cast %add3A_567 : vector<16xf32> to vector<1x1x1x16xf32>
        tpu.vector_store %arg7[%swap3A_571, %swap3A_572, %swap3A_573, %swap3A_574], %swap3A_577 {strides = array<i32>} : memref<2x4x2x1024xf32, #tpu.memory_space<vmem>>, vector<1x1x1x16xf32>,
        %get3A_578 = arith.constant 0 : i32
        %get3A_579 = arith.constant 1 : i32
        %get3A_580 = arith.constant 1 : i32
        %get3A_581 = arith.index_cast %get3A_578 : i32 to index
        %get3A_582 = arith.index_cast %get3A_579 : i32 to index
        %get3A_583 = arith.index_cast %get3A_580 : i32 to index
        %get3A_584 = arith.index_cast %mul3A_550 : i32 to index
        %get3A_585 = tpu.vector_load %arg6[%get3A_581, %get3A_582, %get3A_583, %get3A_584] {strides = array<i32>} : memref<2x4x2x1024xf32, #tpu.memory_space<vmem>>, vector<1x1x1x16xf32>,
        %get3A_586 = vector.shape_cast %get3A_585 : vector<1x1x1x16xf32> to vector<16xf32>
        %add3A_587 = arith.addf %get3A_586, %get3A_557 : vector<16xf32>
        %swap3A_588 = arith.constant 0 : i32
        %swap3A_589 = arith.constant 1 : i32
        %swap3A_590 = arith.constant 1 : i32
        %swap3A_591 = arith.index_cast %swap3A_588 : i32 to index
        %swap3A_592 = arith.index_cast %swap3A_589 : i32 to index
        %swap3A_593 = arith.index_cast %swap3A_590 : i32 to index
        %swap3A_594 = arith.index_cast %mul3A_550 : i32 to index
        %swap3A_595 = tpu.vector_load %arg7[%swap3A_591, %swap3A_592, %swap3A_593, %swap3A_594] {strides = array<i32>} : memref<2x4x2x1024xf32, #tpu.memory_space<vmem>>, vector<1x1x1x16xf32>,
        %swap3A_596 = vector.shape_cast %swap3A_595 : vector<1x1x1x16xf32> to vector<16xf32>
        %swap3A_597 = vector.shape_cast %add3A_587 : vector<16xf32> to vector<1x1x1x16xf32>
        tpu.vector_store %arg7[%swap3A_591, %swap3A_592, %swap3A_593, %swap3A_594], %swap3A_597 {strides = array<i32>} : memref<2x4x2x1024xf32, #tpu.memory_space<vmem>>, vector<1x1x1x16xf32>,
        %get3A_598 = arith.constant 0 : i32
        %get3A_599 = arith.constant 2 : i32
        %get3A_600 = arith.constant 1 : i32
        %get3A_601 = arith.index_cast %get3A_598 : i32 to index
        %get3A_602 = arith.index_cast %get3A_599 : i32 to index
        %get3A_603 = arith.index_cast %get3A_600 : i32 to index
        %get3A_604 = arith.index_cast %mul3A_550 : i32 to index
        %get3A_605 = tpu.vector_load %arg6[%get3A_601, %get3A_602, %get3A_603, %get3A_604] {strides = array<i32>} : memref<2x4x2x1024xf32, #tpu.memory_space<vmem>>, vector<1x1x1x16xf32>,
        %get3A_606 = vector.shape_cast %get3A_605 : vector<1x1x1x16xf32> to vector<16xf32>
        %add3A_607 = arith.addf %get3A_606, %get3A_557 : vector<16xf32>
        %swap3A_608 = arith.constant 0 : i32
        %swap3A_609 = arith.constant 2 : i32
        %swap3A_610 = arith.constant 1 : i32
        %swap3A_611 = arith.index_cast %swap3A_608 : i32 to index
        %swap3A_612 = arith.index_cast %swap3A_609 : i32 to index
        %swap3A_613 = arith.index_cast %swap3A_610 : i32 to index
        %swap3A_614 = arith.index_cast %mul3A_550 : i32 to index
        %swap3A_615 = tpu.vector_load %arg7[%swap3A_611, %swap3A_612, %swap3A_613, %swap3A_614] {strides = array<i32>} : memref<2x4x2x1024xf32, #tpu.memory_space<vmem>>, vector<1x1x1x16xf32>,
        %swap3A_616 = vector.shape_cast %swap3A_615 : vector<1x1x1x16xf32> to vector<16xf32>
        %swap3A_617 = vector.shape_cast %add3A_607 : vector<16xf32> to vector<1x1x1x16xf32>
        tpu.vector_store %arg7[%swap3A_611, %swap3A_612, %swap3A_613, %swap3A_614], %swap3A_617 {strides = array<i32>} : memref<2x4x2x1024xf32, #tpu.memory_space<vmem>>, vector<1x1x1x16xf32>,
        %get3A_618 = arith.constant 0 : i32
        %get3A_619 = arith.constant 3 : i32
        %get3A_620 = arith.constant 1 : i32
        %get3A_621 = arith.index_cast %get3A_618 : i32 to index
        %get3A_622 = arith.index_cast %get3A_619 : i32 to index
        %get3A_623 = arith.index_cast %get3A_620 : i32 to index
        %get3A_624 = arith.index_cast %mul3A_550 : i32 to index
        %get3A_625 = tpu.vector_load %arg6[%get3A_621, %get3A_622, %get3A_623, %get3A_624] {strides = array<i32>} : memref<2x4x2x1024xf32, #tpu.memory_space<vmem>>, vector<1x1x1x16xf32>,
        %get3A_626 = vector.shape_cast %get3A_625 : vector<1x1x1x16xf32> to vector<16xf32>
        %add3A_627 = arith.addf %get3A_626, %get3A_557 : vector<16xf32>
        %swap3A_628 = arith.constant 0 : i32
        %swap3A_629 = arith.constant 3 : i32
        %swap3A_630 = arith.constant 1 : i32
        %swap3A_631 = arith.index_cast %swap3A_628 : i32 to index
        %swap3A_632 = arith.index_cast %swap3A_629 : i32 to index
        %swap3A_633 = arith.index_cast %swap3A_630 : i32 to index
        %swap3A_634 = arith.index_cast %mul3A_550 : i32 to index
        %swap3A_635 = tpu.vector_load %arg7[%swap3A_631, %swap3A_632, %swap3A_633, %swap3A_634] {strides = array<i32>} : memref<2x4x2x1024xf32, #tpu.memory_space<vmem>>, vector<1x1x1x16xf32>,
        %swap3A_636 = vector.shape_cast %swap3A_635 : vector<1x1x1x16xf32> to vector<16xf32>
        %swap3A_637 = vector.shape_cast %add3A_627 : vector<16xf32> to vector<1x1x1x16xf32>
        tpu.vector_store %arg7[%swap3A_631, %swap3A_632, %swap3A_633, %swap3A_634], %swap3A_637 {strides = array<i32>} : memref<2x4x2x1024xf32, #tpu.memory_space<vmem>>, vector<1x1x1x16xf32>,
        %mul3A_638 = arith.constant 8 : i32
        %mul3A_639 = arith.muli %scan3A_267, %mul3A_638 : i32
        %add3A_640 = arith.constant 4 : i32
        %add3A_641 = arith.addi %mul3A_639, %add3A_640 : i32
        %mul3A_642 = arith.constant 16 : i32
        %mul3A_643 = arith.muli %add3A_641, %mul3A_642 : i32
        %get3A_644 = arith.constant 0 : i32
        %get3A_645 = arith.constant 1 : i32
        %get3A_646 = arith.index_cast %get3A_644 : i32 to index
        %get3A_647 = arith.index_cast %get3A_645 : i32 to index
        %get3A_648 = arith.index_cast %mul3A_643 : i32 to index
        %get3A_649 = tpu.vector_load %arg5[%get3A_646, %get3A_647, %get3A_648] {strides = array<i32>} : memref<2x2x1024xf32, #tpu.memory_space<vmem>>, vector<1x1x16xf32>,
        %get3A_650 = vector.shape_cast %get3A_649 : vector<1x1x16xf32> to vector<16xf32>
        %get3A_651 = arith.constant 0 : i32
        %get3A_652 = arith.constant 0 : i32
        %get3A_653 = arith.constant 1 : i32
        %get3A_654 = arith.index_cast %get3A_651 : i32 to index
        %get3A_655 = arith.index_cast %get3A_652 : i32 to index
        %get3A_656 = arith.index_cast %get3A_653 : i32 to index
        %get3A_657 = arith.index_cast %mul3A_643 : i32 to index
        %get3A_658 = tpu.vector_load %arg6[%get3A_654, %get3A_655, %get3A_656, %get3A_657] {strides = array<i32>} : memref<2x4x2x1024xf32, #tpu.memory_space<vmem>>, vector<1x1x1x16xf32>,
        %get3A_659 = vector.shape_cast %get3A_658 : vector<1x1x1x16xf32> to vector<16xf32>
        %add3A_660 = arith.addf %get3A_659, %get3A_650 : vector<16xf32>
        %swap3A_661 = arith.constant 0 : i32
        %swap3A_662 = arith.constant 0 : i32
        %swap3A_663 = arith.constant 1 : i32
        %swap3A_664 = arith.index_cast %swap3A_661 : i32 to index
        %swap3A_665 = arith.index_cast %swap3A_662 : i32 to index
        %swap3A_666 = arith.index_cast %swap3A_663 : i32 to index
        %swap3A_667 = arith.index_cast %mul3A_643 : i32 to index
        %swap3A_668 = tpu.vector_load %arg7[%swap3A_664, %swap3A_665, %swap3A_666, %swap3A_667] {strides = array<i32>} : memref<2x4x2x1024xf32, #tpu.memory_space<vmem>>, vector<1x1x1x16xf32>,
        %swap3A_669 = vector.shape_cast %swap3A_668 : vector<1x1x1x16xf32> to vector<16xf32>
        %swap3A_670 = vector.shape_cast %add3A_660 : vector<16xf32> to vector<1x1x1x16xf32>
        tpu.vector_store %arg7[%swap3A_664, %swap3A_665, %swap3A_666, %swap3A_667], %swap3A_670 {strides = array<i32>} : memref<2x4x2x1024xf32, #tpu.memory_space<vmem>>, vector<1x1x1x16xf32>,
        %get3A_671 = arith.constant 0 : i32
        %get3A_672 = arith.constant 1 : i32
        %get3A_673 = arith.constant 1 : i32
        %get3A_674 = arith.index_cast %get3A_671 : i32 to index
        %get3A_675 = arith.index_cast %get3A_672 : i32 to index
        %get3A_676 = arith.index_cast %get3A_673 : i32 to index
        %get3A_677 = arith.index_cast %mul3A_643 : i32 to index
        %get3A_678 = tpu.vector_load %arg6[%get3A_674, %get3A_675, %get3A_676, %get3A_677] {strides = array<i32>} : memref<2x4x2x1024xf32, #tpu.memory_space<vmem>>, vector<1x1x1x16xf32>,
        %get3A_679 = vector.shape_cast %get3A_678 : vector<1x1x1x16xf32> to vector<16xf32>
        %add3A_680 = arith.addf %get3A_679, %get3A_650 : vector<16xf32>
        %swap3A_681 = arith.constant 0 : i32
        %swap3A_682 = arith.constant 1 : i32
        %swap3A_683 = arith.constant 1 : i32
        %swap3A_684 = arith.index_cast %swap3A_681 : i32 to index
        %swap3A_685 = arith.index_cast %swap3A_682 : i32 to index
        %swap3A_686 = arith.index_cast %swap3A_683 : i32 to index
        %swap3A_687 = arith.index_cast %mul3A_643 : i32 to index
        %swap3A_688 = tpu.vector_load %arg7[%swap3A_684, %swap3A_685, %swap3A_686, %swap3A_687] {strides = array<i32>} : memref<2x4x2x1024xf32, #tpu.memory_space<vmem>>, vector<1x1x1x16xf32>,
        %swap3A_689 = vector.shape_cast %swap3A_688 : vector<1x1x1x16xf32> to vector<16xf32>
        %swap3A_690 = vector.shape_cast %add3A_680 : vector<16xf32> to vector<1x1x1x16xf32>
        tpu.vector_store %arg7[%swap3A_684, %swap3A_685, %swap3A_686, %swap3A_687], %swap3A_690 {strides = array<i32>} : memref<2x4x2x1024xf32, #tpu.memory_space<vmem>>, vector<1x1x1x16xf32>,
        %get3A_691 = arith.constant 0 : i32
        %get3A_692 = arith.constant 2 : i32
        %get3A_693 = arith.constant 1 : i32
        %get3A_694 = arith.index_cast %get3A_691 : i32 to index
        %get3A_695 = arith.index_cast %get3A_692 : i32 to index
        %get3A_696 = arith.index_cast %get3A_693 : i32 to index
        %get3A_697 = arith.index_cast %mul3A_643 : i32 to index
        %get3A_698 = tpu.vector_load %arg6[%get3A_694, %get3A_695, %get3A_696, %get3A_697] {strides = array<i32>} : memref<2x4x2x1024xf32, #tpu.memory_space<vmem>>, vector<1x1x1x16xf32>,
        %get3A_699 = vector.shape_cast %get3A_698 : vector<1x1x1x16xf32> to vector<16xf32>
        %add3A_700 = arith.addf %get3A_699, %get3A_650 : vector<16xf32>
        %swap3A_701 = arith.constant 0 : i32
        %swap3A_702 = arith.constant 2 : i32
        %swap3A_703 = arith.constant 1 : i32
        %swap3A_704 = arith.index_cast %swap3A_701 : i32 to index
        %swap3A_705 = arith.index_cast %swap3A_702 : i32 to index
        %swap3A_706 = arith.index_cast %swap3A_703 : i32 to index
        %swap3A_707 = arith.index_cast %mul3A_643 : i32 to index
        %swap3A_708 = tpu.vector_load %arg7[%swap3A_704, %swap3A_705, %swap3A_706, %swap3A_707] {strides = array<i32>} : memref<2x4x2x1024xf32, #tpu.memory_space<vmem>>, vector<1x1x1x16xf32>,
        %swap3A_709 = vector.shape_cast %swap3A_708 : vector<1x1x1x16xf32> to vector<16xf32>
        %swap3A_710 = vector.shape_cast %add3A_700 : vector<16xf32> to vector<1x1x1x16xf32>
        tpu.vector_store %arg7[%swap3A_704, %swap3A_705, %swap3A_706, %swap3A_707], %swap3A_710 {strides = array<i32>} : memref<2x4x2x1024xf32, #tpu.memory_space<vmem>>, vector<1x1x1x16xf32>,
        %get3A_711 = arith.constant 0 : i32
        %get3A_712 = arith.constant 3 : i32
        %get3A_713 = arith.constant 1 : i32
        %get3A_714 = arith.index_cast %get3A_711 : i32 to index
        %get3A_715 = arith.index_cast %get3A_712 : i32 to index
        %get3A_716 = arith.index_cast %get3A_713 : i32 to index
        %get3A_717 = arith.index_cast %mul3A_643 : i32 to index
        %get3A_718 = tpu.vector_load %arg6[%get3A_714, %get3A_715, %get3A_716, %get3A_717] {strides = array<i32>} : memref<2x4x2x1024xf32, #tpu.memory_space<vmem>>, vector<1x1x1x16xf32>,
        %get3A_719 = vector.shape_cast %get3A_718 : vector<1x1x1x16xf32> to vector<16xf32>
        %add3A_720 = arith.addf %get3A_719, %get3A_650 : vector<16xf32>
        %swap3A_721 = arith.constant 0 : i32
        %swap3A_722 = arith.constant 3 : i32
        %swap3A_723 = arith.constant 1 : i32
        %swap3A_724 = arith.index_cast %swap3A_721 : i32 to index
        %swap3A_725 = arith.index_cast %swap3A_722 : i32 to index
        %swap3A_726 = arith.index_cast %swap3A_723 : i32 to index
        %swap3A_727 = arith.index_cast %mul3A_643 : i32 to index
        %swap3A_728 = tpu.vector_load %arg7[%swap3A_724, %swap3A_725, %swap3A_726, %swap3A_727] {strides = array<i32>} : memref<2x4x2x1024xf32, #tpu.memory_space<vmem>>, vector<1x1x1x16xf32>,
        %swap3A_729 = vector.shape_cast %swap3A_728 : vector<1x1x1x16xf32> to vector<16xf32>
        %swap3A_730 = vector.shape_cast %add3A_720 : vector<16xf32> to vector<1x1x1x16xf32>
        tpu.vector_store %arg7[%swap3A_724, %swap3A_725, %swap3A_726, %swap3A_727], %swap3A_730 {strides = array<i32>} : memref<2x4x2x1024xf32, #tpu.memory_space<vmem>>, vector<1x1x1x16xf32>,
        %mul3A_731 = arith.constant 8 : i32
        %mul3A_732 = arith.muli %scan3A_267, %mul3A_731 : i32
        %add3A_733 = arith.constant 5 : i32
        %add3A_734 = arith.addi %mul3A_732, %add3A_733 : i32
        %mul3A_735 = arith.constant 16 : i32
        %mul3A_736 = arith.muli %add3A_734, %mul3A_735 : i32
        %get3A_737 = arith.constant 0 : i32
        %get3A_738 = arith.constant 1 : i32
        %get3A_739 = arith.index_cast %get3A_737 : i32 to index
        %get3A_740 = arith.index_cast %get3A_738 : i32 to index
        %get3A_741 = arith.index_cast %mul3A_736 : i32 to index
        %get3A_742 = tpu.vector_load %arg5[%get3A_739, %get3A_740, %get3A_741] {strides = array<i32>} : memref<2x2x1024xf32, #tpu.memory_space<vmem>>, vector<1x1x16xf32>,
        %get3A_743 = vector.shape_cast %get3A_742 : vector<1x1x16xf32> to vector<16xf32>
        %get3A_744 = arith.constant 0 : i32
        %get3A_745 = arith.constant 0 : i32
        %get3A_746 = arith.constant 1 : i32
        %get3A_747 = arith.index_cast %get3A_744 : i32 to index
        %get3A_748 = arith.index_cast %get3A_745 : i32 to index
        %get3A_749 = arith.index_cast %get3A_746 : i32 to index
        %get3A_750 = arith.index_cast %mul3A_736 : i32 to index
        %get3A_751 = tpu.vector_load %arg6[%get3A_747, %get3A_748, %get3A_749, %get3A_750] {strides = array<i32>} : memref<2x4x2x1024xf32, #tpu.memory_space<vmem>>, vector<1x1x1x16xf32>,
        %get3A_752 = vector.shape_cast %get3A_751 : vector<1x1x1x16xf32> to vector<16xf32>
        %add3A_753 = arith.addf %get3A_752, %get3A_743 : vector<16xf32>
        %swap3A_754 = arith.constant 0 : i32
        %swap3A_755 = arith.constant 0 : i32
        %swap3A_756 = arith.constant 1 : i32
        %swap3A_757 = arith.index_cast %swap3A_754 : i32 to index
        %swap3A_758 = arith.index_cast %swap3A_755 : i32 to index
        %swap3A_759 = arith.index_cast %swap3A_756 : i32 to index
        %swap3A_760 = arith.index_cast %mul3A_736 : i32 to index
        %swap3A_761 = tpu.vector_load %arg7[%swap3A_757, %swap3A_758, %swap3A_759, %swap3A_760] {strides = array<i32>} : memref<2x4x2x1024xf32, #tpu.memory_space<vmem>>, vector<1x1x1x16xf32>,
        %swap3A_762 = vector.shape_cast %swap3A_761 : vector<1x1x1x16xf32> to vector<16xf32>
        %swap3A_763 = vector.shape_cast %add3A_753 : vector<16xf32> to vector<1x1x1x16xf32>
        tpu.vector_store %arg7[%swap3A_757, %swap3A_758, %swap3A_759, %swap3A_760], %swap3A_763 {strides = array<i32>} : memref<2x4x2x1024xf32, #tpu.memory_space<vmem>>, vector<1x1x1x16xf32>,
        %get3A_764 = arith.constant 0 : i32
        %get3A_765 = arith.constant 1 : i32
        %get3A_766 = arith.constant 1 : i32
        %get3A_767 = arith.index_cast %get3A_764 : i32 to index
        %get3A_768 = arith.index_cast %get3A_765 : i32 to index
        %get3A_769 = arith.index_cast %get3A_766 : i32 to index
        %get3A_770 = arith.index_cast %mul3A_736 : i32 to index
        %get3A_771 = tpu.vector_load %arg6[%get3A_767, %get3A_768, %get3A_769, %get3A_770] {strides = array<i32>} : memref<2x4x2x1024xf32, #tpu.memory_space<vmem>>, vector<1x1x1x16xf32>,
        %get3A_772 = vector.shape_cast %get3A_771 : vector<1x1x1x16xf32> to vector<16xf32>
        %add3A_773 = arith.addf %get3A_772, %get3A_743 : vector<16xf32>
        %swap3A_774 = arith.constant 0 : i32
        %swap3A_775 = arith.constant 1 : i32
        %swap3A_776 = arith.constant 1 : i32
        %swap3A_777 = arith.index_cast %swap3A_774 : i32 to index
        %swap3A_778 = arith.index_cast %swap3A_775 : i32 to index
        %swap3A_779 = arith.index_cast %swap3A_776 : i32 to index
        %swap3A_780 = arith.index_cast %mul3A_736 : i32 to index
        %swap3A_781 = tpu.vector_load %arg7[%swap3A_777, %swap3A_778, %swap3A_779, %swap3A_780] {strides = array<i32>} : memref<2x4x2x1024xf32, #tpu.memory_space<vmem>>, vector<1x1x1x16xf32>,
        %swap3A_782 = vector.shape_cast %swap3A_781 : vector<1x1x1x16xf32> to vector<16xf32>
        %swap3A_783 = vector.shape_cast %add3A_773 : vector<16xf32> to vector<1x1x1x16xf32>
        tpu.vector_store %arg7[%swap3A_777, %swap3A_778, %swap3A_779, %swap3A_780], %swap3A_783 {strides = array<i32>} : memref<2x4x2x1024xf32, #tpu.memory_space<vmem>>, vector<1x1x1x16xf32>,
        %get3A_784 = arith.constant 0 : i32
        %get3A_785 = arith.constant 2 : i32
        %get3A_786 = arith.constant 1 : i32
        %get3A_787 = arith.index_cast %get3A_784 : i32 to index
        %get3A_788 = arith.index_cast %get3A_785 : i32 to index
        %get3A_789 = arith.index_cast %get3A_786 : i32 to index
        %get3A_790 = arith.index_cast %mul3A_736 : i32 to index
        %get3A_791 = tpu.vector_load %arg6[%get3A_787, %get3A_788, %get3A_789, %get3A_790] {strides = array<i32>} : memref<2x4x2x1024xf32, #tpu.memory_space<vmem>>, vector<1x1x1x16xf32>,
        %get3A_792 = vector.shape_cast %get3A_791 : vector<1x1x1x16xf32> to vector<16xf32>
        %add3A_793 = arith.addf %get3A_792, %get3A_743 : vector<16xf32>
        %swap3A_794 = arith.constant 0 : i32
        %swap3A_795 = arith.constant 2 : i32
        %swap3A_796 = arith.constant 1 : i32
        %swap3A_797 = arith.index_cast %swap3A_794 : i32 to index
        %swap3A_798 = arith.index_cast %swap3A_795 : i32 to index
        %swap3A_799 = arith.index_cast %swap3A_796 : i32 to index
        %swap3A_800 = arith.index_cast %mul3A_736 : i32 to index
        %swap3A_801 = tpu.vector_load %arg7[%swap3A_797, %swap3A_798, %swap3A_799, %swap3A_800] {strides = array<i32>} : memref<2x4x2x1024xf32, #tpu.memory_space<vmem>>, vector<1x1x1x16xf32>,
        %swap3A_802 = vector.shape_cast %swap3A_801 : vector<1x1x1x16xf32> to vector<16xf32>
        %swap3A_803 = vector.shape_cast %add3A_793 : vector<16xf32> to vector<1x1x1x16xf32>
        tpu.vector_store %arg7[%swap3A_797, %swap3A_798, %swap3A_799, %swap3A_800], %swap3A_803 {strides = array<i32>} : memref<2x4x2x1024xf32, #tpu.memory_space<vmem>>, vector<1x1x1x16xf32>,
        %get3A_804 = arith.constant 0 : i32
        %get3A_805 = arith.constant 3 : i32
        %get3A_806 = arith.constant 1 : i32
        %get3A_807 = arith.index_cast %get3A_804 : i32 to index
        %get3A_808 = arith.index_cast %get3A_805 : i32 to index
        %get3A_809 = arith.index_cast %get3A_806 : i32 to index
        %get3A_810 = arith.index_cast %mul3A_736 : i32 to index
        %get3A_811 = tpu.vector_load %arg6[%get3A_807, %get3A_808, %get3A_809, %get3A_810] {strides = array<i32>} : memref<2x4x2x1024xf32, #tpu.memory_space<vmem>>, vector<1x1x1x16xf32>,
        %get3A_812 = vector.shape_cast %get3A_811 : vector<1x1x1x16xf32> to vector<16xf32>
        %add3A_813 = arith.addf %get3A_812, %get3A_743 : vector<16xf32>
        %swap3A_814 = arith.constant 0 : i32
        %swap3A_815 = arith.constant 3 : i32
        %swap3A_816 = arith.constant 1 : i32
        %swap3A_817 = arith.index_cast %swap3A_814 : i32 to index
        %swap3A_818 = arith.index_cast %swap3A_815 : i32 to index
        %swap3A_819 = arith.index_cast %swap3A_816 : i32 to index
        %swap3A_820 = arith.index_cast %mul3A_736 : i32 to index
        %swap3A_821 = tpu.vector_load %arg7[%swap3A_817, %swap3A_818, %swap3A_819, %swap3A_820] {strides = array<i32>} : memref<2x4x2x1024xf32, #tpu.memory_space<vmem>>, vector<1x1x1x16xf32>,
        %swap3A_822 = vector.shape_cast %swap3A_821 : vector<1x1x1x16xf32> to vector<16xf32>
        %swap3A_823 = vector.shape_cast %add3A_813 : vector<16xf32> to vector<1x1x1x16xf32>
        tpu.vector_store %arg7[%swap3A_817, %swap3A_818, %swap3A_819, %swap3A_820], %swap3A_823 {strides = array<i32>} : memref<2x4x2x1024xf32, #tpu.memory_space<vmem>>, vector<1x1x1x16xf32>,
        %mul3A_824 = arith.constant 8 : i32
        %mul3A_825 = arith.muli %scan3A_267, %mul3A_824 : i32
        %add3A_826 = arith.constant 6 : i32
        %add3A_827 = arith.addi %mul3A_825, %add3A_826 : i32
        %mul3A_828 = arith.constant 16 : i32
        %mul3A_829 = arith.muli %add3A_827, %mul3A_828 : i32
        %get3A_830 = arith.constant 0 : i32
        %get3A_831 = arith.constant 1 : i32
        %get3A_832 = arith.index_cast %get3A_830 : i32 to index
        %get3A_833 = arith.index_cast %get3A_831 : i32 to index
        %get3A_834 = arith.index_cast %mul3A_829 : i32 to index
        %get3A_835 = tpu.vector_load %arg5[%get3A_832, %get3A_833, %get3A_834] {strides = array<i32>} : memref<2x2x1024xf32, #tpu.memory_space<vmem>>, vector<1x1x16xf32>,
        %get3A_836 = vector.shape_cast %get3A_835 : vector<1x1x16xf32> to vector<16xf32>
        %get3A_837 = arith.constant 0 : i32
        %get3A_838 = arith.constant 0 : i32
        %get3A_839 = arith.constant 1 : i32
        %get3A_840 = arith.index_cast %get3A_837 : i32 to index
        %get3A_841 = arith.index_cast %get3A_838 : i32 to index
        %get3A_842 = arith.index_cast %get3A_839 : i32 to index
        %get3A_843 = arith.index_cast %mul3A_829 : i32 to index
        %get3A_844 = tpu.vector_load %arg6[%get3A_840, %get3A_841, %get3A_842, %get3A_843] {strides = array<i32>} : memref<2x4x2x1024xf32, #tpu.memory_space<vmem>>, vector<1x1x1x16xf32>,
        %get3A_845 = vector.shape_cast %get3A_844 : vector<1x1x1x16xf32> to vector<16xf32>
        %add3A_846 = arith.addf %get3A_845, %get3A_836 : vector<16xf32>
        %swap3A_847 = arith.constant 0 : i32
        %swap3A_848 = arith.constant 0 : i32
        %swap3A_849 = arith.constant 1 : i32
        %swap3A_850 = arith.index_cast %swap3A_847 : i32 to index
        %swap3A_851 = arith.index_cast %swap3A_848 : i32 to index
        %swap3A_852 = arith.index_cast %swap3A_849 : i32 to index
        %swap3A_853 = arith.index_cast %mul3A_829 : i32 to index
        %swap3A_854 = tpu.vector_load %arg7[%swap3A_850, %swap3A_851, %swap3A_852, %swap3A_853] {strides = array<i32>} : memref<2x4x2x1024xf32, #tpu.memory_space<vmem>>, vector<1x1x1x16xf32>,
        %swap3A_855 = vector.shape_cast %swap3A_854 : vector<1x1x1x16xf32> to vector<16xf32>
        %swap3A_856 = vector.shape_cast %add3A_846 : vector<16xf32> to vector<1x1x1x16xf32>
        tpu.vector_store %arg7[%swap3A_850, %swap3A_851, %swap3A_852, %swap3A_853], %swap3A_856 {strides = array<i32>} : memref<2x4x2x1024xf32, #tpu.memory_space<vmem>>, vector<1x1x1x16xf32>,
        %get3A_857 = arith.constant 0 : i32
        %get3A_858 = arith.constant 1 : i32
        %get3A_859 = arith.constant 1 : i32
        %get3A_860 = arith.index_cast %get3A_857 : i32 to index
        %get3A_861 = arith.index_cast %get3A_858 : i32 to index
        %get3A_862 = arith.index_cast %get3A_859 : i32 to index
        %get3A_863 = arith.index_cast %mul3A_829 : i32 to index
        %get3A_864 = tpu.vector_load %arg6[%get3A_860, %get3A_861, %get3A_862, %get3A_863] {strides = array<i32>} : memref<2x4x2x1024xf32, #tpu.memory_space<vmem>>, vector<1x1x1x16xf32>,
        %get3A_865 = vector.shape_cast %get3A_864 : vector<1x1x1x16xf32> to vector<16xf32>
        %add3A_866 = arith.addf %get3A_865, %get3A_836 : vector<16xf32>
        %swap3A_867 = arith.constant 0 : i32
        %swap3A_868 = arith.constant 1 : i32
        %swap3A_869 = arith.constant 1 : i32
        %swap3A_870 = arith.index_cast %swap3A_867 : i32 to index
        %swap3A_871 = arith.index_cast %swap3A_868 : i32 to index
        %swap3A_872 = arith.index_cast %swap3A_869 : i32 to index
        %swap3A_873 = arith.index_cast %mul3A_829 : i32 to index
        %swap3A_874 = tpu.vector_load %arg7[%swap3A_870, %swap3A_871, %swap3A_872, %swap3A_873] {strides = array<i32>} : memref<2x4x2x1024xf32, #tpu.memory_space<vmem>>, vector<1x1x1x16xf32>,
        %swap3A_875 = vector.shape_cast %swap3A_874 : vector<1x1x1x16xf32> to vector<16xf32>
        %swap3A_876 = vector.shape_cast %add3A_866 : vector<16xf32> to vector<1x1x1x16xf32>
        tpu.vector_store %arg7[%swap3A_870, %swap3A_871, %swap3A_872, %swap3A_873], %swap3A_876 {strides = array<i32>} : memref<2x4x2x1024xf32, #tpu.memory_space<vmem>>, vector<1x1x1x16xf32>,
        %get3A_877 = arith.constant 0 : i32
        %get3A_878 = arith.constant 2 : i32
        %get3A_879 = arith.constant 1 : i32
        %get3A_880 = arith.index_cast %get3A_877 : i32 to index
        %get3A_881 = arith.index_cast %get3A_878 : i32 to index
        %get3A_882 = arith.index_cast %get3A_879 : i32 to index
        %get3A_883 = arith.index_cast %mul3A_829 : i32 to index
        %get3A_884 = tpu.vector_load %arg6[%get3A_880, %get3A_881, %get3A_882, %get3A_883] {strides = array<i32>} : memref<2x4x2x1024xf32, #tpu.memory_space<vmem>>, vector<1x1x1x16xf32>,
        %get3A_885 = vector.shape_cast %get3A_884 : vector<1x1x1x16xf32> to vector<16xf32>
        %add3A_886 = arith.addf %get3A_885, %get3A_836 : vector<16xf32>
        %swap3A_887 = arith.constant 0 : i32
        %swap3A_888 = arith.constant 2 : i32
        %swap3A_889 = arith.constant 1 : i32
        %swap3A_890 = arith.index_cast %swap3A_887 : i32 to index
        %swap3A_891 = arith.index_cast %swap3A_888 : i32 to index
        %swap3A_892 = arith.index_cast %swap3A_889 : i32 to index
        %swap3A_893 = arith.index_cast %mul3A_829 : i32 to index
        %swap3A_894 = tpu.vector_load %arg7[%swap3A_890, %swap3A_891, %swap3A_892, %swap3A_893] {strides = array<i32>} : memref<2x4x2x1024xf32, #tpu.memory_space<vmem>>, vector<1x1x1x16xf32>,
        %swap3A_895 = vector.shape_cast %swap3A_894 : vector<1x1x1x16xf32> to vector<16xf32>
        %swap3A_896 = vector.shape_cast %add3A_886 : vector<16xf32> to vector<1x1x1x16xf32>
        tpu.vector_store %arg7[%swap3A_890, %swap3A_891, %swap3A_892, %swap3A_893], %swap3A_896 {strides = array<i32>} : memref<2x4x2x1024xf32, #tpu.memory_space<vmem>>, vector<1x1x1x16xf32>,
        %get3A_897 = arith.constant 0 : i32
        %get3A_898 = arith.constant 3 : i32
        %get3A_899 = arith.constant 1 : i32
        %get3A_900 = arith.index_cast %get3A_897 : i32 to index
        %get3A_901 = arith.index_cast %get3A_898 : i32 to index
        %get3A_902 = arith.index_cast %get3A_899 : i32 to index
        %get3A_903 = arith.index_cast %mul3A_829 : i32 to index
        %get3A_904 = tpu.vector_load %arg6[%get3A_900, %get3A_901, %get3A_902, %get3A_903] {strides = array<i32>} : memref<2x4x2x1024xf32, #tpu.memory_space<vmem>>, vector<1x1x1x16xf32>,
        %get3A_905 = vector.shape_cast %get3A_904 : vector<1x1x1x16xf32> to vector<16xf32>
        %add3A_906 = arith.addf %get3A_905, %get3A_836 : vector<16xf32>
        %swap3A_907 = arith.constant 0 : i32
        %swap3A_908 = arith.constant 3 : i32
        %swap3A_909 = arith.constant 1 : i32
        %swap3A_910 = arith.index_cast %swap3A_907 : i32 to index
        %swap3A_911 = arith.index_cast %swap3A_908 : i32 to index
        %swap3A_912 = arith.index_cast %swap3A_909 : i32 to index
        %swap3A_913 = arith.index_cast %mul3A_829 : i32 to index
        %swap3A_914 = tpu.vector_load %arg7[%swap3A_910, %swap3A_911, %swap3A_912, %swap3A_913] {strides = array<i32>} : memref<2x4x2x1024xf32, #tpu.memory_space<vmem>>, vector<1x1x1x16xf32>,
        %swap3A_915 = vector.shape_cast %swap3A_914 : vector<1x1x1x16xf32> to vector<16xf32>
        %swap3A_916 = vector.shape_cast %add3A_906 : vector<16xf32> to vector<1x1x1x16xf32>
        tpu.vector_store %arg7[%swap3A_910, %swap3A_911, %swap3A_912, %swap3A_913], %swap3A_916 {strides = array<i32>} : memref<2x4x2x1024xf32, #tpu.memory_space<vmem>>, vector<1x1x1x16xf32>,
        %mul3A_917 = arith.constant 8 : i32
        %mul3A_918 = arith.muli %scan3A_267, %mul3A_917 : i32
        %add3A_919 = arith.constant 7 : i32
        %add3A_920 = arith.addi %mul3A_918, %add3A_919 : i32
        %mul3A_921 = arith.constant 16 : i32
        %mul3A_922 = arith.muli %add3A_920, %mul3A_921 : i32
        %get3A_923 = arith.constant 0 : i32
        %get3A_924 = arith.constant 1 : i32
        %get3A_925 = arith.index_cast %get3A_923 : i32 to index
        %get3A_926 = arith.index_cast %get3A_924 : i32 to index
        %get3A_927 = arith.index_cast %mul3A_922 : i32 to index
        %get3A_928 = tpu.vector_load %arg5[%get3A_925, %get3A_926, %get3A_927] {strides = array<i32>} : memref<2x2x1024xf32, #tpu.memory_space<vmem>>, vector<1x1x16xf32>,
        %get3A_929 = vector.shape_cast %get3A_928 : vector<1x1x16xf32> to vector<16xf32>
        %get3A_930 = arith.constant 0 : i32
        %get3A_931 = arith.constant 0 : i32
        %get3A_932 = arith.constant 1 : i32
        %get3A_933 = arith.index_cast %get3A_930 : i32 to index
        %get3A_934 = arith.index_cast %get3A_931 : i32 to index
        %get3A_935 = arith.index_cast %get3A_932 : i32 to index
        %get3A_936 = arith.index_cast %mul3A_922 : i32 to index
        %get3A_937 = tpu.vector_load %arg6[%get3A_933, %get3A_934, %get3A_935, %get3A_936] {strides = array<i32>} : memref<2x4x2x1024xf32, #tpu.memory_space<vmem>>, vector<1x1x1x16xf32>,
        %get3A_938 = vector.shape_cast %get3A_937 : vector<1x1x1x16xf32> to vector<16xf32>
        %add3A_939 = arith.addf %get3A_938, %get3A_929 : vector<16xf32>
        %swap3A_940 = arith.constant 0 : i32
        %swap3A_941 = arith.constant 0 : i32
        %swap3A_942 = arith.constant 1 : i32
        %swap3A_943 = arith.index_cast %swap3A_940 : i32 to index
        %swap3A_944 = arith.index_cast %swap3A_941 : i32 to index
        %swap3A_945 = arith.index_cast %swap3A_942 : i32 to index
        %swap3A_946 = arith.index_cast %mul3A_922 : i32 to index
        %swap3A_947 = tpu.vector_load %arg7[%swap3A_943, %swap3A_944, %swap3A_945, %swap3A_946] {strides = array<i32>} : memref<2x4x2x1024xf32, #tpu.memory_space<vmem>>, vector<1x1x1x16xf32>,
        %swap3A_948 = vector.shape_cast %swap3A_947 : vector<1x1x1x16xf32> to vector<16xf32>
        %swap3A_949 = vector.shape_cast %add3A_939 : vector<16xf32> to vector<1x1x1x16xf32>
        tpu.vector_store %arg7[%swap3A_943, %swap3A_944, %swap3A_945, %swap3A_946], %swap3A_949 {strides = array<i32>} : memref<2x4x2x1024xf32, #tpu.memory_space<vmem>>, vector<1x1x1x16xf32>,
        %get3A_950 = arith.constant 0 : i32
        %get3A_951 = arith.constant 1 : i32
        %get3A_952 = arith.constant 1 : i32
        %get3A_953 = arith.index_cast %get3A_950 : i32 to index
        %get3A_954 = arith.index_cast %get3A_951 : i32 to index
        %get3A_955 = arith.index_cast %get3A_952 : i32 to index
        %get3A_956 = arith.index_cast %mul3A_922 : i32 to index
        %get3A_957 = tpu.vector_load %arg6[%get3A_953, %get3A_954, %get3A_955, %get3A_956] {strides = array<i32>} : memref<2x4x2x1024xf32, #tpu.memory_space<vmem>>, vector<1x1x1x16xf32>,
        %get3A_958 = vector.shape_cast %get3A_957 : vector<1x1x1x16xf32> to vector<16xf32>
        %add3A_959 = arith.addf %get3A_958, %get3A_929 : vector<16xf32>
        %swap3A_960 = arith.constant 0 : i32
        %swap3A_961 = arith.constant 1 : i32
        %swap3A_962 = arith.constant 1 : i32
        %swap3A_963 = arith.index_cast %swap3A_960 : i32 to index
        %swap3A_964 = arith.index_cast %swap3A_961 : i32 to index
        %swap3A_965 = arith.index_cast %swap3A_962 : i32 to index
        %swap3A_966 = arith.index_cast %mul3A_922 : i32 to index
        %swap3A_967 = tpu.vector_load %arg7[%swap3A_963, %swap3A_964, %swap3A_965, %swap3A_966] {strides = array<i32>} : memref<2x4x2x1024xf32, #tpu.memory_space<vmem>>, vector<1x1x1x16xf32>,
        %swap3A_968 = vector.shape_cast %swap3A_967 : vector<1x1x1x16xf32> to vector<16xf32>
        %swap3A_969 = vector.shape_cast %add3A_959 : vector<16xf32> to vector<1x1x1x16xf32>
        tpu.vector_store %arg7[%swap3A_963, %swap3A_964, %swap3A_965, %swap3A_966], %swap3A_969 {strides = array<i32>} : memref<2x4x2x1024xf32, #tpu.memory_space<vmem>>, vector<1x1x1x16xf32>,
        %get3A_970 = arith.constant 0 : i32
        %get3A_971 = arith.constant 2 : i32
        %get3A_972 = arith.constant 1 : i32
        %get3A_973 = arith.index_cast %get3A_970 : i32 to index
        %get3A_974 = arith.index_cast %get3A_971 : i32 to index
        %get3A_975 = arith.index_cast %get3A_972 : i32 to index
        %get3A_976 = arith.index_cast %mul3A_922 : i32 to index
        %get3A_977 = tpu.vector_load %arg6[%get3A_973, %get3A_974, %get3A_975, %get3A_976] {strides = array<i32>} : memref<2x4x2x1024xf32, #tpu.memory_space<vmem>>, vector<1x1x1x16xf32>,
        %get3A_978 = vector.shape_cast %get3A_977 : vector<1x1x1x16xf32> to vector<16xf32>
        %add3A_979 = arith.addf %get3A_978, %get3A_929 : vector<16xf32>
        %swap3A_980 = arith.constant 0 : i32
        %swap3A_981 = arith.constant 2 : i32
        %swap3A_982 = arith.constant 1 : i32
        %swap3A_983 = arith.index_cast %swap3A_980 : i32 to index
        %swap3A_984 = arith.index_cast %swap3A_981 : i32 to index
        %swap3A_985 = arith.index_cast %swap3A_982 : i32 to index
        %swap3A_986 = arith.index_cast %mul3A_922 : i32 to index
        %swap3A_987 = tpu.vector_load %arg7[%swap3A_983, %swap3A_984, %swap3A_985, %swap3A_986] {strides = array<i32>} : memref<2x4x2x1024xf32, #tpu.memory_space<vmem>>, vector<1x1x1x16xf32>,
        %swap3A_988 = vector.shape_cast %swap3A_987 : vector<1x1x1x16xf32> to vector<16xf32>
        %swap3A_989 = vector.shape_cast %add3A_979 : vector<16xf32> to vector<1x1x1x16xf32>
        tpu.vector_store %arg7[%swap3A_983, %swap3A_984, %swap3A_985, %swap3A_986], %swap3A_989 {strides = array<i32>} : memref<2x4x2x1024xf32, #tpu.memory_space<vmem>>, vector<1x1x1x16xf32>,
        %get3A_990 = arith.constant 0 : i32
        %get3A_991 = arith.constant 3 : i32
        %get3A_992 = arith.constant 1 : i32
        %get3A_993 = arith.index_cast %get3A_990 : i32 to index
        %get3A_994 = arith.index_cast %get3A_991 : i32 to index
        %get3A_995 = arith.index_cast %get3A_992 : i32 to index
        %get3A_996 = arith.index_cast %mul3A_922 : i32 to index
        %get3A_997 = tpu.vector_load %arg6[%get3A_993, %get3A_994, %get3A_995, %get3A_996] {strides = array<i32>} : memref<2x4x2x1024xf32, #tpu.memory_space<vmem>>, vector<1x1x1x16xf32>,
        %get3A_998 = vector.shape_cast %get3A_997 : vector<1x1x1x16xf32> to vector<16xf32>
        %add3A_999 = arith.addf %get3A_998, %get3A_929 : vector<16xf32>
        %swap3A_1000 = arith.constant 0 : i32
        %swap3A_1001 = arith.constant 3 : i32
        %swap3A_1002 = arith.constant 1 : i32
        %swap3A_1003 = arith.index_cast %swap3A_1000 : i32 to index
        %swap3A_1004 = arith.index_cast %swap3A_1001 : i32 to index
        %swap3A_1005 = arith.index_cast %swap3A_1002 : i32 to index
        %swap3A_1006 = arith.index_cast %mul3A_922 : i32 to index
        %swap3A_1007 = tpu.vector_load %arg7[%swap3A_1003, %swap3A_1004, %swap3A_1005, %swap3A_1006] {strides = array<i32>} : memref<2x4x2x1024xf32, #tpu.memory_space<vmem>>, vector<1x1x1x16xf32>,
        %swap3A_1008 = vector.shape_cast %swap3A_1007 : vector<1x1x1x16xf32> to vector<16xf32>
        %swap3A_1009 = vector.shape_cast %add3A_999 : vector<16xf32> to vector<1x1x1x16xf32>
        tpu.vector_store %arg7[%swap3A_1003, %swap3A_1004, %swap3A_1005, %swap3A_1006], %swap3A_1009 {strides = array<i32>} : memref<2x4x2x1024xf32, #tpu.memory_space<vmem>>, vector<1x1x1x16xf32>,
      }
      %scan3A_159 = arith.constant 8 : i32
      %mul3A_160 = arith.constant 2 : i32
      %mul3A_161 = arith.muli %add3A_112, %mul3A_160 : i32
      %add3A_162 = arith.addi %mul3A_2, %mul3A_161 : i32
      %dma_start3A_163 = arith.constant 0 : i32
      %dma_start3A_164 = arith.constant 0 : i32
      %dma_start3A_165 = arith.constant 0 : i32
      %dma_start3A_166 = arith.constant 0 : i32
      %dma_start3A_167 = tpu.memref_slice %arg7[%dma_start3A_163, %dma_start3A_164, %dma_start3A_165, %dma_start3A_166] : memref<2x4x2x1024xf32, #tpu.memory_space<vmem>> -> memref<1x4x2x1024xf32, #tpu.memory_space<vmem>>
      %dma_start3A_168 = tpu.memref_squeeze %dma_start3A_167 : memref<1x4x2x1024xf32, #tpu.memory_space<vmem>> -> memref<4x2x1024xf32, #tpu.memory_space<vmem>>
      %dma_start3A_169 = arith.constant 0 : i32
      %dma_start3A_170 = arith.constant 0 : i32
      %dma_start3A_171 = tpu.memref_slice %arg4[%dma_start3A_169, %add3A_162, %dma_start3A_170] : memref<4x4096x1024xf32, #tpu.memory_space<hbm>> -> memref<4x2x1024xf32, #tpu.memory_space<hbm>>
      %dma_start3A_172 = arith.constant 0 : i32
      %dma_start3A_173 = arith.constant 0 : i32
      %dma_start3A_174 = tpu.memref_slice %arg4[%dma_start3A_172, %add3A_162, %dma_start3A_173] : memref<4x4096x1024xf32, #tpu.memory_space<hbm>> -> memref<4x2x1024xf32, #tpu.memory_space<hbm>>
      %dma_start3A_175 = arith.constant 0 : i32
      %dma_start3A_176 = arith.constant 0 : i32
      %dma_start3A_177 = arith.constant 0 : i32
      %dma_start3A_178 = tpu.memref_slice %arg7[%dma_start3A_163, %dma_start3A_175, %dma_start3A_176, %dma_start3A_177] : memref<2x4x2x1024xf32, #tpu.memory_space<vmem>> -> memref<1x4x2x1024xf32, #tpu.memory_space<vmem>>
      %dma_start3A_179 = tpu.memref_squeeze %dma_start3A_178 : memref<1x4x2x1024xf32, #tpu.memory_space<vmem>> -> memref<4x2x1024xf32, #tpu.memory_space<vmem>>
      tpu.enqueue_dma source(%dma_start3A_179 : memref<4x2x1024xf32, #tpu.memory_space<vmem>>) target(%dma_start3A_174 : memref<4x2x1024xf32, #tpu.memory_space<hbm>>) target_semaphore(%arg10 : memref<!tpu.dma_semaphore, #tpu.memory_space<semaphore_mem>>)
      %add3A_180 = arith.constant 1 : i32
      %add3A_181 = arith.addi %scan3A_108, %add3A_180 : i32
      %lt3A = arith.constant 32 : i32
      %lt3A_182 = arith.cmpi slt, %add3A_181, %lt3A : i32
      %convert_element_type3A_183 = arith.extui %lt3A_182 : i1 to i32
      %cond3A_184 = arith.constant 0 : i32
      %cond3A_185 = arith.cmpi ne, %convert_element_type3A_183, %cond3A_184 : i32
      scf.if %cond3A_185 {
        %add3A_267 = arith.constant 2 : i32
        %add3A_268 = arith.addi %add3A_112, %add3A_267 : i32
        %mul3A_269 = arith.constant 2 : i32
        %mul3A_270 = arith.muli %add3A_268, %mul3A_269 : i32
        %add3A_271 = arith.addi %mul3A_2, %mul3A_270 : i32
        %dma_start3A_272 = arith.constant 0 : i32
        %dma_start3A_273 = arith.constant 0 : i32
        %dma_start3A_274 = arith.constant 0 : i32
        %dma_start3A_275 = tpu.memref_slice %arg5[%dma_start3A_272, %dma_start3A_273, %dma_start3A_274] : memref<2x2x1024xf32, #tpu.memory_space<vmem>> -> memref<1x2x1024xf32, #tpu.memory_space<vmem>>
        %dma_start3A_276 = tpu.memref_squeeze %dma_start3A_275 : memref<1x2x1024xf32, #tpu.memory_space<vmem>> -> memref<2x1024xf32, #tpu.memory_space<vmem>>
        %dma_start3A_277 = arith.constant 0 : i32
        %dma_start3A_278 = tpu.memref_slice %arg3[%add3A_271, %dma_start3A_277] : memref<8192x1024xf32, #tpu.memory_space<hbm>> -> memref<2x1024xf32, #tpu.memory_space<hbm>>
        %dma_start3A_279 = arith.constant 0 : i32
        %dma_start3A_280 = arith.constant 0 : i32
        %dma_start3A_281 = tpu.memref_slice %arg5[%dma_start3A_272, %dma_start3A_279, %dma_start3A_280] : memref<2x2x1024xf32, #tpu.memory_space<vmem>> -> memref<1x2x1024xf32, #tpu.memory_space<vmem>>
        %dma_start3A_282 = tpu.memref_squeeze %dma_start3A_281 : memref<1x2x1024xf32, #tpu.memory_space<vmem>> -> memref<2x1024xf32, #tpu.memory_space<vmem>>
        %dma_start3A_283 = arith.constant 0 : i32
        %dma_start3A_284 = tpu.memref_slice %arg3[%add3A_271, %dma_start3A_283] : memref<8192x1024xf32, #tpu.memory_space<hbm>> -> memref<2x1024xf32, #tpu.memory_space<hbm>>
        tpu.enqueue_dma source(%dma_start3A_284 : memref<2x1024xf32, #tpu.memory_space<hbm>>) target(%dma_start3A_282 : memref<2x1024xf32, #tpu.memory_space<vmem>>) target_semaphore(%arg8 : memref<!tpu.dma_semaphore, #tpu.memory_space<semaphore_mem>>)
        %dma_start3A_285 = arith.constant 0 : i32
        %dma_start3A_286 = arith.constant 0 : i32
        %dma_start3A_287 = arith.constant 0 : i32
        %dma_start3A_288 = arith.constant 0 : i32
        %dma_start3A_289 = tpu.memref_slice %arg6[%dma_start3A_285, %dma_start3A_286, %dma_start3A_287, %dma_start3A_288] : memref<2x4x2x1024xf32, #tpu.memory_space<vmem>> -> memref<1x4x2x1024xf32, #tpu.memory_space<vmem>>
        %dma_start3A_290 = tpu.memref_squeeze %dma_start3A_289 : memref<1x4x2x1024xf32, #tpu.memory_space<vmem>> -> memref<4x2x1024xf32, #tpu.memory_space<vmem>>
        %dma_start3A_291 = arith.constant 0 : i32
        %dma_start3A_292 = arith.constant 0 : i32
        %dma_start3A_293 = tpu.memref_slice %arg2[%dma_start3A_291, %add3A_271, %dma_start3A_292] : memref<4x4096x1024xf32, #tpu.memory_space<hbm>> -> memref<4x2x1024xf32, #tpu.memory_space<hbm>>
        %dma_start3A_294 = arith.constant 0 : i32
        %dma_start3A_295 = arith.constant 0 : i32
        %dma_start3A_296 = arith.constant 0 : i32
        %dma_start3A_297 = tpu.memref_slice %arg6[%dma_start3A_285, %dma_start3A_294, %dma_start3A_295, %dma_start3A_296] : memref<2x4x2x1024xf32, #tpu.memory_space<vmem>> -> memref<1x4x2x1024xf32, #tpu.memory_space<vmem>>
        %dma_start3A_298 = tpu.memref_squeeze %dma_start3A_297 : memref<1x4x2x1024xf32, #tpu.memory_space<vmem>> -> memref<4x2x1024xf32, #tpu.memory_space<vmem>>
        %dma_start3A_299 = arith.constant 0 : i32
        %dma_start3A_300 = arith.constant 0 : i32
        %dma_start3A_301 = tpu.memref_slice %arg2[%dma_start3A_299, %add3A_271, %dma_start3A_300] : memref<4x4096x1024xf32, #tpu.memory_space<hbm>> -> memref<4x2x1024xf32, #tpu.memory_space<hbm>>
        tpu.enqueue_dma source(%dma_start3A_301 : memref<4x2x1024xf32, #tpu.memory_space<hbm>>) target(%dma_start3A_298 : memref<4x2x1024xf32, #tpu.memory_space<vmem>>) target_semaphore(%arg8 : memref<!tpu.dma_semaphore, #tpu.memory_space<semaphore_mem>>)
      } else {
      }
      %mul3A_186 = arith.constant 2 : i32
      %mul3A_187 = arith.muli %mul3A_186, %scan3A_108 : i32
      %add3A_188 = arith.constant 1 : i32
      %add3A_189 = arith.addi %mul3A_187, %add3A_188 : i32
      %mul3A_190 = arith.constant 2 : i32
      %mul3A_191 = arith.muli %add3A_189, %mul3A_190 : i32
      %add3A_192 = arith.addi %mul3A_2, %mul3A_191 : i32
      %dma_wait3A_193 = arith.constant 1 : i32
      %dma_wait3A_194 = arith.constant 0 : i32
      %dma_wait3A_195 = arith.constant 0 : i32
      %dma_wait3A_196 = tpu.memref_slice %arg5[%dma_wait3A_193, %dma_wait3A_194, %dma_wait3A_195] : memref<2x2x1024xf32, #tpu.memory_space<vmem>> -> memref<1x2x1024xf32, #tpu.memory_space<vmem>>
      %dma_wait3A_197 = tpu.memref_squeeze %dma_wait3A_196 : memref<1x2x1024xf32, #tpu.memory_space<vmem>> -> memref<2x1024xf32, #tpu.memory_space<vmem>>
      %dma_wait3A_198 = arith.constant 0 : i32
      %dma_wait3A_199 = tpu.memref_slice %arg3[%add3A_192, %dma_wait3A_198] : memref<8192x1024xf32, #tpu.memory_space<hbm>> -> memref<2x1024xf32, #tpu.memory_space<hbm>>
      %dma_wait3A_200 = arith.constant 0 : i32
      %dma_wait3A_201 = arith.constant 0 : i32
      %dma_wait3A_202 = tpu.memref_slice %arg5[%dma_wait3A_193, %dma_wait3A_200, %dma_wait3A_201] : memref<2x2x1024xf32, #tpu.memory_space<vmem>> -> memref<1x2x1024xf32, #tpu.memory_space<vmem>>
      %dma_wait3A_203 = tpu.memref_squeeze %dma_wait3A_202 : memref<1x2x1024xf32, #tpu.memory_space<vmem>> -> memref<2x1024xf32, #tpu.memory_space<vmem>>
      %dma_wait3A_204 = arith.constant 0 : i32
      %dma_wait3A_205 = tpu.memref_slice %arg3[%add3A_192, %dma_wait3A_204] : memref<8192x1024xf32, #tpu.memory_space<hbm>> -> memref<2x1024xf32, #tpu.memory_space<hbm>>
      tpu.wait_dma2 semaphore(%arg9 : memref<!tpu.dma_semaphore, #tpu.memory_space<semaphore_mem>>) src(%dma_wait3A_205 : memref<2x1024xf32, #tpu.memory_space<hbm>>) dst(%dma_wait3A_203 : memref<2x1024xf32, #tpu.memory_space<vmem>>)
      %dma_wait3A_206 = arith.constant 1 : i32
      %dma_wait3A_207 = arith.constant 0 : i32
      %dma_wait3A_208 = arith.constant 0 : i32
      %dma_wait3A_209 = arith.constant 0 : i32
      %dma_wait3A_210 = tpu.memref_slice %arg6[%dma_wait3A_206, %dma_wait3A_207, %dma_wait3A_208, %dma_wait3A_209] : memref<2x4x2x1024xf32, #tpu.memory_space<vmem>> -> memref<1x4x2x1024xf32, #tpu.memory_space<vmem>>
      %dma_wait3A_211 = tpu.memref_squeeze %dma_wait3A_210 : memref<1x4x2x1024xf32, #tpu.memory_space<vmem>> -> memref<4x2x1024xf32, #tpu.memory_space<vmem>>
      %dma_wait3A_212 = arith.constant 0 : i32
      %dma_wait3A_213 = arith.constant 0 : i32
      %dma_wait3A_214 = tpu.memref_slice %arg2[%dma_wait3A_212, %add3A_192, %dma_wait3A_213] : memref<4x4096x1024xf32, #tpu.memory_space<hbm>> -> memref<4x2x1024xf32, #tpu.memory_space<hbm>>
      %dma_wait3A_215 = arith.constant 0 : i32
      %dma_wait3A_216 = arith.constant 0 : i32
      %dma_wait3A_217 = arith.constant 0 : i32
      %dma_wait3A_218 = tpu.memref_slice %arg6[%dma_wait3A_206, %dma_wait3A_215, %dma_wait3A_216, %dma_wait3A_217] : memref<2x4x2x1024xf32, #tpu.memory_space<vmem>> -> memref<1x4x2x1024xf32, #tpu.memory_space<vmem>>
      %dma_wait3A_219 = tpu.memref_squeeze %dma_wait3A_218 : memref<1x4x2x1024xf32, #tpu.memory_space<vmem>> -> memref<4x2x1024xf32, #tpu.memory_space<vmem>>
      %dma_wait3A_220 = arith.constant 0 : i32
      %dma_wait3A_221 = arith.constant 0 : i32
      %dma_wait3A_222 = tpu.memref_slice %arg2[%dma_wait3A_220, %add3A_192, %dma_wait3A_221] : memref<4x4096x1024xf32, #tpu.memory_space<hbm>> -> memref<4x2x1024xf32, #tpu.memory_space<hbm>>
      tpu.wait_dma2 semaphore(%arg9 : memref<!tpu.dma_semaphore, #tpu.memory_space<semaphore_mem>>) src(%dma_wait3A_222 : memref<4x2x1024xf32, #tpu.memory_space<hbm>>) dst(%dma_wait3A_219 : memref<4x2x1024xf32, #tpu.memory_space<vmem>>)
      %ge3A_223 = arith.constant 1 : i32
      %ge3A_224 = arith.cmpi sge, %scan3A_108, %ge3A_223 : i32
      %convert_element_type3A_225 = arith.extui %ge3A_224 : i1 to i32
      %cond3A_226 = arith.constant 0 : i32
      %cond3A_227 = arith.cmpi ne, %convert_element_type3A_225, %cond3A_226 : i32
      scf.if %cond3A_227 {
        %sub3A = arith.constant 2 : i32
        %sub3A_267 = arith.subi %add3A_189, %sub3A : i32
        %mul3A_268 = arith.constant 2 : i32
        %mul3A_269 = arith.muli %sub3A_267, %mul3A_268 : i32
        %add3A_270 = arith.addi %mul3A_2, %mul3A_269 : i32
        %dma_wait3A_271 = arith.constant 1 : i32
        %dma_wait3A_272 = arith.constant 0 : i32
        %dma_wait3A_273 = arith.constant 0 : i32
        %dma_wait3A_274 = arith.constant 0 : i32
        %dma_wait3A_275 = tpu.memref_slice %arg7[%dma_wait3A_271, %dma_wait3A_272, %dma_wait3A_273, %dma_wait3A_274] : memref<2x4x2x1024xf32, #tpu.memory_space<vmem>> -> memref<1x4x2x1024xf32, #tpu.memory_space<vmem>>
        %dma_wait3A_276 = tpu.memref_squeeze %dma_wait3A_275 : memref<1x4x2x1024xf32, #tpu.memory_space<vmem>> -> memref<4x2x1024xf32, #tpu.memory_space<vmem>>
        %dma_wait3A_277 = arith.constant 0 : i32
        %dma_wait3A_278 = arith.constant 0 : i32
        %dma_wait3A_279 = tpu.memref_slice %arg4[%dma_wait3A_277, %add3A_270, %dma_wait3A_278] : memref<4x4096x1024xf32, #tpu.memory_space<hbm>> -> memref<4x2x1024xf32, #tpu.memory_space<hbm>>
        %dma_wait3A_280 = arith.constant 0 : i32
        %dma_wait3A_281 = arith.constant 0 : i32
        %dma_wait3A_282 = tpu.memref_slice %arg4[%dma_wait3A_280, %add3A_270, %dma_wait3A_281] : memref<4x4096x1024xf32, #tpu.memory_space<hbm>> -> memref<4x2x1024xf32, #tpu.memory_space<hbm>>
        %dma_wait3A_283 = arith.constant 0 : i32
        %dma_wait3A_284 = arith.constant 0 : i32
        %dma_wait3A_285 = arith.constant 0 : i32
        %dma_wait3A_286 = tpu.memref_slice %arg7[%dma_wait3A_271, %dma_wait3A_283, %dma_wait3A_284, %dma_wait3A_285] : memref<2x4x2x1024xf32, #tpu.memory_space<vmem>> -> memref<1x4x2x1024xf32, #tpu.memory_space<vmem>>
        %dma_wait3A_287 = tpu.memref_squeeze %dma_wait3A_286 : memref<1x4x2x1024xf32, #tpu.memory_space<vmem>> -> memref<4x2x1024xf32, #tpu.memory_space<vmem>>
        tpu.wait_dma2 semaphore(%arg11 : memref<!tpu.dma_semaphore, #tpu.memory_space<semaphore_mem>>) src(%dma_wait3A_287 : memref<4x2x1024xf32, #tpu.memory_space<vmem>>) dst(%dma_wait3A_282 : memref<4x2x1024xf32, #tpu.memory_space<hbm>>)
      } else {
      }
      %scan3A_228 = arith.constant 0 : i32
      %scan3A_229 = arith.constant 0 : i32
      %scan3A_230 = arith.constant 8 : i32
      %scan3A_231 = arith.addi %scan3A_229, %scan3A_230 : i32
      %scan3A_232 = arith.constant 1 : i32
      scf.for %scan3A_267 = %scan3A_229 to %scan3A_231 step %scan3A_232  : i32 {
        %mul3A_268 = arith.constant 8 : i32
        %mul3A_269 = arith.muli %scan3A_267, %mul3A_268 : i32
        %add3A_270 = arith.constant 0 : i32
        %add3A_271 = arith.addi %mul3A_269, %add3A_270 : i32
        %mul3A_272 = arith.constant 16 : i32
        %mul3A_273 = arith.muli %add3A_271, %mul3A_272 : i32
        %get3A = arith.constant 1 : i32
        %get3A_274 = arith.constant 0 : i32
        %get3A_275 = arith.index_cast %get3A : i32 to index
        %get3A_276 = arith.index_cast %get3A_274 : i32 to index
        %get3A_277 = arith.index_cast %mul3A_273 : i32 to index
        %get3A_278 = tpu.vector_load %arg5[%get3A_275, %get3A_276, %get3A_277] {strides = array<i32>} : memref<2x2x1024xf32, #tpu.memory_space<vmem>>, vector<1x1x16xf32>,
        %get3A_279 = vector.shape_cast %get3A_278 : vector<1x1x16xf32> to vector<16xf32>
        %get3A_280 = arith.constant 1 : i32
        %get3A_281 = arith.constant 0 : i32
        %get3A_282 = arith.constant 0 : i32
        %get3A_283 = arith.index_cast %get3A_280 : i32 to index
        %get3A_284 = arith.index_cast %get3A_281 : i32 to index
        %get3A_285 = arith.index_cast %get3A_282 : i32 to index
        %get3A_286 = arith.index_cast %mul3A_273 : i32 to index
        %get3A_287 = tpu.vector_load %arg6[%get3A_283, %get3A_284, %get3A_285, %get3A_286] {strides = array<i32>} : memref<2x4x2x1024xf32, #tpu.memory_space<vmem>>, vector<1x1x1x16xf32>,
        %get3A_288 = vector.shape_cast %get3A_287 : vector<1x1x1x16xf32> to vector<16xf32>
        %add3A_289 = arith.addf %get3A_288, %get3A_279 : vector<16xf32>
        %swap3A = arith.constant 1 : i32
        %swap3A_290 = arith.constant 0 : i32
        %swap3A_291 = arith.constant 0 : i32
        %swap3A_292 = arith.index_cast %swap3A : i32 to index
        %swap3A_293 = arith.index_cast %swap3A_290 : i32 to index
        %swap3A_294 = arith.index_cast %swap3A_291 : i32 to index
        %swap3A_295 = arith.index_cast %mul3A_273 : i32 to index
        %swap3A_296 = tpu.vector_load %arg7[%swap3A_292, %swap3A_293, %swap3A_294, %swap3A_295] {strides = array<i32>} : memref<2x4x2x1024xf32, #tpu.memory_space<vmem>>, vector<1x1x1x16xf32>,
        %swap3A_297 = vector.shape_cast %swap3A_296 : vector<1x1x1x16xf32> to vector<16xf32>
        %swap3A_298 = vector.shape_cast %add3A_289 : vector<16xf32> to vector<1x1x1x16xf32>
        tpu.vector_store %arg7[%swap3A_292, %swap3A_293, %swap3A_294, %swap3A_295], %swap3A_298 {strides = array<i32>} : memref<2x4x2x1024xf32, #tpu.memory_space<vmem>>, vector<1x1x1x16xf32>,
        %get3A_299 = arith.constant 1 : i32
        %get3A_300 = arith.constant 1 : i32
        %get3A_301 = arith.constant 0 : i32
        %get3A_302 = arith.index_cast %get3A_299 : i32 to index
        %get3A_303 = arith.index_cast %get3A_300 : i32 to index
        %get3A_304 = arith.index_cast %get3A_301 : i32 to index
        %get3A_305 = arith.index_cast %mul3A_273 : i32 to index
        %get3A_306 = tpu.vector_load %arg6[%get3A_302, %get3A_303, %get3A_304, %get3A_305] {strides = array<i32>} : memref<2x4x2x1024xf32, #tpu.memory_space<vmem>>, vector<1x1x1x16xf32>,
        %get3A_307 = vector.shape_cast %get3A_306 : vector<1x1x1x16xf32> to vector<16xf32>
        %add3A_308 = arith.addf %get3A_307, %get3A_279 : vector<16xf32>
        %swap3A_309 = arith.constant 1 : i32
        %swap3A_310 = arith.constant 1 : i32
        %swap3A_311 = arith.constant 0 : i32
        %swap3A_312 = arith.index_cast %swap3A_309 : i32 to index
        %swap3A_313 = arith.index_cast %swap3A_310 : i32 to index
        %swap3A_314 = arith.index_cast %swap3A_311 : i32 to index
        %swap3A_315 = arith.index_cast %mul3A_273 : i32 to index
        %swap3A_316 = tpu.vector_load %arg7[%swap3A_312, %swap3A_313, %swap3A_314, %swap3A_315] {strides = array<i32>} : memref<2x4x2x1024xf32, #tpu.memory_space<vmem>>, vector<1x1x1x16xf32>,
        %swap3A_317 = vector.shape_cast %swap3A_316 : vector<1x1x1x16xf32> to vector<16xf32>
        %swap3A_318 = vector.shape_cast %add3A_308 : vector<16xf32> to vector<1x1x1x16xf32>
        tpu.vector_store %arg7[%swap3A_312, %swap3A_313, %swap3A_314, %swap3A_315], %swap3A_318 {strides = array<i32>} : memref<2x4x2x1024xf32, #tpu.memory_space<vmem>>, vector<1x1x1x16xf32>,
        %get3A_319 = arith.constant 1 : i32
        %get3A_320 = arith.constant 2 : i32
        %get3A_321 = arith.constant 0 : i32
        %get3A_322 = arith.index_cast %get3A_319 : i32 to index
        %get3A_323 = arith.index_cast %get3A_320 : i32 to index
        %get3A_324 = arith.index_cast %get3A_321 : i32 to index
        %get3A_325 = arith.index_cast %mul3A_273 : i32 to index
        %get3A_326 = tpu.vector_load %arg6[%get3A_322, %get3A_323, %get3A_324, %get3A_325] {strides = array<i32>} : memref<2x4x2x1024xf32, #tpu.memory_space<vmem>>, vector<1x1x1x16xf32>,
        %get3A_327 = vector.shape_cast %get3A_326 : vector<1x1x1x16xf32> to vector<16xf32>
        %add3A_328 = arith.addf %get3A_327, %get3A_279 : vector<16xf32>
        %swap3A_329 = arith.constant 1 : i32
        %swap3A_330 = arith.constant 2 : i32
        %swap3A_331 = arith.constant 0 : i32
        %swap3A_332 = arith.index_cast %swap3A_329 : i32 to index
        %swap3A_333 = arith.index_cast %swap3A_330 : i32 to index
        %swap3A_334 = arith.index_cast %swap3A_331 : i32 to index
        %swap3A_335 = arith.index_cast %mul3A_273 : i32 to index
        %swap3A_336 = tpu.vector_load %arg7[%swap3A_332, %swap3A_333, %swap3A_334, %swap3A_335] {strides = array<i32>} : memref<2x4x2x1024xf32, #tpu.memory_space<vmem>>, vector<1x1x1x16xf32>,
        %swap3A_337 = vector.shape_cast %swap3A_336 : vector<1x1x1x16xf32> to vector<16xf32>
        %swap3A_338 = vector.shape_cast %add3A_328 : vector<16xf32> to vector<1x1x1x16xf32>
        tpu.vector_store %arg7[%swap3A_332, %swap3A_333, %swap3A_334, %swap3A_335], %swap3A_338 {strides = array<i32>} : memref<2x4x2x1024xf32, #tpu.memory_space<vmem>>, vector<1x1x1x16xf32>,
        %get3A_339 = arith.constant 1 : i32
        %get3A_340 = arith.constant 3 : i32
        %get3A_341 = arith.constant 0 : i32
        %get3A_342 = arith.index_cast %get3A_339 : i32 to index
        %get3A_343 = arith.index_cast %get3A_340 : i32 to index
        %get3A_344 = arith.index_cast %get3A_341 : i32 to index
        %get3A_345 = arith.index_cast %mul3A_273 : i32 to index
        %get3A_346 = tpu.vector_load %arg6[%get3A_342, %get3A_343, %get3A_344, %get3A_345] {strides = array<i32>} : memref<2x4x2x1024xf32, #tpu.memory_space<vmem>>, vector<1x1x1x16xf32>,
        %get3A_347 = vector.shape_cast %get3A_346 : vector<1x1x1x16xf32> to vector<16xf32>
        %add3A_348 = arith.addf %get3A_347, %get3A_279 : vector<16xf32>
        %swap3A_349 = arith.constant 1 : i32
        %swap3A_350 = arith.constant 3 : i32
        %swap3A_351 = arith.constant 0 : i32
        %swap3A_352 = arith.index_cast %swap3A_349 : i32 to index
        %swap3A_353 = arith.index_cast %swap3A_350 : i32 to index
        %swap3A_354 = arith.index_cast %swap3A_351 : i32 to index
        %swap3A_355 = arith.index_cast %mul3A_273 : i32 to index
        %swap3A_356 = tpu.vector_load %arg7[%swap3A_352, %swap3A_353, %swap3A_354, %swap3A_355] {strides = array<i32>} : memref<2x4x2x1024xf32, #tpu.memory_space<vmem>>, vector<1x1x1x16xf32>,
        %swap3A_357 = vector.shape_cast %swap3A_356 : vector<1x1x1x16xf32> to vector<16xf32>
        %swap3A_358 = vector.shape_cast %add3A_348 : vector<16xf32> to vector<1x1x1x16xf32>
        tpu.vector_store %arg7[%swap3A_352, %swap3A_353, %swap3A_354, %swap3A_355], %swap3A_358 {strides = array<i32>} : memref<2x4x2x1024xf32, #tpu.memory_space<vmem>>, vector<1x1x1x16xf32>,
        %mul3A_359 = arith.constant 8 : i32
        %mul3A_360 = arith.muli %scan3A_267, %mul3A_359 : i32
        %add3A_361 = arith.constant 1 : i32
        %add3A_362 = arith.addi %mul3A_360, %add3A_361 : i32
        %mul3A_363 = arith.constant 16 : i32
        %mul3A_364 = arith.muli %add3A_362, %mul3A_363 : i32
        %get3A_365 = arith.constant 1 : i32
        %get3A_366 = arith.constant 0 : i32
        %get3A_367 = arith.index_cast %get3A_365 : i32 to index
        %get3A_368 = arith.index_cast %get3A_366 : i32 to index
        %get3A_369 = arith.index_cast %mul3A_364 : i32 to index
        %get3A_370 = tpu.vector_load %arg5[%get3A_367, %get3A_368, %get3A_369] {strides = array<i32>} : memref<2x2x1024xf32, #tpu.memory_space<vmem>>, vector<1x1x16xf32>,
        %get3A_371 = vector.shape_cast %get3A_370 : vector<1x1x16xf32> to vector<16xf32>
        %get3A_372 = arith.constant 1 : i32
        %get3A_373 = arith.constant 0 : i32
        %get3A_374 = arith.constant 0 : i32
        %get3A_375 = arith.index_cast %get3A_372 : i32 to index
        %get3A_376 = arith.index_cast %get3A_373 : i32 to index
        %get3A_377 = arith.index_cast %get3A_374 : i32 to index
        %get3A_378 = arith.index_cast %mul3A_364 : i32 to index
        %get3A_379 = tpu.vector_load %arg6[%get3A_375, %get3A_376, %get3A_377, %get3A_378] {strides = array<i32>} : memref<2x4x2x1024xf32, #tpu.memory_space<vmem>>, vector<1x1x1x16xf32>,
        %get3A_380 = vector.shape_cast %get3A_379 : vector<1x1x1x16xf32> to vector<16xf32>
        %add3A_381 = arith.addf %get3A_380, %get3A_371 : vector<16xf32>
        %swap3A_382 = arith.constant 1 : i32
        %swap3A_383 = arith.constant 0 : i32
        %swap3A_384 = arith.constant 0 : i32
        %swap3A_385 = arith.index_cast %swap3A_382 : i32 to index
        %swap3A_386 = arith.index_cast %swap3A_383 : i32 to index
        %swap3A_387 = arith.index_cast %swap3A_384 : i32 to index
        %swap3A_388 = arith.index_cast %mul3A_364 : i32 to index
        %swap3A_389 = tpu.vector_load %arg7[%swap3A_385, %swap3A_386, %swap3A_387, %swap3A_388] {strides = array<i32>} : memref<2x4x2x1024xf32, #tpu.memory_space<vmem>>, vector<1x1x1x16xf32>,
        %swap3A_390 = vector.shape_cast %swap3A_389 : vector<1x1x1x16xf32> to vector<16xf32>
        %swap3A_391 = vector.shape_cast %add3A_381 : vector<16xf32> to vector<1x1x1x16xf32>
        tpu.vector_store %arg7[%swap3A_385, %swap3A_386, %swap3A_387, %swap3A_388], %swap3A_391 {strides = array<i32>} : memref<2x4x2x1024xf32, #tpu.memory_space<vmem>>, vector<1x1x1x16xf32>,
        %get3A_392 = arith.constant 1 : i32
        %get3A_393 = arith.constant 1 : i32
        %get3A_394 = arith.constant 0 : i32
        %get3A_395 = arith.index_cast %get3A_392 : i32 to index
        %get3A_396 = arith.index_cast %get3A_393 : i32 to index
        %get3A_397 = arith.index_cast %get3A_394 : i32 to index
        %get3A_398 = arith.index_cast %mul3A_364 : i32 to index
        %get3A_399 = tpu.vector_load %arg6[%get3A_395, %get3A_396, %get3A_397, %get3A_398] {strides = array<i32>} : memref<2x4x2x1024xf32, #tpu.memory_space<vmem>>, vector<1x1x1x16xf32>,
        %get3A_400 = vector.shape_cast %get3A_399 : vector<1x1x1x16xf32> to vector<16xf32>
        %add3A_401 = arith.addf %get3A_400, %get3A_371 : vector<16xf32>
        %swap3A_402 = arith.constant 1 : i32
        %swap3A_403 = arith.constant 1 : i32
        %swap3A_404 = arith.constant 0 : i32
        %swap3A_405 = arith.index_cast %swap3A_402 : i32 to index
        %swap3A_406 = arith.index_cast %swap3A_403 : i32 to index
        %swap3A_407 = arith.index_cast %swap3A_404 : i32 to index
        %swap3A_408 = arith.index_cast %mul3A_364 : i32 to index
        %swap3A_409 = tpu.vector_load %arg7[%swap3A_405, %swap3A_406, %swap3A_407, %swap3A_408] {strides = array<i32>} : memref<2x4x2x1024xf32, #tpu.memory_space<vmem>>, vector<1x1x1x16xf32>,
        %swap3A_410 = vector.shape_cast %swap3A_409 : vector<1x1x1x16xf32> to vector<16xf32>
        %swap3A_411 = vector.shape_cast %add3A_401 : vector<16xf32> to vector<1x1x1x16xf32>
        tpu.vector_store %arg7[%swap3A_405, %swap3A_406, %swap3A_407, %swap3A_408], %swap3A_411 {strides = array<i32>} : memref<2x4x2x1024xf32, #tpu.memory_space<vmem>>, vector<1x1x1x16xf32>,
        %get3A_412 = arith.constant 1 : i32
        %get3A_413 = arith.constant 2 : i32
        %get3A_414 = arith.constant 0 : i32
        %get3A_415 = arith.index_cast %get3A_412 : i32 to index
        %get3A_416 = arith.index_cast %get3A_413 : i32 to index
        %get3A_417 = arith.index_cast %get3A_414 : i32 to index
        %get3A_418 = arith.index_cast %mul3A_364 : i32 to index
        %get3A_419 = tpu.vector_load %arg6[%get3A_415, %get3A_416, %get3A_417, %get3A_418] {strides = array<i32>} : memref<2x4x2x1024xf32, #tpu.memory_space<vmem>>, vector<1x1x1x16xf32>,
        %get3A_420 = vector.shape_cast %get3A_419 : vector<1x1x1x16xf32> to vector<16xf32>
        %add3A_421 = arith.addf %get3A_420, %get3A_371 : vector<16xf32>
        %swap3A_422 = arith.constant 1 : i32
        %swap3A_423 = arith.constant 2 : i32
        %swap3A_424 = arith.constant 0 : i32
        %swap3A_425 = arith.index_cast %swap3A_422 : i32 to index
        %swap3A_426 = arith.index_cast %swap3A_423 : i32 to index
        %swap3A_427 = arith.index_cast %swap3A_424 : i32 to index
        %swap3A_428 = arith.index_cast %mul3A_364 : i32 to index
        %swap3A_429 = tpu.vector_load %arg7[%swap3A_425, %swap3A_426, %swap3A_427, %swap3A_428] {strides = array<i32>} : memref<2x4x2x1024xf32, #tpu.memory_space<vmem>>, vector<1x1x1x16xf32>,
        %swap3A_430 = vector.shape_cast %swap3A_429 : vector<1x1x1x16xf32> to vector<16xf32>
        %swap3A_431 = vector.shape_cast %add3A_421 : vector<16xf32> to vector<1x1x1x16xf32>
        tpu.vector_store %arg7[%swap3A_425, %swap3A_426, %swap3A_427, %swap3A_428], %swap3A_431 {strides = array<i32>} : memref<2x4x2x1024xf32, #tpu.memory_space<vmem>>, vector<1x1x1x16xf32>,
        %get3A_432 = arith.constant 1 : i32
        %get3A_433 = arith.constant 3 : i32
        %get3A_434 = arith.constant 0 : i32
        %get3A_435 = arith.index_cast %get3A_432 : i32 to index
        %get3A_436 = arith.index_cast %get3A_433 : i32 to index
        %get3A_437 = arith.index_cast %get3A_434 : i32 to index
        %get3A_438 = arith.index_cast %mul3A_364 : i32 to index
        %get3A_439 = tpu.vector_load %arg6[%get3A_435, %get3A_436, %get3A_437, %get3A_438] {strides = array<i32>} : memref<2x4x2x1024xf32, #tpu.memory_space<vmem>>, vector<1x1x1x16xf32>,
        %get3A_440 = vector.shape_cast %get3A_439 : vector<1x1x1x16xf32> to vector<16xf32>
        %add3A_441 = arith.addf %get3A_440, %get3A_371 : vector<16xf32>
        %swap3A_442 = arith.constant 1 : i32
        %swap3A_443 = arith.constant 3 : i32
        %swap3A_444 = arith.constant 0 : i32
        %swap3A_445 = arith.index_cast %swap3A_442 : i32 to index
        %swap3A_446 = arith.index_cast %swap3A_443 : i32 to index
        %swap3A_447 = arith.index_cast %swap3A_444 : i32 to index
        %swap3A_448 = arith.index_cast %mul3A_364 : i32 to index
        %swap3A_449 = tpu.vector_load %arg7[%swap3A_445, %swap3A_446, %swap3A_447, %swap3A_448] {strides = array<i32>} : memref<2x4x2x1024xf32, #tpu.memory_space<vmem>>, vector<1x1x1x16xf32>,
        %swap3A_450 = vector.shape_cast %swap3A_449 : vector<1x1x1x16xf32> to vector<16xf32>
        %swap3A_451 = vector.shape_cast %add3A_441 : vector<16xf32> to vector<1x1x1x16xf32>
        tpu.vector_store %arg7[%swap3A_445, %swap3A_446, %swap3A_447, %swap3A_448], %swap3A_451 {strides = array<i32>} : memref<2x4x2x1024xf32, #tpu.memory_space<vmem>>, vector<1x1x1x16xf32>,
        %mul3A_452 = arith.constant 8 : i32
        %mul3A_453 = arith.muli %scan3A_267, %mul3A_452 : i32
        %add3A_454 = arith.constant 2 : i32
        %add3A_455 = arith.addi %mul3A_453, %add3A_454 : i32
        %mul3A_456 = arith.constant 16 : i32
        %mul3A_457 = arith.muli %add3A_455, %mul3A_456 : i32
        %get3A_458 = arith.constant 1 : i32
        %get3A_459 = arith.constant 0 : i32
        %get3A_460 = arith.index_cast %get3A_458 : i32 to index
        %get3A_461 = arith.index_cast %get3A_459 : i32 to index
        %get3A_462 = arith.index_cast %mul3A_457 : i32 to index
        %get3A_463 = tpu.vector_load %arg5[%get3A_460, %get3A_461, %get3A_462] {strides = array<i32>} : memref<2x2x1024xf32, #tpu.memory_space<vmem>>, vector<1x1x16xf32>,
        %get3A_464 = vector.shape_cast %get3A_463 : vector<1x1x16xf32> to vector<16xf32>
        %get3A_465 = arith.constant 1 : i32
        %get3A_466 = arith.constant 0 : i32
        %get3A_467 = arith.constant 0 : i32
        %get3A_468 = arith.index_cast %get3A_465 : i32 to index
        %get3A_469 = arith.index_cast %get3A_466 : i32 to index
        %get3A_470 = arith.index_cast %get3A_467 : i32 to index
        %get3A_471 = arith.index_cast %mul3A_457 : i32 to index
        %get3A_472 = tpu.vector_load %arg6[%get3A_468, %get3A_469, %get3A_470, %get3A_471] {strides = array<i32>} : memref<2x4x2x1024xf32, #tpu.memory_space<vmem>>, vector<1x1x1x16xf32>,
        %get3A_473 = vector.shape_cast %get3A_472 : vector<1x1x1x16xf32> to vector<16xf32>
        %add3A_474 = arith.addf %get3A_473, %get3A_464 : vector<16xf32>
        %swap3A_475 = arith.constant 1 : i32
        %swap3A_476 = arith.constant 0 : i32
        %swap3A_477 = arith.constant 0 : i32
        %swap3A_478 = arith.index_cast %swap3A_475 : i32 to index
        %swap3A_479 = arith.index_cast %swap3A_476 : i32 to index
        %swap3A_480 = arith.index_cast %swap3A_477 : i32 to index
        %swap3A_481 = arith.index_cast %mul3A_457 : i32 to index
        %swap3A_482 = tpu.vector_load %arg7[%swap3A_478, %swap3A_479, %swap3A_480, %swap3A_481] {strides = array<i32>} : memref<2x4x2x1024xf32, #tpu.memory_space<vmem>>, vector<1x1x1x16xf32>,
        %swap3A_483 = vector.shape_cast %swap3A_482 : vector<1x1x1x16xf32> to vector<16xf32>
        %swap3A_484 = vector.shape_cast %add3A_474 : vector<16xf32> to vector<1x1x1x16xf32>
        tpu.vector_store %arg7[%swap3A_478, %swap3A_479, %swap3A_480, %swap3A_481], %swap3A_484 {strides = array<i32>} : memref<2x4x2x1024xf32, #tpu.memory_space<vmem>>, vector<1x1x1x16xf32>,
        %get3A_485 = arith.constant 1 : i32
        %get3A_486 = arith.constant 1 : i32
        %get3A_487 = arith.constant 0 : i32
        %get3A_488 = arith.index_cast %get3A_485 : i32 to index
        %get3A_489 = arith.index_cast %get3A_486 : i32 to index
        %get3A_490 = arith.index_cast %get3A_487 : i32 to index
        %get3A_491 = arith.index_cast %mul3A_457 : i32 to index
        %get3A_492 = tpu.vector_load %arg6[%get3A_488, %get3A_489, %get3A_490, %get3A_491] {strides = array<i32>} : memref<2x4x2x1024xf32, #tpu.memory_space<vmem>>, vector<1x1x1x16xf32>,
        %get3A_493 = vector.shape_cast %get3A_492 : vector<1x1x1x16xf32> to vector<16xf32>
        %add3A_494 = arith.addf %get3A_493, %get3A_464 : vector<16xf32>
        %swap3A_495 = arith.constant 1 : i32
        %swap3A_496 = arith.constant 1 : i32
        %swap3A_497 = arith.constant 0 : i32
        %swap3A_498 = arith.index_cast %swap3A_495 : i32 to index
        %swap3A_499 = arith.index_cast %swap3A_496 : i32 to index
        %swap3A_500 = arith.index_cast %swap3A_497 : i32 to index
        %swap3A_501 = arith.index_cast %mul3A_457 : i32 to index
        %swap3A_502 = tpu.vector_load %arg7[%swap3A_498, %swap3A_499, %swap3A_500, %swap3A_501] {strides = array<i32>} : memref<2x4x2x1024xf32, #tpu.memory_space<vmem>>, vector<1x1x1x16xf32>,
        %swap3A_503 = vector.shape_cast %swap3A_502 : vector<1x1x1x16xf32> to vector<16xf32>
        %swap3A_504 = vector.shape_cast %add3A_494 : vector<16xf32> to vector<1x1x1x16xf32>
        tpu.vector_store %arg7[%swap3A_498, %swap3A_499, %swap3A_500, %swap3A_501], %swap3A_504 {strides = array<i32>} : memref<2x4x2x1024xf32, #tpu.memory_space<vmem>>, vector<1x1x1x16xf32>,
        %get3A_505 = arith.constant 1 : i32
        %get3A_506 = arith.constant 2 : i32
        %get3A_507 = arith.constant 0 : i32
        %get3A_508 = arith.index_cast %get3A_505 : i32 to index
        %get3A_509 = arith.index_cast %get3A_506 : i32 to index
        %get3A_510 = arith.index_cast %get3A_507 : i32 to index
        %get3A_511 = arith.index_cast %mul3A_457 : i32 to index
        %get3A_512 = tpu.vector_load %arg6[%get3A_508, %get3A_509, %get3A_510, %get3A_511] {strides = array<i32>} : memref<2x4x2x1024xf32, #tpu.memory_space<vmem>>, vector<1x1x1x16xf32>,
        %get3A_513 = vector.shape_cast %get3A_512 : vector<1x1x1x16xf32> to vector<16xf32>
        %add3A_514 = arith.addf %get3A_513, %get3A_464 : vector<16xf32>
        %swap3A_515 = arith.constant 1 : i32
        %swap3A_516 = arith.constant 2 : i32
        %swap3A_517 = arith.constant 0 : i32
        %swap3A_518 = arith.index_cast %swap3A_515 : i32 to index
        %swap3A_519 = arith.index_cast %swap3A_516 : i32 to index
        %swap3A_520 = arith.index_cast %swap3A_517 : i32 to index
        %swap3A_521 = arith.index_cast %mul3A_457 : i32 to index
        %swap3A_522 = tpu.vector_load %arg7[%swap3A_518, %swap3A_519, %swap3A_520, %swap3A_521] {strides = array<i32>} : memref<2x4x2x1024xf32, #tpu.memory_space<vmem>>, vector<1x1x1x16xf32>,
        %swap3A_523 = vector.shape_cast %swap3A_522 : vector<1x1x1x16xf32> to vector<16xf32>
        %swap3A_524 = vector.shape_cast %add3A_514 : vector<16xf32> to vector<1x1x1x16xf32>
        tpu.vector_store %arg7[%swap3A_518, %swap3A_519, %swap3A_520, %swap3A_521], %swap3A_524 {strides = array<i32>} : memref<2x4x2x1024xf32, #tpu.memory_space<vmem>>, vector<1x1x1x16xf32>,
        %get3A_525 = arith.constant 1 : i32
        %get3A_526 = arith.constant 3 : i32
        %get3A_527 = arith.constant 0 : i32
        %get3A_528 = arith.index_cast %get3A_525 : i32 to index
        %get3A_529 = arith.index_cast %get3A_526 : i32 to index
        %get3A_530 = arith.index_cast %get3A_527 : i32 to index
        %get3A_531 = arith.index_cast %mul3A_457 : i32 to index
        %get3A_532 = tpu.vector_load %arg6[%get3A_528, %get3A_529, %get3A_530, %get3A_531] {strides = array<i32>} : memref<2x4x2x1024xf32, #tpu.memory_space<vmem>>, vector<1x1x1x16xf32>,
        %get3A_533 = vector.shape_cast %get3A_532 : vector<1x1x1x16xf32> to vector<16xf32>
        %add3A_534 = arith.addf %get3A_533, %get3A_464 : vector<16xf32>
        %swap3A_535 = arith.constant 1 : i32
        %swap3A_536 = arith.constant 3 : i32
        %swap3A_537 = arith.constant 0 : i32
        %swap3A_538 = arith.index_cast %swap3A_535 : i32 to index
        %swap3A_539 = arith.index_cast %swap3A_536 : i32 to index
        %swap3A_540 = arith.index_cast %swap3A_537 : i32 to index
        %swap3A_541 = arith.index_cast %mul3A_457 : i32 to index
        %swap3A_542 = tpu.vector_load %arg7[%swap3A_538, %swap3A_539, %swap3A_540, %swap3A_541] {strides = array<i32>} : memref<2x4x2x1024xf32, #tpu.memory_space<vmem>>, vector<1x1x1x16xf32>,
        %swap3A_543 = vector.shape_cast %swap3A_542 : vector<1x1x1x16xf32> to vector<16xf32>
        %swap3A_544 = vector.shape_cast %add3A_534 : vector<16xf32> to vector<1x1x1x16xf32>
        tpu.vector_store %arg7[%swap3A_538, %swap3A_539, %swap3A_540, %swap3A_541], %swap3A_544 {strides = array<i32>} : memref<2x4x2x1024xf32, #tpu.memory_space<vmem>>, vector<1x1x1x16xf32>,
        %mul3A_545 = arith.constant 8 : i32
        %mul3A_546 = arith.muli %scan3A_267, %mul3A_545 : i32
        %add3A_547 = arith.constant 3 : i32
        %add3A_548 = arith.addi %mul3A_546, %add3A_547 : i32
        %mul3A_549 = arith.constant 16 : i32
        %mul3A_550 = arith.muli %add3A_548, %mul3A_549 : i32
        %get3A_551 = arith.constant 1 : i32
        %get3A_552 = arith.constant 0 : i32
        %get3A_553 = arith.index_cast %get3A_551 : i32 to index
        %get3A_554 = arith.index_cast %get3A_552 : i32 to index
        %get3A_555 = arith.index_cast %mul3A_550 : i32 to index
        %get3A_556 = tpu.vector_load %arg5[%get3A_553, %get3A_554, %get3A_555] {strides = array<i32>} : memref<2x2x1024xf32, #tpu.memory_space<vmem>>, vector<1x1x16xf32>,
        %get3A_557 = vector.shape_cast %get3A_556 : vector<1x1x16xf32> to vector<16xf32>
        %get3A_558 = arith.constant 1 : i32
        %get3A_559 = arith.constant 0 : i32
        %get3A_560 = arith.constant 0 : i32
        %get3A_561 = arith.index_cast %get3A_558 : i32 to index
        %get3A_562 = arith.index_cast %get3A_559 : i32 to index
        %get3A_563 = arith.index_cast %get3A_560 : i32 to index
        %get3A_564 = arith.index_cast %mul3A_550 : i32 to index
        %get3A_565 = tpu.vector_load %arg6[%get3A_561, %get3A_562, %get3A_563, %get3A_564] {strides = array<i32>} : memref<2x4x2x1024xf32, #tpu.memory_space<vmem>>, vector<1x1x1x16xf32>,
        %get3A_566 = vector.shape_cast %get3A_565 : vector<1x1x1x16xf32> to vector<16xf32>
        %add3A_567 = arith.addf %get3A_566, %get3A_557 : vector<16xf32>
        %swap3A_568 = arith.constant 1 : i32
        %swap3A_569 = arith.constant 0 : i32
        %swap3A_570 = arith.constant 0 : i32
        %swap3A_571 = arith.index_cast %swap3A_568 : i32 to index
        %swap3A_572 = arith.index_cast %swap3A_569 : i32 to index
        %swap3A_573 = arith.index_cast %swap3A_570 : i32 to index
        %swap3A_574 = arith.index_cast %mul3A_550 : i32 to index
        %swap3A_575 = tpu.vector_load %arg7[%swap3A_571, %swap3A_572, %swap3A_573, %swap3A_574] {strides = array<i32>} : memref<2x4x2x1024xf32, #tpu.memory_space<vmem>>, vector<1x1x1x16xf32>,
        %swap3A_576 = vector.shape_cast %swap3A_575 : vector<1x1x1x16xf32> to vector<16xf32>
        %swap3A_577 = vector.shape_cast %add3A_567 : vector<16xf32> to vector<1x1x1x16xf32>
        tpu.vector_store %arg7[%swap3A_571, %swap3A_572, %swap3A_573, %swap3A_574], %swap3A_577 {strides = array<i32>} : memref<2x4x2x1024xf32, #tpu.memory_space<vmem>>, vector<1x1x1x16xf32>,
        %get3A_578 = arith.constant 1 : i32
        %get3A_579 = arith.constant 1 : i32
        %get3A_580 = arith.constant 0 : i32
        %get3A_581 = arith.index_cast %get3A_578 : i32 to index
        %get3A_582 = arith.index_cast %get3A_579 : i32 to index
        %get3A_583 = arith.index_cast %get3A_580 : i32 to index
        %get3A_584 = arith.index_cast %mul3A_550 : i32 to index
        %get3A_585 = tpu.vector_load %arg6[%get3A_581, %get3A_582, %get3A_583, %get3A_584] {strides = array<i32>} : memref<2x4x2x1024xf32, #tpu.memory_space<vmem>>, vector<1x1x1x16xf32>,
        %get3A_586 = vector.shape_cast %get3A_585 : vector<1x1x1x16xf32> to vector<16xf32>
        %add3A_587 = arith.addf %get3A_586, %get3A_557 : vector<16xf32>
        %swap3A_588 = arith.constant 1 : i32
        %swap3A_589 = arith.constant 1 : i32
        %swap3A_590 = arith.constant 0 : i32
        %swap3A_591 = arith.index_cast %swap3A_588 : i32 to index
        %swap3A_592 = arith.index_cast %swap3A_589 : i32 to index
        %swap3A_593 = arith.index_cast %swap3A_590 : i32 to index
        %swap3A_594 = arith.index_cast %mul3A_550 : i32 to index
        %swap3A_595 = tpu.vector_load %arg7[%swap3A_591, %swap3A_592, %swap3A_593, %swap3A_594] {strides = array<i32>} : memref<2x4x2x1024xf32, #tpu.memory_space<vmem>>, vector<1x1x1x16xf32>,
        %swap3A_596 = vector.shape_cast %swap3A_595 : vector<1x1x1x16xf32> to vector<16xf32>
        %swap3A_597 = vector.shape_cast %add3A_587 : vector<16xf32> to vector<1x1x1x16xf32>
        tpu.vector_store %arg7[%swap3A_591, %swap3A_592, %swap3A_593, %swap3A_594], %swap3A_597 {strides = array<i32>} : memref<2x4x2x1024xf32, #tpu.memory_space<vmem>>, vector<1x1x1x16xf32>,
        %get3A_598 = arith.constant 1 : i32
        %get3A_599 = arith.constant 2 : i32
        %get3A_600 = arith.constant 0 : i32
        %get3A_601 = arith.index_cast %get3A_598 : i32 to index
        %get3A_602 = arith.index_cast %get3A_599 : i32 to index
        %get3A_603 = arith.index_cast %get3A_600 : i32 to index
        %get3A_604 = arith.index_cast %mul3A_550 : i32 to index
        %get3A_605 = tpu.vector_load %arg6[%get3A_601, %get3A_602, %get3A_603, %get3A_604] {strides = array<i32>} : memref<2x4x2x1024xf32, #tpu.memory_space<vmem>>, vector<1x1x1x16xf32>,
        %get3A_606 = vector.shape_cast %get3A_605 : vector<1x1x1x16xf32> to vector<16xf32>
        %add3A_607 = arith.addf %get3A_606, %get3A_557 : vector<16xf32>
        %swap3A_608 = arith.constant 1 : i32
        %swap3A_609 = arith.constant 2 : i32
        %swap3A_610 = arith.constant 0 : i32
        %swap3A_611 = arith.index_cast %swap3A_608 : i32 to index
        %swap3A_612 = arith.index_cast %swap3A_609 : i32 to index
        %swap3A_613 = arith.index_cast %swap3A_610 : i32 to index
        %swap3A_614 = arith.index_cast %mul3A_550 : i32 to index
        %swap3A_615 = tpu.vector_load %arg7[%swap3A_611, %swap3A_612, %swap3A_613, %swap3A_614] {strides = array<i32>} : memref<2x4x2x1024xf32, #tpu.memory_space<vmem>>, vector<1x1x1x16xf32>,
        %swap3A_616 = vector.shape_cast %swap3A_615 : vector<1x1x1x16xf32> to vector<16xf32>
        %swap3A_617 = vector.shape_cast %add3A_607 : vector<16xf32> to vector<1x1x1x16xf32>
        tpu.vector_store %arg7[%swap3A_611, %swap3A_612, %swap3A_613, %swap3A_614], %swap3A_617 {strides = array<i32>} : memref<2x4x2x1024xf32, #tpu.memory_space<vmem>>, vector<1x1x1x16xf32>,
        %get3A_618 = arith.constant 1 : i32
        %get3A_619 = arith.constant 3 : i32
        %get3A_620 = arith.constant 0 : i32
        %get3A_621 = arith.index_cast %get3A_618 : i32 to index
        %get3A_622 = arith.index_cast %get3A_619 : i32 to index
        %get3A_623 = arith.index_cast %get3A_620 : i32 to index
        %get3A_624 = arith.index_cast %mul3A_550 : i32 to index
        %get3A_625 = tpu.vector_load %arg6[%get3A_621, %get3A_622, %get3A_623, %get3A_624] {strides = array<i32>} : memref<2x4x2x1024xf32, #tpu.memory_space<vmem>>, vector<1x1x1x16xf32>,
        %get3A_626 = vector.shape_cast %get3A_625 : vector<1x1x1x16xf32> to vector<16xf32>
        %add3A_627 = arith.addf %get3A_626, %get3A_557 : vector<16xf32>
        %swap3A_628 = arith.constant 1 : i32
        %swap3A_629 = arith.constant 3 : i32
        %swap3A_630 = arith.constant 0 : i32
        %swap3A_631 = arith.index_cast %swap3A_628 : i32 to index
        %swap3A_632 = arith.index_cast %swap3A_629 : i32 to index
        %swap3A_633 = arith.index_cast %swap3A_630 : i32 to index
        %swap3A_634 = arith.index_cast %mul3A_550 : i32 to index
        %swap3A_635 = tpu.vector_load %arg7[%swap3A_631, %swap3A_632, %swap3A_633, %swap3A_634] {strides = array<i32>} : memref<2x4x2x1024xf32, #tpu.memory_space<vmem>>, vector<1x1x1x16xf32>,
        %swap3A_636 = vector.shape_cast %swap3A_635 : vector<1x1x1x16xf32> to vector<16xf32>
        %swap3A_637 = vector.shape_cast %add3A_627 : vector<16xf32> to vector<1x1x1x16xf32>
        tpu.vector_store %arg7[%swap3A_631, %swap3A_632, %swap3A_633, %swap3A_634], %swap3A_637 {strides = array<i32>} : memref<2x4x2x1024xf32, #tpu.memory_space<vmem>>, vector<1x1x1x16xf32>,
        %mul3A_638 = arith.constant 8 : i32
        %mul3A_639 = arith.muli %scan3A_267, %mul3A_638 : i32
        %add3A_640 = arith.constant 4 : i32
        %add3A_641 = arith.addi %mul3A_639, %add3A_640 : i32
        %mul3A_642 = arith.constant 16 : i32
        %mul3A_643 = arith.muli %add3A_641, %mul3A_642 : i32
        %get3A_644 = arith.constant 1 : i32
        %get3A_645 = arith.constant 0 : i32
        %get3A_646 = arith.index_cast %get3A_644 : i32 to index
        %get3A_647 = arith.index_cast %get3A_645 : i32 to index
        %get3A_648 = arith.index_cast %mul3A_643 : i32 to index
        %get3A_649 = tpu.vector_load %arg5[%get3A_646, %get3A_647, %get3A_648] {strides = array<i32>} : memref<2x2x1024xf32, #tpu.memory_space<vmem>>, vector<1x1x16xf32>,
        %get3A_650 = vector.shape_cast %get3A_649 : vector<1x1x16xf32> to vector<16xf32>
        %get3A_651 = arith.constant 1 : i32
        %get3A_652 = arith.constant 0 : i32
        %get3A_653 = arith.constant 0 : i32
        %get3A_654 = arith.index_cast %get3A_651 : i32 to index
        %get3A_655 = arith.index_cast %get3A_652 : i32 to index
        %get3A_656 = arith.index_cast %get3A_653 : i32 to index
        %get3A_657 = arith.index_cast %mul3A_643 : i32 to index
        %get3A_658 = tpu.vector_load %arg6[%get3A_654, %get3A_655, %get3A_656, %get3A_657] {strides = array<i32>} : memref<2x4x2x1024xf32, #tpu.memory_space<vmem>>, vector<1x1x1x16xf32>,
        %get3A_659 = vector.shape_cast %get3A_658 : vector<1x1x1x16xf32> to vector<16xf32>
        %add3A_660 = arith.addf %get3A_659, %get3A_650 : vector<16xf32>
        %swap3A_661 = arith.constant 1 : i32
        %swap3A_662 = arith.constant 0 : i32
        %swap3A_663 = arith.constant 0 : i32
        %swap3A_664 = arith.index_cast %swap3A_661 : i32 to index
        %swap3A_665 = arith.index_cast %swap3A_662 : i32 to index
        %swap3A_666 = arith.index_cast %swap3A_663 : i32 to index
        %swap3A_667 = arith.index_cast %mul3A_643 : i32 to index
        %swap3A_668 = tpu.vector_load %arg7[%swap3A_664, %swap3A_665, %swap3A_666, %swap3A_667] {strides = array<i32>} : memref<2x4x2x1024xf32, #tpu.memory_space<vmem>>, vector<1x1x1x16xf32>,
        %swap3A_669 = vector.shape_cast %swap3A_668 : vector<1x1x1x16xf32> to vector<16xf32>
        %swap3A_670 = vector.shape_cast %add3A_660 : vector<16xf32> to vector<1x1x1x16xf32>
        tpu.vector_store %arg7[%swap3A_664, %swap3A_665, %swap3A_666, %swap3A_667], %swap3A_670 {strides = array<i32>} : memref<2x4x2x1024xf32, #tpu.memory_space<vmem>>, vector<1x1x1x16xf32>,
        %get3A_671 = arith.constant 1 : i32
        %get3A_672 = arith.constant 1 : i32
        %get3A_673 = arith.constant 0 : i32
        %get3A_674 = arith.index_cast %get3A_671 : i32 to index
        %get3A_675 = arith.index_cast %get3A_672 : i32 to index
        %get3A_676 = arith.index_cast %get3A_673 : i32 to index
        %get3A_677 = arith.index_cast %mul3A_643 : i32 to index
        %get3A_678 = tpu.vector_load %arg6[%get3A_674, %get3A_675, %get3A_676, %get3A_677] {strides = array<i32>} : memref<2x4x2x1024xf32, #tpu.memory_space<vmem>>, vector<1x1x1x16xf32>,
        %get3A_679 = vector.shape_cast %get3A_678 : vector<1x1x1x16xf32> to vector<16xf32>
        %add3A_680 = arith.addf %get3A_679, %get3A_650 : vector<16xf32>
        %swap3A_681 = arith.constant 1 : i32
        %swap3A_682 = arith.constant 1 : i32
        %swap3A_683 = arith.constant 0 : i32
        %swap3A_684 = arith.index_cast %swap3A_681 : i32 to index
        %swap3A_685 = arith.index_cast %swap3A_682 : i32 to index
        %swap3A_686 = arith.index_cast %swap3A_683 : i32 to index
        %swap3A_687 = arith.index_cast %mul3A_643 : i32 to index
        %swap3A_688 = tpu.vector_load %arg7[%swap3A_684, %swap3A_685, %swap3A_686, %swap3A_687] {strides = array<i32>} : memref<2x4x2x1024xf32, #tpu.memory_space<vmem>>, vector<1x1x1x16xf32>,
        %swap3A_689 = vector.shape_cast %swap3A_688 : vector<1x1x1x16xf32> to vector<16xf32>
        %swap3A_690 = vector.shape_cast %add3A_680 : vector<16xf32> to vector<1x1x1x16xf32>
        tpu.vector_store %arg7[%swap3A_684, %swap3A_685, %swap3A_686, %swap3A_687], %swap3A_690 {strides = array<i32>} : memref<2x4x2x1024xf32, #tpu.memory_space<vmem>>, vector<1x1x1x16xf32>,
        %get3A_691 = arith.constant 1 : i32
        %get3A_692 = arith.constant 2 : i32
        %get3A_693 = arith.constant 0 : i32
        %get3A_694 = arith.index_cast %get3A_691 : i32 to index
        %get3A_695 = arith.index_cast %get3A_692 : i32 to index
        %get3A_696 = arith.index_cast %get3A_693 : i32 to index
        %get3A_697 = arith.index_cast %mul3A_643 : i32 to index
        %get3A_698 = tpu.vector_load %arg6[%get3A_694, %get3A_695, %get3A_696, %get3A_697] {strides = array<i32>} : memref<2x4x2x1024xf32, #tpu.memory_space<vmem>>, vector<1x1x1x16xf32>,
        %get3A_699 = vector.shape_cast %get3A_698 : vector<1x1x1x16xf32> to vector<16xf32>
        %add3A_700 = arith.addf %get3A_699, %get3A_650 : vector<16xf32>
        %swap3A_701 = arith.constant 1 : i32
        %swap3A_702 = arith.constant 2 : i32
        %swap3A_703 = arith.constant 0 : i32
        %swap3A_704 = arith.index_cast %swap3A_701 : i32 to index
        %swap3A_705 = arith.index_cast %swap3A_702 : i32 to index
        %swap3A_706 = arith.index_cast %swap3A_703 : i32 to index
        %swap3A_707 = arith.index_cast %mul3A_643 : i32 to index
        %swap3A_708 = tpu.vector_load %arg7[%swap3A_704, %swap3A_705, %swap3A_706, %swap3A_707] {strides = array<i32>} : memref<2x4x2x1024xf32, #tpu.memory_space<vmem>>, vector<1x1x1x16xf32>,
        %swap3A_709 = vector.shape_cast %swap3A_708 : vector<1x1x1x16xf32> to vector<16xf32>
        %swap3A_710 = vector.shape_cast %add3A_700 : vector<16xf32> to vector<1x1x1x16xf32>
        tpu.vector_store %arg7[%swap3A_704, %swap3A_705, %swap3A_706, %swap3A_707], %swap3A_710 {strides = array<i32>} : memref<2x4x2x1024xf32, #tpu.memory_space<vmem>>, vector<1x1x1x16xf32>,
        %get3A_711 = arith.constant 1 : i32
        %get3A_712 = arith.constant 3 : i32
        %get3A_713 = arith.constant 0 : i32
        %get3A_714 = arith.index_cast %get3A_711 : i32 to index
        %get3A_715 = arith.index_cast %get3A_712 : i32 to index
        %get3A_716 = arith.index_cast %get3A_713 : i32 to index
        %get3A_717 = arith.index_cast %mul3A_643 : i32 to index
        %get3A_718 = tpu.vector_load %arg6[%get3A_714, %get3A_715, %get3A_716, %get3A_717] {strides = array<i32>} : memref<2x4x2x1024xf32, #tpu.memory_space<vmem>>, vector<1x1x1x16xf32>,
        %get3A_719 = vector.shape_cast %get3A_718 : vector<1x1x1x16xf32> to vector<16xf32>
        %add3A_720 = arith.addf %get3A_719, %get3A_650 : vector<16xf32>
        %swap3A_721 = arith.constant 1 : i32
        %swap3A_722 = arith.constant 3 : i32
        %swap3A_723 = arith.constant 0 : i32
        %swap3A_724 = arith.index_cast %swap3A_721 : i32 to index
        %swap3A_725 = arith.index_cast %swap3A_722 : i32 to index
        %swap3A_726 = arith.index_cast %swap3A_723 : i32 to index
        %swap3A_727 = arith.index_cast %mul3A_643 : i32 to index
        %swap3A_728 = tpu.vector_load %arg7[%swap3A_724, %swap3A_725, %swap3A_726, %swap3A_727] {strides = array<i32>} : memref<2x4x2x1024xf32, #tpu.memory_space<vmem>>, vector<1x1x1x16xf32>,
        %swap3A_729 = vector.shape_cast %swap3A_728 : vector<1x1x1x16xf32> to vector<16xf32>
        %swap3A_730 = vector.shape_cast %add3A_720 : vector<16xf32> to vector<1x1x1x16xf32>
        tpu.vector_store %arg7[%swap3A_724, %swap3A_725, %swap3A_726, %swap3A_727], %swap3A_730 {strides = array<i32>} : memref<2x4x2x1024xf32, #tpu.memory_space<vmem>>, vector<1x1x1x16xf32>,
        %mul3A_731 = arith.constant 8 : i32
        %mul3A_732 = arith.muli %scan3A_267, %mul3A_731 : i32
        %add3A_733 = arith.constant 5 : i32
        %add3A_734 = arith.addi %mul3A_732, %add3A_733 : i32
        %mul3A_735 = arith.constant 16 : i32
        %mul3A_736 = arith.muli %add3A_734, %mul3A_735 : i32
        %get3A_737 = arith.constant 1 : i32
        %get3A_738 = arith.constant 0 : i32
        %get3A_739 = arith.index_cast %get3A_737 : i32 to index
        %get3A_740 = arith.index_cast %get3A_738 : i32 to index
        %get3A_741 = arith.index_cast %mul3A_736 : i32 to index
        %get3A_742 = tpu.vector_load %arg5[%get3A_739, %get3A_740, %get3A_741] {strides = array<i32>} : memref<2x2x1024xf32, #tpu.memory_space<vmem>>, vector<1x1x16xf32>,
        %get3A_743 = vector.shape_cast %get3A_742 : vector<1x1x16xf32> to vector<16xf32>
        %get3A_744 = arith.constant 1 : i32
        %get3A_745 = arith.constant 0 : i32
        %get3A_746 = arith.constant 0 : i32
        %get3A_747 = arith.index_cast %get3A_744 : i32 to index
        %get3A_748 = arith.index_cast %get3A_745 : i32 to index
        %get3A_749 = arith.index_cast %get3A_746 : i32 to index
        %get3A_750 = arith.index_cast %mul3A_736 : i32 to index
        %get3A_751 = tpu.vector_load %arg6[%get3A_747, %get3A_748, %get3A_749, %get3A_750] {strides = array<i32>} : memref<2x4x2x1024xf32, #tpu.memory_space<vmem>>, vector<1x1x1x16xf32>,
        %get3A_752 = vector.shape_cast %get3A_751 : vector<1x1x1x16xf32> to vector<16xf32>
        %add3A_753 = arith.addf %get3A_752, %get3A_743 : vector<16xf32>
        %swap3A_754 = arith.constant 1 : i32
        %swap3A_755 = arith.constant 0 : i32
        %swap3A_756 = arith.constant 0 : i32
        %swap3A_757 = arith.index_cast %swap3A_754 : i32 to index
        %swap3A_758 = arith.index_cast %swap3A_755 : i32 to index
        %swap3A_759 = arith.index_cast %swap3A_756 : i32 to index
        %swap3A_760 = arith.index_cast %mul3A_736 : i32 to index
        %swap3A_761 = tpu.vector_load %arg7[%swap3A_757, %swap3A_758, %swap3A_759, %swap3A_760] {strides = array<i32>} : memref<2x4x2x1024xf32, #tpu.memory_space<vmem>>, vector<1x1x1x16xf32>,
        %swap3A_762 = vector.shape_cast %swap3A_761 : vector<1x1x1x16xf32> to vector<16xf32>
        %swap3A_763 = vector.shape_cast %add3A_753 : vector<16xf32> to vector<1x1x1x16xf32>
        tpu.vector_store %arg7[%swap3A_757, %swap3A_758, %swap3A_759, %swap3A_760], %swap3A_763 {strides = array<i32>} : memref<2x4x2x1024xf32, #tpu.memory_space<vmem>>, vector<1x1x1x16xf32>,
        %get3A_764 = arith.constant 1 : i32
        %get3A_765 = arith.constant 1 : i32
        %get3A_766 = arith.constant 0 : i32
        %get3A_767 = arith.index_cast %get3A_764 : i32 to index
        %get3A_768 = arith.index_cast %get3A_765 : i32 to index
        %get3A_769 = arith.index_cast %get3A_766 : i32 to index
        %get3A_770 = arith.index_cast %mul3A_736 : i32 to index
        %get3A_771 = tpu.vector_load %arg6[%get3A_767, %get3A_768, %get3A_769, %get3A_770] {strides = array<i32>} : memref<2x4x2x1024xf32, #tpu.memory_space<vmem>>, vector<1x1x1x16xf32>,
        %get3A_772 = vector.shape_cast %get3A_771 : vector<1x1x1x16xf32> to vector<16xf32>
        %add3A_773 = arith.addf %get3A_772, %get3A_743 : vector<16xf32>
        %swap3A_774 = arith.constant 1 : i32
        %swap3A_775 = arith.constant 1 : i32
        %swap3A_776 = arith.constant 0 : i32
        %swap3A_777 = arith.index_cast %swap3A_774 : i32 to index
        %swap3A_778 = arith.index_cast %swap3A_775 : i32 to index
        %swap3A_779 = arith.index_cast %swap3A_776 : i32 to index
        %swap3A_780 = arith.index_cast %mul3A_736 : i32 to index
        %swap3A_781 = tpu.vector_load %arg7[%swap3A_777, %swap3A_778, %swap3A_779, %swap3A_780] {strides = array<i32>} : memref<2x4x2x1024xf32, #tpu.memory_space<vmem>>, vector<1x1x1x16xf32>,
        %swap3A_782 = vector.shape_cast %swap3A_781 : vector<1x1x1x16xf32> to vector<16xf32>
        %swap3A_783 = vector.shape_cast %add3A_773 : vector<16xf32> to vector<1x1x1x16xf32>
        tpu.vector_store %arg7[%swap3A_777, %swap3A_778, %swap3A_779, %swap3A_780], %swap3A_783 {strides = array<i32>} : memref<2x4x2x1024xf32, #tpu.memory_space<vmem>>, vector<1x1x1x16xf32>,
        %get3A_784 = arith.constant 1 : i32
        %get3A_785 = arith.constant 2 : i32
        %get3A_786 = arith.constant 0 : i32
        %get3A_787 = arith.index_cast %get3A_784 : i32 to index
        %get3A_788 = arith.index_cast %get3A_785 : i32 to index
        %get3A_789 = arith.index_cast %get3A_786 : i32 to index
        %get3A_790 = arith.index_cast %mul3A_736 : i32 to index
        %get3A_791 = tpu.vector_load %arg6[%get3A_787, %get3A_788, %get3A_789, %get3A_790] {strides = array<i32>} : memref<2x4x2x1024xf32, #tpu.memory_space<vmem>>, vector<1x1x1x16xf32>,
        %get3A_792 = vector.shape_cast %get3A_791 : vector<1x1x1x16xf32> to vector<16xf32>
        %add3A_793 = arith.addf %get3A_792, %get3A_743 : vector<16xf32>
        %swap3A_794 = arith.constant 1 : i32
        %swap3A_795 = arith.constant 2 : i32
        %swap3A_796 = arith.constant 0 : i32
        %swap3A_797 = arith.index_cast %swap3A_794 : i32 to index
        %swap3A_798 = arith.index_cast %swap3A_795 : i32 to index
        %swap3A_799 = arith.index_cast %swap3A_796 : i32 to index
        %swap3A_800 = arith.index_cast %mul3A_736 : i32 to index
        %swap3A_801 = tpu.vector_load %arg7[%swap3A_797, %swap3A_798, %swap3A_799, %swap3A_800] {strides = array<i32>} : memref<2x4x2x1024xf32, #tpu.memory_space<vmem>>, vector<1x1x1x16xf32>,
        %swap3A_802 = vector.shape_cast %swap3A_801 : vector<1x1x1x16xf32> to vector<16xf32>
        %swap3A_803 = vector.shape_cast %add3A_793 : vector<16xf32> to vector<1x1x1x16xf32>
        tpu.vector_store %arg7[%swap3A_797, %swap3A_798, %swap3A_799, %swap3A_800], %swap3A_803 {strides = array<i32>} : memref<2x4x2x1024xf32, #tpu.memory_space<vmem>>, vector<1x1x1x16xf32>,
        %get3A_804 = arith.constant 1 : i32
        %get3A_805 = arith.constant 3 : i32
        %get3A_806 = arith.constant 0 : i32
        %get3A_807 = arith.index_cast %get3A_804 : i32 to index
        %get3A_808 = arith.index_cast %get3A_805 : i32 to index
        %get3A_809 = arith.index_cast %get3A_806 : i32 to index
        %get3A_810 = arith.index_cast %mul3A_736 : i32 to index
        %get3A_811 = tpu.vector_load %arg6[%get3A_807, %get3A_808, %get3A_809, %get3A_810] {strides = array<i32>} : memref<2x4x2x1024xf32, #tpu.memory_space<vmem>>, vector<1x1x1x16xf32>,
        %get3A_812 = vector.shape_cast %get3A_811 : vector<1x1x1x16xf32> to vector<16xf32>
        %add3A_813 = arith.addf %get3A_812, %get3A_743 : vector<16xf32>
        %swap3A_814 = arith.constant 1 : i32
        %swap3A_815 = arith.constant 3 : i32
        %swap3A_816 = arith.constant 0 : i32
        %swap3A_817 = arith.index_cast %swap3A_814 : i32 to index
        %swap3A_818 = arith.index_cast %swap3A_815 : i32 to index
        %swap3A_819 = arith.index_cast %swap3A_816 : i32 to index
        %swap3A_820 = arith.index_cast %mul3A_736 : i32 to index
        %swap3A_821 = tpu.vector_load %arg7[%swap3A_817, %swap3A_818, %swap3A_819, %swap3A_820] {strides = array<i32>} : memref<2x4x2x1024xf32, #tpu.memory_space<vmem>>, vector<1x1x1x16xf32>,
        %swap3A_822 = vector.shape_cast %swap3A_821 : vector<1x1x1x16xf32> to vector<16xf32>
        %swap3A_823 = vector.shape_cast %add3A_813 : vector<16xf32> to vector<1x1x1x16xf32>
        tpu.vector_store %arg7[%swap3A_817, %swap3A_818, %swap3A_819, %swap3A_820], %swap3A_823 {strides = array<i32>} : memref<2x4x2x1024xf32, #tpu.memory_space<vmem>>, vector<1x1x1x16xf32>,
        %mul3A_824 = arith.constant 8 : i32
        %mul3A_825 = arith.muli %scan3A_267, %mul3A_824 : i32
        %add3A_826 = arith.constant 6 : i32
        %add3A_827 = arith.addi %mul3A_825, %add3A_826 : i32
        %mul3A_828 = arith.constant 16 : i32
        %mul3A_829 = arith.muli %add3A_827, %mul3A_828 : i32
        %get3A_830 = arith.constant 1 : i32
        %get3A_831 = arith.constant 0 : i32
        %get3A_832 = arith.index_cast %get3A_830 : i32 to index
        %get3A_833 = arith.index_cast %get3A_831 : i32 to index
        %get3A_834 = arith.index_cast %mul3A_829 : i32 to index
        %get3A_835 = tpu.vector_load %arg5[%get3A_832, %get3A_833, %get3A_834] {strides = array<i32>} : memref<2x2x1024xf32, #tpu.memory_space<vmem>>, vector<1x1x16xf32>,
        %get3A_836 = vector.shape_cast %get3A_835 : vector<1x1x16xf32> to vector<16xf32>
        %get3A_837 = arith.constant 1 : i32
        %get3A_838 = arith.constant 0 : i32
        %get3A_839 = arith.constant 0 : i32
        %get3A_840 = arith.index_cast %get3A_837 : i32 to index
        %get3A_841 = arith.index_cast %get3A_838 : i32 to index
        %get3A_842 = arith.index_cast %get3A_839 : i32 to index
        %get3A_843 = arith.index_cast %mul3A_829 : i32 to index
        %get3A_844 = tpu.vector_load %arg6[%get3A_840, %get3A_841, %get3A_842, %get3A_843] {strides = array<i32>} : memref<2x4x2x1024xf32, #tpu.memory_space<vmem>>, vector<1x1x1x16xf32>,
        %get3A_845 = vector.shape_cast %get3A_844 : vector<1x1x1x16xf32> to vector<16xf32>
        %add3A_846 = arith.addf %get3A_845, %get3A_836 : vector<16xf32>
        %swap3A_847 = arith.constant 1 : i32
        %swap3A_848 = arith.constant 0 : i32
        %swap3A_849 = arith.constant 0 : i32
        %swap3A_850 = arith.index_cast %swap3A_847 : i32 to index
        %swap3A_851 = arith.index_cast %swap3A_848 : i32 to index
        %swap3A_852 = arith.index_cast %swap3A_849 : i32 to index
        %swap3A_853 = arith.index_cast %mul3A_829 : i32 to index
        %swap3A_854 = tpu.vector_load %arg7[%swap3A_850, %swap3A_851, %swap3A_852, %swap3A_853] {strides = array<i32>} : memref<2x4x2x1024xf32, #tpu.memory_space<vmem>>, vector<1x1x1x16xf32>,
        %swap3A_855 = vector.shape_cast %swap3A_854 : vector<1x1x1x16xf32> to vector<16xf32>
        %swap3A_856 = vector.shape_cast %add3A_846 : vector<16xf32> to vector<1x1x1x16xf32>
        tpu.vector_store %arg7[%swap3A_850, %swap3A_851, %swap3A_852, %swap3A_853], %swap3A_856 {strides = array<i32>} : memref<2x4x2x1024xf32, #tpu.memory_space<vmem>>, vector<1x1x1x16xf32>,
        %get3A_857 = arith.constant 1 : i32
        %get3A_858 = arith.constant 1 : i32
        %get3A_859 = arith.constant 0 : i32
        %get3A_860 = arith.index_cast %get3A_857 : i32 to index
        %get3A_861 = arith.index_cast %get3A_858 : i32 to index
        %get3A_862 = arith.index_cast %get3A_859 : i32 to index
        %get3A_863 = arith.index_cast %mul3A_829 : i32 to index
        %get3A_864 = tpu.vector_load %arg6[%get3A_860, %get3A_861, %get3A_862, %get3A_863] {strides = array<i32>} : memref<2x4x2x1024xf32, #tpu.memory_space<vmem>>, vector<1x1x1x16xf32>,
        %get3A_865 = vector.shape_cast %get3A_864 : vector<1x1x1x16xf32> to vector<16xf32>
        %add3A_866 = arith.addf %get3A_865, %get3A_836 : vector<16xf32>
        %swap3A_867 = arith.constant 1 : i32
        %swap3A_868 = arith.constant 1 : i32
        %swap3A_869 = arith.constant 0 : i32
        %swap3A_870 = arith.index_cast %swap3A_867 : i32 to index
        %swap3A_871 = arith.index_cast %swap3A_868 : i32 to index
        %swap3A_872 = arith.index_cast %swap3A_869 : i32 to index
        %swap3A_873 = arith.index_cast %mul3A_829 : i32 to index
        %swap3A_874 = tpu.vector_load %arg7[%swap3A_870, %swap3A_871, %swap3A_872, %swap3A_873] {strides = array<i32>} : memref<2x4x2x1024xf32, #tpu.memory_space<vmem>>, vector<1x1x1x16xf32>,
        %swap3A_875 = vector.shape_cast %swap3A_874 : vector<1x1x1x16xf32> to vector<16xf32>
        %swap3A_876 = vector.shape_cast %add3A_866 : vector<16xf32> to vector<1x1x1x16xf32>
        tpu.vector_store %arg7[%swap3A_870, %swap3A_871, %swap3A_872, %swap3A_873], %swap3A_876 {strides = array<i32>} : memref<2x4x2x1024xf32, #tpu.memory_space<vmem>>, vector<1x1x1x16xf32>,
        %get3A_877 = arith.constant 1 : i32
        %get3A_878 = arith.constant 2 : i32
        %get3A_879 = arith.constant 0 : i32
        %get3A_880 = arith.index_cast %get3A_877 : i32 to index
        %get3A_881 = arith.index_cast %get3A_878 : i32 to index
        %get3A_882 = arith.index_cast %get3A_879 : i32 to index
        %get3A_883 = arith.index_cast %mul3A_829 : i32 to index
        %get3A_884 = tpu.vector_load %arg6[%get3A_880, %get3A_881, %get3A_882, %get3A_883] {strides = array<i32>} : memref<2x4x2x1024xf32, #tpu.memory_space<vmem>>, vector<1x1x1x16xf32>,
        %get3A_885 = vector.shape_cast %get3A_884 : vector<1x1x1x16xf32> to vector<16xf32>
        %add3A_886 = arith.addf %get3A_885, %get3A_836 : vector<16xf32>
        %swap3A_887 = arith.constant 1 : i32
        %swap3A_888 = arith.constant 2 : i32
        %swap3A_889 = arith.constant 0 : i32
        %swap3A_890 = arith.index_cast %swap3A_887 : i32 to index
        %swap3A_891 = arith.index_cast %swap3A_888 : i32 to index
        %swap3A_892 = arith.index_cast %swap3A_889 : i32 to index
        %swap3A_893 = arith.index_cast %mul3A_829 : i32 to index
        %swap3A_894 = tpu.vector_load %arg7[%swap3A_890, %swap3A_891, %swap3A_892, %swap3A_893] {strides = array<i32>} : memref<2x4x2x1024xf32, #tpu.memory_space<vmem>>, vector<1x1x1x16xf32>,
        %swap3A_895 = vector.shape_cast %swap3A_894 : vector<1x1x1x16xf32> to vector<16xf32>
        %swap3A_896 = vector.shape_cast %add3A_886 : vector<16xf32> to vector<1x1x1x16xf32>
        tpu.vector_store %arg7[%swap3A_890, %swap3A_891, %swap3A_892, %swap3A_893], %swap3A_896 {strides = array<i32>} : memref<2x4x2x1024xf32, #tpu.memory_space<vmem>>, vector<1x1x1x16xf32>,
        %get3A_897 = arith.constant 1 : i32
        %get3A_898 = arith.constant 3 : i32
        %get3A_899 = arith.constant 0 : i32
        %get3A_900 = arith.index_cast %get3A_897 : i32 to index
        %get3A_901 = arith.index_cast %get3A_898 : i32 to index
        %get3A_902 = arith.index_cast %get3A_899 : i32 to index
        %get3A_903 = arith.index_cast %mul3A_829 : i32 to index
        %get3A_904 = tpu.vector_load %arg6[%get3A_900, %get3A_901, %get3A_902, %get3A_903] {strides = array<i32>} : memref<2x4x2x1024xf32, #tpu.memory_space<vmem>>, vector<1x1x1x16xf32>,
        %get3A_905 = vector.shape_cast %get3A_904 : vector<1x1x1x16xf32> to vector<16xf32>
        %add3A_906 = arith.addf %get3A_905, %get3A_836 : vector<16xf32>
        %swap3A_907 = arith.constant 1 : i32
        %swap3A_908 = arith.constant 3 : i32
        %swap3A_909 = arith.constant 0 : i32
        %swap3A_910 = arith.index_cast %swap3A_907 : i32 to index
        %swap3A_911 = arith.index_cast %swap3A_908 : i32 to index
        %swap3A_912 = arith.index_cast %swap3A_909 : i32 to index
        %swap3A_913 = arith.index_cast %mul3A_829 : i32 to index
        %swap3A_914 = tpu.vector_load %arg7[%swap3A_910, %swap3A_911, %swap3A_912, %swap3A_913] {strides = array<i32>} : memref<2x4x2x1024xf32, #tpu.memory_space<vmem>>, vector<1x1x1x16xf32>,
        %swap3A_915 = vector.shape_cast %swap3A_914 : vector<1x1x1x16xf32> to vector<16xf32>
        %swap3A_916 = vector.shape_cast %add3A_906 : vector<16xf32> to vector<1x1x1x16xf32>
        tpu.vector_store %arg7[%swap3A_910, %swap3A_911, %swap3A_912, %swap3A_913], %swap3A_916 {strides = array<i32>} : memref<2x4x2x1024xf32, #tpu.memory_space<vmem>>, vector<1x1x1x16xf32>,
        %mul3A_917 = arith.constant 8 : i32
        %mul3A_918 = arith.muli %scan3A_267, %mul3A_917 : i32
        %add3A_919 = arith.constant 7 : i32
        %add3A_920 = arith.addi %mul3A_918, %add3A_919 : i32
        %mul3A_921 = arith.constant 16 : i32
        %mul3A_922 = arith.muli %add3A_920, %mul3A_921 : i32
        %get3A_923 = arith.constant 1 : i32
        %get3A_924 = arith.constant 0 : i32
        %get3A_925 = arith.index_cast %get3A_923 : i32 to index
        %get3A_926 = arith.index_cast %get3A_924 : i32 to index
        %get3A_927 = arith.index_cast %mul3A_922 : i32 to index
        %get3A_928 = tpu.vector_load %arg5[%get3A_925, %get3A_926, %get3A_927] {strides = array<i32>} : memref<2x2x1024xf32, #tpu.memory_space<vmem>>, vector<1x1x16xf32>,
        %get3A_929 = vector.shape_cast %get3A_928 : vector<1x1x16xf32> to vector<16xf32>
        %get3A_930 = arith.constant 1 : i32
        %get3A_931 = arith.constant 0 : i32
        %get3A_932 = arith.constant 0 : i32
        %get3A_933 = arith.index_cast %get3A_930 : i32 to index
        %get3A_934 = arith.index_cast %get3A_931 : i32 to index
        %get3A_935 = arith.index_cast %get3A_932 : i32 to index
        %get3A_936 = arith.index_cast %mul3A_922 : i32 to index
        %get3A_937 = tpu.vector_load %arg6[%get3A_933, %get3A_934, %get3A_935, %get3A_936] {strides = array<i32>} : memref<2x4x2x1024xf32, #tpu.memory_space<vmem>>, vector<1x1x1x16xf32>,
        %get3A_938 = vector.shape_cast %get3A_937 : vector<1x1x1x16xf32> to vector<16xf32>
        %add3A_939 = arith.addf %get3A_938, %get3A_929 : vector<16xf32>
        %swap3A_940 = arith.constant 1 : i32
        %swap3A_941 = arith.constant 0 : i32
        %swap3A_942 = arith.constant 0 : i32
        %swap3A_943 = arith.index_cast %swap3A_940 : i32 to index
        %swap3A_944 = arith.index_cast %swap3A_941 : i32 to index
        %swap3A_945 = arith.index_cast %swap3A_942 : i32 to index
        %swap3A_946 = arith.index_cast %mul3A_922 : i32 to index
        %swap3A_947 = tpu.vector_load %arg7[%swap3A_943, %swap3A_944, %swap3A_945, %swap3A_946] {strides = array<i32>} : memref<2x4x2x1024xf32, #tpu.memory_space<vmem>>, vector<1x1x1x16xf32>,
        %swap3A_948 = vector.shape_cast %swap3A_947 : vector<1x1x1x16xf32> to vector<16xf32>
        %swap3A_949 = vector.shape_cast %add3A_939 : vector<16xf32> to vector<1x1x1x16xf32>
        tpu.vector_store %arg7[%swap3A_943, %swap3A_944, %swap3A_945, %swap3A_946], %swap3A_949 {strides = array<i32>} : memref<2x4x2x1024xf32, #tpu.memory_space<vmem>>, vector<1x1x1x16xf32>,
        %get3A_950 = arith.constant 1 : i32
        %get3A_951 = arith.constant 1 : i32
        %get3A_952 = arith.constant 0 : i32
        %get3A_953 = arith.index_cast %get3A_950 : i32 to index
        %get3A_954 = arith.index_cast %get3A_951 : i32 to index
        %get3A_955 = arith.index_cast %get3A_952 : i32 to index
        %get3A_956 = arith.index_cast %mul3A_922 : i32 to index
        %get3A_957 = tpu.vector_load %arg6[%get3A_953, %get3A_954, %get3A_955, %get3A_956] {strides = array<i32>} : memref<2x4x2x1024xf32, #tpu.memory_space<vmem>>, vector<1x1x1x16xf32>,
        %get3A_958 = vector.shape_cast %get3A_957 : vector<1x1x1x16xf32> to vector<16xf32>
        %add3A_959 = arith.addf %get3A_958, %get3A_929 : vector<16xf32>
        %swap3A_960 = arith.constant 1 : i32
        %swap3A_961 = arith.constant 1 : i32
        %swap3A_962 = arith.constant 0 : i32
        %swap3A_963 = arith.index_cast %swap3A_960 : i32 to index
        %swap3A_964 = arith.index_cast %swap3A_961 : i32 to index
        %swap3A_965 = arith.index_cast %swap3A_962 : i32 to index
        %swap3A_966 = arith.index_cast %mul3A_922 : i32 to index
        %swap3A_967 = tpu.vector_load %arg7[%swap3A_963, %swap3A_964, %swap3A_965, %swap3A_966] {strides = array<i32>} : memref<2x4x2x1024xf32, #tpu.memory_space<vmem>>, vector<1x1x1x16xf32>,
        %swap3A_968 = vector.shape_cast %swap3A_967 : vector<1x1x1x16xf32> to vector<16xf32>
        %swap3A_969 = vector.shape_cast %add3A_959 : vector<16xf32> to vector<1x1x1x16xf32>
        tpu.vector_store %arg7[%swap3A_963, %swap3A_964, %swap3A_965, %swap3A_966], %swap3A_969 {strides = array<i32>} : memref<2x4x2x1024xf32, #tpu.memory_space<vmem>>, vector<1x1x1x16xf32>,
        %get3A_970 = arith.constant 1 : i32
        %get3A_971 = arith.constant 2 : i32
        %get3A_972 = arith.constant 0 : i32
        %get3A_973 = arith.index_cast %get3A_970 : i32 to index
        %get3A_974 = arith.index_cast %get3A_971 : i32 to index
        %get3A_975 = arith.index_cast %get3A_972 : i32 to index
        %get3A_976 = arith.index_cast %mul3A_922 : i32 to index
        %get3A_977 = tpu.vector_load %arg6[%get3A_973, %get3A_974, %get3A_975, %get3A_976] {strides = array<i32>} : memref<2x4x2x1024xf32, #tpu.memory_space<vmem>>, vector<1x1x1x16xf32>,
        %get3A_978 = vector.shape_cast %get3A_977 : vector<1x1x1x16xf32> to vector<16xf32>
        %add3A_979 = arith.addf %get3A_978, %get3A_929 : vector<16xf32>
        %swap3A_980 = arith.constant 1 : i32
        %swap3A_981 = arith.constant 2 : i32
        %swap3A_982 = arith.constant 0 : i32
        %swap3A_983 = arith.index_cast %swap3A_980 : i32 to index
        %swap3A_984 = arith.index_cast %swap3A_981 : i32 to index
        %swap3A_985 = arith.index_cast %swap3A_982 : i32 to index
        %swap3A_986 = arith.index_cast %mul3A_922 : i32 to index
        %swap3A_987 = tpu.vector_load %arg7[%swap3A_983, %swap3A_984, %swap3A_985, %swap3A_986] {strides = array<i32>} : memref<2x4x2x1024xf32, #tpu.memory_space<vmem>>, vector<1x1x1x16xf32>,
        %swap3A_988 = vector.shape_cast %swap3A_987 : vector<1x1x1x16xf32> to vector<16xf32>
        %swap3A_989 = vector.shape_cast %add3A_979 : vector<16xf32> to vector<1x1x1x16xf32>
        tpu.vector_store %arg7[%swap3A_983, %swap3A_984, %swap3A_985, %swap3A_986], %swap3A_989 {strides = array<i32>} : memref<2x4x2x1024xf32, #tpu.memory_space<vmem>>, vector<1x1x1x16xf32>,
        %get3A_990 = arith.constant 1 : i32
        %get3A_991 = arith.constant 3 : i32
        %get3A_992 = arith.constant 0 : i32
        %get3A_993 = arith.index_cast %get3A_990 : i32 to index
        %get3A_994 = arith.index_cast %get3A_991 : i32 to index
        %get3A_995 = arith.index_cast %get3A_992 : i32 to index
        %get3A_996 = arith.index_cast %mul3A_922 : i32 to index
        %get3A_997 = tpu.vector_load %arg6[%get3A_993, %get3A_994, %get3A_995, %get3A_996] {strides = array<i32>} : memref<2x4x2x1024xf32, #tpu.memory_space<vmem>>, vector<1x1x1x16xf32>,
        %get3A_998 = vector.shape_cast %get3A_997 : vector<1x1x1x16xf32> to vector<16xf32>
        %add3A_999 = arith.addf %get3A_998, %get3A_929 : vector<16xf32>
        %swap3A_1000 = arith.constant 1 : i32
        %swap3A_1001 = arith.constant 3 : i32
        %swap3A_1002 = arith.constant 0 : i32
        %swap3A_1003 = arith.index_cast %swap3A_1000 : i32 to index
        %swap3A_1004 = arith.index_cast %swap3A_1001 : i32 to index
        %swap3A_1005 = arith.index_cast %swap3A_1002 : i32 to index
        %swap3A_1006 = arith.index_cast %mul3A_922 : i32 to index
        %swap3A_1007 = tpu.vector_load %arg7[%swap3A_1003, %swap3A_1004, %swap3A_1005, %swap3A_1006] {strides = array<i32>} : memref<2x4x2x1024xf32, #tpu.memory_space<vmem>>, vector<1x1x1x16xf32>,
        %swap3A_1008 = vector.shape_cast %swap3A_1007 : vector<1x1x1x16xf32> to vector<16xf32>
        %swap3A_1009 = vector.shape_cast %add3A_999 : vector<16xf32> to vector<1x1x1x16xf32>
        tpu.vector_store %arg7[%swap3A_1003, %swap3A_1004, %swap3A_1005, %swap3A_1006], %swap3A_1009 {strides = array<i32>} : memref<2x4x2x1024xf32, #tpu.memory_space<vmem>>, vector<1x1x1x16xf32>,
      }
      %scan3A_233 = arith.constant 8 : i32
      %scan3A_234 = arith.constant 0 : i32
      %scan3A_235 = arith.constant 0 : i32
      %scan3A_236 = arith.constant 8 : i32
      %scan3A_237 = arith.addi %scan3A_235, %scan3A_236 : i32
      %scan3A_238 = arith.constant 1 : i32
      scf.for %scan3A_267 = %scan3A_235 to %scan3A_237 step %scan3A_238  : i32 {
        %mul3A_268 = arith.constant 8 : i32
        %mul3A_269 = arith.muli %scan3A_267, %mul3A_268 : i32
        %add3A_270 = arith.constant 0 : i32
        %add3A_271 = arith.addi %mul3A_269, %add3A_270 : i32
        %mul3A_272 = arith.constant 16 : i32
        %mul3A_273 = arith.muli %add3A_271, %mul3A_272 : i32
        %get3A = arith.constant 1 : i32
        %get3A_274 = arith.constant 1 : i32
        %get3A_275 = arith.index_cast %get3A : i32 to index
        %get3A_276 = arith.index_cast %get3A_274 : i32 to index
        %get3A_277 = arith.index_cast %mul3A_273 : i32 to index
        %get3A_278 = tpu.vector_load %arg5[%get3A_275, %get3A_276, %get3A_277] {strides = array<i32>} : memref<2x2x1024xf32, #tpu.memory_space<vmem>>, vector<1x1x16xf32>,
        %get3A_279 = vector.shape_cast %get3A_278 : vector<1x1x16xf32> to vector<16xf32>
        %get3A_280 = arith.constant 1 : i32
        %get3A_281 = arith.constant 0 : i32
        %get3A_282 = arith.constant 1 : i32
        %get3A_283 = arith.index_cast %get3A_280 : i32 to index
        %get3A_284 = arith.index_cast %get3A_281 : i32 to index
        %get3A_285 = arith.index_cast %get3A_282 : i32 to index
        %get3A_286 = arith.index_cast %mul3A_273 : i32 to index
        %get3A_287 = tpu.vector_load %arg6[%get3A_283, %get3A_284, %get3A_285, %get3A_286] {strides = array<i32>} : memref<2x4x2x1024xf32, #tpu.memory_space<vmem>>, vector<1x1x1x16xf32>,
        %get3A_288 = vector.shape_cast %get3A_287 : vector<1x1x1x16xf32> to vector<16xf32>
        %add3A_289 = arith.addf %get3A_288, %get3A_279 : vector<16xf32>
        %swap3A = arith.constant 1 : i32
        %swap3A_290 = arith.constant 0 : i32
        %swap3A_291 = arith.constant 1 : i32
        %swap3A_292 = arith.index_cast %swap3A : i32 to index
        %swap3A_293 = arith.index_cast %swap3A_290 : i32 to index
        %swap3A_294 = arith.index_cast %swap3A_291 : i32 to index
        %swap3A_295 = arith.index_cast %mul3A_273 : i32 to index
        %swap3A_296 = tpu.vector_load %arg7[%swap3A_292, %swap3A_293, %swap3A_294, %swap3A_295] {strides = array<i32>} : memref<2x4x2x1024xf32, #tpu.memory_space<vmem>>, vector<1x1x1x16xf32>,
        %swap3A_297 = vector.shape_cast %swap3A_296 : vector<1x1x1x16xf32> to vector<16xf32>
        %swap3A_298 = vector.shape_cast %add3A_289 : vector<16xf32> to vector<1x1x1x16xf32>
        tpu.vector_store %arg7[%swap3A_292, %swap3A_293, %swap3A_294, %swap3A_295], %swap3A_298 {strides = array<i32>} : memref<2x4x2x1024xf32, #tpu.memory_space<vmem>>, vector<1x1x1x16xf32>,
        %get3A_299 = arith.constant 1 : i32
        %get3A_300 = arith.constant 1 : i32
        %get3A_301 = arith.constant 1 : i32
        %get3A_302 = arith.index_cast %get3A_299 : i32 to index
        %get3A_303 = arith.index_cast %get3A_300 : i32 to index
        %get3A_304 = arith.index_cast %get3A_301 : i32 to index
        %get3A_305 = arith.index_cast %mul3A_273 : i32 to index
        %get3A_306 = tpu.vector_load %arg6[%get3A_302, %get3A_303, %get3A_304, %get3A_305] {strides = array<i32>} : memref<2x4x2x1024xf32, #tpu.memory_space<vmem>>, vector<1x1x1x16xf32>,
        %get3A_307 = vector.shape_cast %get3A_306 : vector<1x1x1x16xf32> to vector<16xf32>
        %add3A_308 = arith.addf %get3A_307, %get3A_279 : vector<16xf32>
        %swap3A_309 = arith.constant 1 : i32
        %swap3A_310 = arith.constant 1 : i32
        %swap3A_311 = arith.constant 1 : i32
        %swap3A_312 = arith.index_cast %swap3A_309 : i32 to index
        %swap3A_313 = arith.index_cast %swap3A_310 : i32 to index
        %swap3A_314 = arith.index_cast %swap3A_311 : i32 to index
        %swap3A_315 = arith.index_cast %mul3A_273 : i32 to index
        %swap3A_316 = tpu.vector_load %arg7[%swap3A_312, %swap3A_313, %swap3A_314, %swap3A_315] {strides = array<i32>} : memref<2x4x2x1024xf32, #tpu.memory_space<vmem>>, vector<1x1x1x16xf32>,
        %swap3A_317 = vector.shape_cast %swap3A_316 : vector<1x1x1x16xf32> to vector<16xf32>
        %swap3A_318 = vector.shape_cast %add3A_308 : vector<16xf32> to vector<1x1x1x16xf32>
        tpu.vector_store %arg7[%swap3A_312, %swap3A_313, %swap3A_314, %swap3A_315], %swap3A_318 {strides = array<i32>} : memref<2x4x2x1024xf32, #tpu.memory_space<vmem>>, vector<1x1x1x16xf32>,
        %get3A_319 = arith.constant 1 : i32
        %get3A_320 = arith.constant 2 : i32
        %get3A_321 = arith.constant 1 : i32
        %get3A_322 = arith.index_cast %get3A_319 : i32 to index
        %get3A_323 = arith.index_cast %get3A_320 : i32 to index
        %get3A_324 = arith.index_cast %get3A_321 : i32 to index
        %get3A_325 = arith.index_cast %mul3A_273 : i32 to index
        %get3A_326 = tpu.vector_load %arg6[%get3A_322, %get3A_323, %get3A_324, %get3A_325] {strides = array<i32>} : memref<2x4x2x1024xf32, #tpu.memory_space<vmem>>, vector<1x1x1x16xf32>,
        %get3A_327 = vector.shape_cast %get3A_326 : vector<1x1x1x16xf32> to vector<16xf32>
        %add3A_328 = arith.addf %get3A_327, %get3A_279 : vector<16xf32>
        %swap3A_329 = arith.constant 1 : i32
        %swap3A_330 = arith.constant 2 : i32
        %swap3A_331 = arith.constant 1 : i32
        %swap3A_332 = arith.index_cast %swap3A_329 : i32 to index
        %swap3A_333 = arith.index_cast %swap3A_330 : i32 to index
        %swap3A_334 = arith.index_cast %swap3A_331 : i32 to index
        %swap3A_335 = arith.index_cast %mul3A_273 : i32 to index
        %swap3A_336 = tpu.vector_load %arg7[%swap3A_332, %swap3A_333, %swap3A_334, %swap3A_335] {strides = array<i32>} : memref<2x4x2x1024xf32, #tpu.memory_space<vmem>>, vector<1x1x1x16xf32>,
        %swap3A_337 = vector.shape_cast %swap3A_336 : vector<1x1x1x16xf32> to vector<16xf32>
        %swap3A_338 = vector.shape_cast %add3A_328 : vector<16xf32> to vector<1x1x1x16xf32>
        tpu.vector_store %arg7[%swap3A_332, %swap3A_333, %swap3A_334, %swap3A_335], %swap3A_338 {strides = array<i32>} : memref<2x4x2x1024xf32, #tpu.memory_space<vmem>>, vector<1x1x1x16xf32>,
        %get3A_339 = arith.constant 1 : i32
        %get3A_340 = arith.constant 3 : i32
        %get3A_341 = arith.constant 1 : i32
        %get3A_342 = arith.index_cast %get3A_339 : i32 to index
        %get3A_343 = arith.index_cast %get3A_340 : i32 to index
        %get3A_344 = arith.index_cast %get3A_341 : i32 to index
        %get3A_345 = arith.index_cast %mul3A_273 : i32 to index
        %get3A_346 = tpu.vector_load %arg6[%get3A_342, %get3A_343, %get3A_344, %get3A_345] {strides = array<i32>} : memref<2x4x2x1024xf32, #tpu.memory_space<vmem>>, vector<1x1x1x16xf32>,
        %get3A_347 = vector.shape_cast %get3A_346 : vector<1x1x1x16xf32> to vector<16xf32>
        %add3A_348 = arith.addf %get3A_347, %get3A_279 : vector<16xf32>
        %swap3A_349 = arith.constant 1 : i32
        %swap3A_350 = arith.constant 3 : i32
        %swap3A_351 = arith.constant 1 : i32
        %swap3A_352 = arith.index_cast %swap3A_349 : i32 to index
        %swap3A_353 = arith.index_cast %swap3A_350 : i32 to index
        %swap3A_354 = arith.index_cast %swap3A_351 : i32 to index
        %swap3A_355 = arith.index_cast %mul3A_273 : i32 to index
        %swap3A_356 = tpu.vector_load %arg7[%swap3A_352, %swap3A_353, %swap3A_354, %swap3A_355] {strides = array<i32>} : memref<2x4x2x1024xf32, #tpu.memory_space<vmem>>, vector<1x1x1x16xf32>,
        %swap3A_357 = vector.shape_cast %swap3A_356 : vector<1x1x1x16xf32> to vector<16xf32>
        %swap3A_358 = vector.shape_cast %add3A_348 : vector<16xf32> to vector<1x1x1x16xf32>
        tpu.vector_store %arg7[%swap3A_352, %swap3A_353, %swap3A_354, %swap3A_355], %swap3A_358 {strides = array<i32>} : memref<2x4x2x1024xf32, #tpu.memory_space<vmem>>, vector<1x1x1x16xf32>,
        %mul3A_359 = arith.constant 8 : i32
        %mul3A_360 = arith.muli %scan3A_267, %mul3A_359 : i32
        %add3A_361 = arith.constant 1 : i32
        %add3A_362 = arith.addi %mul3A_360, %add3A_361 : i32
        %mul3A_363 = arith.constant 16 : i32
        %mul3A_364 = arith.muli %add3A_362, %mul3A_363 : i32
        %get3A_365 = arith.constant 1 : i32
        %get3A_366 = arith.constant 1 : i32
        %get3A_367 = arith.index_cast %get3A_365 : i32 to index
        %get3A_368 = arith.index_cast %get3A_366 : i32 to index
        %get3A_369 = arith.index_cast %mul3A_364 : i32 to index
        %get3A_370 = tpu.vector_load %arg5[%get3A_367, %get3A_368, %get3A_369] {strides = array<i32>} : memref<2x2x1024xf32, #tpu.memory_space<vmem>>, vector<1x1x16xf32>,
        %get3A_371 = vector.shape_cast %get3A_370 : vector<1x1x16xf32> to vector<16xf32>
        %get3A_372 = arith.constant 1 : i32
        %get3A_373 = arith.constant 0 : i32
        %get3A_374 = arith.constant 1 : i32
        %get3A_375 = arith.index_cast %get3A_372 : i32 to index
        %get3A_376 = arith.index_cast %get3A_373 : i32 to index
        %get3A_377 = arith.index_cast %get3A_374 : i32 to index
        %get3A_378 = arith.index_cast %mul3A_364 : i32 to index
        %get3A_379 = tpu.vector_load %arg6[%get3A_375, %get3A_376, %get3A_377, %get3A_378] {strides = array<i32>} : memref<2x4x2x1024xf32, #tpu.memory_space<vmem>>, vector<1x1x1x16xf32>,
        %get3A_380 = vector.shape_cast %get3A_379 : vector<1x1x1x16xf32> to vector<16xf32>
        %add3A_381 = arith.addf %get3A_380, %get3A_371 : vector<16xf32>
        %swap3A_382 = arith.constant 1 : i32
        %swap3A_383 = arith.constant 0 : i32
        %swap3A_384 = arith.constant 1 : i32
        %swap3A_385 = arith.index_cast %swap3A_382 : i32 to index
        %swap3A_386 = arith.index_cast %swap3A_383 : i32 to index
        %swap3A_387 = arith.index_cast %swap3A_384 : i32 to index
        %swap3A_388 = arith.index_cast %mul3A_364 : i32 to index
        %swap3A_389 = tpu.vector_load %arg7[%swap3A_385, %swap3A_386, %swap3A_387, %swap3A_388] {strides = array<i32>} : memref<2x4x2x1024xf32, #tpu.memory_space<vmem>>, vector<1x1x1x16xf32>,
        %swap3A_390 = vector.shape_cast %swap3A_389 : vector<1x1x1x16xf32> to vector<16xf32>
        %swap3A_391 = vector.shape_cast %add3A_381 : vector<16xf32> to vector<1x1x1x16xf32>
        tpu.vector_store %arg7[%swap3A_385, %swap3A_386, %swap3A_387, %swap3A_388], %swap3A_391 {strides = array<i32>} : memref<2x4x2x1024xf32, #tpu.memory_space<vmem>>, vector<1x1x1x16xf32>,
        %get3A_392 = arith.constant 1 : i32
        %get3A_393 = arith.constant 1 : i32
        %get3A_394 = arith.constant 1 : i32
        %get3A_395 = arith.index_cast %get3A_392 : i32 to index
        %get3A_396 = arith.index_cast %get3A_393 : i32 to index
        %get3A_397 = arith.index_cast %get3A_394 : i32 to index
        %get3A_398 = arith.index_cast %mul3A_364 : i32 to index
        %get3A_399 = tpu.vector_load %arg6[%get3A_395, %get3A_396, %get3A_397, %get3A_398] {strides = array<i32>} : memref<2x4x2x1024xf32, #tpu.memory_space<vmem>>, vector<1x1x1x16xf32>,
        %get3A_400 = vector.shape_cast %get3A_399 : vector<1x1x1x16xf32> to vector<16xf32>
        %add3A_401 = arith.addf %get3A_400, %get3A_371 : vector<16xf32>
        %swap3A_402 = arith.constant 1 : i32
        %swap3A_403 = arith.constant 1 : i32
        %swap3A_404 = arith.constant 1 : i32
        %swap3A_405 = arith.index_cast %swap3A_402 : i32 to index
        %swap3A_406 = arith.index_cast %swap3A_403 : i32 to index
        %swap3A_407 = arith.index_cast %swap3A_404 : i32 to index
        %swap3A_408 = arith.index_cast %mul3A_364 : i32 to index
        %swap3A_409 = tpu.vector_load %arg7[%swap3A_405, %swap3A_406, %swap3A_407, %swap3A_408] {strides = array<i32>} : memref<2x4x2x1024xf32, #tpu.memory_space<vmem>>, vector<1x1x1x16xf32>,
        %swap3A_410 = vector.shape_cast %swap3A_409 : vector<1x1x1x16xf32> to vector<16xf32>
        %swap3A_411 = vector.shape_cast %add3A_401 : vector<16xf32> to vector<1x1x1x16xf32>
        tpu.vector_store %arg7[%swap3A_405, %swap3A_406, %swap3A_407, %swap3A_408], %swap3A_411 {strides = array<i32>} : memref<2x4x2x1024xf32, #tpu.memory_space<vmem>>, vector<1x1x1x16xf32>,
        %get3A_412 = arith.constant 1 : i32
        %get3A_413 = arith.constant 2 : i32
        %get3A_414 = arith.constant 1 : i32
        %get3A_415 = arith.index_cast %get3A_412 : i32 to index
        %get3A_416 = arith.index_cast %get3A_413 : i32 to index
        %get3A_417 = arith.index_cast %get3A_414 : i32 to index
        %get3A_418 = arith.index_cast %mul3A_364 : i32 to index
        %get3A_419 = tpu.vector_load %arg6[%get3A_415, %get3A_416, %get3A_417, %get3A_418] {strides = array<i32>} : memref<2x4x2x1024xf32, #tpu.memory_space<vmem>>, vector<1x1x1x16xf32>,
        %get3A_420 = vector.shape_cast %get3A_419 : vector<1x1x1x16xf32> to vector<16xf32>
        %add3A_421 = arith.addf %get3A_420, %get3A_371 : vector<16xf32>
        %swap3A_422 = arith.constant 1 : i32
        %swap3A_423 = arith.constant 2 : i32
        %swap3A_424 = arith.constant 1 : i32
        %swap3A_425 = arith.index_cast %swap3A_422 : i32 to index
        %swap3A_426 = arith.index_cast %swap3A_423 : i32 to index
        %swap3A_427 = arith.index_cast %swap3A_424 : i32 to index
        %swap3A_428 = arith.index_cast %mul3A_364 : i32 to index
        %swap3A_429 = tpu.vector_load %arg7[%swap3A_425, %swap3A_426, %swap3A_427, %swap3A_428] {strides = array<i32>} : memref<2x4x2x1024xf32, #tpu.memory_space<vmem>>, vector<1x1x1x16xf32>,
        %swap3A_430 = vector.shape_cast %swap3A_429 : vector<1x1x1x16xf32> to vector<16xf32>
        %swap3A_431 = vector.shape_cast %add3A_421 : vector<16xf32> to vector<1x1x1x16xf32>
        tpu.vector_store %arg7[%swap3A_425, %swap3A_426, %swap3A_427, %swap3A_428], %swap3A_431 {strides = array<i32>} : memref<2x4x2x1024xf32, #tpu.memory_space<vmem>>, vector<1x1x1x16xf32>,
        %get3A_432 = arith.constant 1 : i32
        %get3A_433 = arith.constant 3 : i32
        %get3A_434 = arith.constant 1 : i32
        %get3A_435 = arith.index_cast %get3A_432 : i32 to index
        %get3A_436 = arith.index_cast %get3A_433 : i32 to index
        %get3A_437 = arith.index_cast %get3A_434 : i32 to index
        %get3A_438 = arith.index_cast %mul3A_364 : i32 to index
        %get3A_439 = tpu.vector_load %arg6[%get3A_435, %get3A_436, %get3A_437, %get3A_438] {strides = array<i32>} : memref<2x4x2x1024xf32, #tpu.memory_space<vmem>>, vector<1x1x1x16xf32>,
        %get3A_440 = vector.shape_cast %get3A_439 : vector<1x1x1x16xf32> to vector<16xf32>
        %add3A_441 = arith.addf %get3A_440, %get3A_371 : vector<16xf32>
        %swap3A_442 = arith.constant 1 : i32
        %swap3A_443 = arith.constant 3 : i32
        %swap3A_444 = arith.constant 1 : i32
        %swap3A_445 = arith.index_cast %swap3A_442 : i32 to index
        %swap3A_446 = arith.index_cast %swap3A_443 : i32 to index
        %swap3A_447 = arith.index_cast %swap3A_444 : i32 to index
        %swap3A_448 = arith.index_cast %mul3A_364 : i32 to index
        %swap3A_449 = tpu.vector_load %arg7[%swap3A_445, %swap3A_446, %swap3A_447, %swap3A_448] {strides = array<i32>} : memref<2x4x2x1024xf32, #tpu.memory_space<vmem>>, vector<1x1x1x16xf32>,
        %swap3A_450 = vector.shape_cast %swap3A_449 : vector<1x1x1x16xf32> to vector<16xf32>
        %swap3A_451 = vector.shape_cast %add3A_441 : vector<16xf32> to vector<1x1x1x16xf32>
        tpu.vector_store %arg7[%swap3A_445, %swap3A_446, %swap3A_447, %swap3A_448], %swap3A_451 {strides = array<i32>} : memref<2x4x2x1024xf32, #tpu.memory_space<vmem>>, vector<1x1x1x16xf32>,
        %mul3A_452 = arith.constant 8 : i32
        %mul3A_453 = arith.muli %scan3A_267, %mul3A_452 : i32
        %add3A_454 = arith.constant 2 : i32
        %add3A_455 = arith.addi %mul3A_453, %add3A_454 : i32
        %mul3A_456 = arith.constant 16 : i32
        %mul3A_457 = arith.muli %add3A_455, %mul3A_456 : i32
        %get3A_458 = arith.constant 1 : i32
        %get3A_459 = arith.constant 1 : i32
        %get3A_460 = arith.index_cast %get3A_458 : i32 to index
        %get3A_461 = arith.index_cast %get3A_459 : i32 to index
        %get3A_462 = arith.index_cast %mul3A_457 : i32 to index
        %get3A_463 = tpu.vector_load %arg5[%get3A_460, %get3A_461, %get3A_462] {strides = array<i32>} : memref<2x2x1024xf32, #tpu.memory_space<vmem>>, vector<1x1x16xf32>,
        %get3A_464 = vector.shape_cast %get3A_463 : vector<1x1x16xf32> to vector<16xf32>
        %get3A_465 = arith.constant 1 : i32
        %get3A_466 = arith.constant 0 : i32
        %get3A_467 = arith.constant 1 : i32
        %get3A_468 = arith.index_cast %get3A_465 : i32 to index
        %get3A_469 = arith.index_cast %get3A_466 : i32 to index
        %get3A_470 = arith.index_cast %get3A_467 : i32 to index
        %get3A_471 = arith.index_cast %mul3A_457 : i32 to index
        %get3A_472 = tpu.vector_load %arg6[%get3A_468, %get3A_469, %get3A_470, %get3A_471] {strides = array<i32>} : memref<2x4x2x1024xf32, #tpu.memory_space<vmem>>, vector<1x1x1x16xf32>,
        %get3A_473 = vector.shape_cast %get3A_472 : vector<1x1x1x16xf32> to vector<16xf32>
        %add3A_474 = arith.addf %get3A_473, %get3A_464 : vector<16xf32>
        %swap3A_475 = arith.constant 1 : i32
        %swap3A_476 = arith.constant 0 : i32
        %swap3A_477 = arith.constant 1 : i32
        %swap3A_478 = arith.index_cast %swap3A_475 : i32 to index
        %swap3A_479 = arith.index_cast %swap3A_476 : i32 to index
        %swap3A_480 = arith.index_cast %swap3A_477 : i32 to index
        %swap3A_481 = arith.index_cast %mul3A_457 : i32 to index
        %swap3A_482 = tpu.vector_load %arg7[%swap3A_478, %swap3A_479, %swap3A_480, %swap3A_481] {strides = array<i32>} : memref<2x4x2x1024xf32, #tpu.memory_space<vmem>>, vector<1x1x1x16xf32>,
        %swap3A_483 = vector.shape_cast %swap3A_482 : vector<1x1x1x16xf32> to vector<16xf32>
        %swap3A_484 = vector.shape_cast %add3A_474 : vector<16xf32> to vector<1x1x1x16xf32>
        tpu.vector_store %arg7[%swap3A_478, %swap3A_479, %swap3A_480, %swap3A_481], %swap3A_484 {strides = array<i32>} : memref<2x4x2x1024xf32, #tpu.memory_space<vmem>>, vector<1x1x1x16xf32>,
        %get3A_485 = arith.constant 1 : i32
        %get3A_486 = arith.constant 1 : i32
        %get3A_487 = arith.constant 1 : i32
        %get3A_488 = arith.index_cast %get3A_485 : i32 to index
        %get3A_489 = arith.index_cast %get3A_486 : i32 to index
        %get3A_490 = arith.index_cast %get3A_487 : i32 to index
        %get3A_491 = arith.index_cast %mul3A_457 : i32 to index
        %get3A_492 = tpu.vector_load %arg6[%get3A_488, %get3A_489, %get3A_490, %get3A_491] {strides = array<i32>} : memref<2x4x2x1024xf32, #tpu.memory_space<vmem>>, vector<1x1x1x16xf32>,
        %get3A_493 = vector.shape_cast %get3A_492 : vector<1x1x1x16xf32> to vector<16xf32>
        %add3A_494 = arith.addf %get3A_493, %get3A_464 : vector<16xf32>
        %swap3A_495 = arith.constant 1 : i32
        %swap3A_496 = arith.constant 1 : i32
        %swap3A_497 = arith.constant 1 : i32
        %swap3A_498 = arith.index_cast %swap3A_495 : i32 to index
        %swap3A_499 = arith.index_cast %swap3A_496 : i32 to index
        %swap3A_500 = arith.index_cast %swap3A_497 : i32 to index
        %swap3A_501 = arith.index_cast %mul3A_457 : i32 to index
        %swap3A_502 = tpu.vector_load %arg7[%swap3A_498, %swap3A_499, %swap3A_500, %swap3A_501] {strides = array<i32>} : memref<2x4x2x1024xf32, #tpu.memory_space<vmem>>, vector<1x1x1x16xf32>,
        %swap3A_503 = vector.shape_cast %swap3A_502 : vector<1x1x1x16xf32> to vector<16xf32>
        %swap3A_504 = vector.shape_cast %add3A_494 : vector<16xf32> to vector<1x1x1x16xf32>
        tpu.vector_store %arg7[%swap3A_498, %swap3A_499, %swap3A_500, %swap3A_501], %swap3A_504 {strides = array<i32>} : memref<2x4x2x1024xf32, #tpu.memory_space<vmem>>, vector<1x1x1x16xf32>,
        %get3A_505 = arith.constant 1 : i32
        %get3A_506 = arith.constant 2 : i32
        %get3A_507 = arith.constant 1 : i32
        %get3A_508 = arith.index_cast %get3A_505 : i32 to index
        %get3A_509 = arith.index_cast %get3A_506 : i32 to index
        %get3A_510 = arith.index_cast %get3A_507 : i32 to index
        %get3A_511 = arith.index_cast %mul3A_457 : i32 to index
        %get3A_512 = tpu.vector_load %arg6[%get3A_508, %get3A_509, %get3A_510, %get3A_511] {strides = array<i32>} : memref<2x4x2x1024xf32, #tpu.memory_space<vmem>>, vector<1x1x1x16xf32>,
        %get3A_513 = vector.shape_cast %get3A_512 : vector<1x1x1x16xf32> to vector<16xf32>
        %add3A_514 = arith.addf %get3A_513, %get3A_464 : vector<16xf32>
        %swap3A_515 = arith.constant 1 : i32
        %swap3A_516 = arith.constant 2 : i32
        %swap3A_517 = arith.constant 1 : i32
        %swap3A_518 = arith.index_cast %swap3A_515 : i32 to index
        %swap3A_519 = arith.index_cast %swap3A_516 : i32 to index
        %swap3A_520 = arith.index_cast %swap3A_517 : i32 to index
        %swap3A_521 = arith.index_cast %mul3A_457 : i32 to index
        %swap3A_522 = tpu.vector_load %arg7[%swap3A_518, %swap3A_519, %swap3A_520, %swap3A_521] {strides = array<i32>} : memref<2x4x2x1024xf32, #tpu.memory_space<vmem>>, vector<1x1x1x16xf32>,
        %swap3A_523 = vector.shape_cast %swap3A_522 : vector<1x1x1x16xf32> to vector<16xf32>
        %swap3A_524 = vector.shape_cast %add3A_514 : vector<16xf32> to vector<1x1x1x16xf32>
        tpu.vector_store %arg7[%swap3A_518, %swap3A_519, %swap3A_520, %swap3A_521], %swap3A_524 {strides = array<i32>} : memref<2x4x2x1024xf32, #tpu.memory_space<vmem>>, vector<1x1x1x16xf32>,
        %get3A_525 = arith.constant 1 : i32
        %get3A_526 = arith.constant 3 : i32
        %get3A_527 = arith.constant 1 : i32
        %get3A_528 = arith.index_cast %get3A_525 : i32 to index
        %get3A_529 = arith.index_cast %get3A_526 : i32 to index
        %get3A_530 = arith.index_cast %get3A_527 : i32 to index
        %get3A_531 = arith.index_cast %mul3A_457 : i32 to index
        %get3A_532 = tpu.vector_load %arg6[%get3A_528, %get3A_529, %get3A_530, %get3A_531] {strides = array<i32>} : memref<2x4x2x1024xf32, #tpu.memory_space<vmem>>, vector<1x1x1x16xf32>,
        %get3A_533 = vector.shape_cast %get3A_532 : vector<1x1x1x16xf32> to vector<16xf32>
        %add3A_534 = arith.addf %get3A_533, %get3A_464 : vector<16xf32>
        %swap3A_535 = arith.constant 1 : i32
        %swap3A_536 = arith.constant 3 : i32
        %swap3A_537 = arith.constant 1 : i32
        %swap3A_538 = arith.index_cast %swap3A_535 : i32 to index
        %swap3A_539 = arith.index_cast %swap3A_536 : i32 to index
        %swap3A_540 = arith.index_cast %swap3A_537 : i32 to index
        %swap3A_541 = arith.index_cast %mul3A_457 : i32 to index
        %swap3A_542 = tpu.vector_load %arg7[%swap3A_538, %swap3A_539, %swap3A_540, %swap3A_541] {strides = array<i32>} : memref<2x4x2x1024xf32, #tpu.memory_space<vmem>>, vector<1x1x1x16xf32>,
        %swap3A_543 = vector.shape_cast %swap3A_542 : vector<1x1x1x16xf32> to vector<16xf32>
        %swap3A_544 = vector.shape_cast %add3A_534 : vector<16xf32> to vector<1x1x1x16xf32>
        tpu.vector_store %arg7[%swap3A_538, %swap3A_539, %swap3A_540, %swap3A_541], %swap3A_544 {strides = array<i32>} : memref<2x4x2x1024xf32, #tpu.memory_space<vmem>>, vector<1x1x1x16xf32>,
        %mul3A_545 = arith.constant 8 : i32
        %mul3A_546 = arith.muli %scan3A_267, %mul3A_545 : i32
        %add3A_547 = arith.constant 3 : i32
        %add3A_548 = arith.addi %mul3A_546, %add3A_547 : i32
        %mul3A_549 = arith.constant 16 : i32
        %mul3A_550 = arith.muli %add3A_548, %mul3A_549 : i32
        %get3A_551 = arith.constant 1 : i32
        %get3A_552 = arith.constant 1 : i32
        %get3A_553 = arith.index_cast %get3A_551 : i32 to index
        %get3A_554 = arith.index_cast %get3A_552 : i32 to index
        %get3A_555 = arith.index_cast %mul3A_550 : i32 to index
        %get3A_556 = tpu.vector_load %arg5[%get3A_553, %get3A_554, %get3A_555] {strides = array<i32>} : memref<2x2x1024xf32, #tpu.memory_space<vmem>>, vector<1x1x16xf32>,
        %get3A_557 = vector.shape_cast %get3A_556 : vector<1x1x16xf32> to vector<16xf32>
        %get3A_558 = arith.constant 1 : i32
        %get3A_559 = arith.constant 0 : i32
        %get3A_560 = arith.constant 1 : i32
        %get3A_561 = arith.index_cast %get3A_558 : i32 to index
        %get3A_562 = arith.index_cast %get3A_559 : i32 to index
        %get3A_563 = arith.index_cast %get3A_560 : i32 to index
        %get3A_564 = arith.index_cast %mul3A_550 : i32 to index
        %get3A_565 = tpu.vector_load %arg6[%get3A_561, %get3A_562, %get3A_563, %get3A_564] {strides = array<i32>} : memref<2x4x2x1024xf32, #tpu.memory_space<vmem>>, vector<1x1x1x16xf32>,
        %get3A_566 = vector.shape_cast %get3A_565 : vector<1x1x1x16xf32> to vector<16xf32>
        %add3A_567 = arith.addf %get3A_566, %get3A_557 : vector<16xf32>
        %swap3A_568 = arith.constant 1 : i32
        %swap3A_569 = arith.constant 0 : i32
        %swap3A_570 = arith.constant 1 : i32
        %swap3A_571 = arith.index_cast %swap3A_568 : i32 to index
        %swap3A_572 = arith.index_cast %swap3A_569 : i32 to index
        %swap3A_573 = arith.index_cast %swap3A_570 : i32 to index
        %swap3A_574 = arith.index_cast %mul3A_550 : i32 to index
        %swap3A_575 = tpu.vector_load %arg7[%swap3A_571, %swap3A_572, %swap3A_573, %swap3A_574] {strides = array<i32>} : memref<2x4x2x1024xf32, #tpu.memory_space<vmem>>, vector<1x1x1x16xf32>,
        %swap3A_576 = vector.shape_cast %swap3A_575 : vector<1x1x1x16xf32> to vector<16xf32>
        %swap3A_577 = vector.shape_cast %add3A_567 : vector<16xf32> to vector<1x1x1x16xf32>
        tpu.vector_store %arg7[%swap3A_571, %swap3A_572, %swap3A_573, %swap3A_574], %swap3A_577 {strides = array<i32>} : memref<2x4x2x1024xf32, #tpu.memory_space<vmem>>, vector<1x1x1x16xf32>,
        %get3A_578 = arith.constant 1 : i32
        %get3A_579 = arith.constant 1 : i32
        %get3A_580 = arith.constant 1 : i32
        %get3A_581 = arith.index_cast %get3A_578 : i32 to index
        %get3A_582 = arith.index_cast %get3A_579 : i32 to index
        %get3A_583 = arith.index_cast %get3A_580 : i32 to index
        %get3A_584 = arith.index_cast %mul3A_550 : i32 to index
        %get3A_585 = tpu.vector_load %arg6[%get3A_581, %get3A_582, %get3A_583, %get3A_584] {strides = array<i32>} : memref<2x4x2x1024xf32, #tpu.memory_space<vmem>>, vector<1x1x1x16xf32>,
        %get3A_586 = vector.shape_cast %get3A_585 : vector<1x1x1x16xf32> to vector<16xf32>
        %add3A_587 = arith.addf %get3A_586, %get3A_557 : vector<16xf32>
        %swap3A_588 = arith.constant 1 : i32
        %swap3A_589 = arith.constant 1 : i32
        %swap3A_590 = arith.constant 1 : i32
        %swap3A_591 = arith.index_cast %swap3A_588 : i32 to index
        %swap3A_592 = arith.index_cast %swap3A_589 : i32 to index
        %swap3A_593 = arith.index_cast %swap3A_590 : i32 to index
        %swap3A_594 = arith.index_cast %mul3A_550 : i32 to index
        %swap3A_595 = tpu.vector_load %arg7[%swap3A_591, %swap3A_592, %swap3A_593, %swap3A_594] {strides = array<i32>} : memref<2x4x2x1024xf32, #tpu.memory_space<vmem>>, vector<1x1x1x16xf32>,
        %swap3A_596 = vector.shape_cast %swap3A_595 : vector<1x1x1x16xf32> to vector<16xf32>
        %swap3A_597 = vector.shape_cast %add3A_587 : vector<16xf32> to vector<1x1x1x16xf32>
        tpu.vector_store %arg7[%swap3A_591, %swap3A_592, %swap3A_593, %swap3A_594], %swap3A_597 {strides = array<i32>} : memref<2x4x2x1024xf32, #tpu.memory_space<vmem>>, vector<1x1x1x16xf32>,
        %get3A_598 = arith.constant 1 : i32
        %get3A_599 = arith.constant 2 : i32
        %get3A_600 = arith.constant 1 : i32
        %get3A_601 = arith.index_cast %get3A_598 : i32 to index
        %get3A_602 = arith.index_cast %get3A_599 : i32 to index
        %get3A_603 = arith.index_cast %get3A_600 : i32 to index
        %get3A_604 = arith.index_cast %mul3A_550 : i32 to index
        %get3A_605 = tpu.vector_load %arg6[%get3A_601, %get3A_602, %get3A_603, %get3A_604] {strides = array<i32>} : memref<2x4x2x1024xf32, #tpu.memory_space<vmem>>, vector<1x1x1x16xf32>,
        %get3A_606 = vector.shape_cast %get3A_605 : vector<1x1x1x16xf32> to vector<16xf32>
        %add3A_607 = arith.addf %get3A_606, %get3A_557 : vector<16xf32>
        %swap3A_608 = arith.constant 1 : i32
        %swap3A_609 = arith.constant 2 : i32
        %swap3A_610 = arith.constant 1 : i32
        %swap3A_611 = arith.index_cast %swap3A_608 : i32 to index
        %swap3A_612 = arith.index_cast %swap3A_609 : i32 to index
        %swap3A_613 = arith.index_cast %swap3A_610 : i32 to index
        %swap3A_614 = arith.index_cast %mul3A_550 : i32 to index
        %swap3A_615 = tpu.vector_load %arg7[%swap3A_611, %swap3A_612, %swap3A_613, %swap3A_614] {strides = array<i32>} : memref<2x4x2x1024xf32, #tpu.memory_space<vmem>>, vector<1x1x1x16xf32>,
        %swap3A_616 = vector.shape_cast %swap3A_615 : vector<1x1x1x16xf32> to vector<16xf32>
        %swap3A_617 = vector.shape_cast %add3A_607 : vector<16xf32> to vector<1x1x1x16xf32>
        tpu.vector_store %arg7[%swap3A_611, %swap3A_612, %swap3A_613, %swap3A_614], %swap3A_617 {strides = array<i32>} : memref<2x4x2x1024xf32, #tpu.memory_space<vmem>>, vector<1x1x1x16xf32>,
        %get3A_618 = arith.constant 1 : i32
        %get3A_619 = arith.constant 3 : i32
        %get3A_620 = arith.constant 1 : i32
        %get3A_621 = arith.index_cast %get3A_618 : i32 to index
        %get3A_622 = arith.index_cast %get3A_619 : i32 to index
        %get3A_623 = arith.index_cast %get3A_620 : i32 to index
        %get3A_624 = arith.index_cast %mul3A_550 : i32 to index
        %get3A_625 = tpu.vector_load %arg6[%get3A_621, %get3A_622, %get3A_623, %get3A_624] {strides = array<i32>} : memref<2x4x2x1024xf32, #tpu.memory_space<vmem>>, vector<1x1x1x16xf32>,
        %get3A_626 = vector.shape_cast %get3A_625 : vector<1x1x1x16xf32> to vector<16xf32>
        %add3A_627 = arith.addf %get3A_626, %get3A_557 : vector<16xf32>
        %swap3A_628 = arith.constant 1 : i32
        %swap3A_629 = arith.constant 3 : i32
        %swap3A_630 = arith.constant 1 : i32
        %swap3A_631 = arith.index_cast %swap3A_628 : i32 to index
        %swap3A_632 = arith.index_cast %swap3A_629 : i32 to index
        %swap3A_633 = arith.index_cast %swap3A_630 : i32 to index
        %swap3A_634 = arith.index_cast %mul3A_550 : i32 to index
        %swap3A_635 = tpu.vector_load %arg7[%swap3A_631, %swap3A_632, %swap3A_633, %swap3A_634] {strides = array<i32>} : memref<2x4x2x1024xf32, #tpu.memory_space<vmem>>, vector<1x1x1x16xf32>,
        %swap3A_636 = vector.shape_cast %swap3A_635 : vector<1x1x1x16xf32> to vector<16xf32>
        %swap3A_637 = vector.shape_cast %add3A_627 : vector<16xf32> to vector<1x1x1x16xf32>
        tpu.vector_store %arg7[%swap3A_631, %swap3A_632, %swap3A_633, %swap3A_634], %swap3A_637 {strides = array<i32>} : memref<2x4x2x1024xf32, #tpu.memory_space<vmem>>, vector<1x1x1x16xf32>,
        %mul3A_638 = arith.constant 8 : i32
        %mul3A_639 = arith.muli %scan3A_267, %mul3A_638 : i32
        %add3A_640 = arith.constant 4 : i32
        %add3A_641 = arith.addi %mul3A_639, %add3A_640 : i32
        %mul3A_642 = arith.constant 16 : i32
        %mul3A_643 = arith.muli %add3A_641, %mul3A_642 : i32
        %get3A_644 = arith.constant 1 : i32
        %get3A_645 = arith.constant 1 : i32
        %get3A_646 = arith.index_cast %get3A_644 : i32 to index
        %get3A_647 = arith.index_cast %get3A_645 : i32 to index
        %get3A_648 = arith.index_cast %mul3A_643 : i32 to index
        %get3A_649 = tpu.vector_load %arg5[%get3A_646, %get3A_647, %get3A_648] {strides = array<i32>} : memref<2x2x1024xf32, #tpu.memory_space<vmem>>, vector<1x1x16xf32>,
        %get3A_650 = vector.shape_cast %get3A_649 : vector<1x1x16xf32> to vector<16xf32>
        %get3A_651 = arith.constant 1 : i32
        %get3A_652 = arith.constant 0 : i32
        %get3A_653 = arith.constant 1 : i32
        %get3A_654 = arith.index_cast %get3A_651 : i32 to index
        %get3A_655 = arith.index_cast %get3A_652 : i32 to index
        %get3A_656 = arith.index_cast %get3A_653 : i32 to index
        %get3A_657 = arith.index_cast %mul3A_643 : i32 to index
        %get3A_658 = tpu.vector_load %arg6[%get3A_654, %get3A_655, %get3A_656, %get3A_657] {strides = array<i32>} : memref<2x4x2x1024xf32, #tpu.memory_space<vmem>>, vector<1x1x1x16xf32>,
        %get3A_659 = vector.shape_cast %get3A_658 : vector<1x1x1x16xf32> to vector<16xf32>
        %add3A_660 = arith.addf %get3A_659, %get3A_650 : vector<16xf32>
        %swap3A_661 = arith.constant 1 : i32
        %swap3A_662 = arith.constant 0 : i32
        %swap3A_663 = arith.constant 1 : i32
        %swap3A_664 = arith.index_cast %swap3A_661 : i32 to index
        %swap3A_665 = arith.index_cast %swap3A_662 : i32 to index
        %swap3A_666 = arith.index_cast %swap3A_663 : i32 to index
        %swap3A_667 = arith.index_cast %mul3A_643 : i32 to index
        %swap3A_668 = tpu.vector_load %arg7[%swap3A_664, %swap3A_665, %swap3A_666, %swap3A_667] {strides = array<i32>} : memref<2x4x2x1024xf32, #tpu.memory_space<vmem>>, vector<1x1x1x16xf32>,
        %swap3A_669 = vector.shape_cast %swap3A_668 : vector<1x1x1x16xf32> to vector<16xf32>
        %swap3A_670 = vector.shape_cast %add3A_660 : vector<16xf32> to vector<1x1x1x16xf32>
        tpu.vector_store %arg7[%swap3A_664, %swap3A_665, %swap3A_666, %swap3A_667], %swap3A_670 {strides = array<i32>} : memref<2x4x2x1024xf32, #tpu.memory_space<vmem>>, vector<1x1x1x16xf32>,
        %get3A_671 = arith.constant 1 : i32
        %get3A_672 = arith.constant 1 : i32
        %get3A_673 = arith.constant 1 : i32
        %get3A_674 = arith.index_cast %get3A_671 : i32 to index
        %get3A_675 = arith.index_cast %get3A_672 : i32 to index
        %get3A_676 = arith.index_cast %get3A_673 : i32 to index
        %get3A_677 = arith.index_cast %mul3A_643 : i32 to index
        %get3A_678 = tpu.vector_load %arg6[%get3A_674, %get3A_675, %get3A_676, %get3A_677] {strides = array<i32>} : memref<2x4x2x1024xf32, #tpu.memory_space<vmem>>, vector<1x1x1x16xf32>,
        %get3A_679 = vector.shape_cast %get3A_678 : vector<1x1x1x16xf32> to vector<16xf32>
        %add3A_680 = arith.addf %get3A_679, %get3A_650 : vector<16xf32>
        %swap3A_681 = arith.constant 1 : i32
        %swap3A_682 = arith.constant 1 : i32
        %swap3A_683 = arith.constant 1 : i32
        %swap3A_684 = arith.index_cast %swap3A_681 : i32 to index
        %swap3A_685 = arith.index_cast %swap3A_682 : i32 to index
        %swap3A_686 = arith.index_cast %swap3A_683 : i32 to index
        %swap3A_687 = arith.index_cast %mul3A_643 : i32 to index
        %swap3A_688 = tpu.vector_load %arg7[%swap3A_684, %swap3A_685, %swap3A_686, %swap3A_687] {strides = array<i32>} : memref<2x4x2x1024xf32, #tpu.memory_space<vmem>>, vector<1x1x1x16xf32>,
        %swap3A_689 = vector.shape_cast %swap3A_688 : vector<1x1x1x16xf32> to vector<16xf32>
        %swap3A_690 = vector.shape_cast %add3A_680 : vector<16xf32> to vector<1x1x1x16xf32>
        tpu.vector_store %arg7[%swap3A_684, %swap3A_685, %swap3A_686, %swap3A_687], %swap3A_690 {strides = array<i32>} : memref<2x4x2x1024xf32, #tpu.memory_space<vmem>>, vector<1x1x1x16xf32>,
        %get3A_691 = arith.constant 1 : i32
        %get3A_692 = arith.constant 2 : i32
        %get3A_693 = arith.constant 1 : i32
        %get3A_694 = arith.index_cast %get3A_691 : i32 to index
        %get3A_695 = arith.index_cast %get3A_692 : i32 to index
        %get3A_696 = arith.index_cast %get3A_693 : i32 to index
        %get3A_697 = arith.index_cast %mul3A_643 : i32 to index
        %get3A_698 = tpu.vector_load %arg6[%get3A_694, %get3A_695, %get3A_696, %get3A_697] {strides = array<i32>} : memref<2x4x2x1024xf32, #tpu.memory_space<vmem>>, vector<1x1x1x16xf32>,
        %get3A_699 = vector.shape_cast %get3A_698 : vector<1x1x1x16xf32> to vector<16xf32>
        %add3A_700 = arith.addf %get3A_699, %get3A_650 : vector<16xf32>
        %swap3A_701 = arith.constant 1 : i32
        %swap3A_702 = arith.constant 2 : i32
        %swap3A_703 = arith.constant 1 : i32
        %swap3A_704 = arith.index_cast %swap3A_701 : i32 to index
        %swap3A_705 = arith.index_cast %swap3A_702 : i32 to index
        %swap3A_706 = arith.index_cast %swap3A_703 : i32 to index
        %swap3A_707 = arith.index_cast %mul3A_643 : i32 to index
        %swap3A_708 = tpu.vector_load %arg7[%swap3A_704, %swap3A_705, %swap3A_706, %swap3A_707] {strides = array<i32>} : memref<2x4x2x1024xf32, #tpu.memory_space<vmem>>, vector<1x1x1x16xf32>,
        %swap3A_709 = vector.shape_cast %swap3A_708 : vector<1x1x1x16xf32> to vector<16xf32>
        %swap3A_710 = vector.shape_cast %add3A_700 : vector<16xf32> to vector<1x1x1x16xf32>
        tpu.vector_store %arg7[%swap3A_704, %swap3A_705, %swap3A_706, %swap3A_707], %swap3A_710 {strides = array<i32>} : memref<2x4x2x1024xf32, #tpu.memory_space<vmem>>, vector<1x1x1x16xf32>,
        %get3A_711 = arith.constant 1 : i32
        %get3A_712 = arith.constant 3 : i32
        %get3A_713 = arith.constant 1 : i32
        %get3A_714 = arith.index_cast %get3A_711 : i32 to index
        %get3A_715 = arith.index_cast %get3A_712 : i32 to index
        %get3A_716 = arith.index_cast %get3A_713 : i32 to index
        %get3A_717 = arith.index_cast %mul3A_643 : i32 to index
        %get3A_718 = tpu.vector_load %arg6[%get3A_714, %get3A_715, %get3A_716, %get3A_717] {strides = array<i32>} : memref<2x4x2x1024xf32, #tpu.memory_space<vmem>>, vector<1x1x1x16xf32>,
        %get3A_719 = vector.shape_cast %get3A_718 : vector<1x1x1x16xf32> to vector<16xf32>
        %add3A_720 = arith.addf %get3A_719, %get3A_650 : vector<16xf32>
        %swap3A_721 = arith.constant 1 : i32
        %swap3A_722 = arith.constant 3 : i32
        %swap3A_723 = arith.constant 1 : i32
        %swap3A_724 = arith.index_cast %swap3A_721 : i32 to index
        %swap3A_725 = arith.index_cast %swap3A_722 : i32 to index
        %swap3A_726 = arith.index_cast %swap3A_723 : i32 to index
        %swap3A_727 = arith.index_cast %mul3A_643 : i32 to index
        %swap3A_728 = tpu.vector_load %arg7[%swap3A_724, %swap3A_725, %swap3A_726, %swap3A_727] {strides = array<i32>} : memref<2x4x2x1024xf32, #tpu.memory_space<vmem>>, vector<1x1x1x16xf32>,
        %swap3A_729 = vector.shape_cast %swap3A_728 : vector<1x1x1x16xf32> to vector<16xf32>
        %swap3A_730 = vector.shape_cast %add3A_720 : vector<16xf32> to vector<1x1x1x16xf32>
        tpu.vector_store %arg7[%swap3A_724, %swap3A_725, %swap3A_726, %swap3A_727], %swap3A_730 {strides = array<i32>} : memref<2x4x2x1024xf32, #tpu.memory_space<vmem>>, vector<1x1x1x16xf32>,
        %mul3A_731 = arith.constant 8 : i32
        %mul3A_732 = arith.muli %scan3A_267, %mul3A_731 : i32
        %add3A_733 = arith.constant 5 : i32
        %add3A_734 = arith.addi %mul3A_732, %add3A_733 : i32
        %mul3A_735 = arith.constant 16 : i32
        %mul3A_736 = arith.muli %add3A_734, %mul3A_735 : i32
        %get3A_737 = arith.constant 1 : i32
        %get3A_738 = arith.constant 1 : i32
        %get3A_739 = arith.index_cast %get3A_737 : i32 to index
        %get3A_740 = arith.index_cast %get3A_738 : i32 to index
        %get3A_741 = arith.index_cast %mul3A_736 : i32 to index
        %get3A_742 = tpu.vector_load %arg5[%get3A_739, %get3A_740, %get3A_741] {strides = array<i32>} : memref<2x2x1024xf32, #tpu.memory_space<vmem>>, vector<1x1x16xf32>,
        %get3A_743 = vector.shape_cast %get3A_742 : vector<1x1x16xf32> to vector<16xf32>
        %get3A_744 = arith.constant 1 : i32
        %get3A_745 = arith.constant 0 : i32
        %get3A_746 = arith.constant 1 : i32
        %get3A_747 = arith.index_cast %get3A_744 : i32 to index
        %get3A_748 = arith.index_cast %get3A_745 : i32 to index
        %get3A_749 = arith.index_cast %get3A_746 : i32 to index
        %get3A_750 = arith.index_cast %mul3A_736 : i32 to index
        %get3A_751 = tpu.vector_load %arg6[%get3A_747, %get3A_748, %get3A_749, %get3A_750] {strides = array<i32>} : memref<2x4x2x1024xf32, #tpu.memory_space<vmem>>, vector<1x1x1x16xf32>,
        %get3A_752 = vector.shape_cast %get3A_751 : vector<1x1x1x16xf32> to vector<16xf32>
        %add3A_753 = arith.addf %get3A_752, %get3A_743 : vector<16xf32>
        %swap3A_754 = arith.constant 1 : i32
        %swap3A_755 = arith.constant 0 : i32
        %swap3A_756 = arith.constant 1 : i32
        %swap3A_757 = arith.index_cast %swap3A_754 : i32 to index
        %swap3A_758 = arith.index_cast %swap3A_755 : i32 to index
        %swap3A_759 = arith.index_cast %swap3A_756 : i32 to index
        %swap3A_760 = arith.index_cast %mul3A_736 : i32 to index
        %swap3A_761 = tpu.vector_load %arg7[%swap3A_757, %swap3A_758, %swap3A_759, %swap3A_760] {strides = array<i32>} : memref<2x4x2x1024xf32, #tpu.memory_space<vmem>>, vector<1x1x1x16xf32>,
        %swap3A_762 = vector.shape_cast %swap3A_761 : vector<1x1x1x16xf32> to vector<16xf32>
        %swap3A_763 = vector.shape_cast %add3A_753 : vector<16xf32> to vector<1x1x1x16xf32>
        tpu.vector_store %arg7[%swap3A_757, %swap3A_758, %swap3A_759, %swap3A_760], %swap3A_763 {strides = array<i32>} : memref<2x4x2x1024xf32, #tpu.memory_space<vmem>>, vector<1x1x1x16xf32>,
        %get3A_764 = arith.constant 1 : i32
        %get3A_765 = arith.constant 1 : i32
        %get3A_766 = arith.constant 1 : i32
        %get3A_767 = arith.index_cast %get3A_764 : i32 to index
        %get3A_768 = arith.index_cast %get3A_765 : i32 to index
        %get3A_769 = arith.index_cast %get3A_766 : i32 to index
        %get3A_770 = arith.index_cast %mul3A_736 : i32 to index
        %get3A_771 = tpu.vector_load %arg6[%get3A_767, %get3A_768, %get3A_769, %get3A_770] {strides = array<i32>} : memref<2x4x2x1024xf32, #tpu.memory_space<vmem>>, vector<1x1x1x16xf32>,
        %get3A_772 = vector.shape_cast %get3A_771 : vector<1x1x1x16xf32> to vector<16xf32>
        %add3A_773 = arith.addf %get3A_772, %get3A_743 : vector<16xf32>
        %swap3A_774 = arith.constant 1 : i32
        %swap3A_775 = arith.constant 1 : i32
        %swap3A_776 = arith.constant 1 : i32
        %swap3A_777 = arith.index_cast %swap3A_774 : i32 to index
        %swap3A_778 = arith.index_cast %swap3A_775 : i32 to index
        %swap3A_779 = arith.index_cast %swap3A_776 : i32 to index
        %swap3A_780 = arith.index_cast %mul3A_736 : i32 to index
        %swap3A_781 = tpu.vector_load %arg7[%swap3A_777, %swap3A_778, %swap3A_779, %swap3A_780] {strides = array<i32>} : memref<2x4x2x1024xf32, #tpu.memory_space<vmem>>, vector<1x1x1x16xf32>,
        %swap3A_782 = vector.shape_cast %swap3A_781 : vector<1x1x1x16xf32> to vector<16xf32>
        %swap3A_783 = vector.shape_cast %add3A_773 : vector<16xf32> to vector<1x1x1x16xf32>
        tpu.vector_store %arg7[%swap3A_777, %swap3A_778, %swap3A_779, %swap3A_780], %swap3A_783 {strides = array<i32>} : memref<2x4x2x1024xf32, #tpu.memory_space<vmem>>, vector<1x1x1x16xf32>,
        %get3A_784 = arith.constant 1 : i32
        %get3A_785 = arith.constant 2 : i32
        %get3A_786 = arith.constant 1 : i32
        %get3A_787 = arith.index_cast %get3A_784 : i32 to index
        %get3A_788 = arith.index_cast %get3A_785 : i32 to index
        %get3A_789 = arith.index_cast %get3A_786 : i32 to index
        %get3A_790 = arith.index_cast %mul3A_736 : i32 to index
        %get3A_791 = tpu.vector_load %arg6[%get3A_787, %get3A_788, %get3A_789, %get3A_790] {strides = array<i32>} : memref<2x4x2x1024xf32, #tpu.memory_space<vmem>>, vector<1x1x1x16xf32>,
        %get3A_792 = vector.shape_cast %get3A_791 : vector<1x1x1x16xf32> to vector<16xf32>
        %add3A_793 = arith.addf %get3A_792, %get3A_743 : vector<16xf32>
        %swap3A_794 = arith.constant 1 : i32
        %swap3A_795 = arith.constant 2 : i32
        %swap3A_796 = arith.constant 1 : i32
        %swap3A_797 = arith.index_cast %swap3A_794 : i32 to index
        %swap3A_798 = arith.index_cast %swap3A_795 : i32 to index
        %swap3A_799 = arith.index_cast %swap3A_796 : i32 to index
        %swap3A_800 = arith.index_cast %mul3A_736 : i32 to index
        %swap3A_801 = tpu.vector_load %arg7[%swap3A_797, %swap3A_798, %swap3A_799, %swap3A_800] {strides = array<i32>} : memref<2x4x2x1024xf32, #tpu.memory_space<vmem>>, vector<1x1x1x16xf32>,
        %swap3A_802 = vector.shape_cast %swap3A_801 : vector<1x1x1x16xf32> to vector<16xf32>
        %swap3A_803 = vector.shape_cast %add3A_793 : vector<16xf32> to vector<1x1x1x16xf32>
        tpu.vector_store %arg7[%swap3A_797, %swap3A_798, %swap3A_799, %swap3A_800], %swap3A_803 {strides = array<i32>} : memref<2x4x2x1024xf32, #tpu.memory_space<vmem>>, vector<1x1x1x16xf32>,
        %get3A_804 = arith.constant 1 : i32
        %get3A_805 = arith.constant 3 : i32
        %get3A_806 = arith.constant 1 : i32
        %get3A_807 = arith.index_cast %get3A_804 : i32 to index
        %get3A_808 = arith.index_cast %get3A_805 : i32 to index
        %get3A_809 = arith.index_cast %get3A_806 : i32 to index
        %get3A_810 = arith.index_cast %mul3A_736 : i32 to index
        %get3A_811 = tpu.vector_load %arg6[%get3A_807, %get3A_808, %get3A_809, %get3A_810] {strides = array<i32>} : memref<2x4x2x1024xf32, #tpu.memory_space<vmem>>, vector<1x1x1x16xf32>,
        %get3A_812 = vector.shape_cast %get3A_811 : vector<1x1x1x16xf32> to vector<16xf32>
        %add3A_813 = arith.addf %get3A_812, %get3A_743 : vector<16xf32>
        %swap3A_814 = arith.constant 1 : i32
        %swap3A_815 = arith.constant 3 : i32
        %swap3A_816 = arith.constant 1 : i32
        %swap3A_817 = arith.index_cast %swap3A_814 : i32 to index
        %swap3A_818 = arith.index_cast %swap3A_815 : i32 to index
        %swap3A_819 = arith.index_cast %swap3A_816 : i32 to index
        %swap3A_820 = arith.index_cast %mul3A_736 : i32 to index
        %swap3A_821 = tpu.vector_load %arg7[%swap3A_817, %swap3A_818, %swap3A_819, %swap3A_820] {strides = array<i32>} : memref<2x4x2x1024xf32, #tpu.memory_space<vmem>>, vector<1x1x1x16xf32>,
        %swap3A_822 = vector.shape_cast %swap3A_821 : vector<1x1x1x16xf32> to vector<16xf32>
        %swap3A_823 = vector.shape_cast %add3A_813 : vector<16xf32> to vector<1x1x1x16xf32>
        tpu.vector_store %arg7[%swap3A_817, %swap3A_818, %swap3A_819, %swap3A_820], %swap3A_823 {strides = array<i32>} : memref<2x4x2x1024xf32, #tpu.memory_space<vmem>>, vector<1x1x1x16xf32>,
        %mul3A_824 = arith.constant 8 : i32
        %mul3A_825 = arith.muli %scan3A_267, %mul3A_824 : i32
        %add3A_826 = arith.constant 6 : i32
        %add3A_827 = arith.addi %mul3A_825, %add3A_826 : i32
        %mul3A_828 = arith.constant 16 : i32
        %mul3A_829 = arith.muli %add3A_827, %mul3A_828 : i32
        %get3A_830 = arith.constant 1 : i32
        %get3A_831 = arith.constant 1 : i32
        %get3A_832 = arith.index_cast %get3A_830 : i32 to index
        %get3A_833 = arith.index_cast %get3A_831 : i32 to index
        %get3A_834 = arith.index_cast %mul3A_829 : i32 to index
        %get3A_835 = tpu.vector_load %arg5[%get3A_832, %get3A_833, %get3A_834] {strides = array<i32>} : memref<2x2x1024xf32, #tpu.memory_space<vmem>>, vector<1x1x16xf32>,
        %get3A_836 = vector.shape_cast %get3A_835 : vector<1x1x16xf32> to vector<16xf32>
        %get3A_837 = arith.constant 1 : i32
        %get3A_838 = arith.constant 0 : i32
        %get3A_839 = arith.constant 1 : i32
        %get3A_840 = arith.index_cast %get3A_837 : i32 to index
        %get3A_841 = arith.index_cast %get3A_838 : i32 to index
        %get3A_842 = arith.index_cast %get3A_839 : i32 to index
        %get3A_843 = arith.index_cast %mul3A_829 : i32 to index
        %get3A_844 = tpu.vector_load %arg6[%get3A_840, %get3A_841, %get3A_842, %get3A_843] {strides = array<i32>} : memref<2x4x2x1024xf32, #tpu.memory_space<vmem>>, vector<1x1x1x16xf32>,
        %get3A_845 = vector.shape_cast %get3A_844 : vector<1x1x1x16xf32> to vector<16xf32>
        %add3A_846 = arith.addf %get3A_845, %get3A_836 : vector<16xf32>
        %swap3A_847 = arith.constant 1 : i32
        %swap3A_848 = arith.constant 0 : i32
        %swap3A_849 = arith.constant 1 : i32
        %swap3A_850 = arith.index_cast %swap3A_847 : i32 to index
        %swap3A_851 = arith.index_cast %swap3A_848 : i32 to index
        %swap3A_852 = arith.index_cast %swap3A_849 : i32 to index
        %swap3A_853 = arith.index_cast %mul3A_829 : i32 to index
        %swap3A_854 = tpu.vector_load %arg7[%swap3A_850, %swap3A_851, %swap3A_852, %swap3A_853] {strides = array<i32>} : memref<2x4x2x1024xf32, #tpu.memory_space<vmem>>, vector<1x1x1x16xf32>,
        %swap3A_855 = vector.shape_cast %swap3A_854 : vector<1x1x1x16xf32> to vector<16xf32>
        %swap3A_856 = vector.shape_cast %add3A_846 : vector<16xf32> to vector<1x1x1x16xf32>
        tpu.vector_store %arg7[%swap3A_850, %swap3A_851, %swap3A_852, %swap3A_853], %swap3A_856 {strides = array<i32>} : memref<2x4x2x1024xf32, #tpu.memory_space<vmem>>, vector<1x1x1x16xf32>,
        %get3A_857 = arith.constant 1 : i32
        %get3A_858 = arith.constant 1 : i32
        %get3A_859 = arith.constant 1 : i32
        %get3A_860 = arith.index_cast %get3A_857 : i32 to index
        %get3A_861 = arith.index_cast %get3A_858 : i32 to index
        %get3A_862 = arith.index_cast %get3A_859 : i32 to index
        %get3A_863 = arith.index_cast %mul3A_829 : i32 to index
        %get3A_864 = tpu.vector_load %arg6[%get3A_860, %get3A_861, %get3A_862, %get3A_863] {strides = array<i32>} : memref<2x4x2x1024xf32, #tpu.memory_space<vmem>>, vector<1x1x1x16xf32>,
        %get3A_865 = vector.shape_cast %get3A_864 : vector<1x1x1x16xf32> to vector<16xf32>
        %add3A_866 = arith.addf %get3A_865, %get3A_836 : vector<16xf32>
        %swap3A_867 = arith.constant 1 : i32
        %swap3A_868 = arith.constant 1 : i32
        %swap3A_869 = arith.constant 1 : i32
        %swap3A_870 = arith.index_cast %swap3A_867 : i32 to index
        %swap3A_871 = arith.index_cast %swap3A_868 : i32 to index
        %swap3A_872 = arith.index_cast %swap3A_869 : i32 to index
        %swap3A_873 = arith.index_cast %mul3A_829 : i32 to index
        %swap3A_874 = tpu.vector_load %arg7[%swap3A_870, %swap3A_871, %swap3A_872, %swap3A_873] {strides = array<i32>} : memref<2x4x2x1024xf32, #tpu.memory_space<vmem>>, vector<1x1x1x16xf32>,
        %swap3A_875 = vector.shape_cast %swap3A_874 : vector<1x1x1x16xf32> to vector<16xf32>
        %swap3A_876 = vector.shape_cast %add3A_866 : vector<16xf32> to vector<1x1x1x16xf32>
        tpu.vector_store %arg7[%swap3A_870, %swap3A_871, %swap3A_872, %swap3A_873], %swap3A_876 {strides = array<i32>} : memref<2x4x2x1024xf32, #tpu.memory_space<vmem>>, vector<1x1x1x16xf32>,
        %get3A_877 = arith.constant 1 : i32
        %get3A_878 = arith.constant 2 : i32
        %get3A_879 = arith.constant 1 : i32
        %get3A_880 = arith.index_cast %get3A_877 : i32 to index
        %get3A_881 = arith.index_cast %get3A_878 : i32 to index
        %get3A_882 = arith.index_cast %get3A_879 : i32 to index
        %get3A_883 = arith.index_cast %mul3A_829 : i32 to index
        %get3A_884 = tpu.vector_load %arg6[%get3A_880, %get3A_881, %get3A_882, %get3A_883] {strides = array<i32>} : memref<2x4x2x1024xf32, #tpu.memory_space<vmem>>, vector<1x1x1x16xf32>,
        %get3A_885 = vector.shape_cast %get3A_884 : vector<1x1x1x16xf32> to vector<16xf32>
        %add3A_886 = arith.addf %get3A_885, %get3A_836 : vector<16xf32>
        %swap3A_887 = arith.constant 1 : i32
        %swap3A_888 = arith.constant 2 : i32
        %swap3A_889 = arith.constant 1 : i32
        %swap3A_890 = arith.index_cast %swap3A_887 : i32 to index
        %swap3A_891 = arith.index_cast %swap3A_888 : i32 to index
        %swap3A_892 = arith.index_cast %swap3A_889 : i32 to index
        %swap3A_893 = arith.index_cast %mul3A_829 : i32 to index
        %swap3A_894 = tpu.vector_load %arg7[%swap3A_890, %swap3A_891, %swap3A_892, %swap3A_893] {strides = array<i32>} : memref<2x4x2x1024xf32, #tpu.memory_space<vmem>>, vector<1x1x1x16xf32>,
        %swap3A_895 = vector.shape_cast %swap3A_894 : vector<1x1x1x16xf32> to vector<16xf32>
        %swap3A_896 = vector.shape_cast %add3A_886 : vector<16xf32> to vector<1x1x1x16xf32>
        tpu.vector_store %arg7[%swap3A_890, %swap3A_891, %swap3A_892, %swap3A_893], %swap3A_896 {strides = array<i32>} : memref<2x4x2x1024xf32, #tpu.memory_space<vmem>>, vector<1x1x1x16xf32>,
        %get3A_897 = arith.constant 1 : i32
        %get3A_898 = arith.constant 3 : i32
        %get3A_899 = arith.constant 1 : i32
        %get3A_900 = arith.index_cast %get3A_897 : i32 to index
        %get3A_901 = arith.index_cast %get3A_898 : i32 to index
        %get3A_902 = arith.index_cast %get3A_899 : i32 to index
        %get3A_903 = arith.index_cast %mul3A_829 : i32 to index
        %get3A_904 = tpu.vector_load %arg6[%get3A_900, %get3A_901, %get3A_902, %get3A_903] {strides = array<i32>} : memref<2x4x2x1024xf32, #tpu.memory_space<vmem>>, vector<1x1x1x16xf32>,
        %get3A_905 = vector.shape_cast %get3A_904 : vector<1x1x1x16xf32> to vector<16xf32>
        %add3A_906 = arith.addf %get3A_905, %get3A_836 : vector<16xf32>
        %swap3A_907 = arith.constant 1 : i32
        %swap3A_908 = arith.constant 3 : i32
        %swap3A_909 = arith.constant 1 : i32
        %swap3A_910 = arith.index_cast %swap3A_907 : i32 to index
        %swap3A_911 = arith.index_cast %swap3A_908 : i32 to index
        %swap3A_912 = arith.index_cast %swap3A_909 : i32 to index
        %swap3A_913 = arith.index_cast %mul3A_829 : i32 to index
        %swap3A_914 = tpu.vector_load %arg7[%swap3A_910, %swap3A_911, %swap3A_912, %swap3A_913] {strides = array<i32>} : memref<2x4x2x1024xf32, #tpu.memory_space<vmem>>, vector<1x1x1x16xf32>,
        %swap3A_915 = vector.shape_cast %swap3A_914 : vector<1x1x1x16xf32> to vector<16xf32>
        %swap3A_916 = vector.shape_cast %add3A_906 : vector<16xf32> to vector<1x1x1x16xf32>
        tpu.vector_store %arg7[%swap3A_910, %swap3A_911, %swap3A_912, %swap3A_913], %swap3A_916 {strides = array<i32>} : memref<2x4x2x1024xf32, #tpu.memory_space<vmem>>, vector<1x1x1x16xf32>,
        %mul3A_917 = arith.constant 8 : i32
        %mul3A_918 = arith.muli %scan3A_267, %mul3A_917 : i32
        %add3A_919 = arith.constant 7 : i32
        %add3A_920 = arith.addi %mul3A_918, %add3A_919 : i32
        %mul3A_921 = arith.constant 16 : i32
        %mul3A_922 = arith.muli %add3A_920, %mul3A_921 : i32
        %get3A_923 = arith.constant 1 : i32
        %get3A_924 = arith.constant 1 : i32
        %get3A_925 = arith.index_cast %get3A_923 : i32 to index
        %get3A_926 = arith.index_cast %get3A_924 : i32 to index
        %get3A_927 = arith.index_cast %mul3A_922 : i32 to index
        %get3A_928 = tpu.vector_load %arg5[%get3A_925, %get3A_926, %get3A_927] {strides = array<i32>} : memref<2x2x1024xf32, #tpu.memory_space<vmem>>, vector<1x1x16xf32>,
        %get3A_929 = vector.shape_cast %get3A_928 : vector<1x1x16xf32> to vector<16xf32>
        %get3A_930 = arith.constant 1 : i32
        %get3A_931 = arith.constant 0 : i32
        %get3A_932 = arith.constant 1 : i32
        %get3A_933 = arith.index_cast %get3A_930 : i32 to index
        %get3A_934 = arith.index_cast %get3A_931 : i32 to index
        %get3A_935 = arith.index_cast %get3A_932 : i32 to index
        %get3A_936 = arith.index_cast %mul3A_922 : i32 to index
        %get3A_937 = tpu.vector_load %arg6[%get3A_933, %get3A_934, %get3A_935, %get3A_936] {strides = array<i32>} : memref<2x4x2x1024xf32, #tpu.memory_space<vmem>>, vector<1x1x1x16xf32>,
        %get3A_938 = vector.shape_cast %get3A_937 : vector<1x1x1x16xf32> to vector<16xf32>
        %add3A_939 = arith.addf %get3A_938, %get3A_929 : vector<16xf32>
        %swap3A_940 = arith.constant 1 : i32
        %swap3A_941 = arith.constant 0 : i32
        %swap3A_942 = arith.constant 1 : i32
        %swap3A_943 = arith.index_cast %swap3A_940 : i32 to index
        %swap3A_944 = arith.index_cast %swap3A_941 : i32 to index
        %swap3A_945 = arith.index_cast %swap3A_942 : i32 to index
        %swap3A_946 = arith.index_cast %mul3A_922 : i32 to index
        %swap3A_947 = tpu.vector_load %arg7[%swap3A_943, %swap3A_944, %swap3A_945, %swap3A_946] {strides = array<i32>} : memref<2x4x2x1024xf32, #tpu.memory_space<vmem>>, vector<1x1x1x16xf32>,
        %swap3A_948 = vector.shape_cast %swap3A_947 : vector<1x1x1x16xf32> to vector<16xf32>
        %swap3A_949 = vector.shape_cast %add3A_939 : vector<16xf32> to vector<1x1x1x16xf32>
        tpu.vector_store %arg7[%swap3A_943, %swap3A_944, %swap3A_945, %swap3A_946], %swap3A_949 {strides = array<i32>} : memref<2x4x2x1024xf32, #tpu.memory_space<vmem>>, vector<1x1x1x16xf32>,
        %get3A_950 = arith.constant 1 : i32
        %get3A_951 = arith.constant 1 : i32
        %get3A_952 = arith.constant 1 : i32
        %get3A_953 = arith.index_cast %get3A_950 : i32 to index
        %get3A_954 = arith.index_cast %get3A_951 : i32 to index
        %get3A_955 = arith.index_cast %get3A_952 : i32 to index
        %get3A_956 = arith.index_cast %mul3A_922 : i32 to index
        %get3A_957 = tpu.vector_load %arg6[%get3A_953, %get3A_954, %get3A_955, %get3A_956] {strides = array<i32>} : memref<2x4x2x1024xf32, #tpu.memory_space<vmem>>, vector<1x1x1x16xf32>,
        %get3A_958 = vector.shape_cast %get3A_957 : vector<1x1x1x16xf32> to vector<16xf32>
        %add3A_959 = arith.addf %get3A_958, %get3A_929 : vector<16xf32>
        %swap3A_960 = arith.constant 1 : i32
        %swap3A_961 = arith.constant 1 : i32
        %swap3A_962 = arith.constant 1 : i32
        %swap3A_963 = arith.index_cast %swap3A_960 : i32 to index
        %swap3A_964 = arith.index_cast %swap3A_961 : i32 to index
        %swap3A_965 = arith.index_cast %swap3A_962 : i32 to index
        %swap3A_966 = arith.index_cast %mul3A_922 : i32 to index
        %swap3A_967 = tpu.vector_load %arg7[%swap3A_963, %swap3A_964, %swap3A_965, %swap3A_966] {strides = array<i32>} : memref<2x4x2x1024xf32, #tpu.memory_space<vmem>>, vector<1x1x1x16xf32>,
        %swap3A_968 = vector.shape_cast %swap3A_967 : vector<1x1x1x16xf32> to vector<16xf32>
        %swap3A_969 = vector.shape_cast %add3A_959 : vector<16xf32> to vector<1x1x1x16xf32>
        tpu.vector_store %arg7[%swap3A_963, %swap3A_964, %swap3A_965, %swap3A_966], %swap3A_969 {strides = array<i32>} : memref<2x4x2x1024xf32, #tpu.memory_space<vmem>>, vector<1x1x1x16xf32>,
        %get3A_970 = arith.constant 1 : i32
        %get3A_971 = arith.constant 2 : i32
        %get3A_972 = arith.constant 1 : i32
        %get3A_973 = arith.index_cast %get3A_970 : i32 to index
        %get3A_974 = arith.index_cast %get3A_971 : i32 to index
        %get3A_975 = arith.index_cast %get3A_972 : i32 to index
        %get3A_976 = arith.index_cast %mul3A_922 : i32 to index
        %get3A_977 = tpu.vector_load %arg6[%get3A_973, %get3A_974, %get3A_975, %get3A_976] {strides = array<i32>} : memref<2x4x2x1024xf32, #tpu.memory_space<vmem>>, vector<1x1x1x16xf32>,
        %get3A_978 = vector.shape_cast %get3A_977 : vector<1x1x1x16xf32> to vector<16xf32>
        %add3A_979 = arith.addf %get3A_978, %get3A_929 : vector<16xf32>
        %swap3A_980 = arith.constant 1 : i32
        %swap3A_981 = arith.constant 2 : i32
        %swap3A_982 = arith.constant 1 : i32
        %swap3A_983 = arith.index_cast %swap3A_980 : i32 to index
        %swap3A_984 = arith.index_cast %swap3A_981 : i32 to index
        %swap3A_985 = arith.index_cast %swap3A_982 : i32 to index
        %swap3A_986 = arith.index_cast %mul3A_922 : i32 to index
        %swap3A_987 = tpu.vector_load %arg7[%swap3A_983, %swap3A_984, %swap3A_985, %swap3A_986] {strides = array<i32>} : memref<2x4x2x1024xf32, #tpu.memory_space<vmem>>, vector<1x1x1x16xf32>,
        %swap3A_988 = vector.shape_cast %swap3A_987 : vector<1x1x1x16xf32> to vector<16xf32>
        %swap3A_989 = vector.shape_cast %add3A_979 : vector<16xf32> to vector<1x1x1x16xf32>
        tpu.vector_store %arg7[%swap3A_983, %swap3A_984, %swap3A_985, %swap3A_986], %swap3A_989 {strides = array<i32>} : memref<2x4x2x1024xf32, #tpu.memory_space<vmem>>, vector<1x1x1x16xf32>,
        %get3A_990 = arith.constant 1 : i32
        %get3A_991 = arith.constant 3 : i32
        %get3A_992 = arith.constant 1 : i32
        %get3A_993 = arith.index_cast %get3A_990 : i32 to index
        %get3A_994 = arith.index_cast %get3A_991 : i32 to index
        %get3A_995 = arith.index_cast %get3A_992 : i32 to index
        %get3A_996 = arith.index_cast %mul3A_922 : i32 to index
        %get3A_997 = tpu.vector_load %arg6[%get3A_993, %get3A_994, %get3A_995, %get3A_996] {strides = array<i32>} : memref<2x4x2x1024xf32, #tpu.memory_space<vmem>>, vector<1x1x1x16xf32>,
        %get3A_998 = vector.shape_cast %get3A_997 : vector<1x1x1x16xf32> to vector<16xf32>
        %add3A_999 = arith.addf %get3A_998, %get3A_929 : vector<16xf32>
        %swap3A_1000 = arith.constant 1 : i32
        %swap3A_1001 = arith.constant 3 : i32
        %swap3A_1002 = arith.constant 1 : i32
        %swap3A_1003 = arith.index_cast %swap3A_1000 : i32 to index
        %swap3A_1004 = arith.index_cast %swap3A_1001 : i32 to index
        %swap3A_1005 = arith.index_cast %swap3A_1002 : i32 to index
        %swap3A_1006 = arith.index_cast %mul3A_922 : i32 to index
        %swap3A_1007 = tpu.vector_load %arg7[%swap3A_1003, %swap3A_1004, %swap3A_1005, %swap3A_1006] {strides = array<i32>} : memref<2x4x2x1024xf32, #tpu.memory_space<vmem>>, vector<1x1x1x16xf32>,
        %swap3A_1008 = vector.shape_cast %swap3A_1007 : vector<1x1x1x16xf32> to vector<16xf32>
        %swap3A_1009 = vector.shape_cast %add3A_999 : vector<16xf32> to vector<1x1x1x16xf32>
        tpu.vector_store %arg7[%swap3A_1003, %swap3A_1004, %swap3A_1005, %swap3A_1006], %swap3A_1009 {strides = array<i32>} : memref<2x4x2x1024xf32, #tpu.memory_space<vmem>>, vector<1x1x1x16xf32>,
      }
      %scan3A_239 = arith.constant 8 : i32
      %mul3A_240 = arith.constant 2 : i32
      %mul3A_241 = arith.muli %add3A_189, %mul3A_240 : i32
      %add3A_242 = arith.addi %mul3A_2, %mul3A_241 : i32
      %dma_start3A_243 = arith.constant 1 : i32
      %dma_start3A_244 = arith.constant 0 : i32
      %dma_start3A_245 = arith.constant 0 : i32
      %dma_start3A_246 = arith.constant 0 : i32
      %dma_start3A_247 = tpu.memref_slice %arg7[%dma_start3A_243, %dma_start3A_244, %dma_start3A_245, %dma_start3A_246] : memref<2x4x2x1024xf32, #tpu.memory_space<vmem>> -> memref<1x4x2x1024xf32, #tpu.memory_space<vmem>>
      %dma_start3A_248 = tpu.memref_squeeze %dma_start3A_247 : memref<1x4x2x1024xf32, #tpu.memory_space<vmem>> -> memref<4x2x1024xf32, #tpu.memory_space<vmem>>
      %dma_start3A_249 = arith.constant 0 : i32
      %dma_start3A_250 = arith.constant 0 : i32
      %dma_start3A_251 = tpu.memref_slice %arg4[%dma_start3A_249, %add3A_242, %dma_start3A_250] : memref<4x4096x1024xf32, #tpu.memory_space<hbm>> -> memref<4x2x1024xf32, #tpu.memory_space<hbm>>
      %dma_start3A_252 = arith.constant 0 : i32
      %dma_start3A_253 = arith.constant 0 : i32
      %dma_start3A_254 = tpu.memref_slice %arg4[%dma_start3A_252, %add3A_242, %dma_start3A_253] : memref<4x4096x1024xf32, #tpu.memory_space<hbm>> -> memref<4x2x1024xf32, #tpu.memory_space<hbm>>
      %dma_start3A_255 = arith.constant 0 : i32
      %dma_start3A_256 = arith.constant 0 : i32
      %dma_start3A_257 = arith.constant 0 : i32
      %dma_start3A_258 = tpu.memref_slice %arg7[%dma_start3A_243, %dma_start3A_255, %dma_start3A_256, %dma_start3A_257] : memref<2x4x2x1024xf32, #tpu.memory_space<vmem>> -> memref<1x4x2x1024xf32, #tpu.memory_space<vmem>>
      %dma_start3A_259 = tpu.memref_squeeze %dma_start3A_258 : memref<1x4x2x1024xf32, #tpu.memory_space<vmem>> -> memref<4x2x1024xf32, #tpu.memory_space<vmem>>
      tpu.enqueue_dma source(%dma_start3A_259 : memref<4x2x1024xf32, #tpu.memory_space<vmem>>) target(%dma_start3A_254 : memref<4x2x1024xf32, #tpu.memory_space<hbm>>) target_semaphore(%arg11 : memref<!tpu.dma_semaphore, #tpu.memory_space<semaphore_mem>>)
      %add3A_260 = arith.constant 1 : i32
      %add3A_261 = arith.addi %scan3A_108, %add3A_260 : i32
      %lt3A_262 = arith.constant 32 : i32
      %lt3A_263 = arith.cmpi slt, %add3A_261, %lt3A_262 : i32
      %convert_element_type3A_264 = arith.extui %lt3A_263 : i1 to i32
      %cond3A_265 = arith.constant 0 : i32
      %cond3A_266 = arith.cmpi ne, %convert_element_type3A_264, %cond3A_265 : i32
      scf.if %cond3A_266 {
        %add3A_267 = arith.constant 2 : i32
        %add3A_268 = arith.addi %add3A_189, %add3A_267 : i32
        %mul3A_269 = arith.constant 2 : i32
        %mul3A_270 = arith.muli %add3A_268, %mul3A_269 : i32
        %add3A_271 = arith.addi %mul3A_2, %mul3A_270 : i32
        %dma_start3A_272 = arith.constant 1 : i32
        %dma_start3A_273 = arith.constant 0 : i32
        %dma_start3A_274 = arith.constant 0 : i32
        %dma_start3A_275 = tpu.memref_slice %arg5[%dma_start3A_272, %dma_start3A_273, %dma_start3A_274] : memref<2x2x1024xf32, #tpu.memory_space<vmem>> -> memref<1x2x1024xf32, #tpu.memory_space<vmem>>
        %dma_start3A_276 = tpu.memref_squeeze %dma_start3A_275 : memref<1x2x1024xf32, #tpu.memory_space<vmem>> -> memref<2x1024xf32, #tpu.memory_space<vmem>>
        %dma_start3A_277 = arith.constant 0 : i32
        %dma_start3A_278 = tpu.memref_slice %arg3[%add3A_271, %dma_start3A_277] : memref<8192x1024xf32, #tpu.memory_space<hbm>> -> memref<2x1024xf32, #tpu.memory_space<hbm>>
        %dma_start3A_279 = arith.constant 0 : i32
        %dma_start3A_280 = arith.constant 0 : i32
        %dma_start3A_281 = tpu.memref_slice %arg5[%dma_start3A_272, %dma_start3A_279, %dma_start3A_280] : memref<2x2x1024xf32, #tpu.memory_space<vmem>> -> memref<1x2x1024xf32, #tpu.memory_space<vmem>>
        %dma_start3A_282 = tpu.memref_squeeze %dma_start3A_281 : memref<1x2x1024xf32, #tpu.memory_space<vmem>> -> memref<2x1024xf32, #tpu.memory_space<vmem>>
        %dma_start3A_283 = arith.constant 0 : i32
        %dma_start3A_284 = tpu.memref_slice %arg3[%add3A_271, %dma_start3A_283] : memref<8192x1024xf32, #tpu.memory_space<hbm>> -> memref<2x1024xf32, #tpu.memory_space<hbm>>
        tpu.enqueue_dma source(%dma_start3A_284 : memref<2x1024xf32, #tpu.memory_space<hbm>>) target(%dma_start3A_282 : memref<2x1024xf32, #tpu.memory_space<vmem>>) target_semaphore(%arg9 : memref<!tpu.dma_semaphore, #tpu.memory_space<semaphore_mem>>)
        %dma_start3A_285 = arith.constant 1 : i32
        %dma_start3A_286 = arith.constant 0 : i32
        %dma_start3A_287 = arith.constant 0 : i32
        %dma_start3A_288 = arith.constant 0 : i32
        %dma_start3A_289 = tpu.memref_slice %arg6[%dma_start3A_285, %dma_start3A_286, %dma_start3A_287, %dma_start3A_288] : memref<2x4x2x1024xf32, #tpu.memory_space<vmem>> -> memref<1x4x2x1024xf32, #tpu.memory_space<vmem>>
        %dma_start3A_290 = tpu.memref_squeeze %dma_start3A_289 : memref<1x4x2x1024xf32, #tpu.memory_space<vmem>> -> memref<4x2x1024xf32, #tpu.memory_space<vmem>>
        %dma_start3A_291 = arith.constant 0 : i32
        %dma_start3A_292 = arith.constant 0 : i32
        %dma_start3A_293 = tpu.memref_slice %arg2[%dma_start3A_291, %add3A_271, %dma_start3A_292] : memref<4x4096x1024xf32, #tpu.memory_space<hbm>> -> memref<4x2x1024xf32, #tpu.memory_space<hbm>>
        %dma_start3A_294 = arith.constant 0 : i32
        %dma_start3A_295 = arith.constant 0 : i32
        %dma_start3A_296 = arith.constant 0 : i32
        %dma_start3A_297 = tpu.memref_slice %arg6[%dma_start3A_285, %dma_start3A_294, %dma_start3A_295, %dma_start3A_296] : memref<2x4x2x1024xf32, #tpu.memory_space<vmem>> -> memref<1x4x2x1024xf32, #tpu.memory_space<vmem>>
        %dma_start3A_298 = tpu.memref_squeeze %dma_start3A_297 : memref<1x4x2x1024xf32, #tpu.memory_space<vmem>> -> memref<4x2x1024xf32, #tpu.memory_space<vmem>>
        %dma_start3A_299 = arith.constant 0 : i32
        %dma_start3A_300 = arith.constant 0 : i32
        %dma_start3A_301 = tpu.memref_slice %arg2[%dma_start3A_299, %add3A_271, %dma_start3A_300] : memref<4x4096x1024xf32, #tpu.memory_space<hbm>> -> memref<4x2x1024xf32, #tpu.memory_space<hbm>>
        tpu.enqueue_dma source(%dma_start3A_301 : memref<4x2x1024xf32, #tpu.memory_space<hbm>>) target(%dma_start3A_298 : memref<4x2x1024xf32, #tpu.memory_space<vmem>>) target_semaphore(%arg9 : memref<!tpu.dma_semaphore, #tpu.memory_space<semaphore_mem>>)
      } else {
      }
    }
    %scan3A_70 = arith.constant 32 : i32
    %add3A_71 = arith.constant 124 : i32
    %add3A_72 = arith.addi %mul3A_2, %add3A_71 : i32
    %dma_wait3A = arith.constant 0 : i32
    %dma_wait3A_73 = arith.constant 0 : i32
    %dma_wait3A_74 = arith.constant 0 : i32
    %dma_wait3A_75 = arith.constant 0 : i32
    %dma_wait3A_76 = tpu.memref_slice %arg7[%dma_wait3A, %dma_wait3A_73, %dma_wait3A_74, %dma_wait3A_75] : memref<2x4x2x1024xf32, #tpu.memory_space<vmem>> -> memref<1x4x2x1024xf32, #tpu.memory_space<vmem>>
    %dma_wait3A_77 = tpu.memref_squeeze %dma_wait3A_76 : memref<1x4x2x1024xf32, #tpu.memory_space<vmem>> -> memref<4x2x1024xf32, #tpu.memory_space<vmem>>
    %dma_wait3A_78 = arith.constant 0 : i32
    %dma_wait3A_79 = arith.constant 0 : i32
    %dma_wait3A_80 = tpu.memref_slice %arg4[%dma_wait3A_78, %add3A_72, %dma_wait3A_79] : memref<4x4096x1024xf32, #tpu.memory_space<hbm>> -> memref<4x2x1024xf32, #tpu.memory_space<hbm>>
    %dma_wait3A_81 = arith.constant 0 : i32
    %dma_wait3A_82 = arith.constant 0 : i32
    %dma_wait3A_83 = tpu.memref_slice %arg4[%dma_wait3A_81, %add3A_72, %dma_wait3A_82] : memref<4x4096x1024xf32, #tpu.memory_space<hbm>> -> memref<4x2x1024xf32, #tpu.memory_space<hbm>>
    %dma_wait3A_84 = arith.constant 0 : i32
    %dma_wait3A_85 = arith.constant 0 : i32
    %dma_wait3A_86 = arith.constant 0 : i32
    %dma_wait3A_87 = tpu.memref_slice %arg7[%dma_wait3A, %dma_wait3A_84, %dma_wait3A_85, %dma_wait3A_86] : memref<2x4x2x1024xf32, #tpu.memory_space<vmem>> -> memref<1x4x2x1024xf32, #tpu.memory_space<vmem>>
    %dma_wait3A_88 = tpu.memref_squeeze %dma_wait3A_87 : memref<1x4x2x1024xf32, #tpu.memory_space<vmem>> -> memref<4x2x1024xf32, #tpu.memory_space<vmem>>
    tpu.wait_dma2 semaphore(%arg10 : memref<!tpu.dma_semaphore, #tpu.memory_space<semaphore_mem>>) src(%dma_wait3A_88 : memref<4x2x1024xf32, #tpu.memory_space<vmem>>) dst(%dma_wait3A_83 : memref<4x2x1024xf32, #tpu.memory_space<hbm>>)
    %add3A_89 = arith.constant 126 : i32
    %add3A_90 = arith.addi %mul3A_2, %add3A_89 : i32
    %dma_wait3A_91 = arith.constant 1 : i32
    %dma_wait3A_92 = arith.constant 0 : i32
    %dma_wait3A_93 = arith.constant 0 : i32
    %dma_wait3A_94 = arith.constant 0 : i32
    %dma_wait3A_95 = tpu.memref_slice %arg7[%dma_wait3A_91, %dma_wait3A_92, %dma_wait3A_93, %dma_wait3A_94] : memref<2x4x2x1024xf32, #tpu.memory_space<vmem>> -> memref<1x4x2x1024xf32, #tpu.memory_space<vmem>>
    %dma_wait3A_96 = tpu.memref_squeeze %dma_wait3A_95 : memref<1x4x2x1024xf32, #tpu.memory_space<vmem>> -> memref<4x2x1024xf32, #tpu.memory_space<vmem>>
    %dma_wait3A_97 = arith.constant 0 : i32
    %dma_wait3A_98 = arith.constant 0 : i32
    %dma_wait3A_99 = tpu.memref_slice %arg4[%dma_wait3A_97, %add3A_90, %dma_wait3A_98] : memref<4x4096x1024xf32, #tpu.memory_space<hbm>> -> memref<4x2x1024xf32, #tpu.memory_space<hbm>>
    %dma_wait3A_100 = arith.constant 0 : i32
    %dma_wait3A_101 = arith.constant 0 : i32
    %dma_wait3A_102 = tpu.memref_slice %arg4[%dma_wait3A_100, %add3A_90, %dma_wait3A_101] : memref<4x4096x1024xf32, #tpu.memory_space<hbm>> -> memref<4x2x1024xf32, #tpu.memory_space<hbm>>
    %dma_wait3A_103 = arith.constant 0 : i32
    %dma_wait3A_104 = arith.constant 0 : i32
    %dma_wait3A_105 = arith.constant 0 : i32
    %dma_wait3A_106 = tpu.memref_slice %arg7[%dma_wait3A_91, %dma_wait3A_103, %dma_wait3A_104, %dma_wait3A_105] : memref<2x4x2x1024xf32, #tpu.memory_space<vmem>> -> memref<1x4x2x1024xf32, #tpu.memory_space<vmem>>
    %dma_wait3A_107 = tpu.memref_squeeze %dma_wait3A_106 : memref<1x4x2x1024xf32, #tpu.memory_space<vmem>> -> memref<4x2x1024xf32, #tpu.memory_space<vmem>>
    tpu.wait_dma2 semaphore(%arg11 : memref<!tpu.dma_semaphore, #tpu.memory_space<semaphore_mem>>) src(%dma_wait3A_107 : memref<4x2x1024xf32, #tpu.memory_space<vmem>>) dst(%dma_wait3A_102 : memref<4x2x1024xf32, #tpu.memory_space<hbm>>)
    return
  }
}

</mosaic_0001>

<sc_bundles>
// kernel: kernel.3.cloned.1.call-start
scs
__scs_entry_jumppad:
0x0: {  	(pc) =	sbr.rel $0x88, $3  }
0x1: {  	(tag) =	ssettag $0x0;
	lr =	simm.s32 $0x1  }
0x2: {  	[smem:$0x3F9F] =	sst lr;
	_ =	strace $0xD0000000  }
0x3: {  	_ = 	snop  }
0x4: {  	_ = 	snop  }
0x5: {  	_ = 	snop  }
0x6: {  	_ = 	snop  }
0x7: {  	_ = 	snop  }
__scs_overlays_trampoline_lowered:
0x8: {  	[smem:$0x3FAE] =	sst s0  }
0x9: {  	[smem:$0x3FAF] =	sst s1  }
0xa: {  	[smem:$0x3FB0] =	sst s2  }
0xb: {  	[smem:$0x3FB1] =	sst s3  }
0xc: {  	[smem:$0x3FB2] =	sst s4  }
0xd: {  	[smem:$0x3FB3] =	sst s5  }
0xe: {  	[smem:$0x3FB4] =	sst s6  }
0xf: {  	[smem:$0x3FB5] =	sst s7  }
0x10: {  	[smem:$0x3FB6] =	sst s8  }
0x11: {  	[smem:$0x3FB7] =	sst s9;
	s0 =	simm.s32 @!p0 $0x0  }
0x12: {  	s1 =	sld [smem:$0x3F9D];
	s0 =	simm.s32 @p0 $0x1  }
0x13: {  	[smem:$0x3FB8] =	sst s0;
	s0 =	simm.s32 @!p1 $0x0  }
0x14: {  	s2 =	sld [smem:$0x3F9C];
	s0 =	simm.s32 @p1 $0x1  }
0x15: {  	[smem:$0x3FB9] =	sst s0;
	s0 =	simm.s32 @!p2 $0x0  }
0x16: {  	s3 =	sld [smem:$0x3FDB];
	s0 =	simm.s32 @p2 $0x1  }
0x17: {  	s4 =	simm.s32 $0x1BF5;
	[smem:$0x3FBB] =	sst s0  }
0x18: {  	s0 =	sld [smem:$0x3F9E];
	_ =	swait.ge [sflag:s4], $0x0  }
0x19: {  	s7 =	sld [smem:$0x3F9F]  }
0x1a: {  	s8 =	sadd.s32 $0xFFFFE003, lr  }
0x1b: {  	s9 =	sadd.s32 $0xFFFFFEF7, lr;
	s5 =	simm.s32 $0xFFFFFFFF;
	p2 =	slt.u32 s8, $0xFFFFF086  }
0x1c: {  	p1 =	slt.u32 s9, $0xF7A;
	s5 =	simm.s32 @!p2 $0x0  }
0x1d: {  	s5 =	simm.s32 @p1 $0x1;
	p0 =	seq.s32 s7, s2  }
0x1e: {  	s7 =	smul.u32 @!p0 $0xF7A, s2;
	p2 =	seq.s32 @!p0 s5, $0x0  }
0x1f: {  	s9 =	smul.u32 $0xF7A, s1;
	s8 =	simm.s32 @!p0 $0x1BF5;
	p2 =	por !p2, p0  }
0x20: {  	[sflag:s8] =	ssyncset.s32 @!p0 $0xFFFFF086;
	s6 =	sadd.s32 @!p0 s3, s7;
	s7 =	simm.s32 @!p0 $0x108  }
0x21: {  	s3 =	sadd.s32 s3, s9;
	s6 =	sadd.s32 @!p0 $0x88, s6;
	s7 =	simm.s32 @p2 $0x1082  }
0x22: {  	[simem:s7], [sflag:s8] =	dma.local @!p0 [hbm:s6], $0xF7A  }
0x23: {  	s9 =	sor.u32 $0xD0000000, s2;
	s6 =	simm.s32 $0x108;
	_ =	swait.ge @!p0 [sflag:s8], $0x0  }
0x24: {  	s3 =	sadd.s32 $0x88, s3;
	s6 =	simm.s32 @!p1 $0x1082;
	[sflag:s4] =	ssyncset.s32 $0xFFFFF086  }
0x25: {  	[simem:s6], [sflag:s4] =	dma.local [hbm:s3], $0xF7A  }
0x26: {  	[smem:$0x3F9F] =	sst s1;
	(tag) =	ssettag s2;
	_ =	strace s9  }
0x27: {  	s1 =	sld [smem:$0x3FAF]  }
0x28: {  	s2 =	sld [smem:$0x3FB0]  }
0x29: {  	s4 =	sld [smem:$0x3FB2]  }
0x2a: {  	p0 =	seq.s32 s5, $0x0;
	s5 =	sld [smem:$0x3FB3]  }
0x2b: {  	s6 =	sld [smem:$0x3FB4]  }
0x2c: {  	s7 =	sld [smem:$0x3FB5]  }
0x2d: {  	s3 =	simm.s32 $0x108;
	s8 =	sld [smem:$0x3FB6]  }
0x2e: {  	s3 =	simm.s32 @!p0 $0x1082;
	s9 =	sld [smem:$0x3FB7]  }
0x2f: {  	lr =	sadd.s32 s0, s3;
	s0 =	sld [smem:$0x3FAE]  }
0x30: {  	s3 =	sld [smem:$0x3FB1]  }
0x31: {  	[smem:$0x3FBA] =	sst s10  }
0x32: {  	s10 =	sld [smem:$0x3FB8];
	_ =	sdelay $0x3  }
0x33: {  	p0 =	seq.s32 s10, $0x1;
	s10 =	sld [smem:$0x3FBA];
	_ =	sdelay $0x3  }
0x34: {  	[smem:$0x3FBA] =	sst s10  }
0x35: {  	s10 =	sld [smem:$0x3FB9];
	_ =	sdelay $0x3  }
0x36: {  	p1 =	seq.s32 s10, $0x1;
	s10 =	sld [smem:$0x3FBA];
	_ =	sdelay $0x3  }
0x37: {  	[smem:$0x3FBA] =	sst s10  }
0x38: {  	s10 =	sld [smem:$0x3FBB]  }
0x39: {  	_ = 	snop;
	(pc) =	sbr.ind lr, $3  }
0x3a: {  	_ = 	snop  }
0x3b: {  	_ = 	snop  }
0x3c: {  	p2 =	seq.s32 s10, $0x1;
	s10 =	sld [smem:$0x3FBA]  }
0x3d: {  	_ =	shalt  }
0x3e: {  	_ =	shalt  }
0x3f: {  	_ =	shalt  }
0x40: {  	_ =	shalt  }
0x41: {  	_ =	shalt  }
0x42: {  	_ =	shalt  }
0x43: {  	_ =	shalt  }
0x44: {  	_ =	shalt  }
0x45: {  	_ =	shalt  }
0x46: {  	_ =	shalt  }
0x47: {  	_ =	shalt  }
0x48: {  	_ =	shalt  }
0x49: {  	_ =	shalt  }
0x4a: {  	_ =	shalt  }
0x4b: {  	_ =	shalt  }
0x4c: {  	_ =	shalt  }
0x4d: {  	_ =	shalt  }
0x4e: {  	_ =	shalt  }
0x4f: {  	_ =	shalt  }
0x50: {  	_ =	shalt  }
0x51: {  	_ =	shalt  }
0x52: {  	_ =	shalt  }
0x53: {  	_ =	shalt  }
0x54: {  	_ =	shalt  }
0x55: {  	_ =	shalt  }
0x56: {  	_ =	shalt  }
0x57: {  	_ =	shalt  }
0x58: {  	_ =	shalt  }
0x59: {  	_ =	shalt  }
0x5a: {  	_ =	shalt  }
0x5b: {  	_ =	shalt  }
0x5c: {  	_ =	shalt  }
0x5d: {  	_ =	shalt  }
0x5e: {  	_ =	shalt  }
0x5f: {  	_ =	shalt  }
0x60: {  	_ =	shalt  }
0x61: {  	_ =	shalt  }
0x62: {  	_ =	shalt  }
0x63: {  	_ =	shalt  }
0x64: {  	_ =	shalt  }
0x65: {  	_ =	shalt  }
0x66: {  	_ =	shalt  }
0x67: {  	_ =	shalt  }
0x68: {  	_ =	shalt  }
0x69: {  	_ =	shalt  }
0x6a: {  	_ =	shalt  }
0x6b: {  	_ =	shalt  }
0x6c: {  	_ =	shalt  }
0x6d: {  	_ =	shalt  }
0x6e: {  	_ =	shalt  }
0x6f: {  	_ =	shalt  }
0x70: {  	_ =	shalt  }
0x71: {  	_ =	shalt  }
0x72: {  	_ =	shalt  }
0x73: {  	_ =	shalt  }
0x74: {  	_ =	shalt  }
0x75: {  	_ =	shalt  }
0x76: {  	_ =	shalt  }
0x77: {  	_ =	shalt  }
0x78: {  	_ =	shalt  }
0x79: {  	_ =	shalt  }
0x7a: {  	_ =	shalt  }
0x7b: {  	_ =	shalt  }
0x7c: {  	_ =	shalt  }
0x7d: {  	_ =	shalt  }
0x7e: {  	_ =	shalt  }
0x7f: {  	_ =	shalt  }
0x80: {  	_ =	shalt  }
0x81: {  	_ =	shalt  }
0x82: {  	_ =	shalt  }
0x83: {  	_ =	shalt  }
0x84: {  	_ =	shalt  }
0x85: {  	_ =	shalt  }
0x86: {  	_ =	shalt  }
0x87: {  	_ =	shalt  }
.Lfunc_end0:
.L_simem_size_0:
called_computation_lowered:
.L_overlay_start_0:
0x88: {  	s2 =	sld [smem:$0x3FD9]  }
0x89: {  	s3 =	sld [smem:$0x3FFE];
	_ =	sdelay $0x1  }
0x8a: {  	s1 =	srdreg.scid  }
0x8b: {  	s0 =	sand.u32 $0x1, s1  }
0x8c: {  	s18 =	sshll.u32 s0, $0xA;
	s2 =	sadd.s32 s3, s2  }
0x8d: {  	s2 =	sadd.s32 s2, s18  }
0x8e: {  	[smem:$0x3FC6] =	sst s2  }
0x8f: {  	_ = 	snop  }
0x90: {  	s2 =	sld [smem:$0x3FC9]  }
0x91: {  	s19 =	sld [smem:$0x3FC8]  }
0x92: {  	s4 =	sld [smem:$0x3FD0];
	(tm) =	ssettm $0x1  }
0x93: {  	s5 =	sld [smem:$0x3FFB];
	_ =	sdelay $0x3  }
0x94: {  	_ =	strace s5  }
0x95: {  	s5 =	sld [smem:$0x3FFC];
	_ =	sdelay $0x3  }
0x96: {  	_ =	strace s5  }
0x97: {  	s5 =	sld [smem:$0x3FFD];
	_ =	sdelay $0x3  }
0x98: {  	_ =	strace s5  }
0x99: {  	_ =	strace $0x8FFFFFFF  }
0x9a: {  	s20 =	sld [smem:$0x3FDB];
	_ =	sdelay $0x1  }
0x9b: {  	s6 =	simm.s32 $_scs_section_size  }
0x9c: {  	s7 =	simm.s32 $_size__tile_overlayer_lowered;
	s8 =	simm.s32 $_tile_overlayer_lowered  }
0x9d: {  	s23 =	simm.s32 $0x1BFF;
	s22 =	sshll.u32 s8, $0x1;
	s5 =	sadd.s32 s6, s20  }
0x9e: {  	s9 =	simm.s32 $0x0;
	s21 =	sshll.u32 s7, $0x1;
	s7 =	sadd.s32 s22, s5  }
0x9f: {  	[timem:s9], [sflag:s23] =	dma.local [hbm:s7], s21  }
0xa0: {  	_ =	swait.ge [sflag:s23], s21  }
0xa1: {  	s6 =	ssub.s32 $0x0, s21;
	[sflag:s23] =	ssyncset.done $0x0  }
0xa2: {  	[sflag:s23] =	ssyncadd.s32 s6;
	_ =	sdelay $0x1  }
0xa3: {  	s24 =	simm.s32 $0x1B8B  }
0xa4: {  	_ =	swait.ge [sflag:s24], $0x1  }
0xa5: {  	[sflag:s24] =	ssyncset.done $0x0  }
0xa6: {  	s25 =	simm.s32 $0x1B8E;
	[sflag:s24] =	ssyncadd.s32 $0xFFFFFFFF  }
0xa7: {  	s26 =	simm.s32 $execute0_lowered;
	[smem:$0x3FD2] =	sst s25  }
0xa8: {  	s6 =	sshll.u32 s26, $0x1;
	_ =	strace $0x80000046;
	[dreg:$0x1] =	wrdreg $0xFFFFFFFF  }
0xa9: {  	s28 =	simm.s32 $_size_execute0_lowered;
	s5 =	sadd.s32 s5, s6;
	[dreg:$0x0] =	wrdreg $0x0  }
0xaa: {  	s6 =	sshll.u32 s28, $0x1;
	[dreg:$0x2] =	wrdreg s5  }
0xab: {  	[dreg:$0x3] =	wrdreg s6  }
0xac: {  	[dreg:$0x4] =	wrdreg $0xC0  }
0xad: {  	_ =	task [dreg:s9], $0x5FFFF  }
0xae: {  	[dreg:$0x1] =	wrdreg $0xFFFFFFFF  }
0xaf: {  	[dreg:$0x0] =	wrdreg $0x60  }
0xb0: {  	[dreg:$0x2] =	wrdreg s2  }
0xb1: {  	[dreg:$0x3] =	wrdreg s19  }
0xb2: {  	[dreg:$0x4] =	wrdreg s4  }
0xb3: {  	[dreg:$0x5] =	wrdreg $0x9  }
0xb4: {  	_ =	task.clear_ibuf [dreg:s9], $0x6FFFF;
	_ =	strace $0x90000046  }
0xb5: {  	s29 =	simm.s32 $0x9;
	_ =	strace $0x80000048  }
0xb6: {  	_ =	swait.ge [sflag:s29], $0x1  }
0xb7: {  	[sflag:s29] =	ssyncadd.s32 $0xFFFFFFFF  }
0xb8: {  	_ =	strace $0x90000048  }
0xb9: {  	_ =	sfence  }
0xba: {  	s30 =	sld [smem:$0x0];
	_ =	sdelay $0x2  }
0xbb: {  	s31 =	sshll.u32 s1, $0xD;
	s1 =	sshrl.u32 s1, $0x2  }
0xbc: {  	s3 =	sand.u32 $0x4000, s31;
	s1 =	sadd.s32 s1, s30  }
0xbd: {  	s0 =	sor.u32 s3, s0;
	s1 =	sshll.u32 s1, $0x11  }
0xbe: {  	s0 =	sor.u32 s1, s0  }
0xbf: {  	s0 =	sadd.s32 $0x8F2B, s0  }
0xc0: {  	[sflag:s0] =	ssyncadd.remote.s32 $0x1  }
0xc1: {  	_ =	sfence.sel $0xFFFF  }
0xc2: {  	[dreg:$0x0] =	wrdreg $0xFFFFFFFF;
	(pc) =	sbr.abs _section_cstart, $3  }
0xc3: {  	[dreg:$0x1] =	wrdreg $0xFFFFFFFF  }
0xc4: {  	_ =	task.clear_ibuf [dreg:s9], $0x2FFFF;
	_ =	strace $0x9FFFFFFF  }
0xc5: {  	(tm) =	ssettm $0x7FFFFFFF  }
tec
execute0_lowered:
.L_overlay_start_1:
0x0: {  	(tag) =	ssettag $0x1  }
0x1: {  	s1 =	rddreg [dreg:$0x0]  }
0x2: {  	s2 =	rddreg [dreg:$0x1]  }
0x3: {  	s4 =	rddreg [dreg:$0x2];
	s0 =	srdreg.scid  }
0x4: {  	s6 =	simm.s32 $0x0;
	s5 =	stileid.u32;
	s31 =	simm.s32 $0x1  }
0x5: {  	s28 =	simm.s32 $0x8800;
	s29 =	simm.s32 $0x3;
	s0 =	sand.u32 $0x1, s0  }
0x6: {  	s5 =	sshll.u32 s5, $0x8;
	s3 =	ssub.s32 $0x2, s0;
	s0 =	sshll.u32 s0, $0x7  }
0x7: {  	[smem:$0x7FF] =	sst s6;
	s7 =	sshrl.u32 s3, $0x1;
	s6 =	sor.u32 s0, s5  }
0x8: {  	s30 =	simm.s32 $0x4;
	s17 =	ssub.s32 s3, s7;
	s7 =	sshll.u32 s6, $0x7  }
0x9: {  	_ =	strace $0x80000047;
	s5 =	simm.s32 $0x0;
	s18 =	sadd.s32 s2, s7  }
0xa: {  	s19 =	sor.u32 $0x20, s7;
	s0 =	smax.u32 s17, $0x1;
	[dreg:$0x4] =	wrdreg s18  }
0xb: {  	s9 =	sadd.s32 s1, s7;
	s20 =	sadd.s32 s2, s19;
	[dreg:$0x6] =	wrdreg s0  }
0xc: {  	s3 =	simm.s32 $0x5800;
	s21 =	sadd.s32 $0x80000, s9;
	[dreg:$0x5] =	wrdreg s20  }
0xd: {  	s11 =	sadd.s32 s1, s19;
	s22 =	sadd.s32 $0x100000, s9;
	[dreg:$0x7] =	wrdreg s21  }
0xe: {  	s23 =	sadd.s32 $0x180000, s9;
	s19 =	simm.s32 $0x100;
	[dreg:$0x8] =	wrdreg s22  }
0xf: {  	s0 =	simm.s32 $0x5000;
	[dreg:$0x9] =	wrdreg s23;
	s24 =	sadd.s32 $0x80000, s11  }
0x10: {  	s25 =	sadd.s32 $0x100000, s11;
	s26 =	sadd.s32 $0x180000, s11;
	[dreg:$0xa] =	wrdreg s24  }
0x11: {  	s20 =	simm.s32 $0x400;
	s21 =	simm.s32 $0x6000;
	[dreg:$0xb] =	wrdreg s25  }
0x12: {  	s22 =	simm.s32 $0x6800;
	s23 =	simm.s32 $0x2;
	[dreg:$0xc] =	wrdreg s26  }
0x13: {  	s24 =	simm.s32 $0x7000;
	s25 =	simm.s32 $0x7800;
	s26 =	simm.s32 $0x8000  }
.LBB2_1:
0x14: {  	s8 =	simm.s32 $0x0;
	s10 =	rddreg [dreg:$0x4]  }
0x15: {  	[tilespmem:s8], [sflag:$0x1] =	stream.strided.gather [hbm4b:s10+s19], $0x800, s20, s19, $0x38;
	[tilespmem:$0x9000] =	vst v63  }
0x16: {  	s18 =	simm.s32 $0x1000  }
0x17: {  	[tilespmem:s18], [sflag:$0x1] =	stream.strided.gather [hbm4b:s9+s19], $0x800, s20, s19, $0x38;
	[tilespmem:$0x9000] =	vst v63  }
0x18: {  	s12 =	simm.s32 $0x1800;
	s10 =	rddreg [dreg:$0x7]  }
0x19: {  	[tilespmem:s12], [sflag:$0x1] =	stream.strided.gather [hbm4b:s10+s19], $0x800, s20, s19, $0x38;
	[tilespmem:$0x9000] =	vst v63  }
0x1a: {  	s13 =	rddreg [dreg:$0x8];
	s14 =	simm.s32 $0x2000  }
0x1b: {  	[tilespmem:s14], [sflag:$0x1] =	stream.strided.gather [hbm4b:s13+s19], $0x800, s20, s19, $0x38;
	[tilespmem:$0x9000] =	vst v63  }
0x1c: {  	s15 =	rddreg [dreg:$0x9];
	s16 =	simm.s32 $0x2800  }
0x1d: {  	[tilespmem:s16], [sflag:$0x1] =	stream.strided.gather [hbm4b:s15+s19], $0x800, s20, s19, $0x38;
	[tilespmem:$0x9000] =	vst v63  }
0x1e: {  	s17 =	rddreg [dreg:$0x5];
	s18 =	simm.s32 $0x800  }
0x1f: {  	[tilespmem:s18], [sflag:$0x2] =	stream.strided.gather [hbm4b:s17+s19], $0x800, s20, s19, $0x38;
	[tilespmem:$0x9000] =	vst v63  }
0x20: {  	s12 =	simm.s32 $0x3000  }
0x21: {  	[tilespmem:s12], [sflag:$0x2] =	stream.strided.gather [hbm4b:s11+s19], $0x800, s20, s19, $0x38;
	[tilespmem:$0x9000] =	vst v63  }
0x22: {  	s13 =	rddreg [dreg:$0xa];
	s14 =	simm.s32 $0x3800  }
0x23: {  	[tilespmem:s14], [sflag:$0x2] =	stream.strided.gather [hbm4b:s13+s19], $0x800, s20, s19, $0x38;
	[tilespmem:$0x9000] =	vst v63  }
0x24: {  	s15 =	rddreg [dreg:$0xb];
	s16 =	simm.s32 $0x4000  }
0x25: {  	[tilespmem:s16], [sflag:$0x2] =	stream.strided.gather [hbm4b:s15+s19], $0x800, s20, s19, $0x38;
	[tilespmem:$0x9000] =	vst v63  }
0x26: {  	s17 =	rddreg [dreg:$0xc];
	s18 =	simm.s32 $0x4800;
	s12 =	simm.s32 $0x0  }
0x27: {  	[tilespmem:s18], [sflag:$0x2] =	stream.strided.gather [hbm4b:s17+s19], $0x800, s20, s19, $0x38;
	[tilespmem:$0x9000] =	vst v63  }
.LBB2_2:
0x28: {  	_ =	swait.ge [sflag:s31], $0x800  }
0x29: {  	[sflag:s31] =	ssyncset.done $0x0  }
0x2a: {  	[sflag:s31] =	ssyncadd.s32 $0xFFFFF800  }
0x2b: {  	_ =	swait.ge [sflag:s31], $0x2000  }
0x2c: {  	p1 =	seq.s32 s12, $0x0;
	[sflag:s31] =	ssyncset.done $0x0  }
0x2d: {  	s8 =	simm.s32 @!p1 $0x3;
	[sflag:s31] =	ssyncadd.s32 $0xFFFFE000  }
0x2e: {  	_ =	swait.ge @!p1 [sflag:s8], $0x2000  }
0x2f: {  	[sflag:s8] =	ssyncset.done @!p1 $0x0  }
0x30: {  	s14 =	simm.s32 $0x0;
	[sflag:s8] =	ssyncadd.s32 @!p1 $0xFFFFE000  }
0x31: {  	v0 =	vld [tilespmem:s14+$0x70]  }
0x32: {  	v1 =	vld [tilespmem:s14+$0x2870]  }
0x33: {  	v2 =	vld [tilespmem:s14+$0x0]  }
0x34: {  	v3 =	vld [tilespmem:s14+$0x1000]  }
0x35: {  	v4 =	vld [tilespmem:s14+$0x1800]  }
0x36: {  	v5 =	vld [tilespmem:s14+$0x2000]  }
0x37: {  	v6 =	vld [tilespmem:s14+$0x2800]  }
0x38: {  	v7 =	vld [tilespmem:s14+$0x10];
	v1 =	vadd.f32 v1, v0  }
0x39: {  	v8 =	vld [tilespmem:s14+$0x1010];
	v3 =	vadd.f32 v3, v2  }
0x3a: {  	v4 =	vadd.f32 v4, v2;
	[tilespmem:s14+$0x6870] =	vst v1;
	v1 =	vld [tilespmem:s14+$0x1810]  }
0x3b: {  	v5 =	vadd.f32 v5, v2;
	[tilespmem:s14+$0x5000] =	vst v3;
	v3 =	vld [tilespmem:s14+$0x2010]  }
0x3c: {  	v2 =	vadd.f32 v6, v2;
	[tilespmem:s14+$0x5800] =	vst v4;
	v4 =	vld [tilespmem:s14+$0x2810]  }
0x3d: {  	v6 =	vld [tilespmem:s14+$0x1020];
	[tilespmem:s14+$0x6000] =	vst v5  }
0x3e: {  	v5 =	vld [tilespmem:s14+$0x20];
	[tilespmem:s14+$0x6800] =	vst v2;
	v2 =	vadd.f32 v8, v7  }
0x3f: {  	v8 =	vld [tilespmem:s14+$0x1820];
	v1 =	vadd.f32 v1, v7  }
0x40: {  	[tilespmem:s14+$0x5010] =	vst v2;
	v2 =	vld [tilespmem:s14+$0x2020];
	v3 =	vadd.f32 v3, v7  }
0x41: {  	v4 =	vadd.f32 v4, v7;
	v7 =	vld [tilespmem:s14+$0x1830];
	[tilespmem:s14+$0x5810] =	vst v1  }
0x42: {  	v1 =	vld [tilespmem:s14+$0x2820];
	[tilespmem:s14+$0x6010] =	vst v3  }
0x43: {  	v3 =	vld [tilespmem:s14+$0x30];
	[tilespmem:s14+$0x6810] =	vst v4;
	v4 =	vadd.f32 v6, v5  }
0x44: {  	v8 =	vadd.f32 v8, v5;
	v6 =	vld [tilespmem:s14+$0x1030]  }
0x45: {  	v2 =	vadd.f32 v2, v5;
	[tilespmem:s14+$0x5020] =	vst v4;
	v4 =	vld [tilespmem:s14+$0x2030]  }
0x46: {  	[tilespmem:s14+$0x5820] =	vst v8;
	v8 =	vld [tilespmem:s14+$0x2830]  }
0x47: {  	[tilespmem:s14+$0x6020] =	vst v2;
	v2 =	vld [tilespmem:s14+$0x40];
	v1 =	vadd.f32 v1, v5  }
0x48: {  	v5 =	vld [tilespmem:s14+$0x1040];
	v7 =	vadd.f32 v7, v3  }
0x49: {  	[tilespmem:s14+$0x6820] =	vst v1;
	v1 =	vadd.f32 v6, v3;
	v6 =	vld [tilespmem:s14+$0x1840]  }
0x4a: {  	v4 =	vadd.f32 v4, v3;
	[tilespmem:s14+$0x5830] =	vst v7;
	v7 =	vld [tilespmem:s14+$0x2840]  }
0x4b: {  	v3 =	vadd.f32 v8, v3;
	[tilespmem:s14+$0x5030] =	vst v1;
	v1 =	vld [tilespmem:s14+$0x2040]  }
0x4c: {  	[tilespmem:s14+$0x6030] =	vst v4;
	v4 =	vld [tilespmem:s14+$0x50]  }
0x4d: {  	[tilespmem:s14+$0x6830] =	vst v3;
	v3 =	vadd.f32 v5, v2;
	v5 =	vld [tilespmem:s14+$0x1050]  }
0x4e: {  	v8 =	vld [tilespmem:s14+$0x1850];
	v6 =	vadd.f32 v6, v2  }
0x4f: {  	[tilespmem:s14+$0x5040] =	vst v3;
	v3 =	vld [tilespmem:s14+$0x2050];
	v7 =	vadd.f32 v7, v2  }
0x50: {  	v1 =	vadd.f32 v1, v2;
	[tilespmem:s14+$0x5840] =	vst v6;
	v6 =	vld [tilespmem:s14+$0x2850]  }
0x51: {  	v2 =	vld [tilespmem:s14+$0x60];
	[tilespmem:s14+$0x6840] =	vst v7  }
0x52: {  	v7 =	vld [tilespmem:s14+$0x1060];
	[tilespmem:s14+$0x6040] =	vst v1;
	v1 =	vadd.f32 v5, v4  }
0x53: {  	v9 =	vld [tilespmem:s14+$0x1860];
	v5 =	vadd.f32 v8, v4  }
0x54: {  	v8 =	vld [tilespmem:s14+$0x2060];
	[tilespmem:s14+$0x5050] =	vst v1  }
0x55: {  	v1 =	vadd.f32 v3, v4;
	[tilespmem:s14+$0x5850] =	vst v5;
	v5 =	vld [tilespmem:s14+$0x2860];
	v4 =	vadd.f32 v6, v4  }
0x56: {  	v3 =	vld [tilespmem:s14+$0x1070]  }
0x57: {  	s18 =	sshll.u32 s12, $0x9;
	s16 =	simm.s32 $0x100;
	s13 =	sshll.u32 s12, $0x6;
	v10 =	vadd.f32 v7, v2;
	[tilespmem:s14+$0x6850] =	vst v4;
	v4 =	vld [tilespmem:s14+$0x1870]  }
0x58: {  	s17 =	simm.s32 $0x800;
	s15 =	simm.s32 $0x0;
	s10 =	sand.u32 $0x3C00, s18;
	v6 =	vld [tilespmem:s14+$0x2070];
	v7 =	vadd.f32 v9, v2;
	[tilespmem:s14+$0x6050] =	vst v1  }
0x59: {  	s13 =	sand.u32 $0x40, s13;
	s10 =	sor.u32 s7, s10;
	s8 =	sshll.u32 s12, $0x2;
	v8 =	vadd.f32 v8, v2;
	v1 =	vld [tilespmem:s16+$0x70];
	[tilespmem:s14+$0x5060] =	vst v10  }
.LBB2_3:
0x5a: {  	p0 =	sne.s32 s17, $0x1C00;
	v9 =	vld [tilespmem:s16+$0x2870];
	[tilespmem:s15+$0x5860] =	vst v7;
	v2 =	vadd.f32 v5, v2  }
0x5b: {  	v5 =	vld [tilespmem:s16+$0x0];
	[tilespmem:s15+$0x6060] =	vst v8;
	v3 =	vadd.f32 v3, v0  }
0x5c: {  	v7 =	vld [tilespmem:s16+$0x1000];
	[tilespmem:s15+$0x6860] =	vst v2;
	v2 =	vadd.f32 v4, v0  }
0x5d: {  	v4 =	vld [tilespmem:s16+$0x1800];
	[tilespmem:s15+$0x5070] =	vst v3;
	v3 =	vadd.f32 v6, v0  }
0x5e: {  	v6 =	vld [tilespmem:s16+$0x2000];
	[tilespmem:s15+$0x5870] =	vst v2;
	v0 =	vmov v1  }
0x5f: {  	v1 =	vld [tilespmem:s16+$0x2800];
	v2 =	vadd.f32 v9, v0;
	[tilespmem:s15+$0x6070] =	vst v3;
	s15 =	smov.u32 s16  }
0x60: {  	v3 =	vld [tilespmem:s15+$0x10]  }
0x61: {  	v7 =	vadd.f32 v7, v5;
	v8 =	vld [tilespmem:s15+$0x1010];
	[tilespmem:s15+$0x6870] =	vst v2  }
0x62: {  	v2 =	vadd.f32 v4, v5;
	v4 =	vld [tilespmem:s15+$0x1810]  }
0x63: {  	[tilespmem:s15+$0x5000] =	vst v7;
	v6 =	vadd.f32 v6, v5;
	v7 =	vld [tilespmem:s15+$0x2010]  }
0x64: {  	[tilespmem:s15+$0x5800] =	vst v2;
	v1 =	vadd.f32 v1, v5;
	v2 =	vld [tilespmem:s15+$0x2810]  }
0x65: {  	[tilespmem:s15+$0x6000] =	vst v6;
	v5 =	vld [tilespmem:s15+$0x20]  }
0x66: {  	[tilespmem:s15+$0x6800] =	vst v1;
	v1 =	vadd.f32 v8, v3;
	v6 =	vld [tilespmem:s15+$0x1020]  }
0x67: {  	v4 =	vadd.f32 v4, v3;
	v8 =	vld [tilespmem:s15+$0x1820]  }
0x68: {  	[tilespmem:s15+$0x5010] =	vst v1;
	v1 =	vadd.f32 v7, v3;
	v7 =	vld [tilespmem:s15+$0x2020]  }
0x69: {  	[tilespmem:s15+$0x5810] =	vst v4;
	v2 =	vadd.f32 v2, v3;
	v3 =	vld [tilespmem:s15+$0x2820]  }
0x6a: {  	[tilespmem:s15+$0x6010] =	vst v1;
	v1 =	vld [tilespmem:s15+$0x30]  }
0x6b: {  	[tilespmem:s15+$0x6810] =	vst v2;
	v2 =	vadd.f32 v6, v5;
	v4 =	vld [tilespmem:s15+$0x1030]  }
0x6c: {  	v6 =	vadd.f32 v8, v5;
	v8 =	vld [tilespmem:s15+$0x1830]  }
0x6d: {  	[tilespmem:s15+$0x5020] =	vst v2;
	v2 =	vadd.f32 v7, v5;
	v7 =	vld [tilespmem:s15+$0x2030]  }
0x6e: {  	[tilespmem:s15+$0x5820] =	vst v6;
	v3 =	vadd.f32 v3, v5;
	v5 =	vld [tilespmem:s15+$0x2830]  }
0x6f: {  	[tilespmem:s15+$0x6020] =	vst v2;
	v2 =	vld [tilespmem:s15+$0x40]  }
0x70: {  	[tilespmem:s15+$0x6820] =	vst v3;
	v3 =	vadd.f32 v4, v1;
	v4 =	vld [tilespmem:s15+$0x1040]  }
0x71: {  	v6 =	vadd.f32 v8, v1;
	v8 =	vld [tilespmem:s15+$0x1840]  }
0x72: {  	[tilespmem:s15+$0x5030] =	vst v3;
	v3 =	vadd.f32 v7, v1;
	v7 =	vld [tilespmem:s15+$0x2040]  }
0x73: {  	[tilespmem:s15+$0x5830] =	vst v6;
	v1 =	vadd.f32 v5, v1;
	v5 =	vld [tilespmem:s15+$0x2840]  }
0x74: {  	[tilespmem:s15+$0x6030] =	vst v3;
	v3 =	vld [tilespmem:s15+$0x50]  }
0x75: {  	[tilespmem:s15+$0x6830] =	vst v1;
	v1 =	vadd.f32 v4, v2;
	v4 =	vld [tilespmem:s15+$0x1050]  }
0x76: {  	v6 =	vadd.f32 v8, v2;
	v8 =	vld [tilespmem:s15+$0x1850]  }
0x77: {  	[tilespmem:s15+$0x5040] =	vst v1;
	v1 =	vadd.f32 v7, v2;
	v7 =	vld [tilespmem:s15+$0x2050]  }
0x78: {  	[tilespmem:s15+$0x5840] =	vst v6;
	v5 =	vadd.f32 v5, v2;
	v6 =	vld [tilespmem:s15+$0x2850]  }
0x79: {  	[tilespmem:s15+$0x6040] =	vst v1;
	v2 =	vld [tilespmem:s15+$0x60]  }
0x7a: {  	[tilespmem:s15+$0x6840] =	vst v5;
	v1 =	vadd.f32 v4, v3;
	v4 =	vld [tilespmem:s15+$0x1060]  }
0x7b: {  	v5 =	vadd.f32 v8, v3;
	v8 =	vld [tilespmem:s15+$0x1860]  }
0x7c: {  	[tilespmem:s15+$0x5050] =	vst v1;
	v1 =	vadd.f32 v7, v3;
	v9 =	vld [tilespmem:s15+$0x2060]  }
.Ltmp0:
0x7d: {  	[tilespmem:s15+$0x5850] =	vst v5;
	v6 =	vadd.f32 v6, v3;
	v5 =	vld [tilespmem:s15+$0x2860];
	(pc) =	sbr.rel @p0 .LBB2_3-.Ltmp0, $4  }
0x7e: {  	[tilespmem:s15+$0x6050] =	vst v1;
	v3 =	vld [tilespmem:s15+$0x1070]  }
0x7f: {  	[tilespmem:s15+$0x6850] =	vst v6;
	v10 =	vadd.f32 v4, v2;
	v4 =	vld [tilespmem:s15+$0x1870]  }
0x80: {  	s16 =	sshra.s32 s17, $0x2;
	v7 =	vadd.f32 v8, v2;
	v6 =	vld [tilespmem:s15+$0x2070]  }
0x81: {  	s17 =	sadd.s32 $0x400, s17;
	v1 =	vld [tilespmem:s16+$0x70];
	[tilespmem:s15+$0x5060] =	vst v10;
	v8 =	vadd.f32 v9, v2  }
0x82: {  	v9 =	vld [tilespmem:s16+$0x2870];
	[tilespmem:s15+$0x5860] =	vst v7;
	v2 =	vadd.f32 v5, v2  }
0x83: {  	v7 =	vld [tilespmem:s16+$0x0];
	[tilespmem:s15+$0x6060] =	vst v8;
	v3 =	vadd.f32 v3, v0  }
0x84: {  	v5 =	vld [tilespmem:s16+$0x1000];
	[tilespmem:s15+$0x6860] =	vst v2;
	v4 =	vadd.f32 v4, v0  }
0x85: {  	v2 =	vld [tilespmem:s16+$0x1800];
	[tilespmem:s15+$0x5070] =	vst v3;
	v0 =	vadd.f32 v6, v0  }
0x86: {  	v3 =	vld [tilespmem:s16+$0x2000];
	[tilespmem:s15+$0x5870] =	vst v4  }
0x87: {  	v4 =	vld [tilespmem:s16+$0x2800];
	[tilespmem:s15+$0x6070] =	vst v0  }
0x88: {  	v0 =	vadd.f32 v9, v1;
	v6 =	vld [tilespmem:s16+$0x10]  }
0x89: {  	v8 =	vld [tilespmem:s16+$0x1010];
	v5 =	vadd.f32 v5, v7  }
0x8a: {  	[tilespmem:s16+$0x6870] =	vst v0;
	v0 =	vld [tilespmem:s16+$0x1810];
	v2 =	vadd.f32 v2, v7  }
0x8b: {  	[tilespmem:s16+$0x5000] =	vst v5;
	v5 =	vld [tilespmem:s16+$0x2010];
	v3 =	vadd.f32 v3, v7  }
0x8c: {  	[tilespmem:s16+$0x5800] =	vst v2;
	v2 =	vld [tilespmem:s16+$0x2810];
	v4 =	vadd.f32 v4, v7  }
0x8d: {  	v7 =	vld [tilespmem:s16+$0x1020];
	[tilespmem:s16+$0x6000] =	vst v3  }
0x8e: {  	v3 =	vld [tilespmem:s16+$0x20];
	[tilespmem:s16+$0x6800] =	vst v4;
	v4 =	vadd.f32 v8, v6  }
0x8f: {  	v8 =	vld [tilespmem:s16+$0x1820];
	v0 =	vadd.f32 v0, v6  }
0x90: {  	[tilespmem:s16+$0x5010] =	vst v4;
	v4 =	vld [tilespmem:s16+$0x2020];
	v5 =	vadd.f32 v5, v6  }
0x91: {  	[tilespmem:s16+$0x5810] =	vst v0;
	v0 =	vld [tilespmem:s16+$0x2820];
	v2 =	vadd.f32 v2, v6  }
0x92: {  	v6 =	vld [tilespmem:s16+$0x1030];
	[tilespmem:s16+$0x6010] =	vst v5  }
0x93: {  	v5 =	vld [tilespmem:s16+$0x30];
	[tilespmem:s16+$0x6810] =	vst v2;
	v2 =	vadd.f32 v7, v3  }
0x94: {  	v7 =	vld [tilespmem:s16+$0x1830];
	v8 =	vadd.f32 v8, v3  }
0x95: {  	[tilespmem:s16+$0x5020] =	vst v2;
	v2 =	vld [tilespmem:s16+$0x2030];
	v4 =	vadd.f32 v4, v3  }
0x96: {  	[tilespmem:s16+$0x5820] =	vst v8;
	v8 =	vld [tilespmem:s16+$0x2830];
	v0 =	vadd.f32 v0, v3  }
0x97: {  	v3 =	vld [tilespmem:s16+$0x40];
	[tilespmem:s16+$0x6020] =	vst v4  }
0x98: {  	[tilespmem:s16+$0x6820] =	vst v0;
	v0 =	vadd.f32 v6, v5;
	v4 =	vld [tilespmem:s16+$0x1040]  }
0x99: {  	v6 =	vld [tilespmem:s16+$0x1840];
	v7 =	vadd.f32 v7, v5  }
0x9a: {  	[tilespmem:s16+$0x5030] =	vst v0;
	v0 =	vld [tilespmem:s16+$0x2040];
	v2 =	vadd.f32 v2, v5  }
0x9b: {  	[tilespmem:s16+$0x5830] =	vst v7;
	v7 =	vld [tilespmem:s16+$0x2840];
	v5 =	vadd.f32 v8, v5  }
0x9c: {  	[tilespmem:s16+$0x6030] =	vst v2;
	v2 =	vld [tilespmem:s16+$0x50]  }
0x9d: {  	[tilespmem:s16+$0x6830] =	vst v5;
	v4 =	vadd.f32 v4, v3;
	v5 =	vld [tilespmem:s16+$0x1050]  }
0x9e: {  	v8 =	vld [tilespmem:s16+$0x1850];
	v6 =	vadd.f32 v6, v3  }
0x9f: {  	[tilespmem:s16+$0x5040] =	vst v4;
	v4 =	vld [tilespmem:s16+$0x2050];
	v0 =	vadd.f32 v0, v3  }
0xa0: {  	[tilespmem:s16+$0x5840] =	vst v6;
	v6 =	vld [tilespmem:s16+$0x2850];
	v3 =	vadd.f32 v7, v3  }
0xa1: {  	[tilespmem:s16+$0x6040] =	vst v0;
	v0 =	vld [tilespmem:s16+$0x60]  }
0xa2: {  	[tilespmem:s16+$0x6840] =	vst v3;
	v3 =	vadd.f32 v5, v2;
	v5 =	vld [tilespmem:s16+$0x1060]  }
0xa3: {  	v7 =	vld [tilespmem:s16+$0x1860];
	v8 =	vadd.f32 v8, v2  }
0xa4: {  	[tilespmem:s16+$0x5050] =	vst v3;
	v3 =	vld [tilespmem:s16+$0x2060];
	v4 =	vadd.f32 v4, v2  }
0xa5: {  	[tilespmem:s16+$0x5850] =	vst v8;
	v8 =	vld [tilespmem:s16+$0x2860];
	v2 =	vadd.f32 v6, v2  }
0xa6: {  	[tilespmem:s16+$0x6050] =	vst v4;
	v4 =	vld [tilespmem:s16+$0x1070]  }
0xa7: {  	[tilespmem:s16+$0x6850] =	vst v2;
	v2 =	vadd.f32 v5, v0;
	v5 =	vld [tilespmem:s16+$0x1870]  }
0xa8: {  	v6 =	vadd.f32 v7, v0;
	v7 =	vld [tilespmem:s16+$0x2070]  }
0xa9: {  	[tilespmem:s16+$0x5060] =	vst v2;
	v2 =	vadd.f32 v3, v0  }
0xaa: {  	[tilespmem:s16+$0x5860] =	vst v6;
	v0 =	vadd.f32 v8, v0  }
0xab: {  	[tilespmem:s16+$0x6060] =	vst v2;
	v2 =	vadd.f32 v4, v1  }
0xac: {  	[tilespmem:s16+$0x6860] =	vst v0;
	v0 =	vadd.f32 v5, v1  }
0xad: {  	v1 =	vadd.f32 v7, v1;
	[tilespmem:s16+$0x5070] =	vst v2  }
0xae: {  	[tilespmem:s16+$0x5870] =	vst v0  }
0xaf: {  	[tilespmem:s16+$0x6070] =	vst v1  }
0xb0: {  	v0 =	vld [tilespmem:s14+$0xF0]  }
0xb1: {  	v1 =	vld [tilespmem:s14+$0x28F0]  }
0xb2: {  	v2 =	vld [tilespmem:s14+$0x80]  }
0xb3: {  	v3 =	vld [tilespmem:s14+$0x1080]  }
0xb4: {  	v4 =	vld [tilespmem:s14+$0x1880]  }
0xb5: {  	v5 =	vld [tilespmem:s14+$0x2080]  }
0xb6: {  	v6 =	vld [tilespmem:s14+$0x2880]  }
0xb7: {  	v7 =	vld [tilespmem:s14+$0x90]  }
0xb8: {  	v8 =	vld [tilespmem:s14+$0x1090];
	v1 =	vadd.f32 v1, v0  }
0xb9: {  	v9 =	vld [tilespmem:s14+$0x28D0];
	v3 =	vadd.f32 v3, v2  }
0xba: {  	v4 =	vadd.f32 v4, v2;
	[tilespmem:s14+$0x68F0] =	vst v1;
	v1 =	vld [tilespmem:s14+$0x1890]  }
0xbb: {  	v5 =	vadd.f32 v5, v2;
	[tilespmem:s14+$0x5080] =	vst v3;
	v3 =	vld [tilespmem:s14+$0x2090]  }
0xbc: {  	v2 =	vadd.f32 v6, v2;
	[tilespmem:s14+$0x5880] =	vst v4;
	v4 =	vld [tilespmem:s14+$0x2890]  }
0xbd: {  	v6 =	vld [tilespmem:s14+$0x10A0];
	[tilespmem:s14+$0x6080] =	vst v5  }
0xbe: {  	v5 =	vld [tilespmem:s14+$0xA0];
	[tilespmem:s14+$0x6880] =	vst v2;
	v2 =	vadd.f32 v8, v7  }
0xbf: {  	v8 =	vld [tilespmem:s14+$0x18A0];
	v1 =	vadd.f32 v1, v7  }
0xc0: {  	[tilespmem:s14+$0x5090] =	vst v2;
	v2 =	vld [tilespmem:s14+$0x20A0];
	v3 =	vadd.f32 v3, v7  }
0xc1: {  	v4 =	vadd.f32 v4, v7;
	v7 =	vld [tilespmem:s14+$0x18B0];
	[tilespmem:s14+$0x5890] =	vst v1  }
0xc2: {  	v1 =	vld [tilespmem:s14+$0x28A0];
	[tilespmem:s14+$0x6090] =	vst v3  }
0xc3: {  	v3 =	vld [tilespmem:s14+$0xB0];
	[tilespmem:s14+$0x6890] =	vst v4;
	v4 =	vadd.f32 v6, v5  }
0xc4: {  	v8 =	vadd.f32 v8, v5;
	v6 =	vld [tilespmem:s14+$0x10B0]  }
0xc5: {  	v2 =	vadd.f32 v2, v5;
	[tilespmem:s14+$0x50A0] =	vst v4;
	v4 =	vld [tilespmem:s14+$0x20B0]  }
0xc6: {  	[tilespmem:s14+$0x58A0] =	vst v8;
	v8 =	vld [tilespmem:s14+$0x28B0]  }
0xc7: {  	[tilespmem:s14+$0x60A0] =	vst v2;
	v2 =	vld [tilespmem:s14+$0xC0];
	v1 =	vadd.f32 v1, v5  }
0xc8: {  	v5 =	vld [tilespmem:s14+$0x10C0];
	v7 =	vadd.f32 v7, v3  }
0xc9: {  	[tilespmem:s14+$0x68A0] =	vst v1;
	v1 =	vadd.f32 v6, v3;
	v6 =	vld [tilespmem:s14+$0x18C0]  }
0xca: {  	v4 =	vadd.f32 v4, v3;
	[tilespmem:s14+$0x58B0] =	vst v7;
	v7 =	vld [tilespmem:s14+$0x28C0]  }
0xcb: {  	v3 =	vadd.f32 v8, v3;
	[tilespmem:s14+$0x50B0] =	vst v1;
	v1 =	vld [tilespmem:s14+$0x20C0]  }
0xcc: {  	[tilespmem:s14+$0x60B0] =	vst v4;
	v4 =	vld [tilespmem:s14+$0xD0]  }
0xcd: {  	[tilespmem:s14+$0x68B0] =	vst v3;
	v3 =	vadd.f32 v5, v2;
	v5 =	vld [tilespmem:s14+$0x10D0]  }
0xce: {  	v8 =	vld [tilespmem:s14+$0x18D0];
	v6 =	vadd.f32 v6, v2  }
0xcf: {  	[tilespmem:s14+$0x50C0] =	vst v3;
	v3 =	vld [tilespmem:s14+$0x20D0]  }
0xd0: {  	v1 =	vadd.f32 v1, v2;
	[tilespmem:s14+$0x58C0] =	vst v6;
	v6 =	vadd.f32 v7, v2;
	v2 =	vld [tilespmem:s14+$0xE0]  }
0xd1: {  	v7 =	vld [tilespmem:s14+$0x10E0]  }
0xd2: {  	v10 =	vld [tilespmem:s14+$0x18E0];
	[tilespmem:s14+$0x60C0] =	vst v1;
	v1 =	vadd.f32 v5, v4  }
0xd3: {  	[tilespmem:s14+$0x68C0] =	vst v6;
	v5 =	vadd.f32 v8, v4;
	v8 =	vld [tilespmem:s14+$0x20E0]  }
0xd4: {  	v6 =	vld [tilespmem:s14+$0x28E0];
	[tilespmem:s14+$0x50D0] =	vst v1;
	v1 =	vadd.f32 v3, v4;
	v3 =	vadd.f32 v9, v4  }
0xd5: {  	[tilespmem:s14+$0x58D0] =	vst v5;
	v5 =	vld [tilespmem:s14+$0x10F0]  }
0xd6: {  	v9 =	vadd.f32 v7, v2;
	[tilespmem:s14+$0x68D0] =	vst v3;
	v3 =	vld [tilespmem:s14+$0x18F0]  }
0xd7: {  	s15 =	simm.s32 $0x100;
	v4 =	vld [tilespmem:s14+$0x20F0];
	v7 =	vadd.f32 v10, v2;
	[tilespmem:s14+$0x60D0] =	vst v1  }
0xd8: {  	s16 =	simm.s32 $0x800;
	v1 =	vld [tilespmem:s15+$0xF0];
	[tilespmem:s14+$0x50E0] =	vst v9;
	v8 =	vadd.f32 v8, v2  }
.LBB2_5:
0xd9: {  	p0 =	sne.s32 s16, $0x1C00;
	v9 =	vld [tilespmem:s15+$0x28F0];
	[tilespmem:s14+$0x58E0] =	vst v7;
	v2 =	vadd.f32 v6, v2  }
0xda: {  	v6 =	vld [tilespmem:s15+$0x80];
	[tilespmem:s14+$0x60E0] =	vst v8;
	v5 =	vadd.f32 v5, v0  }
0xdb: {  	v7 =	vld [tilespmem:s15+$0x1080];
	[tilespmem:s14+$0x68E0] =	vst v2;
	v2 =	vadd.f32 v3, v0  }
0xdc: {  	v3 =	vld [tilespmem:s15+$0x1880];
	[tilespmem:s14+$0x50F0] =	vst v5;
	v4 =	vadd.f32 v4, v0  }
0xdd: {  	v5 =	vld [tilespmem:s15+$0x2080];
	[tilespmem:s14+$0x58F0] =	vst v2;
	v0 =	vmov v1  }
0xde: {  	v1 =	vld [tilespmem:s15+$0x2880];
	v2 =	vadd.f32 v9, v0;
	[tilespmem:s14+$0x60F0] =	vst v4;
	s14 =	smov.u32 s15  }
0xdf: {  	v4 =	vld [tilespmem:s14+$0x90]  }
0xe0: {  	v7 =	vadd.f32 v7, v6;
	v8 =	vld [tilespmem:s14+$0x1090];
	[tilespmem:s14+$0x68F0] =	vst v2  }
0xe1: {  	v2 =	vadd.f32 v3, v6;
	v3 =	vld [tilespmem:s14+$0x1890]  }
0xe2: {  	[tilespmem:s14+$0x5080] =	vst v7;
	v5 =	vadd.f32 v5, v6;
	v7 =	vld [tilespmem:s14+$0x2090]  }
0xe3: {  	[tilespmem:s14+$0x5880] =	vst v2;
	v1 =	vadd.f32 v1, v6;
	v2 =	vld [tilespmem:s14+$0x2890]  }
0xe4: {  	[tilespmem:s14+$0x6080] =	vst v5;
	v5 =	vld [tilespmem:s14+$0xA0]  }
0xe5: {  	[tilespmem:s14+$0x6880] =	vst v1;
	v1 =	vadd.f32 v8, v4;
	v6 =	vld [tilespmem:s14+$0x10A0]  }
0xe6: {  	v3 =	vadd.f32 v3, v4;
	v8 =	vld [tilespmem:s14+$0x18A0]  }
0xe7: {  	[tilespmem:s14+$0x5090] =	vst v1;
	v1 =	vadd.f32 v7, v4;
	v7 =	vld [tilespmem:s14+$0x20A0]  }
0xe8: {  	[tilespmem:s14+$0x5890] =	vst v3;
	v2 =	vadd.f32 v2, v4;
	v3 =	vld [tilespmem:s14+$0x28A0]  }
0xe9: {  	[tilespmem:s14+$0x6090] =	vst v1;
	v1 =	vld [tilespmem:s14+$0xB0]  }
0xea: {  	[tilespmem:s14+$0x6890] =	vst v2;
	v2 =	vadd.f32 v6, v5;
	v4 =	vld [tilespmem:s14+$0x10B0]  }
0xeb: {  	v6 =	vadd.f32 v8, v5;
	v8 =	vld [tilespmem:s14+$0x18B0]  }
0xec: {  	[tilespmem:s14+$0x50A0] =	vst v2;
	v2 =	vadd.f32 v7, v5;
	v7 =	vld [tilespmem:s14+$0x20B0]  }
0xed: {  	[tilespmem:s14+$0x58A0] =	vst v6;
	v3 =	vadd.f32 v3, v5;
	v5 =	vld [tilespmem:s14+$0x28B0]  }
0xee: {  	[tilespmem:s14+$0x60A0] =	vst v2;
	v2 =	vld [tilespmem:s14+$0xC0]  }
0xef: {  	[tilespmem:s14+$0x68A0] =	vst v3;
	v3 =	vadd.f32 v4, v1;
	v4 =	vld [tilespmem:s14+$0x10C0]  }
0xf0: {  	v6 =	vadd.f32 v8, v1;
	v8 =	vld [tilespmem:s14+$0x18C0]  }
0xf1: {  	[tilespmem:s14+$0x50B0] =	vst v3;
	v3 =	vadd.f32 v7, v1;
	v7 =	vld [tilespmem:s14+$0x20C0]  }
0xf2: {  	[tilespmem:s14+$0x58B0] =	vst v6;
	v1 =	vadd.f32 v5, v1;
	v5 =	vld [tilespmem:s14+$0x28C0]  }
0xf3: {  	[tilespmem:s14+$0x60B0] =	vst v3;
	v3 =	vld [tilespmem:s14+$0xD0]  }
0xf4: {  	[tilespmem:s14+$0x68B0] =	vst v1;
	v1 =	vadd.f32 v4, v2;
	v4 =	vld [tilespmem:s14+$0x10D0]  }
0xf5: {  	v6 =	vadd.f32 v8, v2;
	v8 =	vld [tilespmem:s14+$0x18D0]  }
0xf6: {  	[tilespmem:s14+$0x50C0] =	vst v1;
	v1 =	vadd.f32 v7, v2;
	v7 =	vld [tilespmem:s14+$0x20D0]  }
0xf7: {  	[tilespmem:s14+$0x58C0] =	vst v6;
	v5 =	vadd.f32 v5, v2;
	v6 =	vld [tilespmem:s14+$0x28D0]  }
0xf8: {  	[tilespmem:s14+$0x60C0] =	vst v1;
	v2 =	vld [tilespmem:s14+$0xE0]  }
0xf9: {  	[tilespmem:s14+$0x68C0] =	vst v5;
	v1 =	vadd.f32 v4, v3;
	v4 =	vld [tilespmem:s14+$0x10E0]  }
0xfa: {  	v5 =	vadd.f32 v8, v3;
	v8 =	vld [tilespmem:s14+$0x18E0]  }
0xfb: {  	[tilespmem:s14+$0x50D0] =	vst v1;
	v1 =	vadd.f32 v7, v3;
	v9 =	vld [tilespmem:s14+$0x20E0]  }
.Ltmp1:
0xfc: {  	[tilespmem:s14+$0x58D0] =	vst v5;
	v3 =	vadd.f32 v6, v3;
	v6 =	vld [tilespmem:s14+$0x28E0];
	(pc) =	sbr.rel @p0 .LBB2_5-.Ltmp1, $4  }
0xfd: {  	[tilespmem:s14+$0x60D0] =	vst v1;
	v5 =	vld [tilespmem:s14+$0x10F0]  }
0xfe: {  	[tilespmem:s14+$0x68D0] =	vst v3;
	v10 =	vadd.f32 v4, v2;
	v3 =	vld [tilespmem:s14+$0x18F0]  }
0xff: {  	s15 =	sshra.s32 s16, $0x2;
	v7 =	vadd.f32 v8, v2;
	v4 =	vld [tilespmem:s14+$0x20F0]  }
0x100: {  	s16 =	sadd.s32 $0x400, s16;
	v1 =	vld [tilespmem:s15+$0xF0];
	[tilespmem:s14+$0x50E0] =	vst v10;
	v8 =	vadd.f32 v9, v2  }
0x101: {  	v9 =	vld [tilespmem:s15+$0x28F0];
	[tilespmem:s14+$0x58E0] =	vst v7;
	v2 =	vadd.f32 v6, v2  }
0x102: {  	v7 =	vld [tilespmem:s15+$0x80];
	[tilespmem:s14+$0x60E0] =	vst v8;
	v5 =	vadd.f32 v5, v0  }
0x103: {  	v6 =	vld [tilespmem:s15+$0x1080];
	[tilespmem:s14+$0x68E0] =	vst v2;
	v3 =	vadd.f32 v3, v0  }
0x104: {  	v2 =	vld [tilespmem:s15+$0x1880];
	[tilespmem:s14+$0x50F0] =	vst v5;
	v0 =	vadd.f32 v4, v0  }
0x105: {  	v5 =	vld [tilespmem:s15+$0x2080];
	[tilespmem:s14+$0x58F0] =	vst v3  }
0x106: {  	v3 =	vld [tilespmem:s15+$0x2880];
	[tilespmem:s14+$0x60F0] =	vst v0  }
0x107: {  	v0 =	vadd.f32 v9, v1;
	v4 =	vld [tilespmem:s15+$0x90]  }
0x108: {  	v8 =	vld [tilespmem:s15+$0x1090];
	v6 =	vadd.f32 v6, v7  }
0x109: {  	[tilespmem:s15+$0x68F0] =	vst v0;
	v0 =	vld [tilespmem:s15+$0x1890];
	v2 =	vadd.f32 v2, v7  }
0x10a: {  	[tilespmem:s15+$0x5080] =	vst v6;
	v6 =	vld [tilespmem:s15+$0x2090];
	v5 =	vadd.f32 v5, v7  }
0x10b: {  	[tilespmem:s15+$0x5880] =	vst v2;
	v2 =	vld [tilespmem:s15+$0x2890];
	v3 =	vadd.f32 v3, v7  }
0x10c: {  	v7 =	vld [tilespmem:s15+$0x10A0];
	[tilespmem:s15+$0x6080] =	vst v5  }
0x10d: {  	v5 =	vld [tilespmem:s15+$0xA0];
	[tilespmem:s15+$0x6880] =	vst v3;
	v3 =	vadd.f32 v8, v4  }
0x10e: {  	v8 =	vld [tilespmem:s15+$0x18A0];
	v0 =	vadd.f32 v0, v4  }
0x10f: {  	[tilespmem:s15+$0x5090] =	vst v3;
	v3 =	vld [tilespmem:s15+$0x20A0];
	v6 =	vadd.f32 v6, v4  }
0x110: {  	[tilespmem:s15+$0x5890] =	vst v0;
	v0 =	vld [tilespmem:s15+$0x28A0];
	v2 =	vadd.f32 v2, v4  }
0x111: {  	v4 =	vld [tilespmem:s15+$0xB0];
	[tilespmem:s15+$0x6090] =	vst v6  }
0x112: {  	v6 =	vld [tilespmem:s15+$0x10B0];
	[tilespmem:s15+$0x6890] =	vst v2;
	v2 =	vadd.f32 v7, v5  }
0x113: {  	v7 =	vld [tilespmem:s15+$0x18B0];
	v8 =	vadd.f32 v8, v5  }
0x114: {  	[tilespmem:s15+$0x50A0] =	vst v2;
	v2 =	vld [tilespmem:s15+$0x20B0];
	v3 =	vadd.f32 v3, v5  }
0x115: {  	[tilespmem:s15+$0x58A0] =	vst v8;
	v8 =	vld [tilespmem:s15+$0x28B0];
	v0 =	vadd.f32 v0, v5  }
0x116: {  	v5 =	vld [tilespmem:s15+$0x10C0];
	[tilespmem:s15+$0x60A0] =	vst v3  }
0x117: {  	v3 =	vld [tilespmem:s15+$0xC0];
	[tilespmem:s15+$0x68A0] =	vst v0;
	v0 =	vadd.f32 v6, v4  }
0x118: {  	v6 =	vld [tilespmem:s15+$0x18C0];
	v7 =	vadd.f32 v7, v4  }
0x119: {  	[tilespmem:s15+$0x50B0] =	vst v0;
	v0 =	vld [tilespmem:s15+$0x20C0];
	v2 =	vadd.f32 v2, v4  }
0x11a: {  	[tilespmem:s15+$0x58B0] =	vst v7;
	v7 =	vld [tilespmem:s15+$0x28C0];
	v4 =	vadd.f32 v8, v4  }
0x11b: {  	[tilespmem:s15+$0x60B0] =	vst v2;
	v2 =	vld [tilespmem:s15+$0xD0]  }
0x11c: {  	[tilespmem:s15+$0x68B0] =	vst v4;
	v4 =	vadd.f32 v5, v3;
	v5 =	vld [tilespmem:s15+$0x10D0]  }
0x11d: {  	v8 =	vld [tilespmem:s15+$0x18D0];
	v6 =	vadd.f32 v6, v3  }
0x11e: {  	[tilespmem:s15+$0x50C0] =	vst v4;
	v4 =	vld [tilespmem:s15+$0x20D0];
	v0 =	vadd.f32 v0, v3  }
0x11f: {  	[tilespmem:s15+$0x58C0] =	vst v6;
	v6 =	vld [tilespmem:s15+$0x28D0];
	v3 =	vadd.f32 v7, v3  }
0x120: {  	[tilespmem:s15+$0x60C0] =	vst v0;
	v0 =	vld [tilespmem:s15+$0xE0]  }
0x121: {  	[tilespmem:s15+$0x68C0] =	vst v3;
	v3 =	vadd.f32 v5, v2;
	v5 =	vld [tilespmem:s15+$0x10E0]  }
0x122: {  	v7 =	vld [tilespmem:s15+$0x18E0];
	v8 =	vadd.f32 v8, v2  }
0x123: {  	[tilespmem:s15+$0x50D0] =	vst v3;
	v3 =	vld [tilespmem:s15+$0x20E0];
	v4 =	vadd.f32 v4, v2  }
0x124: {  	[tilespmem:s15+$0x58D0] =	vst v8;
	v8 =	vld [tilespmem:s15+$0x28E0];
	v2 =	vadd.f32 v6, v2  }
0x125: {  	[tilespmem:s15+$0x60D0] =	vst v4;
	v4 =	vld [tilespmem:s15+$0x10F0]  }
0x126: {  	[tilespmem:s15+$0x68D0] =	vst v2;
	v2 =	vadd.f32 v5, v0;
	v5 =	vld [tilespmem:s15+$0x18F0]  }
0x127: {  	v6 =	vadd.f32 v7, v0;
	v7 =	vld [tilespmem:s15+$0x20F0]  }
0x128: {  	[tilespmem:s15+$0x50E0] =	vst v2;
	v2 =	vadd.f32 v3, v0  }
0x129: {  	[tilespmem:s15+$0x58E0] =	vst v6;
	v0 =	vadd.f32 v8, v0  }
0x12a: {  	[tilespmem:s15+$0x60E0] =	vst v2;
	v2 =	vadd.f32 v4, v1  }
0x12b: {  	[tilespmem:s15+$0x68E0] =	vst v0;
	v0 =	vadd.f32 v5, v1  }
0x12c: {  	v1 =	vadd.f32 v7, v1;
	[tilespmem:s15+$0x50F0] =	vst v2  }
0x12d: {  	s16 =	sadd.s32 s4, s13;
	[tilespmem:s15+$0x58F0] =	vst v0  }
0x12e: {  	s14 =	sadd.s32 s10, s16;
	[tilespmem:s15+$0x60F0] =	vst v1  }
0x12f: {  	[hbm4b:s14+s19] =	stream.strided.scatter [tilespmem:s0], [sflag:$0x3], $0x800, s20, s19, $0x38;
	[tilespmem:$0x9000] =	vst v63  }
0x130: {  	s17 =	sadd.s32 $0x80000, s14  }
0x131: {  	[hbm4b:s17+s19] =	stream.strided.scatter [tilespmem:s3], [sflag:$0x3], $0x800, s20, s19, $0x38;
	[tilespmem:$0x9000] =	vst v63  }
0x132: {  	s18 =	sadd.s32 $0x100000, s14  }
0x133: {  	[hbm4b:s18+s19] =	stream.strided.scatter [tilespmem:s21], [sflag:$0x3], $0x800, s20, s19, $0x38;
	[tilespmem:$0x9000] =	vst v63  }
0x134: {  	p0 =	seq.s32 s12, $0x1F;
	s14 =	sadd.s32 $0x180000, s14  }
0x135: {  	[hbm4b:s14+s19] =	stream.strided.scatter [tilespmem:s22], [sflag:$0x3], $0x800, s20, s19, $0x38;
	[tilespmem:$0x9000] =	vst v63  }
0x136: {  	s14 =	sadd.s32 @!p0 $0x4, s8  }
0x137: {  	s15 =	sadd.s32 @!p0 s6, s14  }
0x138: {  	s14 =	sshll.u32 @!p0 s14, $0x4;
	s15 =	sshll.u32 @!p0 s15, $0x7  }
0x139: {  	s14 =	sand.u32 @!p0 $0x40, s14;
	s15 =	sand.u32 @!p0 $0xFFC00, s15  }
0x13a: {  	s16 =	simm.s32 @!p0 $0x100;
	s14 =	sor.u32 @!p0 s14, s15  }
0x13b: {  	s17 =	simm.s32 @!p0 $0x400;
	s18 =	simm.s32 @!p0 $0x0;
	s15 =	sadd.s32 @!p0 s2, s14  }
0x13c: {  	[tilespmem:s18], [sflag:$0x1] =	stream.strided.gather @!p0 [hbm4b:s15+s16], $0x800, s17, s16, $0x38;
	[tilespmem:$0x9000] =	vst v63  }
0x13d: {  	s14 =	sadd.s32 @!p0 s1, s14;
	s15 =	simm.s32 @!p0 $0x1000  }
0x13e: {  	[tilespmem:s15], [sflag:$0x1] =	stream.strided.gather @!p0 [hbm4b:s14+s16], $0x800, s17, s16, $0x38;
	[tilespmem:$0x9000] =	vst v63  }
0x13f: {  	s18 =	simm.s32 @!p0 $0x1800;
	s15 =	sadd.s32 @!p0 $0x80000, s14  }
0x140: {  	[tilespmem:s18], [sflag:$0x1] =	stream.strided.gather @!p0 [hbm4b:s15+s16], $0x800, s17, s16, $0x38;
	[tilespmem:$0x9000] =	vst v63  }
0x141: {  	s15 =	sadd.s32 @!p0 $0x100000, s14;
	s18 =	simm.s32 @!p0 $0x2000  }
0x142: {  	[tilespmem:s18], [sflag:$0x1] =	stream.strided.gather @!p0 [hbm4b:s15+s16], $0x800, s17, s16, $0x38;
	[tilespmem:$0x9000] =	vst v63  }
0x143: {  	s14 =	sadd.s32 @!p0 $0x180000, s14;
	s15 =	simm.s32 @!p0 $0x2800  }
0x144: {  	[tilespmem:s15], [sflag:$0x1] =	stream.strided.gather @!p0 [hbm4b:s14+s16], $0x800, s17, s16, $0x38;
	[tilespmem:$0x9000] =	vst v63  }
0x145: {  	_ =	swait.ge [sflag:s23], $0x800  }
0x146: {  	[sflag:s23] =	ssyncset.done $0x0  }
0x147: {  	[sflag:s23] =	ssyncadd.s32 $0xFFFFF800  }
0x148: {  	_ =	swait.ge [sflag:s23], $0x2000  }
0x149: {  	[sflag:s23] =	ssyncset.done $0x0  }
0x14a: {  	s14 =	simm.s32 @!p1 $0x4;
	[sflag:s23] =	ssyncadd.s32 $0xFFFFE000  }
0x14b: {  	_ =	swait.ge @!p1 [sflag:s14], $0x2000  }
0x14c: {  	[sflag:s14] =	ssyncset.done @!p1 $0x0  }
0x14d: {  	[sflag:s14] =	ssyncadd.s32 @!p1 $0xFFFFE000;
	s14 =	simm.s32 $0x0  }
0x14e: {  	v0 =	vld [tilespmem:s14+$0x870]  }
0x14f: {  	v1 =	vld [tilespmem:s14+$0x4870]  }
0x150: {  	v2 =	vld [tilespmem:s14+$0x800]  }
0x151: {  	v3 =	vld [tilespmem:s14+$0x3000]  }
0x152: {  	v4 =	vld [tilespmem:s14+$0x3800]  }
0x153: {  	v5 =	vld [tilespmem:s14+$0x4000]  }
0x154: {  	v6 =	vld [tilespmem:s14+$0x4800]  }
0x155: {  	v7 =	vld [tilespmem:s14+$0x810]  }
0x156: {  	v8 =	vld [tilespmem:s14+$0x3010];
	v1 =	vadd.f32 v1, v0  }
0x157: {  	v9 =	vld [tilespmem:s14+$0x4850];
	v3 =	vadd.f32 v3, v2  }
0x158: {  	v4 =	vadd.f32 v4, v2;
	[tilespmem:s14+$0x8870] =	vst v1;
	v1 =	vld [tilespmem:s14+$0x3810]  }
0x159: {  	v5 =	vadd.f32 v5, v2;
	[tilespmem:s14+$0x7000] =	vst v3;
	v3 =	vld [tilespmem:s14+$0x4010]  }
0x15a: {  	v2 =	vadd.f32 v6, v2;
	[tilespmem:s14+$0x7800] =	vst v4;
	v4 =	vld [tilespmem:s14+$0x4810]  }
0x15b: {  	v6 =	vld [tilespmem:s14+$0x3020];
	[tilespmem:s14+$0x8000] =	vst v5  }
0x15c: {  	v5 =	vld [tilespmem:s14+$0x820];
	[tilespmem:s14+$0x8800] =	vst v2;
	v2 =	vadd.f32 v8, v7  }
0x15d: {  	v8 =	vld [tilespmem:s14+$0x3820];
	v1 =	vadd.f32 v1, v7  }
0x15e: {  	[tilespmem:s14+$0x7010] =	vst v2;
	v2 =	vld [tilespmem:s14+$0x4020];
	v3 =	vadd.f32 v3, v7  }
0x15f: {  	v4 =	vadd.f32 v4, v7;
	v7 =	vld [tilespmem:s14+$0x3830];
	[tilespmem:s14+$0x7810] =	vst v1  }
0x160: {  	v1 =	vld [tilespmem:s14+$0x4820];
	[tilespmem:s14+$0x8010] =	vst v3  }
0x161: {  	v3 =	vld [tilespmem:s14+$0x830];
	[tilespmem:s14+$0x8810] =	vst v4;
	v4 =	vadd.f32 v6, v5  }
0x162: {  	v8 =	vadd.f32 v8, v5;
	v6 =	vld [tilespmem:s14+$0x3030]  }
0x163: {  	v2 =	vadd.f32 v2, v5;
	[tilespmem:s14+$0x7020] =	vst v4;
	v4 =	vld [tilespmem:s14+$0x4030]  }
0x164: {  	[tilespmem:s14+$0x7820] =	vst v8;
	v8 =	vld [tilespmem:s14+$0x4830]  }
0x165: {  	[tilespmem:s14+$0x8020] =	vst v2;
	v2 =	vld [tilespmem:s14+$0x840];
	v1 =	vadd.f32 v1, v5  }
0x166: {  	v5 =	vld [tilespmem:s14+$0x3040];
	v7 =	vadd.f32 v7, v3  }
0x167: {  	[tilespmem:s14+$0x8820] =	vst v1;
	v1 =	vadd.f32 v6, v3;
	v6 =	vld [tilespmem:s14+$0x3840]  }
0x168: {  	v4 =	vadd.f32 v4, v3;
	[tilespmem:s14+$0x7830] =	vst v7;
	v7 =	vld [tilespmem:s14+$0x4840]  }
0x169: {  	v3 =	vadd.f32 v8, v3;
	[tilespmem:s14+$0x7030] =	vst v1;
	v1 =	vld [tilespmem:s14+$0x4040]  }
0x16a: {  	[tilespmem:s14+$0x8030] =	vst v4;
	v4 =	vld [tilespmem:s14+$0x850]  }
0x16b: {  	[tilespmem:s14+$0x8830] =	vst v3;
	v3 =	vadd.f32 v5, v2;
	v5 =	vld [tilespmem:s14+$0x3050]  }
0x16c: {  	v8 =	vld [tilespmem:s14+$0x3850];
	v6 =	vadd.f32 v6, v2  }
0x16d: {  	[tilespmem:s14+$0x7040] =	vst v3;
	v3 =	vld [tilespmem:s14+$0x4050]  }
0x16e: {  	v1 =	vadd.f32 v1, v2;
	[tilespmem:s14+$0x7840] =	vst v6;
	v6 =	vadd.f32 v7, v2;
	v2 =	vld [tilespmem:s14+$0x860]  }
0x16f: {  	v7 =	vld [tilespmem:s14+$0x3060]  }
0x170: {  	v10 =	vld [tilespmem:s14+$0x3860];
	[tilespmem:s14+$0x8040] =	vst v1;
	v1 =	vadd.f32 v5, v4  }
0x171: {  	[tilespmem:s14+$0x8840] =	vst v6;
	v5 =	vadd.f32 v8, v4;
	v8 =	vld [tilespmem:s14+$0x4060]  }
0x172: {  	v6 =	vld [tilespmem:s14+$0x4860];
	[tilespmem:s14+$0x7050] =	vst v1;
	v1 =	vadd.f32 v3, v4;
	v3 =	vadd.f32 v9, v4  }
0x173: {  	[tilespmem:s14+$0x7850] =	vst v5;
	v5 =	vld [tilespmem:s14+$0x3070]  }
0x174: {  	v9 =	vadd.f32 v7, v2;
	[tilespmem:s14+$0x8850] =	vst v3;
	v3 =	vld [tilespmem:s14+$0x3870]  }
0x175: {  	s12 =	sadd.s32 $0x1, s12;
	s16 =	simm.s32 $0x100;
	v4 =	vld [tilespmem:s14+$0x4070];
	v7 =	vadd.f32 v10, v2;
	[tilespmem:s14+$0x8050] =	vst v1  }
0x176: {  	s13 =	sor.u32 $0x20, s13;
	s17 =	simm.s32 $0x800;
	s15 =	simm.s32 $0x0;
	v1 =	vld [tilespmem:s16+$0x870];
	[tilespmem:s14+$0x7060] =	vst v9;
	v8 =	vadd.f32 v8, v2  }
.LBB2_7:
0x177: {  	p1 =	sne.s32 s17, $0x1C00;
	v9 =	vld [tilespmem:s16+$0x4870];
	[tilespmem:s15+$0x7860] =	vst v7;
	v2 =	vadd.f32 v6, v2  }
0x178: {  	v6 =	vld [tilespmem:s16+$0x800];
	[tilespmem:s15+$0x8060] =	vst v8;
	v5 =	vadd.f32 v5, v0  }
0x179: {  	v7 =	vld [tilespmem:s16+$0x3000];
	[tilespmem:s15+$0x8860] =	vst v2;
	v2 =	vadd.f32 v3, v0  }
0x17a: {  	v3 =	vld [tilespmem:s16+$0x3800];
	[tilespmem:s15+$0x7070] =	vst v5;
	v4 =	vadd.f32 v4, v0  }
0x17b: {  	v5 =	vld [tilespmem:s16+$0x4000];
	[tilespmem:s15+$0x7870] =	vst v2;
	v0 =	vmov v1  }
0x17c: {  	v1 =	vld [tilespmem:s16+$0x4800];
	v2 =	vadd.f32 v9, v0;
	[tilespmem:s15+$0x8070] =	vst v4;
	s15 =	smov.u32 s16  }
0x17d: {  	v4 =	vld [tilespmem:s15+$0x810]  }
0x17e: {  	v7 =	vadd.f32 v7, v6;
	v8 =	vld [tilespmem:s15+$0x3010];
	[tilespmem:s15+$0x8870] =	vst v2  }
0x17f: {  	v2 =	vadd.f32 v3, v6;
	v3 =	vld [tilespmem:s15+$0x3810]  }
0x180: {  	[tilespmem:s15+$0x7000] =	vst v7;
	v5 =	vadd.f32 v5, v6;
	v7 =	vld [tilespmem:s15+$0x4010]  }
0x181: {  	[tilespmem:s15+$0x7800] =	vst v2;
	v1 =	vadd.f32 v1, v6;
	v2 =	vld [tilespmem:s15+$0x4810]  }
0x182: {  	[tilespmem:s15+$0x8000] =	vst v5;
	v5 =	vld [tilespmem:s15+$0x820]  }
0x183: {  	[tilespmem:s15+$0x8800] =	vst v1;
	v1 =	vadd.f32 v8, v4;
	v6 =	vld [tilespmem:s15+$0x3020]  }
0x184: {  	v3 =	vadd.f32 v3, v4;
	v8 =	vld [tilespmem:s15+$0x3820]  }
0x185: {  	[tilespmem:s15+$0x7010] =	vst v1;
	v1 =	vadd.f32 v7, v4;
	v7 =	vld [tilespmem:s15+$0x4020]  }
0x186: {  	[tilespmem:s15+$0x7810] =	vst v3;
	v2 =	vadd.f32 v2, v4;
	v3 =	vld [tilespmem:s15+$0x4820]  }
0x187: {  	[tilespmem:s15+$0x8010] =	vst v1;
	v1 =	vld [tilespmem:s15+$0x830]  }
0x188: {  	[tilespmem:s15+$0x8810] =	vst v2;
	v2 =	vadd.f32 v6, v5;
	v4 =	vld [tilespmem:s15+$0x3030]  }
0x189: {  	v6 =	vadd.f32 v8, v5;
	v8 =	vld [tilespmem:s15+$0x3830]  }
0x18a: {  	[tilespmem:s15+$0x7020] =	vst v2;
	v2 =	vadd.f32 v7, v5;
	v7 =	vld [tilespmem:s15+$0x4030]  }
0x18b: {  	[tilespmem:s15+$0x7820] =	vst v6;
	v3 =	vadd.f32 v3, v5;
	v5 =	vld [tilespmem:s15+$0x4830]  }
0x18c: {  	[tilespmem:s15+$0x8020] =	vst v2;
	v2 =	vld [tilespmem:s15+$0x840]  }
0x18d: {  	[tilespmem:s15+$0x8820] =	vst v3;
	v3 =	vadd.f32 v4, v1;
	v4 =	vld [tilespmem:s15+$0x3040]  }
0x18e: {  	v6 =	vadd.f32 v8, v1;
	v8 =	vld [tilespmem:s15+$0x3840]  }
0x18f: {  	[tilespmem:s15+$0x7030] =	vst v3;
	v3 =	vadd.f32 v7, v1;
	v7 =	vld [tilespmem:s15+$0x4040]  }
0x190: {  	[tilespmem:s15+$0x7830] =	vst v6;
	v1 =	vadd.f32 v5, v1;
	v5 =	vld [tilespmem:s15+$0x4840]  }
0x191: {  	[tilespmem:s15+$0x8030] =	vst v3;
	v3 =	vld [tilespmem:s15+$0x850]  }
0x192: {  	[tilespmem:s15+$0x8830] =	vst v1;
	v1 =	vadd.f32 v4, v2;
	v4 =	vld [tilespmem:s15+$0x3050]  }
0x193: {  	v6 =	vadd.f32 v8, v2;
	v8 =	vld [tilespmem:s15+$0x3850]  }
0x194: {  	[tilespmem:s15+$0x7040] =	vst v1;
	v1 =	vadd.f32 v7, v2;
	v7 =	vld [tilespmem:s15+$0x4050]  }
0x195: {  	[tilespmem:s15+$0x7840] =	vst v6;
	v5 =	vadd.f32 v5, v2;
	v6 =	vld [tilespmem:s15+$0x4850]  }
0x196: {  	[tilespmem:s15+$0x8040] =	vst v1;
	v2 =	vld [tilespmem:s15+$0x860]  }
0x197: {  	[tilespmem:s15+$0x8840] =	vst v5;
	v1 =	vadd.f32 v4, v3;
	v4 =	vld [tilespmem:s15+$0x3060]  }
0x198: {  	v5 =	vadd.f32 v8, v3;
	v8 =	vld [tilespmem:s15+$0x3860]  }
0x199: {  	[tilespmem:s15+$0x7050] =	vst v1;
	v1 =	vadd.f32 v7, v3;
	v9 =	vld [tilespmem:s15+$0x4060]  }
.Ltmp2:
0x19a: {  	[tilespmem:s15+$0x7850] =	vst v5;
	v3 =	vadd.f32 v6, v3;
	v6 =	vld [tilespmem:s15+$0x4860];
	(pc) =	sbr.rel @p1 .LBB2_7-.Ltmp2, $4  }
0x19b: {  	[tilespmem:s15+$0x8050] =	vst v1;
	v5 =	vld [tilespmem:s15+$0x3070]  }
0x19c: {  	[tilespmem:s15+$0x8850] =	vst v3;
	v10 =	vadd.f32 v4, v2;
	v3 =	vld [tilespmem:s15+$0x3870]  }
0x19d: {  	s16 =	sshra.s32 s17, $0x2;
	v7 =	vadd.f32 v8, v2;
	v4 =	vld [tilespmem:s15+$0x4070]  }
0x19e: {  	s17 =	sadd.s32 $0x400, s17;
	v1 =	vld [tilespmem:s16+$0x870];
	[tilespmem:s15+$0x7060] =	vst v10;
	v8 =	vadd.f32 v9, v2  }
0x19f: {  	v9 =	vld [tilespmem:s16+$0x4870];
	[tilespmem:s15+$0x7860] =	vst v7;
	v2 =	vadd.f32 v6, v2  }
0x1a0: {  	v7 =	vld [tilespmem:s16+$0x800];
	[tilespmem:s15+$0x8060] =	vst v8;
	v5 =	vadd.f32 v5, v0  }
0x1a1: {  	v6 =	vld [tilespmem:s16+$0x3000];
	[tilespmem:s15+$0x8860] =	vst v2;
	v3 =	vadd.f32 v3, v0  }
0x1a2: {  	v2 =	vld [tilespmem:s16+$0x3800];
	[tilespmem:s15+$0x7070] =	vst v5;
	v0 =	vadd.f32 v4, v0  }
0x1a3: {  	v5 =	vld [tilespmem:s16+$0x4000];
	[tilespmem:s15+$0x7870] =	vst v3  }
0x1a4: {  	v3 =	vld [tilespmem:s16+$0x4800];
	[tilespmem:s15+$0x8070] =	vst v0  }
0x1a5: {  	v0 =	vadd.f32 v9, v1;
	v4 =	vld [tilespmem:s16+$0x810]  }
0x1a6: {  	v8 =	vld [tilespmem:s16+$0x3010];
	v6 =	vadd.f32 v6, v7  }
0x1a7: {  	[tilespmem:s16+$0x8870] =	vst v0;
	v0 =	vld [tilespmem:s16+$0x3810];
	v2 =	vadd.f32 v2, v7  }
0x1a8: {  	[tilespmem:s16+$0x7000] =	vst v6;
	v6 =	vld [tilespmem:s16+$0x4010];
	v5 =	vadd.f32 v5, v7  }
0x1a9: {  	[tilespmem:s16+$0x7800] =	vst v2;
	v2 =	vld [tilespmem:s16+$0x4810];
	v3 =	vadd.f32 v3, v7  }
0x1aa: {  	v7 =	vld [tilespmem:s16+$0x3020];
	[tilespmem:s16+$0x8000] =	vst v5  }
0x1ab: {  	v5 =	vld [tilespmem:s16+$0x820];
	[tilespmem:s16+$0x8800] =	vst v3;
	v3 =	vadd.f32 v8, v4  }
0x1ac: {  	v8 =	vld [tilespmem:s16+$0x3820];
	v0 =	vadd.f32 v0, v4  }
0x1ad: {  	[tilespmem:s16+$0x7010] =	vst v3;
	v3 =	vld [tilespmem:s16+$0x4020];
	v6 =	vadd.f32 v6, v4  }
0x1ae: {  	[tilespmem:s16+$0x7810] =	vst v0;
	v0 =	vld [tilespmem:s16+$0x4820];
	v2 =	vadd.f32 v2, v4  }
0x1af: {  	v4 =	vld [tilespmem:s16+$0x830];
	[tilespmem:s16+$0x8010] =	vst v6  }
0x1b0: {  	v6 =	vld [tilespmem:s16+$0x3030];
	[tilespmem:s16+$0x8810] =	vst v2;
	v2 =	vadd.f32 v7, v5  }
0x1b1: {  	v7 =	vld [tilespmem:s16+$0x3830];
	v8 =	vadd.f32 v8, v5  }
0x1b2: {  	[tilespmem:s16+$0x7020] =	vst v2;
	v2 =	vld [tilespmem:s16+$0x4030];
	v3 =	vadd.f32 v3, v5  }
0x1b3: {  	[tilespmem:s16+$0x7820] =	vst v8;
	v8 =	vld [tilespmem:s16+$0x4830];
	v0 =	vadd.f32 v0, v5  }
0x1b4: {  	v5 =	vld [tilespmem:s16+$0x3040];
	[tilespmem:s16+$0x8020] =	vst v3  }
0x1b5: {  	v3 =	vld [tilespmem:s16+$0x840];
	[tilespmem:s16+$0x8820] =	vst v0;
	v0 =	vadd.f32 v6, v4  }
0x1b6: {  	v6 =	vld [tilespmem:s16+$0x3840];
	v7 =	vadd.f32 v7, v4  }
0x1b7: {  	[tilespmem:s16+$0x7030] =	vst v0;
	v0 =	vld [tilespmem:s16+$0x4040];
	v2 =	vadd.f32 v2, v4  }
0x1b8: {  	[tilespmem:s16+$0x7830] =	vst v7;
	v7 =	vld [tilespmem:s16+$0x4840];
	v4 =	vadd.f32 v8, v4  }
0x1b9: {  	[tilespmem:s16+$0x8030] =	vst v2;
	v2 =	vld [tilespmem:s16+$0x850]  }
0x1ba: {  	[tilespmem:s16+$0x8830] =	vst v4;
	v4 =	vadd.f32 v5, v3;
	v5 =	vld [tilespmem:s16+$0x3050]  }
0x1bb: {  	v8 =	vld [tilespmem:s16+$0x3850];
	v6 =	vadd.f32 v6, v3  }
0x1bc: {  	[tilespmem:s16+$0x7040] =	vst v4;
	v4 =	vld [tilespmem:s16+$0x4050];
	v0 =	vadd.f32 v0, v3  }
0x1bd: {  	[tilespmem:s16+$0x7840] =	vst v6;
	v6 =	vld [tilespmem:s16+$0x4850];
	v3 =	vadd.f32 v7, v3  }
0x1be: {  	[tilespmem:s16+$0x8040] =	vst v0;
	v0 =	vld [tilespmem:s16+$0x860]  }
0x1bf: {  	[tilespmem:s16+$0x8840] =	vst v3;
	v3 =	vadd.f32 v5, v2;
	v5 =	vld [tilespmem:s16+$0x3060]  }
0x1c0: {  	v7 =	vld [tilespmem:s16+$0x3860];
	v8 =	vadd.f32 v8, v2  }
0x1c1: {  	[tilespmem:s16+$0x7050] =	vst v3;
	v3 =	vld [tilespmem:s16+$0x4060];
	v4 =	vadd.f32 v4, v2  }
0x1c2: {  	[tilespmem:s16+$0x7850] =	vst v8;
	v8 =	vld [tilespmem:s16+$0x4860];
	v2 =	vadd.f32 v6, v2  }
0x1c3: {  	[tilespmem:s16+$0x8050] =	vst v4;
	v4 =	vld [tilespmem:s16+$0x3070]  }
0x1c4: {  	[tilespmem:s16+$0x8850] =	vst v2;
	v2 =	vadd.f32 v5, v0;
	v5 =	vld [tilespmem:s16+$0x3870]  }
0x1c5: {  	v6 =	vadd.f32 v7, v0;
	v7 =	vld [tilespmem:s16+$0x4070]  }
0x1c6: {  	[tilespmem:s16+$0x7060] =	vst v2;
	v2 =	vadd.f32 v3, v0  }
0x1c7: {  	[tilespmem:s16+$0x7860] =	vst v6;
	v0 =	vadd.f32 v8, v0  }
0x1c8: {  	[tilespmem:s16+$0x8060] =	vst v2;
	v2 =	vadd.f32 v4, v1  }
0x1c9: {  	[tilespmem:s16+$0x8860] =	vst v0;
	v0 =	vadd.f32 v5, v1  }
0x1ca: {  	v1 =	vadd.f32 v7, v1;
	[tilespmem:s16+$0x7070] =	vst v2  }
0x1cb: {  	[tilespmem:s16+$0x7870] =	vst v0  }
0x1cc: {  	[tilespmem:s16+$0x8070] =	vst v1  }
0x1cd: {  	v0 =	vld [tilespmem:s14+$0x8F0]  }
0x1ce: {  	v1 =	vld [tilespmem:s14+$0x48F0]  }
0x1cf: {  	v2 =	vld [tilespmem:s14+$0x880]  }
0x1d0: {  	v3 =	vld [tilespmem:s14+$0x3080]  }
0x1d1: {  	v4 =	vld [tilespmem:s14+$0x3880]  }
0x1d2: {  	v5 =	vld [tilespmem:s14+$0x4080]  }
0x1d3: {  	v6 =	vld [tilespmem:s14+$0x4880]  }
0x1d4: {  	v7 =	vld [tilespmem:s14+$0x890]  }
0x1d5: {  	v8 =	vld [tilespmem:s14+$0x3090];
	v1 =	vadd.f32 v1, v0  }
0x1d6: {  	v9 =	vld [tilespmem:s14+$0x48D0];
	v3 =	vadd.f32 v3, v2  }
0x1d7: {  	v4 =	vadd.f32 v4, v2;
	[tilespmem:s14+$0x88F0] =	vst v1;
	v1 =	vld [tilespmem:s14+$0x3890]  }
0x1d8: {  	v5 =	vadd.f32 v5, v2;
	[tilespmem:s14+$0x7080] =	vst v3;
	v3 =	vld [tilespmem:s14+$0x4090]  }
0x1d9: {  	v2 =	vadd.f32 v6, v2;
	[tilespmem:s14+$0x7880] =	vst v4;
	v4 =	vld [tilespmem:s14+$0x4890]  }
0x1da: {  	v6 =	vld [tilespmem:s14+$0x30A0];
	[tilespmem:s14+$0x8080] =	vst v5  }
0x1db: {  	v5 =	vld [tilespmem:s14+$0x8A0];
	[tilespmem:s14+$0x8880] =	vst v2;
	v2 =	vadd.f32 v8, v7  }
0x1dc: {  	v8 =	vld [tilespmem:s14+$0x38A0];
	v1 =	vadd.f32 v1, v7  }
0x1dd: {  	[tilespmem:s14+$0x7090] =	vst v2;
	v2 =	vld [tilespmem:s14+$0x40A0];
	v3 =	vadd.f32 v3, v7  }
0x1de: {  	v4 =	vadd.f32 v4, v7;
	v7 =	vld [tilespmem:s14+$0x38B0];
	[tilespmem:s14+$0x7890] =	vst v1  }
0x1df: {  	v1 =	vld [tilespmem:s14+$0x48A0];
	[tilespmem:s14+$0x8090] =	vst v3  }
0x1e0: {  	v3 =	vld [tilespmem:s14+$0x8B0];
	[tilespmem:s14+$0x8890] =	vst v4;
	v4 =	vadd.f32 v6, v5  }
0x1e1: {  	v8 =	vadd.f32 v8, v5;
	v6 =	vld [tilespmem:s14+$0x30B0]  }
0x1e2: {  	v2 =	vadd.f32 v2, v5;
	[tilespmem:s14+$0x70A0] =	vst v4;
	v4 =	vld [tilespmem:s14+$0x40B0]  }
0x1e3: {  	[tilespmem:s14+$0x78A0] =	vst v8;
	v8 =	vld [tilespmem:s14+$0x48B0]  }
0x1e4: {  	[tilespmem:s14+$0x80A0] =	vst v2;
	v2 =	vld [tilespmem:s14+$0x8C0];
	v1 =	vadd.f32 v1, v5  }
0x1e5: {  	v5 =	vld [tilespmem:s14+$0x30C0];
	v7 =	vadd.f32 v7, v3  }
0x1e6: {  	[tilespmem:s14+$0x88A0] =	vst v1;
	v1 =	vadd.f32 v6, v3;
	v6 =	vld [tilespmem:s14+$0x38C0]  }
0x1e7: {  	v4 =	vadd.f32 v4, v3;
	[tilespmem:s14+$0x78B0] =	vst v7;
	v7 =	vld [tilespmem:s14+$0x48C0]  }
0x1e8: {  	v3 =	vadd.f32 v8, v3;
	[tilespmem:s14+$0x70B0] =	vst v1;
	v1 =	vld [tilespmem:s14+$0x40C0]  }
0x1e9: {  	[tilespmem:s14+$0x80B0] =	vst v4;
	v4 =	vld [tilespmem:s14+$0x8D0]  }
0x1ea: {  	[tilespmem:s14+$0x88B0] =	vst v3;
	v3 =	vadd.f32 v5, v2;
	v5 =	vld [tilespmem:s14+$0x30D0]  }
0x1eb: {  	v8 =	vld [tilespmem:s14+$0x38D0];
	v6 =	vadd.f32 v6, v2  }
0x1ec: {  	[tilespmem:s14+$0x70C0] =	vst v3;
	v3 =	vld [tilespmem:s14+$0x40D0]  }
0x1ed: {  	v1 =	vadd.f32 v1, v2;
	[tilespmem:s14+$0x78C0] =	vst v6;
	v6 =	vadd.f32 v7, v2;
	v2 =	vld [tilespmem:s14+$0x8E0]  }
0x1ee: {  	v7 =	vld [tilespmem:s14+$0x30E0]  }
0x1ef: {  	v10 =	vld [tilespmem:s14+$0x38E0];
	[tilespmem:s14+$0x80C0] =	vst v1;
	v1 =	vadd.f32 v5, v4  }
0x1f0: {  	[tilespmem:s14+$0x88C0] =	vst v6;
	v5 =	vadd.f32 v8, v4;
	v8 =	vld [tilespmem:s14+$0x40E0]  }
0x1f1: {  	v6 =	vld [tilespmem:s14+$0x48E0];
	[tilespmem:s14+$0x70D0] =	vst v1;
	v1 =	vadd.f32 v3, v4;
	v3 =	vadd.f32 v9, v4  }
0x1f2: {  	[tilespmem:s14+$0x78D0] =	vst v5;
	v5 =	vld [tilespmem:s14+$0x30F0]  }
0x1f3: {  	v9 =	vadd.f32 v7, v2;
	[tilespmem:s14+$0x88D0] =	vst v3;
	v3 =	vld [tilespmem:s14+$0x38F0]  }
0x1f4: {  	s15 =	simm.s32 $0x100;
	v4 =	vld [tilespmem:s14+$0x40F0];
	v7 =	vadd.f32 v10, v2;
	[tilespmem:s14+$0x80D0] =	vst v1  }
0x1f5: {  	s16 =	simm.s32 $0x800;
	v1 =	vld [tilespmem:s15+$0x8F0];
	[tilespmem:s14+$0x70E0] =	vst v9;
	v8 =	vadd.f32 v8, v2  }
.LBB2_9:
0x1f6: {  	p1 =	sne.s32 s16, $0x1C00;
	v9 =	vld [tilespmem:s15+$0x48F0];
	[tilespmem:s14+$0x78E0] =	vst v7;
	v2 =	vadd.f32 v6, v2  }
0x1f7: {  	v6 =	vld [tilespmem:s15+$0x880];
	[tilespmem:s14+$0x80E0] =	vst v8;
	v5 =	vadd.f32 v5, v0  }
0x1f8: {  	v7 =	vld [tilespmem:s15+$0x3080];
	[tilespmem:s14+$0x88E0] =	vst v2;
	v2 =	vadd.f32 v3, v0  }
0x1f9: {  	v3 =	vld [tilespmem:s15+$0x3880];
	[tilespmem:s14+$0x70F0] =	vst v5;
	v4 =	vadd.f32 v4, v0  }
0x1fa: {  	v5 =	vld [tilespmem:s15+$0x4080];
	[tilespmem:s14+$0x78F0] =	vst v2;
	v0 =	vmov v1  }
0x1fb: {  	v1 =	vld [tilespmem:s15+$0x4880];
	v2 =	vadd.f32 v9, v0;
	[tilespmem:s14+$0x80F0] =	vst v4;
	s14 =	smov.u32 s15  }
0x1fc: {  	v4 =	vld [tilespmem:s14+$0x890]  }
0x1fd: {  	v7 =	vadd.f32 v7, v6;
	v8 =	vld [tilespmem:s14+$0x3090];
	[tilespmem:s14+$0x88F0] =	vst v2  }
0x1fe: {  	v2 =	vadd.f32 v3, v6;
	v3 =	vld [tilespmem:s14+$0x3890]  }
0x1ff: {  	[tilespmem:s14+$0x7080] =	vst v7;
	v5 =	vadd.f32 v5, v6;
	v7 =	vld [tilespmem:s14+$0x4090]  }
0x200: {  	[tilespmem:s14+$0x7880] =	vst v2;
	v1 =	vadd.f32 v1, v6;
	v2 =	vld [tilespmem:s14+$0x4890]  }
0x201: {  	[tilespmem:s14+$0x8080] =	vst v5;
	v5 =	vld [tilespmem:s14+$0x8A0]  }
0x202: {  	[tilespmem:s14+$0x8880] =	vst v1;
	v1 =	vadd.f32 v8, v4;
	v6 =	vld [tilespmem:s14+$0x30A0]  }
0x203: {  	v3 =	vadd.f32 v3, v4;
	v8 =	vld [tilespmem:s14+$0x38A0]  }
0x204: {  	[tilespmem:s14+$0x7090] =	vst v1;
	v1 =	vadd.f32 v7, v4;
	v7 =	vld [tilespmem:s14+$0x40A0]  }
0x205: {  	[tilespmem:s14+$0x7890] =	vst v3;
	v2 =	vadd.f32 v2, v4;
	v3 =	vld [tilespmem:s14+$0x48A0]  }
0x206: {  	[tilespmem:s14+$0x8090] =	vst v1;
	v1 =	vld [tilespmem:s14+$0x8B0]  }
0x207: {  	[tilespmem:s14+$0x8890] =	vst v2;
	v2 =	vadd.f32 v6, v5;
	v4 =	vld [tilespmem:s14+$0x30B0]  }
0x208: {  	v6 =	vadd.f32 v8, v5;
	v8 =	vld [tilespmem:s14+$0x38B0]  }
0x209: {  	[tilespmem:s14+$0x70A0] =	vst v2;
	v2 =	vadd.f32 v7, v5;
	v7 =	vld [tilespmem:s14+$0x40B0]  }
0x20a: {  	[tilespmem:s14+$0x78A0] =	vst v6;
	v3 =	vadd.f32 v3, v5;
	v5 =	vld [tilespmem:s14+$0x48B0]  }
0x20b: {  	[tilespmem:s14+$0x80A0] =	vst v2;
	v2 =	vld [tilespmem:s14+$0x8C0]  }
0x20c: {  	[tilespmem:s14+$0x88A0] =	vst v3;
	v3 =	vadd.f32 v4, v1;
	v4 =	vld [tilespmem:s14+$0x30C0]  }
0x20d: {  	v6 =	vadd.f32 v8, v1;
	v8 =	vld [tilespmem:s14+$0x38C0]  }
0x20e: {  	[tilespmem:s14+$0x70B0] =	vst v3;
	v3 =	vadd.f32 v7, v1;
	v7 =	vld [tilespmem:s14+$0x40C0]  }
0x20f: {  	[tilespmem:s14+$0x78B0] =	vst v6;
	v1 =	vadd.f32 v5, v1;
	v5 =	vld [tilespmem:s14+$0x48C0]  }
0x210: {  	[tilespmem:s14+$0x80B0] =	vst v3;
	v3 =	vld [tilespmem:s14+$0x8D0]  }
0x211: {  	[tilespmem:s14+$0x88B0] =	vst v1;
	v1 =	vadd.f32 v4, v2;
	v4 =	vld [tilespmem:s14+$0x30D0]  }
0x212: {  	v6 =	vadd.f32 v8, v2;
	v8 =	vld [tilespmem:s14+$0x38D0]  }
0x213: {  	[tilespmem:s14+$0x70C0] =	vst v1;
	v1 =	vadd.f32 v7, v2;
	v7 =	vld [tilespmem:s14+$0x40D0]  }
0x214: {  	[tilespmem:s14+$0x78C0] =	vst v6;
	v5 =	vadd.f32 v5, v2;
	v6 =	vld [tilespmem:s14+$0x48D0]  }
0x215: {  	[tilespmem:s14+$0x80C0] =	vst v1;
	v2 =	vld [tilespmem:s14+$0x8E0]  }
0x216: {  	[tilespmem:s14+$0x88C0] =	vst v5;
	v1 =	vadd.f32 v4, v3;
	v4 =	vld [tilespmem:s14+$0x30E0]  }
0x217: {  	v5 =	vadd.f32 v8, v3;
	v8 =	vld [tilespmem:s14+$0x38E0]  }
0x218: {  	[tilespmem:s14+$0x70D0] =	vst v1;
	v1 =	vadd.f32 v7, v3;
	v9 =	vld [tilespmem:s14+$0x40E0]  }
.Ltmp3:
0x219: {  	[tilespmem:s14+$0x78D0] =	vst v5;
	v3 =	vadd.f32 v6, v3;
	v6 =	vld [tilespmem:s14+$0x48E0];
	(pc) =	sbr.rel @p1 .LBB2_9-.Ltmp3, $4  }
0x21a: {  	[tilespmem:s14+$0x80D0] =	vst v1;
	v5 =	vld [tilespmem:s14+$0x30F0]  }
0x21b: {  	[tilespmem:s14+$0x88D0] =	vst v3;
	v10 =	vadd.f32 v4, v2;
	v3 =	vld [tilespmem:s14+$0x38F0]  }
0x21c: {  	s15 =	sshra.s32 s16, $0x2;
	v7 =	vadd.f32 v8, v2;
	v4 =	vld [tilespmem:s14+$0x40F0]  }
0x21d: {  	s16 =	sadd.s32 $0x400, s16;
	v1 =	vld [tilespmem:s15+$0x8F0];
	[tilespmem:s14+$0x70E0] =	vst v10;
	v8 =	vadd.f32 v9, v2  }
0x21e: {  	v9 =	vld [tilespmem:s15+$0x48F0];
	[tilespmem:s14+$0x78E0] =	vst v7;
	v2 =	vadd.f32 v6, v2  }
0x21f: {  	v7 =	vld [tilespmem:s15+$0x880];
	[tilespmem:s14+$0x80E0] =	vst v8;
	v5 =	vadd.f32 v5, v0  }
0x220: {  	v18 =	vld [tilespmem:s15+$0x3080];
	[tilespmem:s14+$0x88E0] =	vst v2;
	v3 =	vadd.f32 v3, v0  }
0x221: {  	v2 =	vld [tilespmem:s15+$0x3880];
	[tilespmem:s14+$0x70F0] =	vst v5;
	v19 =	vadd.f32 v4, v0  }
0x222: {  	v5 =	vld [tilespmem:s15+$0x4080];
	[tilespmem:s14+$0x78F0] =	vst v3  }
0x223: {  	v3 =	vld [tilespmem:s15+$0x4880];
	[tilespmem:s14+$0x80F0] =	vst v19  }
0x224: {  	v21 =	vld [tilespmem:s15+$0x890]  }
0x225: {  	v8 =	vld [tilespmem:s15+$0x3090]  }
0x226: {  	v22 =	vld [tilespmem:s15+$0x3890]  }
0x227: {  	v23 =	vld [tilespmem:s15+$0x4090]  }
0x228: {  	v24 =	vld [tilespmem:s15+$0x4890]  }
0x229: {  	v25 =	vld [tilespmem:s15+$0x8A0]  }
0x22a: {  	v20 =	vadd.f32 v9, v1;
	v27 =	vld [tilespmem:s15+$0x30A0]  }
0x22b: {  	v28 =	vld [tilespmem:s15+$0x38A0];
	v6 =	vadd.f32 v18, v7  }
0x22c: {  	v31 =	vld [tilespmem:s15+$0x8B0];
	[tilespmem:s15+$0x88F0] =	vst v20;
	v2 =	vadd.f32 v2, v7  }
0x22d: {  	v33 =	vld [tilespmem:s15+$0x30B0];
	[tilespmem:s15+$0x7080] =	vst v6;
	v5 =	vadd.f32 v5, v7  }
0x22e: {  	v34 =	vld [tilespmem:s15+$0x38B0];
	[tilespmem:s15+$0x7880] =	vst v2;
	v3 =	vadd.f32 v3, v7  }
0x22f: {  	v36 =	vld [tilespmem:s15+$0x48B0];
	[tilespmem:s15+$0x8080] =	vst v5;
	v26 =	vadd.f32 v8, v21  }
0x230: {  	v37 =	vld [tilespmem:s15+$0x8C0];
	v0 =	vadd.f32 v22, v21;
	[tilespmem:s15+$0x8880] =	vst v3  }
0x231: {  	v39 =	vld [tilespmem:s15+$0x30C0];
	v6 =	vadd.f32 v23, v21;
	[tilespmem:s15+$0x7090] =	vst v26  }
0x232: {  	v43 =	vld [tilespmem:s15+$0x8D0];
	v2 =	vadd.f32 v24, v21;
	[tilespmem:s15+$0x7890] =	vst v0  }
0x233: {  	v45 =	vld [tilespmem:s15+$0x30D0];
	v32 =	vadd.f32 v27, v25;
	[tilespmem:s15+$0x8090] =	vst v6  }
0x234: {  	v49 =	vld [tilespmem:s15+$0x8E0];
	v8 =	vadd.f32 v28, v25;
	[tilespmem:s15+$0x8890] =	vst v2  }
0x235: {  	v51 =	vld [tilespmem:s15+$0x30E0];
	v38 =	vadd.f32 v33, v31;
	[tilespmem:s15+$0x70A0] =	vst v32  }
0x236: {  	v52 =	vld [tilespmem:s15+$0x38E0];
	v7 =	vadd.f32 v34, v31;
	[tilespmem:s15+$0x78A0] =	vst v8  }
0x237: {  	v53 =	vld [tilespmem:s15+$0x40E0];
	v4 =	vadd.f32 v36, v31;
	[tilespmem:s15+$0x70B0] =	vst v38  }
0x238: {  	v55 =	vld [tilespmem:s15+$0x30F0];
	v44 =	vadd.f32 v39, v37;
	[tilespmem:s15+$0x78B0] =	vst v7  }
0x239: {  	v57 =	vld [tilespmem:s15+$0x38F0];
	v50 =	vadd.f32 v45, v43;
	[tilespmem:s15+$0x88B0] =	vst v4  }
0x23a: {  	v59 =	vld [tilespmem:s15+$0x40F0];
	v56 =	vadd.f32 v51, v49;
	[tilespmem:s15+$0x70C0] =	vst v44  }
0x23b: {  	v29 =	vld [tilespmem:s15+$0x40A0];
	v58 =	vadd.f32 v52, v49;
	[tilespmem:s15+$0x70D0] =	vst v50  }
0x23c: {  	v30 =	vld [tilespmem:s15+$0x48A0];
	v60 =	vadd.f32 v53, v49;
	[tilespmem:s15+$0x70E0] =	vst v56  }
0x23d: {  	v35 =	vld [tilespmem:s15+$0x40B0];
	v61 =	vadd.f32 v55, v1;
	[tilespmem:s15+$0x78E0] =	vst v58  }
0x23e: {  	v40 =	vld [tilespmem:s15+$0x38C0];
	v62 =	vadd.f32 v57, v1;
	[tilespmem:s15+$0x80E0] =	vst v60  }
0x23f: {  	v46 =	vld [tilespmem:s15+$0x38D0];
	v63 =	vadd.f32 v59, v1;
	[tilespmem:s15+$0x70F0] =	vst v61  }
0x240: {  	v47 =	vld [tilespmem:s15+$0x40D0];
	v3 =	vadd.f32 v29, v25;
	[tilespmem:s15+$0x78F0] =	vst v62  }
0x241: {  	v42 =	vld [tilespmem:s15+$0x48C0];
	v0 =	vadd.f32 v30, v25;
	[tilespmem:s15+$0x80F0] =	vst v63  }
0x242: {  	v41 =	vld [tilespmem:s15+$0x40C0];
	v2 =	vadd.f32 v35, v31;
	[tilespmem:s15+$0x80A0] =	vst v3  }
0x243: {  	v48 =	vld [tilespmem:s15+$0x48D0];
	v6 =	vadd.f32 v40, v37;
	[tilespmem:s15+$0x88A0] =	vst v0  }
0x244: {  	v54 =	vld [tilespmem:s15+$0x48E0];
	v8 =	vadd.f32 v46, v43;
	[tilespmem:s15+$0x80B0] =	vst v2  }
0x245: {  	v4 =	vadd.f32 v47, v43;
	[tilespmem:s15+$0x78C0] =	vst v6  }
0x246: {  	v3 =	vadd.f32 v42, v37;
	[tilespmem:s15+$0x78D0] =	vst v8  }
0x247: {  	v0 =	vadd.f32 v41, v37;
	[tilespmem:s15+$0x80D0] =	vst v4  }
0x248: {  	v2 =	vadd.f32 v48, v43;
	[tilespmem:s15+$0x88C0] =	vst v3  }
0x249: {  	[tilespmem:s15+$0x80C0] =	vst v0;
	v0 =	vadd.f32 v54, v49  }
0x24a: {  	s13 =	sadd.s32 s4, s13;
	[tilespmem:s15+$0x88D0] =	vst v2  }
0x24b: {  	s10 =	sadd.s32 s10, s13;
	[tilespmem:s15+$0x88E0] =	vst v0  }
0x24c: {  	[hbm4b:s10+s19] =	stream.strided.scatter [tilespmem:s24], [sflag:$0x4], $0x800, s20, s19, $0x38;
	[tilespmem:$0x9000] =	vst v63  }
0x24d: {  	s13 =	sadd.s32 $0x80000, s10  }
0x24e: {  	[hbm4b:s13+s19] =	stream.strided.scatter [tilespmem:s25], [sflag:$0x4], $0x800, s20, s19, $0x38;
	[tilespmem:$0x9000] =	vst v63  }
0x24f: {  	s18 =	sadd.s32 $0x100000, s10  }
0x250: {  	[hbm4b:s18+s19] =	stream.strided.scatter [tilespmem:s26], [sflag:$0x4], $0x800, s20, s19, $0x38;
	[tilespmem:$0x9000] =	vst v63  }
0x251: {  	s8 =	sadd.s32 @!p0 $0x6, s8;
	s10 =	sadd.s32 $0x180000, s10  }
0x252: {  	[hbm4b:s10+s19] =	stream.strided.scatter [tilespmem:s28], [sflag:$0x4], $0x800, s20, s19, $0x38;
	[tilespmem:$0x9000] =	vst v63  }
0x253: {  	s10 =	sadd.s32 @!p0 s6, s8  }
0x254: {  	s8 =	sshll.u32 @!p0 s8, $0x4;
	s10 =	sshll.u32 @!p0 s10, $0x7  }
0x255: {  	s8 =	sand.u32 @!p0 $0x60, s8;
	s10 =	sand.u32 @!p0 $0xFFC00, s10  }
0x256: {  	s14 =	simm.s32 @!p0 $0x400;
	s8 =	sor.u32 @!p0 s8, s10  }
0x257: {  	s15 =	simm.s32 @!p0 $0x800;
	s13 =	simm.s32 @!p0 $0x100;
	s10 =	sadd.s32 @!p0 s2, s8  }
0x258: {  	[tilespmem:s15], [sflag:$0x2] =	stream.strided.gather @!p0 [hbm4b:s10+s13], $0x800, s14, s13, $0x38;
	[tilespmem:$0x9000] =	vst v63  }
0x259: {  	s8 =	sadd.s32 @!p0 s1, s8;
	s10 =	simm.s32 @!p0 $0x3000  }
0x25a: {  	[tilespmem:s10], [sflag:$0x2] =	stream.strided.gather @!p0 [hbm4b:s8+s13], $0x800, s14, s13, $0x38;
	[tilespmem:$0x9000] =	vst v63  }
0x25b: {  	s15 =	simm.s32 @!p0 $0x3800;
	s10 =	sadd.s32 @!p0 $0x80000, s8  }
0x25c: {  	[tilespmem:s15], [sflag:$0x2] =	stream.strided.gather @!p0 [hbm4b:s10+s13], $0x800, s14, s13, $0x38;
	[tilespmem:$0x9000] =	vst v63  }
0x25d: {  	s10 =	sadd.s32 @!p0 $0x100000, s8;
	s15 =	simm.s32 @!p0 $0x4000  }
0x25e: {  	[tilespmem:s15], [sflag:$0x2] =	stream.strided.gather @!p0 [hbm4b:s10+s13], $0x800, s14, s13, $0x38;
	[tilespmem:$0x9000] =	vst v63  }
0x25f: {  	p1 =	sne.s32 @!p0 s12, $0x20;
	s8 =	sadd.s32 @!p0 $0x180000, s8;
	s10 =	simm.s32 @!p0 $0x4800  }
0x260: {  	[tilespmem:s10], [sflag:$0x2] =	stream.strided.gather @!p0 [hbm4b:s8+s13], $0x800, s14, s13, $0x38;
	[tilespmem:$0x9000] =	vst v63  }
0x261: {  	p0 =	por p0, !p1  }
.Ltmp4:
0x262: {  	_ = 	snop;
	(pc) =	sbr.rel @!p0 .LBB2_2-.Ltmp4, $1  }
0x263: {  	_ =	sdelay $0x3  }
0x264: {  	_ =	swait.ge [sflag:s29], $0x2000  }
0x265: {  	[sflag:s29] =	ssyncset.done $0x0  }
0x266: {  	[sflag:s29] =	ssyncadd.s32 $0xFFFFE000  }
0x267: {  	_ =	swait.ge [sflag:s30], $0x2000  }
0x268: {  	s5 =	sadd.s32 $0x1, s5;
	s8 =	rddreg [dreg:$0x6]  }
0x269: {  	p0 =	sne.s32 s5, s8  }
.Ltmp5:
0x26a: {  	_ = 	snop;
	(pc) =	sbr.rel @p0 .LBB2_1-.Ltmp5, $3  }
0x26b: {  	_ =	sdelay $0x1  }
0x26c: {  	[sflag:s30] =	ssyncset.done $0x0  }
0x26d: {  	[sflag:s30] =	ssyncadd.s32 $0xFFFFE000  }
0x26e: {  	_ =	sfence.sel $0x180000  }
0x26f: {  	[bflag:$0x0] =	sbarrier.arrive $0xFFFF  }
0x270: {  	_ =	strace $0x90000047  }
0x271: {  	s0 =	stileid.u32;
	[bflag:$0x2] =	sbarrier.arrive $0xFFFF  }
0x272: {  	p0 =	sne.s32 s0, $0x0;
	s0 =	rddreg [dreg:$0x3]  }
0x273: {  	s0 =	sadd.s32 @!p0 $0x100000, s0  }
0x274: {  	[sflag:s0] =	ssyncadd.tile.s32 @!p0 $0x1;
	_ =	shalt  }
.Lfunc_end2:
_tile_overlayer_lowered:
.L_overlay_start_2:
0x275: {  	(tag) =	ssettag $0x2  }
0x276: {  	s0 =	rddreg [dreg:$0x0];
	s2 =	stileid.u32  }
0x277: {  	s1 =	rddreg [dreg:$0x1];
	p0 =	sne.s32 s2, $0x0  }
0x278: {  	s3 =	rddreg [dreg:$0x2];
	[bflag:$0x3] =	sbarrier.arrive $0xFFFF;
	s2 =	simm.s32 @!p0 $0x1C05  }
0x279: {  	[timem:s3], [sflag:s2] =	dma.local @!p0 [hbm:s0], s1  }
0x27a: {  	s0 =	simm.s32 @!p0 $0x5  }
0x27b: {  	_ =	swait.ge @!p0 [sflag:s0], s1  }
0x27c: {  	s1 =	ssub.s32 @!p0 $0x0, s1;
	[sflag:s0] =	ssyncset.done @!p0 $0x0  }
0x27d: {  	[sflag:s0] =	ssyncadd.s32 @!p0 s1  }
0x27e: {  	[bflag:$0x3] =	sbarrier.arrive $0xFFFF  }
0x27f: {  	_ =	shalt  }

</sc_bundles>
